<compile_context>
chip_gen: v7x
topology: tpu7x:2x2x1
jax: 0.10.2.dev20260603
libtpu: 0.0.44.dev20260713+nightly
codegen_flags: <defaults>
</compile_context>

<pallas_src>
import functools

import jax
import jax.numpy as jnp
from jax import lax
from jax.experimental import pallas as pl
from jax.experimental.pallas import tpu as pltpu
from jax.experimental.pallas import tpu_sc as plsc

N_USERS = 25000
N_NODES = 50000
EMB_DIM = 64
N_EDGES = 800000
BATCH = 4096

NC = 2
NS = 16
HALF = N_NODES // NC
GROUPS = 6272
PAD_EDGES = GROUPS * 128 - N_EDGES
GP_TILE = GROUPS // NS
CHUNK_G = 8

N_CHUNKS = GP_TILE // CHUNK_G

PAIR_HALF = HALF // 2
ACC_P = 12544
ZSHARE_P = ACC_P // NS
TRASH_P = 12540

_mesh = plsc.VectorSubcoreMesh(core_axis_name="c", subcore_axis_name="s")


@functools.partial(
    pl.kernel,
    out_type=jax.ShapeDtypeStruct((NC, ACC_P, 128), jnp.float32),
    mesh=_mesh,
    scratch_types=[
        pltpu.VMEM((CHUNK_G, 128), jnp.int32),
        pltpu.VMEM((CHUNK_G, 128), jnp.int32),
        pltpu.VMEM((128, 128), jnp.float32),
        pltpu.VMEM_SHARED((ACC_P, 128), jnp.float32),
        pltpu.SemaphoreType.DMA,
    ],
)
def _sc_aggregate(gidx2d, lcol4, table, zerosp, agg_out,
                  gi_v, lq_v, rows_v, acc, sem):
    c = lax.axis_index("c")
    s = lax.axis_index("s")
    pltpu.sync_copy(zerosp, acc.at[pl.ds(s * ZSHARE_P, ZSHARE_P)])
    plsc.subcore_barrier()

    def process(g0):
        pltpu.sync_copy(gidx2d.at[pl.ds(g0, CHUNK_G)], gi_v)
        pltpu.sync_copy(lcol4.at[c, pl.ds(g0, CHUNK_G)], lq_v)
        for gi in range(CHUNK_G):
            pltpu.async_copy(table.at[gi_v.at[gi]], rows_v, sem).wait()
            pltpu.sync_copy(rows_v, acc.at[lq_v.at[gi]], add=True)

    g_base = s * GP_TILE

    @pl.loop(0, N_CHUNKS)
    def _(k):
        process(g_base + k * CHUNK_G)

    plsc.subcore_barrier()
    pltpu.sync_copy(acc.at[pl.ds(s * ZSHARE_P, ZSHARE_P)],
                    agg_out.at[c, pl.ds(s * ZSHARE_P, ZSHARE_P)])


@functools.partial(
    pl.kernel,
    out_type=(jax.ShapeDtypeStruct((4, BATCH, 128), jnp.float32),
              jax.ShapeDtypeStruct((4, BATCH, 128), jnp.float32)),
    mesh=_mesh,
    scratch_types=[
        pltpu.VMEM((128,), jnp.int32),
        pltpu.VMEM((128,), jnp.int32),
        pltpu.VMEM((128, 128), jnp.float32),
        pltpu.SemaphoreType.DMA,
    ],
)
def _sc_batch_gather(users, items, e0, e1, e2, e3, u_out, i_out,
                     uidx, iidx, grow, sem):
    c = lax.axis_index("c")
    s = lax.axis_index("s")
    w = s * NC + c
    b0 = w * (BATCH // (NC * NS))
    pltpu.sync_copy(users.at[pl.ds(b0, 128)], uidx)
    pltpu.sync_copy(items.at[pl.ds(b0, 128)], iidx)

    @pl.loop(0, 8)
    def _(j):
        iidx[pl.ds(j * 16, 16)] = iidx[pl.ds(j * 16, 16)] + N_USERS

    for l, tbl in enumerate((e0, e1, e2, e3)):
        pltpu.async_copy(tbl.at[uidx], grow, sem).wait()
        pltpu.sync_copy(grow, u_out.at[l, pl.ds(b0, 128)])
        pltpu.async_copy(tbl.at[iidx], grow, sem).wait()
        pltpu.sync_copy(grow, i_out.at[l, pl.ds(b0, 128)])


_ROWS_BLK = 1000
_N_BLKS = N_NODES // _ROWS_BLK


def _tc_prep_body(deg_ref, emb_ref, dinv_ref, emb128_ref, tab_ref):
    deg = deg_ref[...]
    dinv = jnp.where(deg > 0, lax.rsqrt(deg), 0.0)
    dinv_ref[...] = dinv
    e = emb_ref[...]
    z = jnp.zeros_like(e)
    emb128_ref[...] = jnp.concatenate([e, z], axis=1)
    es = e * dinv
    even = jnp.concatenate([es, z], axis=1)
    odd = jnp.concatenate([z, es], axis=1)
    tab_ref[...] = jnp.stack([even, odd], axis=1).reshape(2 * _ROWS_BLK, 128)


def _tc_prep(deg8, embcat):
    return pl.pallas_call(
        _tc_prep_body,
        grid=(_N_BLKS,),
        in_specs=[
            pl.BlockSpec((_ROWS_BLK, 1), lambda i: (i, 0)),
            pl.BlockSpec((_ROWS_BLK, EMB_DIM), lambda i: (i, 0)),
        ],
        out_specs=[
            pl.BlockSpec((_ROWS_BLK, 1), lambda i: (i, 0)),
            pl.BlockSpec((_ROWS_BLK, 128), lambda i: (i, 0)),
            pl.BlockSpec((2 * _ROWS_BLK, 128), lambda i: (i, 0)),
        ],
        out_shape=[
            jax.ShapeDtypeStruct((N_NODES, 1), jnp.float32),
            jax.ShapeDtypeStruct((N_NODES, 128), jnp.float32),
            jax.ShapeDtypeStruct((2 * N_NODES, 128), jnp.float32),
        ],
    )(deg8, embcat)


def _bi_interact(ragg_ref, emb_ref, dinv_ref, w1_ref, b1_ref, w2_ref, b2_ref):
    dinv = dinv_ref[...]
    agg = ragg_ref[...] * dinv
    e = emb_ref[:, :EMB_DIM]
    dn = (((1,), (1,)), ((), ()))
    y = lax.dot_general(e + agg, w1_ref[...], dn,
                        preferred_element_type=jnp.float32)
    y = y + lax.dot_general(e * agg, w2_ref[...], dn,
                            preferred_element_type=jnp.float32)
    y = y + b1_ref[...] + b2_ref[...]
    return jnp.where(y > 0, y, 0.01 * y), dinv


def _tc_transform_body(ragg_ref, emb_ref, dinv_ref, w1_ref, b1_ref,
                       w2_ref, b2_ref, out_ref, tab_ref):
    y, dinv = _bi_interact(ragg_ref, emb_ref, dinv_ref, w1_ref, b1_ref,
                           w2_ref, b2_ref)
    z = jnp.zeros_like(y)
    out_ref[...] = jnp.concatenate([y, z], axis=1)
    ys = y * dinv
    even = jnp.concatenate([ys, z], axis=1)
    odd = jnp.concatenate([z, ys], axis=1)
    tab_ref[...] = jnp.stack([even, odd], axis=1).reshape(2 * _ROWS_BLK, 128)


def _tc_transform_last_body(ragg_ref, emb_ref, dinv_ref, w1_ref, b1_ref,
                            w2_ref, b2_ref, out_ref):
    y, _ = _bi_interact(ragg_ref, emb_ref, dinv_ref, w1_ref, b1_ref,
                        w2_ref, b2_ref)
    out_ref[...] = jnp.concatenate([y, jnp.zeros_like(y)], axis=1)


_TRANSFORM_IN_SPECS = [
    pl.BlockSpec((_ROWS_BLK, EMB_DIM), lambda i: (i, 0)),
    pl.BlockSpec((_ROWS_BLK, 128), lambda i: (i, 0)),
    pl.BlockSpec((_ROWS_BLK, 1), lambda i: (i, 0)),
    pl.BlockSpec((EMB_DIM, EMB_DIM), lambda i: (0, 0)),
    pl.BlockSpec((1, EMB_DIM), lambda i: (0, 0)),
    pl.BlockSpec((EMB_DIM, EMB_DIM), lambda i: (0, 0)),
    pl.BlockSpec((1, EMB_DIM), lambda i: (0, 0)),
]


def _tc_transform(ragg, emb128, dinv, w1, b1, w2, b2):
    return pl.pallas_call(
        _tc_transform_body,
        grid=(_N_BLKS,),
        in_specs=_TRANSFORM_IN_SPECS,
        out_specs=[
            pl.BlockSpec((_ROWS_BLK, 128), lambda i: (i, 0)),
            pl.BlockSpec((2 * _ROWS_BLK, 128), lambda i: (i, 0)),
        ],
        out_shape=[
            jax.ShapeDtypeStruct((N_NODES, 128), jnp.float32),
            jax.ShapeDtypeStruct((2 * N_NODES, 128), jnp.float32),
        ],
    )(ragg, emb128, dinv, w1, b1, w2, b2)


def _tc_transform_last(ragg, emb128, dinv, w1, b1, w2, b2):
    return pl.pallas_call(
        _tc_transform_last_body,
        grid=(_N_BLKS,),
        in_specs=_TRANSFORM_IN_SPECS,
        out_specs=pl.BlockSpec((_ROWS_BLK, 128), lambda i: (i, 0)),
        out_shape=jax.ShapeDtypeStruct((N_NODES, 128), jnp.float32),
    )(ragg, emb128, dinv, w1, b1, w2, b2)


def _tc_dot_body(u_ref, i_ref, o_ref):
    p = u_ref[...] * i_ref[...]
    o_ref[...] = jnp.sum(p, axis=(0, 2))[:, None]


def _tc_dot(ug, ig):
    blk = 512
    return pl.pallas_call(
        _tc_dot_body,
        grid=(BATCH // blk,),
        in_specs=[
            pl.BlockSpec((4, blk, 128), lambda i: (0, i, 0)),
            pl.BlockSpec((4, blk, 128), lambda i: (0, i, 0)),
        ],
        out_specs=pl.BlockSpec((blk, 1), lambda i: (i, 0)),
        out_shape=jax.ShapeDtypeStruct((BATCH, 1), jnp.float32),
    )(ug, ig)


def kernel(users, items, edge_index, user_emb, item_emb, W1_w, W1_b, W2_w, W2_b):
    row = edge_index[0]
    col = edge_index[1]
    rowp = jnp.concatenate([row, jnp.full((PAD_EDGES,), N_NODES, row.dtype)])
    colp = jnp.concatenate([col, jnp.full((PAD_EDGES,), N_NODES, col.dtype)])
    base = jnp.arange(NC, dtype=col.dtype)[:, None] * HALF
    cin = jnp.logical_and(colp[None, :] >= base, colp[None, :] < base + HALF)
    lcol4 = jnp.where(cin, (colp[None, :] - base) >> 1,
                      TRASH_P).reshape(NC, GROUPS, 128)
    rin = jnp.logical_and(rowp[None, :] >= base, rowp[None, :] < base + HALF)
    lrow4 = jnp.where(rin, (rowp[None, :] - base) >> 1,
                      TRASH_P).reshape(NC, GROUPS, 128)
    dgidx2d = (rowp & 1).reshape(GROUPS, 128)
    tdeg = jnp.zeros((8, 128), jnp.float32).at[0, 0].set(1.0).at[1, 64].set(1.0)
    gidx = 2 * row + (col & 1)
    gidx2d = jnp.concatenate(
        [gidx, jnp.zeros((PAD_EDGES,), gidx.dtype)]).reshape(GROUPS, 128)
    embcat = jnp.concatenate([user_emb, item_emb], axis=0)
    zerosp = jnp.zeros((ZSHARE_P, 128), jnp.float32)

    degp = _sc_aggregate(dgidx2d, lrow4, tdeg, zerosp)
    degc = degp[:, :PAIR_HALF, :].reshape(N_NODES, EMB_DIM)[:, :1]
    dinv, emb_cur, tab = _tc_prep(degc, embcat)

    layers = [emb_cur]
    for l in range(3):
        raggp = _sc_aggregate(gidx2d, lcol4, tab, zerosp)
        ragg = raggp[:, :PAIR_HALF, :].reshape(N_NODES, EMB_DIM)
        if l < 2:
            emb_cur, tab = _tc_transform(
                ragg, emb_cur, dinv,
                W1_w[l], W1_b[l][None, :], W2_w[l], W2_b[l][None, :])
        else:
            emb_cur = _tc_transform_last(
                ragg, emb_cur, dinv,
                W1_w[l], W1_b[l][None, :], W2_w[l], W2_b[l][None, :])
        layers.append(emb_cur)

    ug, ig = _sc_batch_gather(users, items, *layers)
    scores = _tc_dot(ug, ig)
    return scores[:, 0]

# --- scband reference (transcript-rebuilt; emitter-appended) ---
"""Pipeline reference for scband-ngcf-37048387895610 (READ-ONLY COPY).

The authoritative reference and input builder live on the scoring server;
editing this copy changes nothing except your own understanding.
"""

import jax, jax.numpy as jnp
import numpy as np

N_USERS = 25000
N_ITEMS = 25000
N_NODES = N_USERS + N_ITEMS
EMB_DIM = 64
N_LAYERS = 3
N_EDGES = 800000
BATCH = 4096


def setup_inputs(seed: int = 0) -> dict:
    key = jax.random.key(seed)
    ks = jax.random.split(key, 10)
    users = jax.random.randint(ks[0], (BATCH,), 0, N_USERS, dtype=jnp.int64 if jax.config.jax_enable_x64 else jnp.int32)
    items = jax.random.randint(ks[1], (BATCH,), 0, N_ITEMS, dtype=jnp.int64 if jax.config.jax_enable_x64 else jnp.int32)
    edge_index = jax.random.randint(ks[2], (2, N_EDGES), 0, N_NODES, dtype=jnp.int64 if jax.config.jax_enable_x64 else jnp.int32)
    # learned parameters
    user_emb = jax.random.normal(ks[3], (N_USERS, EMB_DIM), dtype=jnp.float32) * 0.1
    item_emb = jax.random.normal(ks[4], (N_ITEMS, EMB_DIM), dtype=jnp.float32) * 0.1
    W1_w = jax.random.normal(ks[5], (N_LAYERS, EMB_DIM, EMB_DIM), dtype=jnp.float32) * (1.0 / np.sqrt(EMB_DIM))
    W1_b = jnp.zeros((N_LAYERS, EMB_DIM), dtype=jnp.float32)
    W2_w = jax.random.normal(ks[6], (N_LAYERS, EMB_DIM, EMB_DIM), dtype=jnp.float32) * (1.0 / np.sqrt(EMB_DIM))
    W2_b = jnp.zeros((N_LAYERS, EMB_DIM), dtype=jnp.float32)
    return {"users": users, "items": items, "edge_index": edge_index,
            "user_emb": user_emb, "item_emb": item_emb,
            "W1_w": W1_w, "W1_b": W1_b, "W2_w": W2_w, "W2_b": W2_b}


def _ngcf_layer(edge_index, emb, w1_w, w1_b, w2_w, w2_b):
    row = edge_index[0]
    col = edge_index[1]
    n = emb.shape[0]
    deg = jnp.zeros((n,), dtype=emb.dtype).at[row].add(1.0)
    deg_inv_sqrt = jnp.where(deg > 0, deg ** -0.5, 0.0)
    norm = deg_inv_sqrt[row] * deg_inv_sqrt[col]
    # aggregated[dst] += norm * emb[src]  (src=row, dst=col)
    msgs = norm[:, None] * jnp.take(emb, row, axis=0)
    aggregated = jnp.zeros_like(emb).at[col].add(msgs)
    out = (emb + aggregated) @ w1_w.T + w1_b + (emb * aggregated) @ w2_w.T + w2_b
    return out


def reference(users, items, edge_index, user_emb, item_emb, W1_w, W1_b, W2_w, W2_b):
    # eval mode: dropout is identity
    all_emb = jnp.concatenate([user_emb, item_emb], axis=0)
    embs = [all_emb]
    for l in range(N_LAYERS):
        all_emb = _ngcf_layer(edge_index, all_emb, W1_w[l], W1_b[l], W2_w[l], W2_b[l])
        all_emb = jax.nn.leaky_relu(all_emb, negative_slope=0.01)
        embs.append(all_emb)
    final_emb = jnp.concatenate(embs, axis=1)
    user_final = final_emb[:N_USERS]
    item_final = final_emb[N_USERS:]
    u = jnp.take(user_final, users, axis=0)
    i = jnp.take(item_final, items, axis=0)
    scores = jnp.sum(u * i, axis=1)
    return scores

if __name__ == "__main__":
    import jax
    _d = setup_inputs()
    print(jax.jit(kernel)(*tuple(_d.values())))

</pallas_src>

<mosaic_0001>
#map = affine_map<(d0, d1) -> (0, 0)>
#map1 = affine_map<(d0, d1) -> (0, 0, 0)>
module attributes {stable_mosaic.version = 14 : i64} {
  func.func @_sc_aggregate(%arg0: i32, %arg1: i32, %arg2: memref<6272x128xi32, #tpu.memory_space<hbm>>, %arg3: memref<2x6272x128xi32, #tpu.memory_space<hbm>>, %arg4: memref<8x128xf32, #tpu.memory_space<hbm>>, %arg5: memref<784x128xf32, #tpu.memory_space<hbm>>, %arg6: memref<2x12544x128xf32, #tpu.memory_space<hbm>>, %arg7: memref<8x128xi32, #tpu.memory_space<vmem>>, %arg8: memref<8x128xi32, #tpu.memory_space<vmem>>, %arg9: memref<128x128xf32, #tpu.memory_space<vmem>>, %arg10: memref<12544x128xf32, #tpu.memory_space<vmem_shared>>, %arg11: memref<!tpu.dma_semaphore, #tpu.memory_space<semaphore_mem>>) attributes {dimension_semantics = [#tpu.dimension_semantics<core_parallel>, #tpu.dimension_semantics<subcore_parallel>], iteration_bounds = array<i64: 2, 16>, scalar_prefetch = 0 : i64, scratch_operands = 5 : i64, tpu.core_type = #tpu.core_type<sc_vector_subcore>, window_params = [{transform_indices = #map}, {transform_indices = #map1}, {transform_indices = #map}, {transform_indices = #map}, {transform_indices = #map1}]} {
    %mul3A = arith.constant 784 : i32
    %mul3A_0 = arith.muli %arg1, %mul3A : i32
    "tpu.region"() ({
      %run_scoped3A = tpu.sem_alloc : memref<!tpu.dma_semaphore, #tpu.memory_space<semaphore_mem>>
      %dma_start3A = arith.constant 0 : i32
      %dma_start3A_12 = tpu.memref_slice %arg10[%mul3A_0, %dma_start3A] : memref<12544x128xf32, #tpu.memory_space<vmem_shared>> -> memref<784x128xf32, #tpu.memory_space<vmem_shared>>
      tpu.enqueue_dma source(%arg5 : memref<784x128xf32, #tpu.memory_space<hbm>>) target(%dma_start3A_12 : memref<784x128xf32, #tpu.memory_space<vmem_shared>>) target_semaphore(%run_scoped3A : memref<!tpu.dma_semaphore, #tpu.memory_space<semaphore_mem>>)
      %dma_wait3A = arith.constant 0 : i32
      %dma_wait3A_13 = tpu.memref_slice %arg10[%mul3A_0, %dma_wait3A] : memref<12544x128xf32, #tpu.memory_space<vmem_shared>> -> memref<784x128xf32, #tpu.memory_space<vmem_shared>>
      tpu.wait_dma2 semaphore(%run_scoped3A : memref<!tpu.dma_semaphore, #tpu.memory_space<semaphore_mem>>) src(%arg5 : memref<784x128xf32, #tpu.memory_space<hbm>>) dst(%dma_wait3A_13 : memref<784x128xf32, #tpu.memory_space<vmem_shared>>)
      tpu.yield
    }) : () -> ()
    %barrier3A = arith.constant 0 : index
    tpu.barrier barrier_id(%barrier3A)
    %mul3A_1 = arith.constant 392 : i32
    %mul3A_2 = arith.muli %arg1, %mul3A_1 : i32
    %scan3A = arith.constant 0 : i32
    %scan3A_3 = arith.constant 49 : i32
    %scan3A_4 = arith.addi %scan3A, %scan3A_3 : i32
    %scan3A_5 = arith.constant 1 : i32
    scf.for %scan3A_12 = %scan3A to %scan3A_4 step %scan3A_5  : i32 {
      %mul3A_13 = arith.constant 1 : i32
      %mul3A_14 = arith.muli %scan3A_12, %mul3A_13 : i32
      %add3A = arith.constant 0 : i32
      %add3A_15 = arith.addi %add3A, %mul3A_14 : i32
      %mul3A_16 = arith.constant 8 : i32
      %mul3A_17 = arith.muli %add3A_15, %mul3A_16 : i32
      %add3A_18 = arith.addi %mul3A_2, %mul3A_17 : i32
      "tpu.region"() ({
        %run_scoped3A_136 = tpu.sem_alloc : memref<!tpu.dma_semaphore, #tpu.memory_space<semaphore_mem>>
        %dma_start3A_137 = arith.constant 0 : i32
        %dma_start3A_138 = tpu.memref_slice %arg2[%add3A_18, %dma_start3A_137] : memref<6272x128xi32, #tpu.memory_space<hbm>> -> memref<8x128xi32, #tpu.memory_space<hbm>>
        %dma_start3A_139 = arith.constant 0 : i32
        %dma_start3A_140 = tpu.memref_slice %arg2[%add3A_18, %dma_start3A_139] : memref<6272x128xi32, #tpu.memory_space<hbm>> -> memref<8x128xi32, #tpu.memory_space<hbm>>
        tpu.enqueue_dma source(%dma_start3A_140 : memref<8x128xi32, #tpu.memory_space<hbm>>) target(%arg7 : memref<8x128xi32, #tpu.memory_space<vmem>>) target_semaphore(%run_scoped3A_136 : memref<!tpu.dma_semaphore, #tpu.memory_space<semaphore_mem>>)
        %dma_wait3A_141 = arith.constant 0 : i32
        %dma_wait3A_142 = tpu.memref_slice %arg2[%add3A_18, %dma_wait3A_141] : memref<6272x128xi32, #tpu.memory_space<hbm>> -> memref<8x128xi32, #tpu.memory_space<hbm>>
        %dma_wait3A_143 = arith.constant 0 : i32
        %dma_wait3A_144 = tpu.memref_slice %arg2[%add3A_18, %dma_wait3A_143] : memref<6272x128xi32, #tpu.memory_space<hbm>> -> memref<8x128xi32, #tpu.memory_space<hbm>>
        tpu.wait_dma2 semaphore(%run_scoped3A_136 : memref<!tpu.dma_semaphore, #tpu.memory_space<semaphore_mem>>) src(%dma_wait3A_144 : memref<8x128xi32, #tpu.memory_space<hbm>>) dst(%arg7 : memref<8x128xi32, #tpu.memory_space<vmem>>)
        tpu.yield
      }) : () -> ()
      "tpu.region"() ({
        %run_scoped3A_136 = tpu.sem_alloc : memref<!tpu.dma_semaphore, #tpu.memory_space<semaphore_mem>>
        %dma_start3A_137 = arith.constant 0 : i32
        %dma_start3A_138 = tpu.memref_slice %arg3[%arg0, %add3A_18, %dma_start3A_137] : memref<2x6272x128xi32, #tpu.memory_space<hbm>> -> memref<1x8x128xi32, #tpu.memory_space<hbm>>
        %dma_start3A_139 = tpu.memref_squeeze %dma_start3A_138 : memref<1x8x128xi32, #tpu.memory_space<hbm>> -> memref<8x128xi32, #tpu.memory_space<hbm>>
        %dma_start3A_140 = arith.constant 0 : i32
        %dma_start3A_141 = tpu.memref_slice %arg3[%arg0, %add3A_18, %dma_start3A_140] : memref<2x6272x128xi32, #tpu.memory_space<hbm>> -> memref<1x8x128xi32, #tpu.memory_space<hbm>>
        %dma_start3A_142 = tpu.memref_squeeze %dma_start3A_141 : memref<1x8x128xi32, #tpu.memory_space<hbm>> -> memref<8x128xi32, #tpu.memory_space<hbm>>
        tpu.enqueue_dma source(%dma_start3A_142 : memref<8x128xi32, #tpu.memory_space<hbm>>) target(%arg8 : memref<8x128xi32, #tpu.memory_space<vmem>>) target_semaphore(%run_scoped3A_136 : memref<!tpu.dma_semaphore, #tpu.memory_space<semaphore_mem>>)
        %dma_wait3A_143 = arith.constant 0 : i32
        %dma_wait3A_144 = tpu.memref_slice %arg3[%arg0, %add3A_18, %dma_wait3A_143] : memref<2x6272x128xi32, #tpu.memory_space<hbm>> -> memref<1x8x128xi32, #tpu.memory_space<hbm>>
        %dma_wait3A_145 = tpu.memref_squeeze %dma_wait3A_144 : memref<1x8x128xi32, #tpu.memory_space<hbm>> -> memref<8x128xi32, #tpu.memory_space<hbm>>
        %dma_wait3A_146 = arith.constant 0 : i32
        %dma_wait3A_147 = tpu.memref_slice %arg3[%arg0, %add3A_18, %dma_wait3A_146] : memref<2x6272x128xi32, #tpu.memory_space<hbm>> -> memref<1x8x128xi32, #tpu.memory_space<hbm>>
        %dma_wait3A_148 = tpu.memref_squeeze %dma_wait3A_147 : memref<1x8x128xi32, #tpu.memory_space<hbm>> -> memref<8x128xi32, #tpu.memory_space<hbm>>
        tpu.wait_dma2 semaphore(%run_scoped3A_136 : memref<!tpu.dma_semaphore, #tpu.memory_space<semaphore_mem>>) src(%dma_wait3A_148 : memref<8x128xi32, #tpu.memory_space<hbm>>) dst(%arg8 : memref<8x128xi32, #tpu.memory_space<vmem>>)
        tpu.yield
      }) : () -> ()
      %dma_start3A = arith.constant 0 : i32
      %dma_start3A_19 = arith.constant 0 : i32
      %dma_start3A_20 = tpu.memref_slice %arg7[%dma_start3A, %dma_start3A_19] : memref<8x128xi32, #tpu.memory_space<vmem>> -> memref<1x128xi32, #tpu.memory_space<vmem>>
      %dma_start3A_21 = tpu.memref_squeeze %dma_start3A_20 : memref<1x128xi32, #tpu.memory_space<vmem>> -> memref<128xi32, #tpu.memory_space<vmem>>
      %dma_start3A_22 = arith.constant 0 : i32
      %dma_start3A_23 = arith.constant 0 : i32
      %dma_start3A_24 = tpu.memref_slice %arg4[%dma_start3A_22, %dma_start3A_23] : memref<8x128xf32, #tpu.memory_space<hbm>> -> memref<8x128xf32, #tpu.memory_space<hbm>>
      tpu.enqueue_indirect_dma source(%dma_start3A_24 : memref<8x128xf32, #tpu.memory_space<hbm>>) target(%arg9 : memref<128x128xf32, #tpu.memory_space<vmem>>) offsets(%dma_start3A_21 : memref<128xi32, #tpu.memory_space<vmem>>) semaphore(%arg11 : memref<!tpu.dma_semaphore, #tpu.memory_space<semaphore_mem>>)
      %dma_wait3A = arith.constant 0 : i32
      %dma_wait3A_25 = arith.constant 0 : i32
      %dma_wait3A_26 = tpu.memref_slice %arg7[%dma_wait3A, %dma_wait3A_25] : memref<8x128xi32, #tpu.memory_space<vmem>> -> memref<1x128xi32, #tpu.memory_space<vmem>>
      %dma_wait3A_27 = tpu.memref_squeeze %dma_wait3A_26 : memref<1x128xi32, #tpu.memory_space<vmem>> -> memref<128xi32, #tpu.memory_space<vmem>>
      %dma_wait3A_28 = arith.constant 0 : i32
      %dma_wait3A_29 = arith.constant 0 : i32
      %dma_wait3A_30 = tpu.memref_slice %arg4[%dma_wait3A_28, %dma_wait3A_29] : memref<8x128xf32, #tpu.memory_space<hbm>> -> memref<8x128xf32, #tpu.memory_space<hbm>>
      tpu.wait_indirect_dma semaphore(%arg11 : memref<!tpu.dma_semaphore, #tpu.memory_space<semaphore_mem>>) src(%dma_wait3A_30 : memref<8x128xf32, #tpu.memory_space<hbm>>) dst(%arg9 : memref<128x128xf32, #tpu.memory_space<vmem>>)
      %run_scoped3A = arith.constant 0 : i32
      "tpu.region"() ({
        %run_scoped3A_136 = tpu.sem_alloc : memref<!tpu.dma_semaphore, #tpu.memory_space<semaphore_mem>>
        %dma_start3A_137 = arith.constant 0 : i32
        %dma_start3A_138 = tpu.memref_slice %arg8[%run_scoped3A, %dma_start3A_137] : memref<8x128xi32, #tpu.memory_space<vmem>> -> memref<1x128xi32, #tpu.memory_space<vmem>>
        %dma_start3A_139 = tpu.memref_squeeze %dma_start3A_138 : memref<1x128xi32, #tpu.memory_space<vmem>> -> memref<128xi32, #tpu.memory_space<vmem>>
        %dma_start3A_140 = arith.constant 0 : i32
        %dma_start3A_141 = arith.constant 0 : i32
        %dma_start3A_142 = tpu.memref_slice %arg10[%dma_start3A_140, %dma_start3A_141] : memref<12544x128xf32, #tpu.memory_space<vmem_shared>> -> memref<12544x128xf32, #tpu.memory_space<vmem_shared>>
        tpu.enqueue_indirect_dma source(%arg9 : memref<128x128xf32, #tpu.memory_space<vmem>>) target(%dma_start3A_142 : memref<12544x128xf32, #tpu.memory_space<vmem_shared>>) offsets(%dma_start3A_139 : memref<128xi32, #tpu.memory_space<vmem>>) semaphore(%run_scoped3A_136 : memref<!tpu.dma_semaphore, #tpu.memory_space<semaphore_mem>>) {add = true}
        %dma_wait3A_143 = arith.constant 0 : i32
        %dma_wait3A_144 = tpu.memref_slice %arg8[%run_scoped3A, %dma_wait3A_143] : memref<8x128xi32, #tpu.memory_space<vmem>> -> memref<1x128xi32, #tpu.memory_space<vmem>>
        %dma_wait3A_145 = tpu.memref_squeeze %dma_wait3A_144 : memref<1x128xi32, #tpu.memory_space<vmem>> -> memref<128xi32, #tpu.memory_space<vmem>>
        %dma_wait3A_146 = arith.constant 0 : i32
        %dma_wait3A_147 = arith.constant 0 : i32
        %dma_wait3A_148 = tpu.memref_slice %arg10[%dma_wait3A_146, %dma_wait3A_147] : memref<12544x128xf32, #tpu.memory_space<vmem_shared>> -> memref<12544x128xf32, #tpu.memory_space<vmem_shared>>
        tpu.wait_indirect_dma semaphore(%run_scoped3A_136 : memref<!tpu.dma_semaphore, #tpu.memory_space<semaphore_mem>>) src(%arg9 : memref<128x128xf32, #tpu.memory_space<vmem>>) dst(%dma_wait3A_148 : memref<12544x128xf32, #tpu.memory_space<vmem_shared>>)
        tpu.yield
      }) : () -> ()
      %dma_start3A_31 = arith.constant 1 : i32
      %dma_start3A_32 = arith.constant 0 : i32
      %dma_start3A_33 = tpu.memref_slice %arg7[%dma_start3A_31, %dma_start3A_32] : memref<8x128xi32, #tpu.memory_space<vmem>> -> memref<1x128xi32, #tpu.memory_space<vmem>>
      %dma_start3A_34 = tpu.memref_squeeze %dma_start3A_33 : memref<1x128xi32, #tpu.memory_space<vmem>> -> memref<128xi32, #tpu.memory_space<vmem>>
      %dma_start3A_35 = arith.constant 0 : i32
      %dma_start3A_36 = arith.constant 0 : i32
      %dma_start3A_37 = tpu.memref_slice %arg4[%dma_start3A_35, %dma_start3A_36] : memref<8x128xf32, #tpu.memory_space<hbm>> -> memref<8x128xf32, #tpu.memory_space<hbm>>
      tpu.enqueue_indirect_dma source(%dma_start3A_37 : memref<8x128xf32, #tpu.memory_space<hbm>>) target(%arg9 : memref<128x128xf32, #tpu.memory_space<vmem>>) offsets(%dma_start3A_34 : memref<128xi32, #tpu.memory_space<vmem>>) semaphore(%arg11 : memref<!tpu.dma_semaphore, #tpu.memory_space<semaphore_mem>>)
      %dma_wait3A_38 = arith.constant 1 : i32
      %dma_wait3A_39 = arith.constant 0 : i32
      %dma_wait3A_40 = tpu.memref_slice %arg7[%dma_wait3A_38, %dma_wait3A_39] : memref<8x128xi32, #tpu.memory_space<vmem>> -> memref<1x128xi32, #tpu.memory_space<vmem>>
      %dma_wait3A_41 = tpu.memref_squeeze %dma_wait3A_40 : memref<1x128xi32, #tpu.memory_space<vmem>> -> memref<128xi32, #tpu.memory_space<vmem>>
      %dma_wait3A_42 = arith.constant 0 : i32
      %dma_wait3A_43 = arith.constant 0 : i32
      %dma_wait3A_44 = tpu.memref_slice %arg4[%dma_wait3A_42, %dma_wait3A_43] : memref<8x128xf32, #tpu.memory_space<hbm>> -> memref<8x128xf32, #tpu.memory_space<hbm>>
      tpu.wait_indirect_dma semaphore(%arg11 : memref<!tpu.dma_semaphore, #tpu.memory_space<semaphore_mem>>) src(%dma_wait3A_44 : memref<8x128xf32, #tpu.memory_space<hbm>>) dst(%arg9 : memref<128x128xf32, #tpu.memory_space<vmem>>)
      %run_scoped3A_45 = arith.constant 1 : i32
      "tpu.region"() ({
        %run_scoped3A_136 = tpu.sem_alloc : memref<!tpu.dma_semaphore, #tpu.memory_space<semaphore_mem>>
        %dma_start3A_137 = arith.constant 0 : i32
        %dma_start3A_138 = tpu.memref_slice %arg8[%run_scoped3A_45, %dma_start3A_137] : memref<8x128xi32, #tpu.memory_space<vmem>> -> memref<1x128xi32, #tpu.memory_space<vmem>>
        %dma_start3A_139 = tpu.memref_squeeze %dma_start3A_138 : memref<1x128xi32, #tpu.memory_space<vmem>> -> memref<128xi32, #tpu.memory_space<vmem>>
        %dma_start3A_140 = arith.constant 0 : i32
        %dma_start3A_141 = arith.constant 0 : i32
        %dma_start3A_142 = tpu.memref_slice %arg10[%dma_start3A_140, %dma_start3A_141] : memref<12544x128xf32, #tpu.memory_space<vmem_shared>> -> memref<12544x128xf32, #tpu.memory_space<vmem_shared>>
        tpu.enqueue_indirect_dma source(%arg9 : memref<128x128xf32, #tpu.memory_space<vmem>>) target(%dma_start3A_142 : memref<12544x128xf32, #tpu.memory_space<vmem_shared>>) offsets(%dma_start3A_139 : memref<128xi32, #tpu.memory_space<vmem>>) semaphore(%run_scoped3A_136 : memref<!tpu.dma_semaphore, #tpu.memory_space<semaphore_mem>>) {add = true}
        %dma_wait3A_143 = arith.constant 0 : i32
        %dma_wait3A_144 = tpu.memref_slice %arg8[%run_scoped3A_45, %dma_wait3A_143] : memref<8x128xi32, #tpu.memory_space<vmem>> -> memref<1x128xi32, #tpu.memory_space<vmem>>
        %dma_wait3A_145 = tpu.memref_squeeze %dma_wait3A_144 : memref<1x128xi32, #tpu.memory_space<vmem>> -> memref<128xi32, #tpu.memory_space<vmem>>
        %dma_wait3A_146 = arith.constant 0 : i32
        %dma_wait3A_147 = arith.constant 0 : i32
        %dma_wait3A_148 = tpu.memref_slice %arg10[%dma_wait3A_146, %dma_wait3A_147] : memref<12544x128xf32, #tpu.memory_space<vmem_shared>> -> memref<12544x128xf32, #tpu.memory_space<vmem_shared>>
        tpu.wait_indirect_dma semaphore(%run_scoped3A_136 : memref<!tpu.dma_semaphore, #tpu.memory_space<semaphore_mem>>) src(%arg9 : memref<128x128xf32, #tpu.memory_space<vmem>>) dst(%dma_wait3A_148 : memref<12544x128xf32, #tpu.memory_space<vmem_shared>>)
        tpu.yield
      }) : () -> ()
      %dma_start3A_46 = arith.constant 2 : i32
      %dma_start3A_47 = arith.constant 0 : i32
      %dma_start3A_48 = tpu.memref_slice %arg7[%dma_start3A_46, %dma_start3A_47] : memref<8x128xi32, #tpu.memory_space<vmem>> -> memref<1x128xi32, #tpu.memory_space<vmem>>
      %dma_start3A_49 = tpu.memref_squeeze %dma_start3A_48 : memref<1x128xi32, #tpu.memory_space<vmem>> -> memref<128xi32, #tpu.memory_space<vmem>>
      %dma_start3A_50 = arith.constant 0 : i32
      %dma_start3A_51 = arith.constant 0 : i32
      %dma_start3A_52 = tpu.memref_slice %arg4[%dma_start3A_50, %dma_start3A_51] : memref<8x128xf32, #tpu.memory_space<hbm>> -> memref<8x128xf32, #tpu.memory_space<hbm>>
      tpu.enqueue_indirect_dma source(%dma_start3A_52 : memref<8x128xf32, #tpu.memory_space<hbm>>) target(%arg9 : memref<128x128xf32, #tpu.memory_space<vmem>>) offsets(%dma_start3A_49 : memref<128xi32, #tpu.memory_space<vmem>>) semaphore(%arg11 : memref<!tpu.dma_semaphore, #tpu.memory_space<semaphore_mem>>)
      %dma_wait3A_53 = arith.constant 2 : i32
      %dma_wait3A_54 = arith.constant 0 : i32
      %dma_wait3A_55 = tpu.memref_slice %arg7[%dma_wait3A_53, %dma_wait3A_54] : memref<8x128xi32, #tpu.memory_space<vmem>> -> memref<1x128xi32, #tpu.memory_space<vmem>>
      %dma_wait3A_56 = tpu.memref_squeeze %dma_wait3A_55 : memref<1x128xi32, #tpu.memory_space<vmem>> -> memref<128xi32, #tpu.memory_space<vmem>>
      %dma_wait3A_57 = arith.constant 0 : i32
      %dma_wait3A_58 = arith.constant 0 : i32
      %dma_wait3A_59 = tpu.memref_slice %arg4[%dma_wait3A_57, %dma_wait3A_58] : memref<8x128xf32, #tpu.memory_space<hbm>> -> memref<8x128xf32, #tpu.memory_space<hbm>>
      tpu.wait_indirect_dma semaphore(%arg11 : memref<!tpu.dma_semaphore, #tpu.memory_space<semaphore_mem>>) src(%dma_wait3A_59 : memref<8x128xf32, #tpu.memory_space<hbm>>) dst(%arg9 : memref<128x128xf32, #tpu.memory_space<vmem>>)
      %run_scoped3A_60 = arith.constant 2 : i32
      "tpu.region"() ({
        %run_scoped3A_136 = tpu.sem_alloc : memref<!tpu.dma_semaphore, #tpu.memory_space<semaphore_mem>>
        %dma_start3A_137 = arith.constant 0 : i32
        %dma_start3A_138 = tpu.memref_slice %arg8[%run_scoped3A_60, %dma_start3A_137] : memref<8x128xi32, #tpu.memory_space<vmem>> -> memref<1x128xi32, #tpu.memory_space<vmem>>
        %dma_start3A_139 = tpu.memref_squeeze %dma_start3A_138 : memref<1x128xi32, #tpu.memory_space<vmem>> -> memref<128xi32, #tpu.memory_space<vmem>>
        %dma_start3A_140 = arith.constant 0 : i32
        %dma_start3A_141 = arith.constant 0 : i32
        %dma_start3A_142 = tpu.memref_slice %arg10[%dma_start3A_140, %dma_start3A_141] : memref<12544x128xf32, #tpu.memory_space<vmem_shared>> -> memref<12544x128xf32, #tpu.memory_space<vmem_shared>>
        tpu.enqueue_indirect_dma source(%arg9 : memref<128x128xf32, #tpu.memory_space<vmem>>) target(%dma_start3A_142 : memref<12544x128xf32, #tpu.memory_space<vmem_shared>>) offsets(%dma_start3A_139 : memref<128xi32, #tpu.memory_space<vmem>>) semaphore(%run_scoped3A_136 : memref<!tpu.dma_semaphore, #tpu.memory_space<semaphore_mem>>) {add = true}
        %dma_wait3A_143 = arith.constant 0 : i32
        %dma_wait3A_144 = tpu.memref_slice %arg8[%run_scoped3A_60, %dma_wait3A_143] : memref<8x128xi32, #tpu.memory_space<vmem>> -> memref<1x128xi32, #tpu.memory_space<vmem>>
        %dma_wait3A_145 = tpu.memref_squeeze %dma_wait3A_144 : memref<1x128xi32, #tpu.memory_space<vmem>> -> memref<128xi32, #tpu.memory_space<vmem>>
        %dma_wait3A_146 = arith.constant 0 : i32
        %dma_wait3A_147 = arith.constant 0 : i32
        %dma_wait3A_148 = tpu.memref_slice %arg10[%dma_wait3A_146, %dma_wait3A_147] : memref<12544x128xf32, #tpu.memory_space<vmem_shared>> -> memref<12544x128xf32, #tpu.memory_space<vmem_shared>>
        tpu.wait_indirect_dma semaphore(%run_scoped3A_136 : memref<!tpu.dma_semaphore, #tpu.memory_space<semaphore_mem>>) src(%arg9 : memref<128x128xf32, #tpu.memory_space<vmem>>) dst(%dma_wait3A_148 : memref<12544x128xf32, #tpu.memory_space<vmem_shared>>)
        tpu.yield
      }) : () -> ()
      %dma_start3A_61 = arith.constant 3 : i32
      %dma_start3A_62 = arith.constant 0 : i32
      %dma_start3A_63 = tpu.memref_slice %arg7[%dma_start3A_61, %dma_start3A_62] : memref<8x128xi32, #tpu.memory_space<vmem>> -> memref<1x128xi32, #tpu.memory_space<vmem>>
      %dma_start3A_64 = tpu.memref_squeeze %dma_start3A_63 : memref<1x128xi32, #tpu.memory_space<vmem>> -> memref<128xi32, #tpu.memory_space<vmem>>
      %dma_start3A_65 = arith.constant 0 : i32
      %dma_start3A_66 = arith.constant 0 : i32
      %dma_start3A_67 = tpu.memref_slice %arg4[%dma_start3A_65, %dma_start3A_66] : memref<8x128xf32, #tpu.memory_space<hbm>> -> memref<8x128xf32, #tpu.memory_space<hbm>>
      tpu.enqueue_indirect_dma source(%dma_start3A_67 : memref<8x128xf32, #tpu.memory_space<hbm>>) target(%arg9 : memref<128x128xf32, #tpu.memory_space<vmem>>) offsets(%dma_start3A_64 : memref<128xi32, #tpu.memory_space<vmem>>) semaphore(%arg11 : memref<!tpu.dma_semaphore, #tpu.memory_space<semaphore_mem>>)
      %dma_wait3A_68 = arith.constant 3 : i32
      %dma_wait3A_69 = arith.constant 0 : i32
      %dma_wait3A_70 = tpu.memref_slice %arg7[%dma_wait3A_68, %dma_wait3A_69] : memref<8x128xi32, #tpu.memory_space<vmem>> -> memref<1x128xi32, #tpu.memory_space<vmem>>
      %dma_wait3A_71 = tpu.memref_squeeze %dma_wait3A_70 : memref<1x128xi32, #tpu.memory_space<vmem>> -> memref<128xi32, #tpu.memory_space<vmem>>
      %dma_wait3A_72 = arith.constant 0 : i32
      %dma_wait3A_73 = arith.constant 0 : i32
      %dma_wait3A_74 = tpu.memref_slice %arg4[%dma_wait3A_72, %dma_wait3A_73] : memref<8x128xf32, #tpu.memory_space<hbm>> -> memref<8x128xf32, #tpu.memory_space<hbm>>
      tpu.wait_indirect_dma semaphore(%arg11 : memref<!tpu.dma_semaphore, #tpu.memory_space<semaphore_mem>>) src(%dma_wait3A_74 : memref<8x128xf32, #tpu.memory_space<hbm>>) dst(%arg9 : memref<128x128xf32, #tpu.memory_space<vmem>>)
      %run_scoped3A_75 = arith.constant 3 : i32
      "tpu.region"() ({
        %run_scoped3A_136 = tpu.sem_alloc : memref<!tpu.dma_semaphore, #tpu.memory_space<semaphore_mem>>
        %dma_start3A_137 = arith.constant 0 : i32
        %dma_start3A_138 = tpu.memref_slice %arg8[%run_scoped3A_75, %dma_start3A_137] : memref<8x128xi32, #tpu.memory_space<vmem>> -> memref<1x128xi32, #tpu.memory_space<vmem>>
        %dma_start3A_139 = tpu.memref_squeeze %dma_start3A_138 : memref<1x128xi32, #tpu.memory_space<vmem>> -> memref<128xi32, #tpu.memory_space<vmem>>
        %dma_start3A_140 = arith.constant 0 : i32
        %dma_start3A_141 = arith.constant 0 : i32
        %dma_start3A_142 = tpu.memref_slice %arg10[%dma_start3A_140, %dma_start3A_141] : memref<12544x128xf32, #tpu.memory_space<vmem_shared>> -> memref<12544x128xf32, #tpu.memory_space<vmem_shared>>
        tpu.enqueue_indirect_dma source(%arg9 : memref<128x128xf32, #tpu.memory_space<vmem>>) target(%dma_start3A_142 : memref<12544x128xf32, #tpu.memory_space<vmem_shared>>) offsets(%dma_start3A_139 : memref<128xi32, #tpu.memory_space<vmem>>) semaphore(%run_scoped3A_136 : memref<!tpu.dma_semaphore, #tpu.memory_space<semaphore_mem>>) {add = true}
        %dma_wait3A_143 = arith.constant 0 : i32
        %dma_wait3A_144 = tpu.memref_slice %arg8[%run_scoped3A_75, %dma_wait3A_143] : memref<8x128xi32, #tpu.memory_space<vmem>> -> memref<1x128xi32, #tpu.memory_space<vmem>>
        %dma_wait3A_145 = tpu.memref_squeeze %dma_wait3A_144 : memref<1x128xi32, #tpu.memory_space<vmem>> -> memref<128xi32, #tpu.memory_space<vmem>>
        %dma_wait3A_146 = arith.constant 0 : i32
        %dma_wait3A_147 = arith.constant 0 : i32
        %dma_wait3A_148 = tpu.memref_slice %arg10[%dma_wait3A_146, %dma_wait3A_147] : memref<12544x128xf32, #tpu.memory_space<vmem_shared>> -> memref<12544x128xf32, #tpu.memory_space<vmem_shared>>
        tpu.wait_indirect_dma semaphore(%run_scoped3A_136 : memref<!tpu.dma_semaphore, #tpu.memory_space<semaphore_mem>>) src(%arg9 : memref<128x128xf32, #tpu.memory_space<vmem>>) dst(%dma_wait3A_148 : memref<12544x128xf32, #tpu.memory_space<vmem_shared>>)
        tpu.yield
      }) : () -> ()
      %dma_start3A_76 = arith.constant 4 : i32
      %dma_start3A_77 = arith.constant 0 : i32
      %dma_start3A_78 = tpu.memref_slice %arg7[%dma_start3A_76, %dma_start3A_77] : memref<8x128xi32, #tpu.memory_space<vmem>> -> memref<1x128xi32, #tpu.memory_space<vmem>>
      %dma_start3A_79 = tpu.memref_squeeze %dma_start3A_78 : memref<1x128xi32, #tpu.memory_space<vmem>> -> memref<128xi32, #tpu.memory_space<vmem>>
      %dma_start3A_80 = arith.constant 0 : i32
      %dma_start3A_81 = arith.constant 0 : i32
      %dma_start3A_82 = tpu.memref_slice %arg4[%dma_start3A_80, %dma_start3A_81] : memref<8x128xf32, #tpu.memory_space<hbm>> -> memref<8x128xf32, #tpu.memory_space<hbm>>
      tpu.enqueue_indirect_dma source(%dma_start3A_82 : memref<8x128xf32, #tpu.memory_space<hbm>>) target(%arg9 : memref<128x128xf32, #tpu.memory_space<vmem>>) offsets(%dma_start3A_79 : memref<128xi32, #tpu.memory_space<vmem>>) semaphore(%arg11 : memref<!tpu.dma_semaphore, #tpu.memory_space<semaphore_mem>>)
      %dma_wait3A_83 = arith.constant 4 : i32
      %dma_wait3A_84 = arith.constant 0 : i32
      %dma_wait3A_85 = tpu.memref_slice %arg7[%dma_wait3A_83, %dma_wait3A_84] : memref<8x128xi32, #tpu.memory_space<vmem>> -> memref<1x128xi32, #tpu.memory_space<vmem>>
      %dma_wait3A_86 = tpu.memref_squeeze %dma_wait3A_85 : memref<1x128xi32, #tpu.memory_space<vmem>> -> memref<128xi32, #tpu.memory_space<vmem>>
      %dma_wait3A_87 = arith.constant 0 : i32
      %dma_wait3A_88 = arith.constant 0 : i32
      %dma_wait3A_89 = tpu.memref_slice %arg4[%dma_wait3A_87, %dma_wait3A_88] : memref<8x128xf32, #tpu.memory_space<hbm>> -> memref<8x128xf32, #tpu.memory_space<hbm>>
      tpu.wait_indirect_dma semaphore(%arg11 : memref<!tpu.dma_semaphore, #tpu.memory_space<semaphore_mem>>) src(%dma_wait3A_89 : memref<8x128xf32, #tpu.memory_space<hbm>>) dst(%arg9 : memref<128x128xf32, #tpu.memory_space<vmem>>)
      %run_scoped3A_90 = arith.constant 4 : i32
      "tpu.region"() ({
        %run_scoped3A_136 = tpu.sem_alloc : memref<!tpu.dma_semaphore, #tpu.memory_space<semaphore_mem>>
        %dma_start3A_137 = arith.constant 0 : i32
        %dma_start3A_138 = tpu.memref_slice %arg8[%run_scoped3A_90, %dma_start3A_137] : memref<8x128xi32, #tpu.memory_space<vmem>> -> memref<1x128xi32, #tpu.memory_space<vmem>>
        %dma_start3A_139 = tpu.memref_squeeze %dma_start3A_138 : memref<1x128xi32, #tpu.memory_space<vmem>> -> memref<128xi32, #tpu.memory_space<vmem>>
        %dma_start3A_140 = arith.constant 0 : i32
        %dma_start3A_141 = arith.constant 0 : i32
        %dma_start3A_142 = tpu.memref_slice %arg10[%dma_start3A_140, %dma_start3A_141] : memref<12544x128xf32, #tpu.memory_space<vmem_shared>> -> memref<12544x128xf32, #tpu.memory_space<vmem_shared>>
        tpu.enqueue_indirect_dma source(%arg9 : memref<128x128xf32, #tpu.memory_space<vmem>>) target(%dma_start3A_142 : memref<12544x128xf32, #tpu.memory_space<vmem_shared>>) offsets(%dma_start3A_139 : memref<128xi32, #tpu.memory_space<vmem>>) semaphore(%run_scoped3A_136 : memref<!tpu.dma_semaphore, #tpu.memory_space<semaphore_mem>>) {add = true}
        %dma_wait3A_143 = arith.constant 0 : i32
        %dma_wait3A_144 = tpu.memref_slice %arg8[%run_scoped3A_90, %dma_wait3A_143] : memref<8x128xi32, #tpu.memory_space<vmem>> -> memref<1x128xi32, #tpu.memory_space<vmem>>
        %dma_wait3A_145 = tpu.memref_squeeze %dma_wait3A_144 : memref<1x128xi32, #tpu.memory_space<vmem>> -> memref<128xi32, #tpu.memory_space<vmem>>
        %dma_wait3A_146 = arith.constant 0 : i32
        %dma_wait3A_147 = arith.constant 0 : i32
        %dma_wait3A_148 = tpu.memref_slice %arg10[%dma_wait3A_146, %dma_wait3A_147] : memref<12544x128xf32, #tpu.memory_space<vmem_shared>> -> memref<12544x128xf32, #tpu.memory_space<vmem_shared>>
        tpu.wait_indirect_dma semaphore(%run_scoped3A_136 : memref<!tpu.dma_semaphore, #tpu.memory_space<semaphore_mem>>) src(%arg9 : memref<128x128xf32, #tpu.memory_space<vmem>>) dst(%dma_wait3A_148 : memref<12544x128xf32, #tpu.memory_space<vmem_shared>>)
        tpu.yield
      }) : () -> ()
      %dma_start3A_91 = arith.constant 5 : i32
      %dma_start3A_92 = arith.constant 0 : i32
      %dma_start3A_93 = tpu.memref_slice %arg7[%dma_start3A_91, %dma_start3A_92] : memref<8x128xi32, #tpu.memory_space<vmem>> -> memref<1x128xi32, #tpu.memory_space<vmem>>
      %dma_start3A_94 = tpu.memref_squeeze %dma_start3A_93 : memref<1x128xi32, #tpu.memory_space<vmem>> -> memref<128xi32, #tpu.memory_space<vmem>>
      %dma_start3A_95 = arith.constant 0 : i32
      %dma_start3A_96 = arith.constant 0 : i32
      %dma_start3A_97 = tpu.memref_slice %arg4[%dma_start3A_95, %dma_start3A_96] : memref<8x128xf32, #tpu.memory_space<hbm>> -> memref<8x128xf32, #tpu.memory_space<hbm>>
      tpu.enqueue_indirect_dma source(%dma_start3A_97 : memref<8x128xf32, #tpu.memory_space<hbm>>) target(%arg9 : memref<128x128xf32, #tpu.memory_space<vmem>>) offsets(%dma_start3A_94 : memref<128xi32, #tpu.memory_space<vmem>>) semaphore(%arg11 : memref<!tpu.dma_semaphore, #tpu.memory_space<semaphore_mem>>)
      %dma_wait3A_98 = arith.constant 5 : i32
      %dma_wait3A_99 = arith.constant 0 : i32
      %dma_wait3A_100 = tpu.memref_slice %arg7[%dma_wait3A_98, %dma_wait3A_99] : memref<8x128xi32, #tpu.memory_space<vmem>> -> memref<1x128xi32, #tpu.memory_space<vmem>>
      %dma_wait3A_101 = tpu.memref_squeeze %dma_wait3A_100 : memref<1x128xi32, #tpu.memory_space<vmem>> -> memref<128xi32, #tpu.memory_space<vmem>>
      %dma_wait3A_102 = arith.constant 0 : i32
      %dma_wait3A_103 = arith.constant 0 : i32
      %dma_wait3A_104 = tpu.memref_slice %arg4[%dma_wait3A_102, %dma_wait3A_103] : memref<8x128xf32, #tpu.memory_space<hbm>> -> memref<8x128xf32, #tpu.memory_space<hbm>>
      tpu.wait_indirect_dma semaphore(%arg11 : memref<!tpu.dma_semaphore, #tpu.memory_space<semaphore_mem>>) src(%dma_wait3A_104 : memref<8x128xf32, #tpu.memory_space<hbm>>) dst(%arg9 : memref<128x128xf32, #tpu.memory_space<vmem>>)
      %run_scoped3A_105 = arith.constant 5 : i32
      "tpu.region"() ({
        %run_scoped3A_136 = tpu.sem_alloc : memref<!tpu.dma_semaphore, #tpu.memory_space<semaphore_mem>>
        %dma_start3A_137 = arith.constant 0 : i32
        %dma_start3A_138 = tpu.memref_slice %arg8[%run_scoped3A_105, %dma_start3A_137] : memref<8x128xi32, #tpu.memory_space<vmem>> -> memref<1x128xi32, #tpu.memory_space<vmem>>
        %dma_start3A_139 = tpu.memref_squeeze %dma_start3A_138 : memref<1x128xi32, #tpu.memory_space<vmem>> -> memref<128xi32, #tpu.memory_space<vmem>>
        %dma_start3A_140 = arith.constant 0 : i32
        %dma_start3A_141 = arith.constant 0 : i32
        %dma_start3A_142 = tpu.memref_slice %arg10[%dma_start3A_140, %dma_start3A_141] : memref<12544x128xf32, #tpu.memory_space<vmem_shared>> -> memref<12544x128xf32, #tpu.memory_space<vmem_shared>>
        tpu.enqueue_indirect_dma source(%arg9 : memref<128x128xf32, #tpu.memory_space<vmem>>) target(%dma_start3A_142 : memref<12544x128xf32, #tpu.memory_space<vmem_shared>>) offsets(%dma_start3A_139 : memref<128xi32, #tpu.memory_space<vmem>>) semaphore(%run_scoped3A_136 : memref<!tpu.dma_semaphore, #tpu.memory_space<semaphore_mem>>) {add = true}
        %dma_wait3A_143 = arith.constant 0 : i32
        %dma_wait3A_144 = tpu.memref_slice %arg8[%run_scoped3A_105, %dma_wait3A_143] : memref<8x128xi32, #tpu.memory_space<vmem>> -> memref<1x128xi32, #tpu.memory_space<vmem>>
        %dma_wait3A_145 = tpu.memref_squeeze %dma_wait3A_144 : memref<1x128xi32, #tpu.memory_space<vmem>> -> memref<128xi32, #tpu.memory_space<vmem>>
        %dma_wait3A_146 = arith.constant 0 : i32
        %dma_wait3A_147 = arith.constant 0 : i32
        %dma_wait3A_148 = tpu.memref_slice %arg10[%dma_wait3A_146, %dma_wait3A_147] : memref<12544x128xf32, #tpu.memory_space<vmem_shared>> -> memref<12544x128xf32, #tpu.memory_space<vmem_shared>>
        tpu.wait_indirect_dma semaphore(%run_scoped3A_136 : memref<!tpu.dma_semaphore, #tpu.memory_space<semaphore_mem>>) src(%arg9 : memref<128x128xf32, #tpu.memory_space<vmem>>) dst(%dma_wait3A_148 : memref<12544x128xf32, #tpu.memory_space<vmem_shared>>)
        tpu.yield
      }) : () -> ()
      %dma_start3A_106 = arith.constant 6 : i32
      %dma_start3A_107 = arith.constant 0 : i32
      %dma_start3A_108 = tpu.memref_slice %arg7[%dma_start3A_106, %dma_start3A_107] : memref<8x128xi32, #tpu.memory_space<vmem>> -> memref<1x128xi32, #tpu.memory_space<vmem>>
      %dma_start3A_109 = tpu.memref_squeeze %dma_start3A_108 : memref<1x128xi32, #tpu.memory_space<vmem>> -> memref<128xi32, #tpu.memory_space<vmem>>
      %dma_start3A_110 = arith.constant 0 : i32
      %dma_start3A_111 = arith.constant 0 : i32
      %dma_start3A_112 = tpu.memref_slice %arg4[%dma_start3A_110, %dma_start3A_111] : memref<8x128xf32, #tpu.memory_space<hbm>> -> memref<8x128xf32, #tpu.memory_space<hbm>>
      tpu.enqueue_indirect_dma source(%dma_start3A_112 : memref<8x128xf32, #tpu.memory_space<hbm>>) target(%arg9 : memref<128x128xf32, #tpu.memory_space<vmem>>) offsets(%dma_start3A_109 : memref<128xi32, #tpu.memory_space<vmem>>) semaphore(%arg11 : memref<!tpu.dma_semaphore, #tpu.memory_space<semaphore_mem>>)
      %dma_wait3A_113 = arith.constant 6 : i32
      %dma_wait3A_114 = arith.constant 0 : i32
      %dma_wait3A_115 = tpu.memref_slice %arg7[%dma_wait3A_113, %dma_wait3A_114] : memref<8x128xi32, #tpu.memory_space<vmem>> -> memref<1x128xi32, #tpu.memory_space<vmem>>
      %dma_wait3A_116 = tpu.memref_squeeze %dma_wait3A_115 : memref<1x128xi32, #tpu.memory_space<vmem>> -> memref<128xi32, #tpu.memory_space<vmem>>
      %dma_wait3A_117 = arith.constant 0 : i32
      %dma_wait3A_118 = arith.constant 0 : i32
      %dma_wait3A_119 = tpu.memref_slice %arg4[%dma_wait3A_117, %dma_wait3A_118] : memref<8x128xf32, #tpu.memory_space<hbm>> -> memref<8x128xf32, #tpu.memory_space<hbm>>
      tpu.wait_indirect_dma semaphore(%arg11 : memref<!tpu.dma_semaphore, #tpu.memory_space<semaphore_mem>>) src(%dma_wait3A_119 : memref<8x128xf32, #tpu.memory_space<hbm>>) dst(%arg9 : memref<128x128xf32, #tpu.memory_space<vmem>>)
      %run_scoped3A_120 = arith.constant 6 : i32
      "tpu.region"() ({
        %run_scoped3A_136 = tpu.sem_alloc : memref<!tpu.dma_semaphore, #tpu.memory_space<semaphore_mem>>
        %dma_start3A_137 = arith.constant 0 : i32
        %dma_start3A_138 = tpu.memref_slice %arg8[%run_scoped3A_120, %dma_start3A_137] : memref<8x128xi32, #tpu.memory_space<vmem>> -> memref<1x128xi32, #tpu.memory_space<vmem>>
        %dma_start3A_139 = tpu.memref_squeeze %dma_start3A_138 : memref<1x128xi32, #tpu.memory_space<vmem>> -> memref<128xi32, #tpu.memory_space<vmem>>
        %dma_start3A_140 = arith.constant 0 : i32
        %dma_start3A_141 = arith.constant 0 : i32
        %dma_start3A_142 = tpu.memref_slice %arg10[%dma_start3A_140, %dma_start3A_141] : memref<12544x128xf32, #tpu.memory_space<vmem_shared>> -> memref<12544x128xf32, #tpu.memory_space<vmem_shared>>
        tpu.enqueue_indirect_dma source(%arg9 : memref<128x128xf32, #tpu.memory_space<vmem>>) target(%dma_start3A_142 : memref<12544x128xf32, #tpu.memory_space<vmem_shared>>) offsets(%dma_start3A_139 : memref<128xi32, #tpu.memory_space<vmem>>) semaphore(%run_scoped3A_136 : memref<!tpu.dma_semaphore, #tpu.memory_space<semaphore_mem>>) {add = true}
        %dma_wait3A_143 = arith.constant 0 : i32
        %dma_wait3A_144 = tpu.memref_slice %arg8[%run_scoped3A_120, %dma_wait3A_143] : memref<8x128xi32, #tpu.memory_space<vmem>> -> memref<1x128xi32, #tpu.memory_space<vmem>>
        %dma_wait3A_145 = tpu.memref_squeeze %dma_wait3A_144 : memref<1x128xi32, #tpu.memory_space<vmem>> -> memref<128xi32, #tpu.memory_space<vmem>>
        %dma_wait3A_146 = arith.constant 0 : i32
        %dma_wait3A_147 = arith.constant 0 : i32
        %dma_wait3A_148 = tpu.memref_slice %arg10[%dma_wait3A_146, %dma_wait3A_147] : memref<12544x128xf32, #tpu.memory_space<vmem_shared>> -> memref<12544x128xf32, #tpu.memory_space<vmem_shared>>
        tpu.wait_indirect_dma semaphore(%run_scoped3A_136 : memref<!tpu.dma_semaphore, #tpu.memory_space<semaphore_mem>>) src(%arg9 : memref<128x128xf32, #tpu.memory_space<vmem>>) dst(%dma_wait3A_148 : memref<12544x128xf32, #tpu.memory_space<vmem_shared>>)
        tpu.yield
      }) : () -> ()
      %dma_start3A_121 = arith.constant 7 : i32
      %dma_start3A_122 = arith.constant 0 : i32
      %dma_start3A_123 = tpu.memref_slice %arg7[%dma_start3A_121, %dma_start3A_122] : memref<8x128xi32, #tpu.memory_space<vmem>> -> memref<1x128xi32, #tpu.memory_space<vmem>>
      %dma_start3A_124 = tpu.memref_squeeze %dma_start3A_123 : memref<1x128xi32, #tpu.memory_space<vmem>> -> memref<128xi32, #tpu.memory_space<vmem>>
      %dma_start3A_125 = arith.constant 0 : i32
      %dma_start3A_126 = arith.constant 0 : i32
      %dma_start3A_127 = tpu.memref_slice %arg4[%dma_start3A_125, %dma_start3A_126] : memref<8x128xf32, #tpu.memory_space<hbm>> -> memref<8x128xf32, #tpu.memory_space<hbm>>
      tpu.enqueue_indirect_dma source(%dma_start3A_127 : memref<8x128xf32, #tpu.memory_space<hbm>>) target(%arg9 : memref<128x128xf32, #tpu.memory_space<vmem>>) offsets(%dma_start3A_124 : memref<128xi32, #tpu.memory_space<vmem>>) semaphore(%arg11 : memref<!tpu.dma_semaphore, #tpu.memory_space<semaphore_mem>>)
      %dma_wait3A_128 = arith.constant 7 : i32
      %dma_wait3A_129 = arith.constant 0 : i32
      %dma_wait3A_130 = tpu.memref_slice %arg7[%dma_wait3A_128, %dma_wait3A_129] : memref<8x128xi32, #tpu.memory_space<vmem>> -> memref<1x128xi32, #tpu.memory_space<vmem>>
      %dma_wait3A_131 = tpu.memref_squeeze %dma_wait3A_130 : memref<1x128xi32, #tpu.memory_space<vmem>> -> memref<128xi32, #tpu.memory_space<vmem>>
      %dma_wait3A_132 = arith.constant 0 : i32
      %dma_wait3A_133 = arith.constant 0 : i32
      %dma_wait3A_134 = tpu.memref_slice %arg4[%dma_wait3A_132, %dma_wait3A_133] : memref<8x128xf32, #tpu.memory_space<hbm>> -> memref<8x128xf32, #tpu.memory_space<hbm>>
      tpu.wait_indirect_dma semaphore(%arg11 : memref<!tpu.dma_semaphore, #tpu.memory_space<semaphore_mem>>) src(%dma_wait3A_134 : memref<8x128xf32, #tpu.memory_space<hbm>>) dst(%arg9 : memref<128x128xf32, #tpu.memory_space<vmem>>)
      %run_scoped3A_135 = arith.constant 7 : i32
      "tpu.region"() ({
        %run_scoped3A_136 = tpu.sem_alloc : memref<!tpu.dma_semaphore, #tpu.memory_space<semaphore_mem>>
        %dma_start3A_137 = arith.constant 0 : i32
        %dma_start3A_138 = tpu.memref_slice %arg8[%run_scoped3A_135, %dma_start3A_137] : memref<8x128xi32, #tpu.memory_space<vmem>> -> memref<1x128xi32, #tpu.memory_space<vmem>>
        %dma_start3A_139 = tpu.memref_squeeze %dma_start3A_138 : memref<1x128xi32, #tpu.memory_space<vmem>> -> memref<128xi32, #tpu.memory_space<vmem>>
        %dma_start3A_140 = arith.constant 0 : i32
        %dma_start3A_141 = arith.constant 0 : i32
        %dma_start3A_142 = tpu.memref_slice %arg10[%dma_start3A_140, %dma_start3A_141] : memref<12544x128xf32, #tpu.memory_space<vmem_shared>> -> memref<12544x128xf32, #tpu.memory_space<vmem_shared>>
        tpu.enqueue_indirect_dma source(%arg9 : memref<128x128xf32, #tpu.memory_space<vmem>>) target(%dma_start3A_142 : memref<12544x128xf32, #tpu.memory_space<vmem_shared>>) offsets(%dma_start3A_139 : memref<128xi32, #tpu.memory_space<vmem>>) semaphore(%run_scoped3A_136 : memref<!tpu.dma_semaphore, #tpu.memory_space<semaphore_mem>>) {add = true}
        %dma_wait3A_143 = arith.constant 0 : i32
        %dma_wait3A_144 = tpu.memref_slice %arg8[%run_scoped3A_135, %dma_wait3A_143] : memref<8x128xi32, #tpu.memory_space<vmem>> -> memref<1x128xi32, #tpu.memory_space<vmem>>
        %dma_wait3A_145 = tpu.memref_squeeze %dma_wait3A_144 : memref<1x128xi32, #tpu.memory_space<vmem>> -> memref<128xi32, #tpu.memory_space<vmem>>
        %dma_wait3A_146 = arith.constant 0 : i32
        %dma_wait3A_147 = arith.constant 0 : i32
        %dma_wait3A_148 = tpu.memref_slice %arg10[%dma_wait3A_146, %dma_wait3A_147] : memref<12544x128xf32, #tpu.memory_space<vmem_shared>> -> memref<12544x128xf32, #tpu.memory_space<vmem_shared>>
        tpu.wait_indirect_dma semaphore(%run_scoped3A_136 : memref<!tpu.dma_semaphore, #tpu.memory_space<semaphore_mem>>) src(%arg9 : memref<128x128xf32, #tpu.memory_space<vmem>>) dst(%dma_wait3A_148 : memref<12544x128xf32, #tpu.memory_space<vmem_shared>>)
        tpu.yield
      }) : () -> ()
    }
    %scan3A_6 = arith.constant 49 : i32
    %barrier3A_7 = arith.constant 0 : index
    tpu.barrier barrier_id(%barrier3A_7)
    %mul3A_8 = arith.constant 784 : i32
    %mul3A_9 = arith.muli %arg1, %mul3A_8 : i32
    %mul3A_10 = arith.constant 784 : i32
    %mul3A_11 = arith.muli %arg1, %mul3A_10 : i32
    "tpu.region"() ({
      %run_scoped3A = tpu.sem_alloc : memref<!tpu.dma_semaphore, #tpu.memory_space<semaphore_mem>>
      %dma_start3A = arith.constant 0 : i32
      %dma_start3A_12 = tpu.memref_slice %arg6[%arg0, %mul3A_11, %dma_start3A] : memref<2x12544x128xf32, #tpu.memory_space<hbm>> -> memref<1x784x128xf32, #tpu.memory_space<hbm>>
      %dma_start3A_13 = tpu.memref_squeeze %dma_start3A_12 : memref<1x784x128xf32, #tpu.memory_space<hbm>> -> memref<784x128xf32, #tpu.memory_space<hbm>>
      %dma_start3A_14 = arith.constant 0 : i32
      %dma_start3A_15 = tpu.memref_slice %arg10[%mul3A_9, %dma_start3A_14] : memref<12544x128xf32, #tpu.memory_space<vmem_shared>> -> memref<784x128xf32, #tpu.memory_space<vmem_shared>>
      tpu.enqueue_dma source(%dma_start3A_15 : memref<784x128xf32, #tpu.memory_space<vmem_shared>>) target(%dma_start3A_13 : memref<784x128xf32, #tpu.memory_space<hbm>>) target_semaphore(%run_scoped3A : memref<!tpu.dma_semaphore, #tpu.memory_space<semaphore_mem>>)
      %dma_wait3A = arith.constant 0 : i32
      %dma_wait3A_16 = tpu.memref_slice %arg6[%arg0, %mul3A_11, %dma_wait3A] : memref<2x12544x128xf32, #tpu.memory_space<hbm>> -> memref<1x784x128xf32, #tpu.memory_space<hbm>>
      %dma_wait3A_17 = tpu.memref_squeeze %dma_wait3A_16 : memref<1x784x128xf32, #tpu.memory_space<hbm>> -> memref<784x128xf32, #tpu.memory_space<hbm>>
      %dma_wait3A_18 = arith.constant 0 : i32
      %dma_wait3A_19 = tpu.memref_slice %arg10[%mul3A_9, %dma_wait3A_18] : memref<12544x128xf32, #tpu.memory_space<vmem_shared>> -> memref<784x128xf32, #tpu.memory_space<vmem_shared>>
      tpu.wait_dma2 semaphore(%run_scoped3A : memref<!tpu.dma_semaphore, #tpu.memory_space<semaphore_mem>>) src(%dma_wait3A_19 : memref<784x128xf32, #tpu.memory_space<vmem_shared>>) dst(%dma_wait3A_17 : memref<784x128xf32, #tpu.memory_space<hbm>>)
      tpu.yield
    }) : () -> ()
    return
  }
}

#map = affine_map<(d0, d1) -> (0, 0)>
#map1 = affine_map<(d0, d1) -> (0, 0, 0)>
module attributes {stable_mosaic.version = 14 : i64} {
  func.func @_sc_aggregate(%arg0: i32, %arg1: i32, %arg2: memref<6272x128xi32, #tpu.memory_space<hbm>>, %arg3: memref<2x6272x128xi32, #tpu.memory_space<hbm>>, %arg4: memref<100000x128xf32, #tpu.memory_space<hbm>>, %arg5: memref<784x128xf32, #tpu.memory_space<hbm>>, %arg6: memref<2x12544x128xf32, #tpu.memory_space<hbm>>, %arg7: memref<8x128xi32, #tpu.memory_space<vmem>>, %arg8: memref<8x128xi32, #tpu.memory_space<vmem>>, %arg9: memref<128x128xf32, #tpu.memory_space<vmem>>, %arg10: memref<12544x128xf32, #tpu.memory_space<vmem_shared>>, %arg11: memref<!tpu.dma_semaphore, #tpu.memory_space<semaphore_mem>>) attributes {dimension_semantics = [#tpu.dimension_semantics<core_parallel>, #tpu.dimension_semantics<subcore_parallel>], iteration_bounds = array<i64: 2, 16>, scalar_prefetch = 0 : i64, scratch_operands = 5 : i64, tpu.core_type = #tpu.core_type<sc_vector_subcore>, window_params = [{transform_indices = #map}, {transform_indices = #map1}, {transform_indices = #map}, {transform_indices = #map}, {transform_indices = #map1}]} {
    %mul3A = arith.constant 784 : i32
    %mul3A_0 = arith.muli %arg1, %mul3A : i32
    "tpu.region"() ({
      %run_scoped3A = tpu.sem_alloc : memref<!tpu.dma_semaphore, #tpu.memory_space<semaphore_mem>>
      %dma_start3A = arith.constant 0 : i32
      %dma_start3A_12 = tpu.memref_slice %arg10[%mul3A_0, %dma_start3A] : memref<12544x128xf32, #tpu.memory_space<vmem_shared>> -> memref<784x128xf32, #tpu.memory_space<vmem_shared>>
      tpu.enqueue_dma source(%arg5 : memref<784x128xf32, #tpu.memory_space<hbm>>) target(%dma_start3A_12 : memref<784x128xf32, #tpu.memory_space<vmem_shared>>) target_semaphore(%run_scoped3A : memref<!tpu.dma_semaphore, #tpu.memory_space<semaphore_mem>>)
      %dma_wait3A = arith.constant 0 : i32
      %dma_wait3A_13 = tpu.memref_slice %arg10[%mul3A_0, %dma_wait3A] : memref<12544x128xf32, #tpu.memory_space<vmem_shared>> -> memref<784x128xf32, #tpu.memory_space<vmem_shared>>
      tpu.wait_dma2 semaphore(%run_scoped3A : memref<!tpu.dma_semaphore, #tpu.memory_space<semaphore_mem>>) src(%arg5 : memref<784x128xf32, #tpu.memory_space<hbm>>) dst(%dma_wait3A_13 : memref<784x128xf32, #tpu.memory_space<vmem_shared>>)
      tpu.yield
    }) : () -> ()
    %barrier3A = arith.constant 0 : index
    tpu.barrier barrier_id(%barrier3A)
    %mul3A_1 = arith.constant 392 : i32
    %mul3A_2 = arith.muli %arg1, %mul3A_1 : i32
    %scan3A = arith.constant 0 : i32
    %scan3A_3 = arith.constant 49 : i32
    %scan3A_4 = arith.addi %scan3A, %scan3A_3 : i32
    %scan3A_5 = arith.constant 1 : i32
    scf.for %scan3A_12 = %scan3A to %scan3A_4 step %scan3A_5  : i32 {
      %mul3A_13 = arith.constant 1 : i32
      %mul3A_14 = arith.muli %scan3A_12, %mul3A_13 : i32
      %add3A = arith.constant 0 : i32
      %add3A_15 = arith.addi %add3A, %mul3A_14 : i32
      %mul3A_16 = arith.constant 8 : i32
      %mul3A_17 = arith.muli %add3A_15, %mul3A_16 : i32
      %add3A_18 = arith.addi %mul3A_2, %mul3A_17 : i32
      "tpu.region"() ({
        %run_scoped3A_136 = tpu.sem_alloc : memref<!tpu.dma_semaphore, #tpu.memory_space<semaphore_mem>>
        %dma_start3A_137 = arith.constant 0 : i32
        %dma_start3A_138 = tpu.memref_slice %arg2[%add3A_18, %dma_start3A_137] : memref<6272x128xi32, #tpu.memory_space<hbm>> -> memref<8x128xi32, #tpu.memory_space<hbm>>
        %dma_start3A_139 = arith.constant 0 : i32
        %dma_start3A_140 = tpu.memref_slice %arg2[%add3A_18, %dma_start3A_139] : memref<6272x128xi32, #tpu.memory_space<hbm>> -> memref<8x128xi32, #tpu.memory_space<hbm>>
        tpu.enqueue_dma source(%dma_start3A_140 : memref<8x128xi32, #tpu.memory_space<hbm>>) target(%arg7 : memref<8x128xi32, #tpu.memory_space<vmem>>) target_semaphore(%run_scoped3A_136 : memref<!tpu.dma_semaphore, #tpu.memory_space<semaphore_mem>>)
        %dma_wait3A_141 = arith.constant 0 : i32
        %dma_wait3A_142 = tpu.memref_slice %arg2[%add3A_18, %dma_wait3A_141] : memref<6272x128xi32, #tpu.memory_space<hbm>> -> memref<8x128xi32, #tpu.memory_space<hbm>>
        %dma_wait3A_143 = arith.constant 0 : i32
        %dma_wait3A_144 = tpu.memref_slice %arg2[%add3A_18, %dma_wait3A_143] : memref<6272x128xi32, #tpu.memory_space<hbm>> -> memref<8x128xi32, #tpu.memory_space<hbm>>
        tpu.wait_dma2 semaphore(%run_scoped3A_136 : memref<!tpu.dma_semaphore, #tpu.memory_space<semaphore_mem>>) src(%dma_wait3A_144 : memref<8x128xi32, #tpu.memory_space<hbm>>) dst(%arg7 : memref<8x128xi32, #tpu.memory_space<vmem>>)
        tpu.yield
      }) : () -> ()
      "tpu.region"() ({
        %run_scoped3A_136 = tpu.sem_alloc : memref<!tpu.dma_semaphore, #tpu.memory_space<semaphore_mem>>
        %dma_start3A_137 = arith.constant 0 : i32
        %dma_start3A_138 = tpu.memref_slice %arg3[%arg0, %add3A_18, %dma_start3A_137] : memref<2x6272x128xi32, #tpu.memory_space<hbm>> -> memref<1x8x128xi32, #tpu.memory_space<hbm>>
        %dma_start3A_139 = tpu.memref_squeeze %dma_start3A_138 : memref<1x8x128xi32, #tpu.memory_space<hbm>> -> memref<8x128xi32, #tpu.memory_space<hbm>>
        %dma_start3A_140 = arith.constant 0 : i32
        %dma_start3A_141 = tpu.memref_slice %arg3[%arg0, %add3A_18, %dma_start3A_140] : memref<2x6272x128xi32, #tpu.memory_space<hbm>> -> memref<1x8x128xi32, #tpu.memory_space<hbm>>
        %dma_start3A_142 = tpu.memref_squeeze %dma_start3A_141 : memref<1x8x128xi32, #tpu.memory_space<hbm>> -> memref<8x128xi32, #tpu.memory_space<hbm>>
        tpu.enqueue_dma source(%dma_start3A_142 : memref<8x128xi32, #tpu.memory_space<hbm>>) target(%arg8 : memref<8x128xi32, #tpu.memory_space<vmem>>) target_semaphore(%run_scoped3A_136 : memref<!tpu.dma_semaphore, #tpu.memory_space<semaphore_mem>>)
        %dma_wait3A_143 = arith.constant 0 : i32
        %dma_wait3A_144 = tpu.memref_slice %arg3[%arg0, %add3A_18, %dma_wait3A_143] : memref<2x6272x128xi32, #tpu.memory_space<hbm>> -> memref<1x8x128xi32, #tpu.memory_space<hbm>>
        %dma_wait3A_145 = tpu.memref_squeeze %dma_wait3A_144 : memref<1x8x128xi32, #tpu.memory_space<hbm>> -> memref<8x128xi32, #tpu.memory_space<hbm>>
        %dma_wait3A_146 = arith.constant 0 : i32
        %dma_wait3A_147 = tpu.memref_slice %arg3[%arg0, %add3A_18, %dma_wait3A_146] : memref<2x6272x128xi32, #tpu.memory_space<hbm>> -> memref<1x8x128xi32, #tpu.memory_space<hbm>>
        %dma_wait3A_148 = tpu.memref_squeeze %dma_wait3A_147 : memref<1x8x128xi32, #tpu.memory_space<hbm>> -> memref<8x128xi32, #tpu.memory_space<hbm>>
        tpu.wait_dma2 semaphore(%run_scoped3A_136 : memref<!tpu.dma_semaphore, #tpu.memory_space<semaphore_mem>>) src(%dma_wait3A_148 : memref<8x128xi32, #tpu.memory_space<hbm>>) dst(%arg8 : memref<8x128xi32, #tpu.memory_space<vmem>>)
        tpu.yield
      }) : () -> ()
      %dma_start3A = arith.constant 0 : i32
      %dma_start3A_19 = arith.constant 0 : i32
      %dma_start3A_20 = tpu.memref_slice %arg7[%dma_start3A, %dma_start3A_19] : memref<8x128xi32, #tpu.memory_space<vmem>> -> memref<1x128xi32, #tpu.memory_space<vmem>>
      %dma_start3A_21 = tpu.memref_squeeze %dma_start3A_20 : memref<1x128xi32, #tpu.memory_space<vmem>> -> memref<128xi32, #tpu.memory_space<vmem>>
      %dma_start3A_22 = arith.constant 0 : i32
      %dma_start3A_23 = arith.constant 0 : i32
      %dma_start3A_24 = tpu.memref_slice %arg4[%dma_start3A_22, %dma_start3A_23] : memref<100000x128xf32, #tpu.memory_space<hbm>> -> memref<100000x128xf32, #tpu.memory_space<hbm>>
      tpu.enqueue_indirect_dma source(%dma_start3A_24 : memref<100000x128xf32, #tpu.memory_space<hbm>>) target(%arg9 : memref<128x128xf32, #tpu.memory_space<vmem>>) offsets(%dma_start3A_21 : memref<128xi32, #tpu.memory_space<vmem>>) semaphore(%arg11 : memref<!tpu.dma_semaphore, #tpu.memory_space<semaphore_mem>>)
      %dma_wait3A = arith.constant 0 : i32
      %dma_wait3A_25 = arith.constant 0 : i32
      %dma_wait3A_26 = tpu.memref_slice %arg7[%dma_wait3A, %dma_wait3A_25] : memref<8x128xi32, #tpu.memory_space<vmem>> -> memref<1x128xi32, #tpu.memory_space<vmem>>
      %dma_wait3A_27 = tpu.memref_squeeze %dma_wait3A_26 : memref<1x128xi32, #tpu.memory_space<vmem>> -> memref<128xi32, #tpu.memory_space<vmem>>
      %dma_wait3A_28 = arith.constant 0 : i32
      %dma_wait3A_29 = arith.constant 0 : i32
      %dma_wait3A_30 = tpu.memref_slice %arg4[%dma_wait3A_28, %dma_wait3A_29] : memref<100000x128xf32, #tpu.memory_space<hbm>> -> memref<100000x128xf32, #tpu.memory_space<hbm>>
      tpu.wait_indirect_dma semaphore(%arg11 : memref<!tpu.dma_semaphore, #tpu.memory_space<semaphore_mem>>) src(%dma_wait3A_30 : memref<100000x128xf32, #tpu.memory_space<hbm>>) dst(%arg9 : memref<128x128xf32, #tpu.memory_space<vmem>>)
      %run_scoped3A = arith.constant 0 : i32
      "tpu.region"() ({
        %run_scoped3A_136 = tpu.sem_alloc : memref<!tpu.dma_semaphore, #tpu.memory_space<semaphore_mem>>
        %dma_start3A_137 = arith.constant 0 : i32
        %dma_start3A_138 = tpu.memref_slice %arg8[%run_scoped3A, %dma_start3A_137] : memref<8x128xi32, #tpu.memory_space<vmem>> -> memref<1x128xi32, #tpu.memory_space<vmem>>
        %dma_start3A_139 = tpu.memref_squeeze %dma_start3A_138 : memref<1x128xi32, #tpu.memory_space<vmem>> -> memref<128xi32, #tpu.memory_space<vmem>>
        %dma_start3A_140 = arith.constant 0 : i32
        %dma_start3A_141 = arith.constant 0 : i32
        %dma_start3A_142 = tpu.memref_slice %arg10[%dma_start3A_140, %dma_start3A_141] : memref<12544x128xf32, #tpu.memory_space<vmem_shared>> -> memref<12544x128xf32, #tpu.memory_space<vmem_shared>>
        tpu.enqueue_indirect_dma source(%arg9 : memref<128x128xf32, #tpu.memory_space<vmem>>) target(%dma_start3A_142 : memref<12544x128xf32, #tpu.memory_space<vmem_shared>>) offsets(%dma_start3A_139 : memref<128xi32, #tpu.memory_space<vmem>>) semaphore(%run_scoped3A_136 : memref<!tpu.dma_semaphore, #tpu.memory_space<semaphore_mem>>) {add = true}
        %dma_wait3A_143 = arith.constant 0 : i32
        %dma_wait3A_144 = tpu.memref_slice %arg8[%run_scoped3A, %dma_wait3A_143] : memref<8x128xi32, #tpu.memory_space<vmem>> -> memref<1x128xi32, #tpu.memory_space<vmem>>
        %dma_wait3A_145 = tpu.memref_squeeze %dma_wait3A_144 : memref<1x128xi32, #tpu.memory_space<vmem>> -> memref<128xi32, #tpu.memory_space<vmem>>
        %dma_wait3A_146 = arith.constant 0 : i32
        %dma_wait3A_147 = arith.constant 0 : i32
        %dma_wait3A_148 = tpu.memref_slice %arg10[%dma_wait3A_146, %dma_wait3A_147] : memref<12544x128xf32, #tpu.memory_space<vmem_shared>> -> memref<12544x128xf32, #tpu.memory_space<vmem_shared>>
        tpu.wait_indirect_dma semaphore(%run_scoped3A_136 : memref<!tpu.dma_semaphore, #tpu.memory_space<semaphore_mem>>) src(%arg9 : memref<128x128xf32, #tpu.memory_space<vmem>>) dst(%dma_wait3A_148 : memref<12544x128xf32, #tpu.memory_space<vmem_shared>>)
        tpu.yield
      }) : () -> ()
      %dma_start3A_31 = arith.constant 1 : i32
      %dma_start3A_32 = arith.constant 0 : i32
      %dma_start3A_33 = tpu.memref_slice %arg7[%dma_start3A_31, %dma_start3A_32] : memref<8x128xi32, #tpu.memory_space<vmem>> -> memref<1x128xi32, #tpu.memory_space<vmem>>
      %dma_start3A_34 = tpu.memref_squeeze %dma_start3A_33 : memref<1x128xi32, #tpu.memory_space<vmem>> -> memref<128xi32, #tpu.memory_space<vmem>>
      %dma_start3A_35 = arith.constant 0 : i32
      %dma_start3A_36 = arith.constant 0 : i32
      %dma_start3A_37 = tpu.memref_slice %arg4[%dma_start3A_35, %dma_start3A_36] : memref<100000x128xf32, #tpu.memory_space<hbm>> -> memref<100000x128xf32, #tpu.memory_space<hbm>>
      tpu.enqueue_indirect_dma source(%dma_start3A_37 : memref<100000x128xf32, #tpu.memory_space<hbm>>) target(%arg9 : memref<128x128xf32, #tpu.memory_space<vmem>>) offsets(%dma_start3A_34 : memref<128xi32, #tpu.memory_space<vmem>>) semaphore(%arg11 : memref<!tpu.dma_semaphore, #tpu.memory_space<semaphore_mem>>)
      %dma_wait3A_38 = arith.constant 1 : i32
      %dma_wait3A_39 = arith.constant 0 : i32
      %dma_wait3A_40 = tpu.memref_slice %arg7[%dma_wait3A_38, %dma_wait3A_39] : memref<8x128xi32, #tpu.memory_space<vmem>> -> memref<1x128xi32, #tpu.memory_space<vmem>>
      %dma_wait3A_41 = tpu.memref_squeeze %dma_wait3A_40 : memref<1x128xi32, #tpu.memory_space<vmem>> -> memref<128xi32, #tpu.memory_space<vmem>>
      %dma_wait3A_42 = arith.constant 0 : i32
      %dma_wait3A_43 = arith.constant 0 : i32
      %dma_wait3A_44 = tpu.memref_slice %arg4[%dma_wait3A_42, %dma_wait3A_43] : memref<100000x128xf32, #tpu.memory_space<hbm>> -> memref<100000x128xf32, #tpu.memory_space<hbm>>
      tpu.wait_indirect_dma semaphore(%arg11 : memref<!tpu.dma_semaphore, #tpu.memory_space<semaphore_mem>>) src(%dma_wait3A_44 : memref<100000x128xf32, #tpu.memory_space<hbm>>) dst(%arg9 : memref<128x128xf32, #tpu.memory_space<vmem>>)
      %run_scoped3A_45 = arith.constant 1 : i32
      "tpu.region"() ({
        %run_scoped3A_136 = tpu.sem_alloc : memref<!tpu.dma_semaphore, #tpu.memory_space<semaphore_mem>>
        %dma_start3A_137 = arith.constant 0 : i32
        %dma_start3A_138 = tpu.memref_slice %arg8[%run_scoped3A_45, %dma_start3A_137] : memref<8x128xi32, #tpu.memory_space<vmem>> -> memref<1x128xi32, #tpu.memory_space<vmem>>
        %dma_start3A_139 = tpu.memref_squeeze %dma_start3A_138 : memref<1x128xi32, #tpu.memory_space<vmem>> -> memref<128xi32, #tpu.memory_space<vmem>>
        %dma_start3A_140 = arith.constant 0 : i32
        %dma_start3A_141 = arith.constant 0 : i32
        %dma_start3A_142 = tpu.memref_slice %arg10[%dma_start3A_140, %dma_start3A_141] : memref<12544x128xf32, #tpu.memory_space<vmem_shared>> -> memref<12544x128xf32, #tpu.memory_space<vmem_shared>>
        tpu.enqueue_indirect_dma source(%arg9 : memref<128x128xf32, #tpu.memory_space<vmem>>) target(%dma_start3A_142 : memref<12544x128xf32, #tpu.memory_space<vmem_shared>>) offsets(%dma_start3A_139 : memref<128xi32, #tpu.memory_space<vmem>>) semaphore(%run_scoped3A_136 : memref<!tpu.dma_semaphore, #tpu.memory_space<semaphore_mem>>) {add = true}
        %dma_wait3A_143 = arith.constant 0 : i32
        %dma_wait3A_144 = tpu.memref_slice %arg8[%run_scoped3A_45, %dma_wait3A_143] : memref<8x128xi32, #tpu.memory_space<vmem>> -> memref<1x128xi32, #tpu.memory_space<vmem>>
        %dma_wait3A_145 = tpu.memref_squeeze %dma_wait3A_144 : memref<1x128xi32, #tpu.memory_space<vmem>> -> memref<128xi32, #tpu.memory_space<vmem>>
        %dma_wait3A_146 = arith.constant 0 : i32
        %dma_wait3A_147 = arith.constant 0 : i32
        %dma_wait3A_148 = tpu.memref_slice %arg10[%dma_wait3A_146, %dma_wait3A_147] : memref<12544x128xf32, #tpu.memory_space<vmem_shared>> -> memref<12544x128xf32, #tpu.memory_space<vmem_shared>>
        tpu.wait_indirect_dma semaphore(%run_scoped3A_136 : memref<!tpu.dma_semaphore, #tpu.memory_space<semaphore_mem>>) src(%arg9 : memref<128x128xf32, #tpu.memory_space<vmem>>) dst(%dma_wait3A_148 : memref<12544x128xf32, #tpu.memory_space<vmem_shared>>)
        tpu.yield
      }) : () -> ()
      %dma_start3A_46 = arith.constant 2 : i32
      %dma_start3A_47 = arith.constant 0 : i32
      %dma_start3A_48 = tpu.memref_slice %arg7[%dma_start3A_46, %dma_start3A_47] : memref<8x128xi32, #tpu.memory_space<vmem>> -> memref<1x128xi32, #tpu.memory_space<vmem>>
      %dma_start3A_49 = tpu.memref_squeeze %dma_start3A_48 : memref<1x128xi32, #tpu.memory_space<vmem>> -> memref<128xi32, #tpu.memory_space<vmem>>
      %dma_start3A_50 = arith.constant 0 : i32
      %dma_start3A_51 = arith.constant 0 : i32
      %dma_start3A_52 = tpu.memref_slice %arg4[%dma_start3A_50, %dma_start3A_51] : memref<100000x128xf32, #tpu.memory_space<hbm>> -> memref<100000x128xf32, #tpu.memory_space<hbm>>
      tpu.enqueue_indirect_dma source(%dma_start3A_52 : memref<100000x128xf32, #tpu.memory_space<hbm>>) target(%arg9 : memref<128x128xf32, #tpu.memory_space<vmem>>) offsets(%dma_start3A_49 : memref<128xi32, #tpu.memory_space<vmem>>) semaphore(%arg11 : memref<!tpu.dma_semaphore, #tpu.memory_space<semaphore_mem>>)
      %dma_wait3A_53 = arith.constant 2 : i32
      %dma_wait3A_54 = arith.constant 0 : i32
      %dma_wait3A_55 = tpu.memref_slice %arg7[%dma_wait3A_53, %dma_wait3A_54] : memref<8x128xi32, #tpu.memory_space<vmem>> -> memref<1x128xi32, #tpu.memory_space<vmem>>
      %dma_wait3A_56 = tpu.memref_squeeze %dma_wait3A_55 : memref<1x128xi32, #tpu.memory_space<vmem>> -> memref<128xi32, #tpu.memory_space<vmem>>
      %dma_wait3A_57 = arith.constant 0 : i32
      %dma_wait3A_58 = arith.constant 0 : i32
      %dma_wait3A_59 = tpu.memref_slice %arg4[%dma_wait3A_57, %dma_wait3A_58] : memref<100000x128xf32, #tpu.memory_space<hbm>> -> memref<100000x128xf32, #tpu.memory_space<hbm>>
      tpu.wait_indirect_dma semaphore(%arg11 : memref<!tpu.dma_semaphore, #tpu.memory_space<semaphore_mem>>) src(%dma_wait3A_59 : memref<100000x128xf32, #tpu.memory_space<hbm>>) dst(%arg9 : memref<128x128xf32, #tpu.memory_space<vmem>>)
      %run_scoped3A_60 = arith.constant 2 : i32
      "tpu.region"() ({
        %run_scoped3A_136 = tpu.sem_alloc : memref<!tpu.dma_semaphore, #tpu.memory_space<semaphore_mem>>
        %dma_start3A_137 = arith.constant 0 : i32
        %dma_start3A_138 = tpu.memref_slice %arg8[%run_scoped3A_60, %dma_start3A_137] : memref<8x128xi32, #tpu.memory_space<vmem>> -> memref<1x128xi32, #tpu.memory_space<vmem>>
        %dma_start3A_139 = tpu.memref_squeeze %dma_start3A_138 : memref<1x128xi32, #tpu.memory_space<vmem>> -> memref<128xi32, #tpu.memory_space<vmem>>
        %dma_start3A_140 = arith.constant 0 : i32
        %dma_start3A_141 = arith.constant 0 : i32
        %dma_start3A_142 = tpu.memref_slice %arg10[%dma_start3A_140, %dma_start3A_141] : memref<12544x128xf32, #tpu.memory_space<vmem_shared>> -> memref<12544x128xf32, #tpu.memory_space<vmem_shared>>
        tpu.enqueue_indirect_dma source(%arg9 : memref<128x128xf32, #tpu.memory_space<vmem>>) target(%dma_start3A_142 : memref<12544x128xf32, #tpu.memory_space<vmem_shared>>) offsets(%dma_start3A_139 : memref<128xi32, #tpu.memory_space<vmem>>) semaphore(%run_scoped3A_136 : memref<!tpu.dma_semaphore, #tpu.memory_space<semaphore_mem>>) {add = true}
        %dma_wait3A_143 = arith.constant 0 : i32
        %dma_wait3A_144 = tpu.memref_slice %arg8[%run_scoped3A_60, %dma_wait3A_143] : memref<8x128xi32, #tpu.memory_space<vmem>> -> memref<1x128xi32, #tpu.memory_space<vmem>>
        %dma_wait3A_145 = tpu.memref_squeeze %dma_wait3A_144 : memref<1x128xi32, #tpu.memory_space<vmem>> -> memref<128xi32, #tpu.memory_space<vmem>>
        %dma_wait3A_146 = arith.constant 0 : i32
        %dma_wait3A_147 = arith.constant 0 : i32
        %dma_wait3A_148 = tpu.memref_slice %arg10[%dma_wait3A_146, %dma_wait3A_147] : memref<12544x128xf32, #tpu.memory_space<vmem_shared>> -> memref<12544x128xf32, #tpu.memory_space<vmem_shared>>
        tpu.wait_indirect_dma semaphore(%run_scoped3A_136 : memref<!tpu.dma_semaphore, #tpu.memory_space<semaphore_mem>>) src(%arg9 : memref<128x128xf32, #tpu.memory_space<vmem>>) dst(%dma_wait3A_148 : memref<12544x128xf32, #tpu.memory_space<vmem_shared>>)
        tpu.yield
      }) : () -> ()
      %dma_start3A_61 = arith.constant 3 : i32
      %dma_start3A_62 = arith.constant 0 : i32
      %dma_start3A_63 = tpu.memref_slice %arg7[%dma_start3A_61, %dma_start3A_62] : memref<8x128xi32, #tpu.memory_space<vmem>> -> memref<1x128xi32, #tpu.memory_space<vmem>>
      %dma_start3A_64 = tpu.memref_squeeze %dma_start3A_63 : memref<1x128xi32, #tpu.memory_space<vmem>> -> memref<128xi32, #tpu.memory_space<vmem>>
      %dma_start3A_65 = arith.constant 0 : i32
      %dma_start3A_66 = arith.constant 0 : i32
      %dma_start3A_67 = tpu.memref_slice %arg4[%dma_start3A_65, %dma_start3A_66] : memref<100000x128xf32, #tpu.memory_space<hbm>> -> memref<100000x128xf32, #tpu.memory_space<hbm>>
      tpu.enqueue_indirect_dma source(%dma_start3A_67 : memref<100000x128xf32, #tpu.memory_space<hbm>>) target(%arg9 : memref<128x128xf32, #tpu.memory_space<vmem>>) offsets(%dma_start3A_64 : memref<128xi32, #tpu.memory_space<vmem>>) semaphore(%arg11 : memref<!tpu.dma_semaphore, #tpu.memory_space<semaphore_mem>>)
      %dma_wait3A_68 = arith.constant 3 : i32
      %dma_wait3A_69 = arith.constant 0 : i32
      %dma_wait3A_70 = tpu.memref_slice %arg7[%dma_wait3A_68, %dma_wait3A_69] : memref<8x128xi32, #tpu.memory_space<vmem>> -> memref<1x128xi32, #tpu.memory_space<vmem>>
      %dma_wait3A_71 = tpu.memref_squeeze %dma_wait3A_70 : memref<1x128xi32, #tpu.memory_space<vmem>> -> memref<128xi32, #tpu.memory_space<vmem>>
      %dma_wait3A_72 = arith.constant 0 : i32
      %dma_wait3A_73 = arith.constant 0 : i32
      %dma_wait3A_74 = tpu.memref_slice %arg4[%dma_wait3A_72, %dma_wait3A_73] : memref<100000x128xf32, #tpu.memory_space<hbm>> -> memref<100000x128xf32, #tpu.memory_space<hbm>>
      tpu.wait_indirect_dma semaphore(%arg11 : memref<!tpu.dma_semaphore, #tpu.memory_space<semaphore_mem>>) src(%dma_wait3A_74 : memref<100000x128xf32, #tpu.memory_space<hbm>>) dst(%arg9 : memref<128x128xf32, #tpu.memory_space<vmem>>)
      %run_scoped3A_75 = arith.constant 3 : i32
      "tpu.region"() ({
        %run_scoped3A_136 = tpu.sem_alloc : memref<!tpu.dma_semaphore, #tpu.memory_space<semaphore_mem>>
        %dma_start3A_137 = arith.constant 0 : i32
        %dma_start3A_138 = tpu.memref_slice %arg8[%run_scoped3A_75, %dma_start3A_137] : memref<8x128xi32, #tpu.memory_space<vmem>> -> memref<1x128xi32, #tpu.memory_space<vmem>>
        %dma_start3A_139 = tpu.memref_squeeze %dma_start3A_138 : memref<1x128xi32, #tpu.memory_space<vmem>> -> memref<128xi32, #tpu.memory_space<vmem>>
        %dma_start3A_140 = arith.constant 0 : i32
        %dma_start3A_141 = arith.constant 0 : i32
        %dma_start3A_142 = tpu.memref_slice %arg10[%dma_start3A_140, %dma_start3A_141] : memref<12544x128xf32, #tpu.memory_space<vmem_shared>> -> memref<12544x128xf32, #tpu.memory_space<vmem_shared>>
        tpu.enqueue_indirect_dma source(%arg9 : memref<128x128xf32, #tpu.memory_space<vmem>>) target(%dma_start3A_142 : memref<12544x128xf32, #tpu.memory_space<vmem_shared>>) offsets(%dma_start3A_139 : memref<128xi32, #tpu.memory_space<vmem>>) semaphore(%run_scoped3A_136 : memref<!tpu.dma_semaphore, #tpu.memory_space<semaphore_mem>>) {add = true}
        %dma_wait3A_143 = arith.constant 0 : i32
        %dma_wait3A_144 = tpu.memref_slice %arg8[%run_scoped3A_75, %dma_wait3A_143] : memref<8x128xi32, #tpu.memory_space<vmem>> -> memref<1x128xi32, #tpu.memory_space<vmem>>
        %dma_wait3A_145 = tpu.memref_squeeze %dma_wait3A_144 : memref<1x128xi32, #tpu.memory_space<vmem>> -> memref<128xi32, #tpu.memory_space<vmem>>
        %dma_wait3A_146 = arith.constant 0 : i32
        %dma_wait3A_147 = arith.constant 0 : i32
        %dma_wait3A_148 = tpu.memref_slice %arg10[%dma_wait3A_146, %dma_wait3A_147] : memref<12544x128xf32, #tpu.memory_space<vmem_shared>> -> memref<12544x128xf32, #tpu.memory_space<vmem_shared>>
        tpu.wait_indirect_dma semaphore(%run_scoped3A_136 : memref<!tpu.dma_semaphore, #tpu.memory_space<semaphore_mem>>) src(%arg9 : memref<128x128xf32, #tpu.memory_space<vmem>>) dst(%dma_wait3A_148 : memref<12544x128xf32, #tpu.memory_space<vmem_shared>>)
        tpu.yield
      }) : () -> ()
      %dma_start3A_76 = arith.constant 4 : i32
      %dma_start3A_77 = arith.constant 0 : i32
      %dma_start3A_78 = tpu.memref_slice %arg7[%dma_start3A_76, %dma_start3A_77] : memref<8x128xi32, #tpu.memory_space<vmem>> -> memref<1x128xi32, #tpu.memory_space<vmem>>
      %dma_start3A_79 = tpu.memref_squeeze %dma_start3A_78 : memref<1x128xi32, #tpu.memory_space<vmem>> -> memref<128xi32, #tpu.memory_space<vmem>>
      %dma_start3A_80 = arith.constant 0 : i32
      %dma_start3A_81 = arith.constant 0 : i32
      %dma_start3A_82 = tpu.memref_slice %arg4[%dma_start3A_80, %dma_start3A_81] : memref<100000x128xf32, #tpu.memory_space<hbm>> -> memref<100000x128xf32, #tpu.memory_space<hbm>>
      tpu.enqueue_indirect_dma source(%dma_start3A_82 : memref<100000x128xf32, #tpu.memory_space<hbm>>) target(%arg9 : memref<128x128xf32, #tpu.memory_space<vmem>>) offsets(%dma_start3A_79 : memref<128xi32, #tpu.memory_space<vmem>>) semaphore(%arg11 : memref<!tpu.dma_semaphore, #tpu.memory_space<semaphore_mem>>)
      %dma_wait3A_83 = arith.constant 4 : i32
      %dma_wait3A_84 = arith.constant 0 : i32
      %dma_wait3A_85 = tpu.memref_slice %arg7[%dma_wait3A_83, %dma_wait3A_84] : memref<8x128xi32, #tpu.memory_space<vmem>> -> memref<1x128xi32, #tpu.memory_space<vmem>>
      %dma_wait3A_86 = tpu.memref_squeeze %dma_wait3A_85 : memref<1x128xi32, #tpu.memory_space<vmem>> -> memref<128xi32, #tpu.memory_space<vmem>>
      %dma_wait3A_87 = arith.constant 0 : i32
      %dma_wait3A_88 = arith.constant 0 : i32
      %dma_wait3A_89 = tpu.memref_slice %arg4[%dma_wait3A_87, %dma_wait3A_88] : memref<100000x128xf32, #tpu.memory_space<hbm>> -> memref<100000x128xf32, #tpu.memory_space<hbm>>
      tpu.wait_indirect_dma semaphore(%arg11 : memref<!tpu.dma_semaphore, #tpu.memory_space<semaphore_mem>>) src(%dma_wait3A_89 : memref<100000x128xf32, #tpu.memory_space<hbm>>) dst(%arg9 : memref<128x128xf32, #tpu.memory_space<vmem>>)
      %run_scoped3A_90 = arith.constant 4 : i32
      "tpu.region"() ({
        %run_scoped3A_136 = tpu.sem_alloc : memref<!tpu.dma_semaphore, #tpu.memory_space<semaphore_mem>>
        %dma_start3A_137 = arith.constant 0 : i32
        %dma_start3A_138 = tpu.memref_slice %arg8[%run_scoped3A_90, %dma_start3A_137] : memref<8x128xi32, #tpu.memory_space<vmem>> -> memref<1x128xi32, #tpu.memory_space<vmem>>
        %dma_start3A_139 = tpu.memref_squeeze %dma_start3A_138 : memref<1x128xi32, #tpu.memory_space<vmem>> -> memref<128xi32, #tpu.memory_space<vmem>>
        %dma_start3A_140 = arith.constant 0 : i32
        %dma_start3A_141 = arith.constant 0 : i32
        %dma_start3A_142 = tpu.memref_slice %arg10[%dma_start3A_140, %dma_start3A_141] : memref<12544x128xf32, #tpu.memory_space<vmem_shared>> -> memref<12544x128xf32, #tpu.memory_space<vmem_shared>>
        tpu.enqueue_indirect_dma source(%arg9 : memref<128x128xf32, #tpu.memory_space<vmem>>) target(%dma_start3A_142 : memref<12544x128xf32, #tpu.memory_space<vmem_shared>>) offsets(%dma_start3A_139 : memref<128xi32, #tpu.memory_space<vmem>>) semaphore(%run_scoped3A_136 : memref<!tpu.dma_semaphore, #tpu.memory_space<semaphore_mem>>) {add = true}
        %dma_wait3A_143 = arith.constant 0 : i32
        %dma_wait3A_144 = tpu.memref_slice %arg8[%run_scoped3A_90, %dma_wait3A_143] : memref<8x128xi32, #tpu.memory_space<vmem>> -> memref<1x128xi32, #tpu.memory_space<vmem>>
        %dma_wait3A_145 = tpu.memref_squeeze %dma_wait3A_144 : memref<1x128xi32, #tpu.memory_space<vmem>> -> memref<128xi32, #tpu.memory_space<vmem>>
        %dma_wait3A_146 = arith.constant 0 : i32
        %dma_wait3A_147 = arith.constant 0 : i32
        %dma_wait3A_148 = tpu.memref_slice %arg10[%dma_wait3A_146, %dma_wait3A_147] : memref<12544x128xf32, #tpu.memory_space<vmem_shared>> -> memref<12544x128xf32, #tpu.memory_space<vmem_shared>>
        tpu.wait_indirect_dma semaphore(%run_scoped3A_136 : memref<!tpu.dma_semaphore, #tpu.memory_space<semaphore_mem>>) src(%arg9 : memref<128x128xf32, #tpu.memory_space<vmem>>) dst(%dma_wait3A_148 : memref<12544x128xf32, #tpu.memory_space<vmem_shared>>)
        tpu.yield
      }) : () -> ()
      %dma_start3A_91 = arith.constant 5 : i32
      %dma_start3A_92 = arith.constant 0 : i32
      %dma_start3A_93 = tpu.memref_slice %arg7[%dma_start3A_91, %dma_start3A_92] : memref<8x128xi32, #tpu.memory_space<vmem>> -> memref<1x128xi32, #tpu.memory_space<vmem>>
      %dma_start3A_94 = tpu.memref_squeeze %dma_start3A_93 : memref<1x128xi32, #tpu.memory_space<vmem>> -> memref<128xi32, #tpu.memory_space<vmem>>
      %dma_start3A_95 = arith.constant 0 : i32
      %dma_start3A_96 = arith.constant 0 : i32
      %dma_start3A_97 = tpu.memref_slice %arg4[%dma_start3A_95, %dma_start3A_96] : memref<100000x128xf32, #tpu.memory_space<hbm>> -> memref<100000x128xf32, #tpu.memory_space<hbm>>
      tpu.enqueue_indirect_dma source(%dma_start3A_97 : memref<100000x128xf32, #tpu.memory_space<hbm>>) target(%arg9 : memref<128x128xf32, #tpu.memory_space<vmem>>) offsets(%dma_start3A_94 : memref<128xi32, #tpu.memory_space<vmem>>) semaphore(%arg11 : memref<!tpu.dma_semaphore, #tpu.memory_space<semaphore_mem>>)
      %dma_wait3A_98 = arith.constant 5 : i32
      %dma_wait3A_99 = arith.constant 0 : i32
      %dma_wait3A_100 = tpu.memref_slice %arg7[%dma_wait3A_98, %dma_wait3A_99] : memref<8x128xi32, #tpu.memory_space<vmem>> -> memref<1x128xi32, #tpu.memory_space<vmem>>
      %dma_wait3A_101 = tpu.memref_squeeze %dma_wait3A_100 : memref<1x128xi32, #tpu.memory_space<vmem>> -> memref<128xi32, #tpu.memory_space<vmem>>
      %dma_wait3A_102 = arith.constant 0 : i32
      %dma_wait3A_103 = arith.constant 0 : i32
      %dma_wait3A_104 = tpu.memref_slice %arg4[%dma_wait3A_102, %dma_wait3A_103] : memref<100000x128xf32, #tpu.memory_space<hbm>> -> memref<100000x128xf32, #tpu.memory_space<hbm>>
      tpu.wait_indirect_dma semaphore(%arg11 : memref<!tpu.dma_semaphore, #tpu.memory_space<semaphore_mem>>) src(%dma_wait3A_104 : memref<100000x128xf32, #tpu.memory_space<hbm>>) dst(%arg9 : memref<128x128xf32, #tpu.memory_space<vmem>>)
      %run_scoped3A_105 = arith.constant 5 : i32
      "tpu.region"() ({
        %run_scoped3A_136 = tpu.sem_alloc : memref<!tpu.dma_semaphore, #tpu.memory_space<semaphore_mem>>
        %dma_start3A_137 = arith.constant 0 : i32
        %dma_start3A_138 = tpu.memref_slice %arg8[%run_scoped3A_105, %dma_start3A_137] : memref<8x128xi32, #tpu.memory_space<vmem>> -> memref<1x128xi32, #tpu.memory_space<vmem>>
        %dma_start3A_139 = tpu.memref_squeeze %dma_start3A_138 : memref<1x128xi32, #tpu.memory_space<vmem>> -> memref<128xi32, #tpu.memory_space<vmem>>
        %dma_start3A_140 = arith.constant 0 : i32
        %dma_start3A_141 = arith.constant 0 : i32
        %dma_start3A_142 = tpu.memref_slice %arg10[%dma_start3A_140, %dma_start3A_141] : memref<12544x128xf32, #tpu.memory_space<vmem_shared>> -> memref<12544x128xf32, #tpu.memory_space<vmem_shared>>
        tpu.enqueue_indirect_dma source(%arg9 : memref<128x128xf32, #tpu.memory_space<vmem>>) target(%dma_start3A_142 : memref<12544x128xf32, #tpu.memory_space<vmem_shared>>) offsets(%dma_start3A_139 : memref<128xi32, #tpu.memory_space<vmem>>) semaphore(%run_scoped3A_136 : memref<!tpu.dma_semaphore, #tpu.memory_space<semaphore_mem>>) {add = true}
        %dma_wait3A_143 = arith.constant 0 : i32
        %dma_wait3A_144 = tpu.memref_slice %arg8[%run_scoped3A_105, %dma_wait3A_143] : memref<8x128xi32, #tpu.memory_space<vmem>> -> memref<1x128xi32, #tpu.memory_space<vmem>>
        %dma_wait3A_145 = tpu.memref_squeeze %dma_wait3A_144 : memref<1x128xi32, #tpu.memory_space<vmem>> -> memref<128xi32, #tpu.memory_space<vmem>>
        %dma_wait3A_146 = arith.constant 0 : i32
        %dma_wait3A_147 = arith.constant 0 : i32
        %dma_wait3A_148 = tpu.memref_slice %arg10[%dma_wait3A_146, %dma_wait3A_147] : memref<12544x128xf32, #tpu.memory_space<vmem_shared>> -> memref<12544x128xf32, #tpu.memory_space<vmem_shared>>
        tpu.wait_indirect_dma semaphore(%run_scoped3A_136 : memref<!tpu.dma_semaphore, #tpu.memory_space<semaphore_mem>>) src(%arg9 : memref<128x128xf32, #tpu.memory_space<vmem>>) dst(%dma_wait3A_148 : memref<12544x128xf32, #tpu.memory_space<vmem_shared>>)
        tpu.yield
      }) : () -> ()
      %dma_start3A_106 = arith.constant 6 : i32
      %dma_start3A_107 = arith.constant 0 : i32
      %dma_start3A_108 = tpu.memref_slice %arg7[%dma_start3A_106, %dma_start3A_107] : memref<8x128xi32, #tpu.memory_space<vmem>> -> memref<1x128xi32, #tpu.memory_space<vmem>>
      %dma_start3A_109 = tpu.memref_squeeze %dma_start3A_108 : memref<1x128xi32, #tpu.memory_space<vmem>> -> memref<128xi32, #tpu.memory_space<vmem>>
      %dma_start3A_110 = arith.constant 0 : i32
      %dma_start3A_111 = arith.constant 0 : i32
      %dma_start3A_112 = tpu.memref_slice %arg4[%dma_start3A_110, %dma_start3A_111] : memref<100000x128xf32, #tpu.memory_space<hbm>> -> memref<100000x128xf32, #tpu.memory_space<hbm>>
      tpu.enqueue_indirect_dma source(%dma_start3A_112 : memref<100000x128xf32, #tpu.memory_space<hbm>>) target(%arg9 : memref<128x128xf32, #tpu.memory_space<vmem>>) offsets(%dma_start3A_109 : memref<128xi32, #tpu.memory_space<vmem>>) semaphore(%arg11 : memref<!tpu.dma_semaphore, #tpu.memory_space<semaphore_mem>>)
      %dma_wait3A_113 = arith.constant 6 : i32
      %dma_wait3A_114 = arith.constant 0 : i32
      %dma_wait3A_115 = tpu.memref_slice %arg7[%dma_wait3A_113, %dma_wait3A_114] : memref<8x128xi32, #tpu.memory_space<vmem>> -> memref<1x128xi32, #tpu.memory_space<vmem>>
      %dma_wait3A_116 = tpu.memref_squeeze %dma_wait3A_115 : memref<1x128xi32, #tpu.memory_space<vmem>> -> memref<128xi32, #tpu.memory_space<vmem>>
      %dma_wait3A_117 = arith.constant 0 : i32
      %dma_wait3A_118 = arith.constant 0 : i32
      %dma_wait3A_119 = tpu.memref_slice %arg4[%dma_wait3A_117, %dma_wait3A_118] : memref<100000x128xf32, #tpu.memory_space<hbm>> -> memref<100000x128xf32, #tpu.memory_space<hbm>>
      tpu.wait_indirect_dma semaphore(%arg11 : memref<!tpu.dma_semaphore, #tpu.memory_space<semaphore_mem>>) src(%dma_wait3A_119 : memref<100000x128xf32, #tpu.memory_space<hbm>>) dst(%arg9 : memref<128x128xf32, #tpu.memory_space<vmem>>)
      %run_scoped3A_120 = arith.constant 6 : i32
      "tpu.region"() ({
        %run_scoped3A_136 = tpu.sem_alloc : memref<!tpu.dma_semaphore, #tpu.memory_space<semaphore_mem>>
        %dma_start3A_137 = arith.constant 0 : i32
        %dma_start3A_138 = tpu.memref_slice %arg8[%run_scoped3A_120, %dma_start3A_137] : memref<8x128xi32, #tpu.memory_space<vmem>> -> memref<1x128xi32, #tpu.memory_space<vmem>>
        %dma_start3A_139 = tpu.memref_squeeze %dma_start3A_138 : memref<1x128xi32, #tpu.memory_space<vmem>> -> memref<128xi32, #tpu.memory_space<vmem>>
        %dma_start3A_140 = arith.constant 0 : i32
        %dma_start3A_141 = arith.constant 0 : i32
        %dma_start3A_142 = tpu.memref_slice %arg10[%dma_start3A_140, %dma_start3A_141] : memref<12544x128xf32, #tpu.memory_space<vmem_shared>> -> memref<12544x128xf32, #tpu.memory_space<vmem_shared>>
        tpu.enqueue_indirect_dma source(%arg9 : memref<128x128xf32, #tpu.memory_space<vmem>>) target(%dma_start3A_142 : memref<12544x128xf32, #tpu.memory_space<vmem_shared>>) offsets(%dma_start3A_139 : memref<128xi32, #tpu.memory_space<vmem>>) semaphore(%run_scoped3A_136 : memref<!tpu.dma_semaphore, #tpu.memory_space<semaphore_mem>>) {add = true}
        %dma_wait3A_143 = arith.constant 0 : i32
        %dma_wait3A_144 = tpu.memref_slice %arg8[%run_scoped3A_120, %dma_wait3A_143] : memref<8x128xi32, #tpu.memory_space<vmem>> -> memref<1x128xi32, #tpu.memory_space<vmem>>
        %dma_wait3A_145 = tpu.memref_squeeze %dma_wait3A_144 : memref<1x128xi32, #tpu.memory_space<vmem>> -> memref<128xi32, #tpu.memory_space<vmem>>
        %dma_wait3A_146 = arith.constant 0 : i32
        %dma_wait3A_147 = arith.constant 0 : i32
        %dma_wait3A_148 = tpu.memref_slice %arg10[%dma_wait3A_146, %dma_wait3A_147] : memref<12544x128xf32, #tpu.memory_space<vmem_shared>> -> memref<12544x128xf32, #tpu.memory_space<vmem_shared>>
        tpu.wait_indirect_dma semaphore(%run_scoped3A_136 : memref<!tpu.dma_semaphore, #tpu.memory_space<semaphore_mem>>) src(%arg9 : memref<128x128xf32, #tpu.memory_space<vmem>>) dst(%dma_wait3A_148 : memref<12544x128xf32, #tpu.memory_space<vmem_shared>>)
        tpu.yield
      }) : () -> ()
      %dma_start3A_121 = arith.constant 7 : i32
      %dma_start3A_122 = arith.constant 0 : i32
      %dma_start3A_123 = tpu.memref_slice %arg7[%dma_start3A_121, %dma_start3A_122] : memref<8x128xi32, #tpu.memory_space<vmem>> -> memref<1x128xi32, #tpu.memory_space<vmem>>
      %dma_start3A_124 = tpu.memref_squeeze %dma_start3A_123 : memref<1x128xi32, #tpu.memory_space<vmem>> -> memref<128xi32, #tpu.memory_space<vmem>>
      %dma_start3A_125 = arith.constant 0 : i32
      %dma_start3A_126 = arith.constant 0 : i32
      %dma_start3A_127 = tpu.memref_slice %arg4[%dma_start3A_125, %dma_start3A_126] : memref<100000x128xf32, #tpu.memory_space<hbm>> -> memref<100000x128xf32, #tpu.memory_space<hbm>>
      tpu.enqueue_indirect_dma source(%dma_start3A_127 : memref<100000x128xf32, #tpu.memory_space<hbm>>) target(%arg9 : memref<128x128xf32, #tpu.memory_space<vmem>>) offsets(%dma_start3A_124 : memref<128xi32, #tpu.memory_space<vmem>>) semaphore(%arg11 : memref<!tpu.dma_semaphore, #tpu.memory_space<semaphore_mem>>)
      %dma_wait3A_128 = arith.constant 7 : i32
      %dma_wait3A_129 = arith.constant 0 : i32
      %dma_wait3A_130 = tpu.memref_slice %arg7[%dma_wait3A_128, %dma_wait3A_129] : memref<8x128xi32, #tpu.memory_space<vmem>> -> memref<1x128xi32, #tpu.memory_space<vmem>>
      %dma_wait3A_131 = tpu.memref_squeeze %dma_wait3A_130 : memref<1x128xi32, #tpu.memory_space<vmem>> -> memref<128xi32, #tpu.memory_space<vmem>>
      %dma_wait3A_132 = arith.constant 0 : i32
      %dma_wait3A_133 = arith.constant 0 : i32
      %dma_wait3A_134 = tpu.memref_slice %arg4[%dma_wait3A_132, %dma_wait3A_133] : memref<100000x128xf32, #tpu.memory_space<hbm>> -> memref<100000x128xf32, #tpu.memory_space<hbm>>
      tpu.wait_indirect_dma semaphore(%arg11 : memref<!tpu.dma_semaphore, #tpu.memory_space<semaphore_mem>>) src(%dma_wait3A_134 : memref<100000x128xf32, #tpu.memory_space<hbm>>) dst(%arg9 : memref<128x128xf32, #tpu.memory_space<vmem>>)
      %run_scoped3A_135 = arith.constant 7 : i32
      "tpu.region"() ({
        %run_scoped3A_136 = tpu.sem_alloc : memref<!tpu.dma_semaphore, #tpu.memory_space<semaphore_mem>>
        %dma_start3A_137 = arith.constant 0 : i32
        %dma_start3A_138 = tpu.memref_slice %arg8[%run_scoped3A_135, %dma_start3A_137] : memref<8x128xi32, #tpu.memory_space<vmem>> -> memref<1x128xi32, #tpu.memory_space<vmem>>
        %dma_start3A_139 = tpu.memref_squeeze %dma_start3A_138 : memref<1x128xi32, #tpu.memory_space<vmem>> -> memref<128xi32, #tpu.memory_space<vmem>>
        %dma_start3A_140 = arith.constant 0 : i32
        %dma_start3A_141 = arith.constant 0 : i32
        %dma_start3A_142 = tpu.memref_slice %arg10[%dma_start3A_140, %dma_start3A_141] : memref<12544x128xf32, #tpu.memory_space<vmem_shared>> -> memref<12544x128xf32, #tpu.memory_space<vmem_shared>>
        tpu.enqueue_indirect_dma source(%arg9 : memref<128x128xf32, #tpu.memory_space<vmem>>) target(%dma_start3A_142 : memref<12544x128xf32, #tpu.memory_space<vmem_shared>>) offsets(%dma_start3A_139 : memref<128xi32, #tpu.memory_space<vmem>>) semaphore(%run_scoped3A_136 : memref<!tpu.dma_semaphore, #tpu.memory_space<semaphore_mem>>) {add = true}
        %dma_wait3A_143 = arith.constant 0 : i32
        %dma_wait3A_144 = tpu.memref_slice %arg8[%run_scoped3A_135, %dma_wait3A_143] : memref<8x128xi32, #tpu.memory_space<vmem>> -> memref<1x128xi32, #tpu.memory_space<vmem>>
        %dma_wait3A_145 = tpu.memref_squeeze %dma_wait3A_144 : memref<1x128xi32, #tpu.memory_space<vmem>> -> memref<128xi32, #tpu.memory_space<vmem>>
        %dma_wait3A_146 = arith.constant 0 : i32
        %dma_wait3A_147 = arith.constant 0 : i32
        %dma_wait3A_148 = tpu.memref_slice %arg10[%dma_wait3A_146, %dma_wait3A_147] : memref<12544x128xf32, #tpu.memory_space<vmem_shared>> -> memref<12544x128xf32, #tpu.memory_space<vmem_shared>>
        tpu.wait_indirect_dma semaphore(%run_scoped3A_136 : memref<!tpu.dma_semaphore, #tpu.memory_space<semaphore_mem>>) src(%arg9 : memref<128x128xf32, #tpu.memory_space<vmem>>) dst(%dma_wait3A_148 : memref<12544x128xf32, #tpu.memory_space<vmem_shared>>)
        tpu.yield
      }) : () -> ()
    }
    %scan3A_6 = arith.constant 49 : i32
    %barrier3A_7 = arith.constant 0 : index
    tpu.barrier barrier_id(%barrier3A_7)
    %mul3A_8 = arith.constant 784 : i32
    %mul3A_9 = arith.muli %arg1, %mul3A_8 : i32
    %mul3A_10 = arith.constant 784 : i32
    %mul3A_11 = arith.muli %arg1, %mul3A_10 : i32
    "tpu.region"() ({
      %run_scoped3A = tpu.sem_alloc : memref<!tpu.dma_semaphore, #tpu.memory_space<semaphore_mem>>
      %dma_start3A = arith.constant 0 : i32
      %dma_start3A_12 = tpu.memref_slice %arg6[%arg0, %mul3A_11, %dma_start3A] : memref<2x12544x128xf32, #tpu.memory_space<hbm>> -> memref<1x784x128xf32, #tpu.memory_space<hbm>>
      %dma_start3A_13 = tpu.memref_squeeze %dma_start3A_12 : memref<1x784x128xf32, #tpu.memory_space<hbm>> -> memref<784x128xf32, #tpu.memory_space<hbm>>
      %dma_start3A_14 = arith.constant 0 : i32
      %dma_start3A_15 = tpu.memref_slice %arg10[%mul3A_9, %dma_start3A_14] : memref<12544x128xf32, #tpu.memory_space<vmem_shared>> -> memref<784x128xf32, #tpu.memory_space<vmem_shared>>
      tpu.enqueue_dma source(%dma_start3A_15 : memref<784x128xf32, #tpu.memory_space<vmem_shared>>) target(%dma_start3A_13 : memref<784x128xf32, #tpu.memory_space<hbm>>) target_semaphore(%run_scoped3A : memref<!tpu.dma_semaphore, #tpu.memory_space<semaphore_mem>>)
      %dma_wait3A = arith.constant 0 : i32
      %dma_wait3A_16 = tpu.memref_slice %arg6[%arg0, %mul3A_11, %dma_wait3A] : memref<2x12544x128xf32, #tpu.memory_space<hbm>> -> memref<1x784x128xf32, #tpu.memory_space<hbm>>
      %dma_wait3A_17 = tpu.memref_squeeze %dma_wait3A_16 : memref<1x784x128xf32, #tpu.memory_space<hbm>> -> memref<784x128xf32, #tpu.memory_space<hbm>>
      %dma_wait3A_18 = arith.constant 0 : i32
      %dma_wait3A_19 = tpu.memref_slice %arg10[%mul3A_9, %dma_wait3A_18] : memref<12544x128xf32, #tpu.memory_space<vmem_shared>> -> memref<784x128xf32, #tpu.memory_space<vmem_shared>>
      tpu.wait_dma2 semaphore(%run_scoped3A : memref<!tpu.dma_semaphore, #tpu.memory_space<semaphore_mem>>) src(%dma_wait3A_19 : memref<784x128xf32, #tpu.memory_space<vmem_shared>>) dst(%dma_wait3A_17 : memref<784x128xf32, #tpu.memory_space<hbm>>)
      tpu.yield
    }) : () -> ()
    return
  }
}

#map = affine_map<(d0, d1) -> (0, 0)>
#map1 = affine_map<(d0, d1) -> (0, 0, 0)>
module attributes {stable_mosaic.version = 14 : i64} {
  func.func @_sc_aggregate(%arg0: i32, %arg1: i32, %arg2: memref<6272x128xi32, #tpu.memory_space<hbm>>, %arg3: memref<2x6272x128xi32, #tpu.memory_space<hbm>>, %arg4: memref<100000x128xf32, #tpu.memory_space<hbm>>, %arg5: memref<784x128xf32, #tpu.memory_space<hbm>>, %arg6: memref<2x12544x128xf32, #tpu.memory_space<hbm>>, %arg7: memref<8x128xi32, #tpu.memory_space<vmem>>, %arg8: memref<8x128xi32, #tpu.memory_space<vmem>>, %arg9: memref<128x128xf32, #tpu.memory_space<vmem>>, %arg10: memref<12544x128xf32, #tpu.memory_space<vmem_shared>>, %arg11: memref<!tpu.dma_semaphore, #tpu.memory_space<semaphore_mem>>) attributes {dimension_semantics = [#tpu.dimension_semantics<core_parallel>, #tpu.dimension_semantics<subcore_parallel>], iteration_bounds = array<i64: 2, 16>, scalar_prefetch = 0 : i64, scratch_operands = 5 : i64, tpu.core_type = #tpu.core_type<sc_vector_subcore>, window_params = [{transform_indices = #map}, {transform_indices = #map1}, {transform_indices = #map}, {transform_indices = #map}, {transform_indices = #map1}]} {
    %mul3A = arith.constant 784 : i32
    %mul3A_0 = arith.muli %arg1, %mul3A : i32
    "tpu.region"() ({
      %run_scoped3A = tpu.sem_alloc : memref<!tpu.dma_semaphore, #tpu.memory_space<semaphore_mem>>
      %dma_start3A = arith.constant 0 : i32
      %dma_start3A_12 = tpu.memref_slice %arg10[%mul3A_0, %dma_start3A] : memref<12544x128xf32, #tpu.memory_space<vmem_shared>> -> memref<784x128xf32, #tpu.memory_space<vmem_shared>>
      tpu.enqueue_dma source(%arg5 : memref<784x128xf32, #tpu.memory_space<hbm>>) target(%dma_start3A_12 : memref<784x128xf32, #tpu.memory_space<vmem_shared>>) target_semaphore(%run_scoped3A : memref<!tpu.dma_semaphore, #tpu.memory_space<semaphore_mem>>)
      %dma_wait3A = arith.constant 0 : i32
      %dma_wait3A_13 = tpu.memref_slice %arg10[%mul3A_0, %dma_wait3A] : memref<12544x128xf32, #tpu.memory_space<vmem_shared>> -> memref<784x128xf32, #tpu.memory_space<vmem_shared>>
      tpu.wait_dma2 semaphore(%run_scoped3A : memref<!tpu.dma_semaphore, #tpu.memory_space<semaphore_mem>>) src(%arg5 : memref<784x128xf32, #tpu.memory_space<hbm>>) dst(%dma_wait3A_13 : memref<784x128xf32, #tpu.memory_space<vmem_shared>>)
      tpu.yield
    }) : () -> ()
    %barrier3A = arith.constant 0 : index
    tpu.barrier barrier_id(%barrier3A)
    %mul3A_1 = arith.constant 392 : i32
    %mul3A_2 = arith.muli %arg1, %mul3A_1 : i32
    %scan3A = arith.constant 0 : i32
    %scan3A_3 = arith.constant 49 : i32
    %scan3A_4 = arith.addi %scan3A, %scan3A_3 : i32
    %scan3A_5 = arith.constant 1 : i32
    scf.for %scan3A_12 = %scan3A to %scan3A_4 step %scan3A_5  : i32 {
      %mul3A_13 = arith.constant 1 : i32
      %mul3A_14 = arith.muli %scan3A_12, %mul3A_13 : i32
      %add3A = arith.constant 0 : i32
      %add3A_15 = arith.addi %add3A, %mul3A_14 : i32
      %mul3A_16 = arith.constant 8 : i32
      %mul3A_17 = arith.muli %add3A_15, %mul3A_16 : i32
      %add3A_18 = arith.addi %mul3A_2, %mul3A_17 : i32
      "tpu.region"() ({
        %run_scoped3A_136 = tpu.sem_alloc : memref<!tpu.dma_semaphore, #tpu.memory_space<semaphore_mem>>
        %dma_start3A_137 = arith.constant 0 : i32
        %dma_start3A_138 = tpu.memref_slice %arg2[%add3A_18, %dma_start3A_137] : memref<6272x128xi32, #tpu.memory_space<hbm>> -> memref<8x128xi32, #tpu.memory_space<hbm>>
        %dma_start3A_139 = arith.constant 0 : i32
        %dma_start3A_140 = tpu.memref_slice %arg2[%add3A_18, %dma_start3A_139] : memref<6272x128xi32, #tpu.memory_space<hbm>> -> memref<8x128xi32, #tpu.memory_space<hbm>>
        tpu.enqueue_dma source(%dma_start3A_140 : memref<8x128xi32, #tpu.memory_space<hbm>>) target(%arg7 : memref<8x128xi32, #tpu.memory_space<vmem>>) target_semaphore(%run_scoped3A_136 : memref<!tpu.dma_semaphore, #tpu.memory_space<semaphore_mem>>)
        %dma_wait3A_141 = arith.constant 0 : i32
        %dma_wait3A_142 = tpu.memref_slice %arg2[%add3A_18, %dma_wait3A_141] : memref<6272x128xi32, #tpu.memory_space<hbm>> -> memref<8x128xi32, #tpu.memory_space<hbm>>
        %dma_wait3A_143 = arith.constant 0 : i32
        %dma_wait3A_144 = tpu.memref_slice %arg2[%add3A_18, %dma_wait3A_143] : memref<6272x128xi32, #tpu.memory_space<hbm>> -> memref<8x128xi32, #tpu.memory_space<hbm>>
        tpu.wait_dma2 semaphore(%run_scoped3A_136 : memref<!tpu.dma_semaphore, #tpu.memory_space<semaphore_mem>>) src(%dma_wait3A_144 : memref<8x128xi32, #tpu.memory_space<hbm>>) dst(%arg7 : memref<8x128xi32, #tpu.memory_space<vmem>>)
        tpu.yield
      }) : () -> ()
      "tpu.region"() ({
        %run_scoped3A_136 = tpu.sem_alloc : memref<!tpu.dma_semaphore, #tpu.memory_space<semaphore_mem>>
        %dma_start3A_137 = arith.constant 0 : i32
        %dma_start3A_138 = tpu.memref_slice %arg3[%arg0, %add3A_18, %dma_start3A_137] : memref<2x6272x128xi32, #tpu.memory_space<hbm>> -> memref<1x8x128xi32, #tpu.memory_space<hbm>>
        %dma_start3A_139 = tpu.memref_squeeze %dma_start3A_138 : memref<1x8x128xi32, #tpu.memory_space<hbm>> -> memref<8x128xi32, #tpu.memory_space<hbm>>
        %dma_start3A_140 = arith.constant 0 : i32
        %dma_start3A_141 = tpu.memref_slice %arg3[%arg0, %add3A_18, %dma_start3A_140] : memref<2x6272x128xi32, #tpu.memory_space<hbm>> -> memref<1x8x128xi32, #tpu.memory_space<hbm>>
        %dma_start3A_142 = tpu.memref_squeeze %dma_start3A_141 : memref<1x8x128xi32, #tpu.memory_space<hbm>> -> memref<8x128xi32, #tpu.memory_space<hbm>>
        tpu.enqueue_dma source(%dma_start3A_142 : memref<8x128xi32, #tpu.memory_space<hbm>>) target(%arg8 : memref<8x128xi32, #tpu.memory_space<vmem>>) target_semaphore(%run_scoped3A_136 : memref<!tpu.dma_semaphore, #tpu.memory_space<semaphore_mem>>)
        %dma_wait3A_143 = arith.constant 0 : i32
        %dma_wait3A_144 = tpu.memref_slice %arg3[%arg0, %add3A_18, %dma_wait3A_143] : memref<2x6272x128xi32, #tpu.memory_space<hbm>> -> memref<1x8x128xi32, #tpu.memory_space<hbm>>
        %dma_wait3A_145 = tpu.memref_squeeze %dma_wait3A_144 : memref<1x8x128xi32, #tpu.memory_space<hbm>> -> memref<8x128xi32, #tpu.memory_space<hbm>>
        %dma_wait3A_146 = arith.constant 0 : i32
        %dma_wait3A_147 = tpu.memref_slice %arg3[%arg0, %add3A_18, %dma_wait3A_146] : memref<2x6272x128xi32, #tpu.memory_space<hbm>> -> memref<1x8x128xi32, #tpu.memory_space<hbm>>
        %dma_wait3A_148 = tpu.memref_squeeze %dma_wait3A_147 : memref<1x8x128xi32, #tpu.memory_space<hbm>> -> memref<8x128xi32, #tpu.memory_space<hbm>>
        tpu.wait_dma2 semaphore(%run_scoped3A_136 : memref<!tpu.dma_semaphore, #tpu.memory_space<semaphore_mem>>) src(%dma_wait3A_148 : memref<8x128xi32, #tpu.memory_space<hbm>>) dst(%arg8 : memref<8x128xi32, #tpu.memory_space<vmem>>)
        tpu.yield
      }) : () -> ()
      %dma_start3A = arith.constant 0 : i32
      %dma_start3A_19 = arith.constant 0 : i32
      %dma_start3A_20 = tpu.memref_slice %arg7[%dma_start3A, %dma_start3A_19] : memref<8x128xi32, #tpu.memory_space<vmem>> -> memref<1x128xi32, #tpu.memory_space<vmem>>
      %dma_start3A_21 = tpu.memref_squeeze %dma_start3A_20 : memref<1x128xi32, #tpu.memory_space<vmem>> -> memref<128xi32, #tpu.memory_space<vmem>>
      %dma_start3A_22 = arith.constant 0 : i32
      %dma_start3A_23 = arith.constant 0 : i32
      %dma_start3A_24 = tpu.memref_slice %arg4[%dma_start3A_22, %dma_start3A_23] : memref<100000x128xf32, #tpu.memory_space<hbm>> -> memref<100000x128xf32, #tpu.memory_space<hbm>>
      tpu.enqueue_indirect_dma source(%dma_start3A_24 : memref<100000x128xf32, #tpu.memory_space<hbm>>) target(%arg9 : memref<128x128xf32, #tpu.memory_space<vmem>>) offsets(%dma_start3A_21 : memref<128xi32, #tpu.memory_space<vmem>>) semaphore(%arg11 : memref<!tpu.dma_semaphore, #tpu.memory_space<semaphore_mem>>)
      %dma_wait3A = arith.constant 0 : i32
      %dma_wait3A_25 = arith.constant 0 : i32
      %dma_wait3A_26 = tpu.memref_slice %arg7[%dma_wait3A, %dma_wait3A_25] : memref<8x128xi32, #tpu.memory_space<vmem>> -> memref<1x128xi32, #tpu.memory_space<vmem>>
      %dma_wait3A_27 = tpu.memref_squeeze %dma_wait3A_26 : memref<1x128xi32, #tpu.memory_space<vmem>> -> memref<128xi32, #tpu.memory_space<vmem>>
      %dma_wait3A_28 = arith.constant 0 : i32
      %dma_wait3A_29 = arith.constant 0 : i32
      %dma_wait3A_30 = tpu.memref_slice %arg4[%dma_wait3A_28, %dma_wait3A_29] : memref<100000x128xf32, #tpu.memory_space<hbm>> -> memref<100000x128xf32, #tpu.memory_space<hbm>>
      tpu.wait_indirect_dma semaphore(%arg11 : memref<!tpu.dma_semaphore, #tpu.memory_space<semaphore_mem>>) src(%dma_wait3A_30 : memref<100000x128xf32, #tpu.memory_space<hbm>>) dst(%arg9 : memref<128x128xf32, #tpu.memory_space<vmem>>)
      %run_scoped3A = arith.constant 0 : i32
      "tpu.region"() ({
        %run_scoped3A_136 = tpu.sem_alloc : memref<!tpu.dma_semaphore, #tpu.memory_space<semaphore_mem>>
        %dma_start3A_137 = arith.constant 0 : i32
        %dma_start3A_138 = tpu.memref_slice %arg8[%run_scoped3A, %dma_start3A_137] : memref<8x128xi32, #tpu.memory_space<vmem>> -> memref<1x128xi32, #tpu.memory_space<vmem>>
        %dma_start3A_139 = tpu.memref_squeeze %dma_start3A_138 : memref<1x128xi32, #tpu.memory_space<vmem>> -> memref<128xi32, #tpu.memory_space<vmem>>
        %dma_start3A_140 = arith.constant 0 : i32
        %dma_start3A_141 = arith.constant 0 : i32
        %dma_start3A_142 = tpu.memref_slice %arg10[%dma_start3A_140, %dma_start3A_141] : memref<12544x128xf32, #tpu.memory_space<vmem_shared>> -> memref<12544x128xf32, #tpu.memory_space<vmem_shared>>
        tpu.enqueue_indirect_dma source(%arg9 : memref<128x128xf32, #tpu.memory_space<vmem>>) target(%dma_start3A_142 : memref<12544x128xf32, #tpu.memory_space<vmem_shared>>) offsets(%dma_start3A_139 : memref<128xi32, #tpu.memory_space<vmem>>) semaphore(%run_scoped3A_136 : memref<!tpu.dma_semaphore, #tpu.memory_space<semaphore_mem>>) {add = true}
        %dma_wait3A_143 = arith.constant 0 : i32
        %dma_wait3A_144 = tpu.memref_slice %arg8[%run_scoped3A, %dma_wait3A_143] : memref<8x128xi32, #tpu.memory_space<vmem>> -> memref<1x128xi32, #tpu.memory_space<vmem>>
        %dma_wait3A_145 = tpu.memref_squeeze %dma_wait3A_144 : memref<1x128xi32, #tpu.memory_space<vmem>> -> memref<128xi32, #tpu.memory_space<vmem>>
        %dma_wait3A_146 = arith.constant 0 : i32
        %dma_wait3A_147 = arith.constant 0 : i32
        %dma_wait3A_148 = tpu.memref_slice %arg10[%dma_wait3A_146, %dma_wait3A_147] : memref<12544x128xf32, #tpu.memory_space<vmem_shared>> -> memref<12544x128xf32, #tpu.memory_space<vmem_shared>>
        tpu.wait_indirect_dma semaphore(%run_scoped3A_136 : memref<!tpu.dma_semaphore, #tpu.memory_space<semaphore_mem>>) src(%arg9 : memref<128x128xf32, #tpu.memory_space<vmem>>) dst(%dma_wait3A_148 : memref<12544x128xf32, #tpu.memory_space<vmem_shared>>)
        tpu.yield
      }) : () -> ()
      %dma_start3A_31 = arith.constant 1 : i32
      %dma_start3A_32 = arith.constant 0 : i32
      %dma_start3A_33 = tpu.memref_slice %arg7[%dma_start3A_31, %dma_start3A_32] : memref<8x128xi32, #tpu.memory_space<vmem>> -> memref<1x128xi32, #tpu.memory_space<vmem>>
      %dma_start3A_34 = tpu.memref_squeeze %dma_start3A_33 : memref<1x128xi32, #tpu.memory_space<vmem>> -> memref<128xi32, #tpu.memory_space<vmem>>
      %dma_start3A_35 = arith.constant 0 : i32
      %dma_start3A_36 = arith.constant 0 : i32
      %dma_start3A_37 = tpu.memref_slice %arg4[%dma_start3A_35, %dma_start3A_36] : memref<100000x128xf32, #tpu.memory_space<hbm>> -> memref<100000x128xf32, #tpu.memory_space<hbm>>
      tpu.enqueue_indirect_dma source(%dma_start3A_37 : memref<100000x128xf32, #tpu.memory_space<hbm>>) target(%arg9 : memref<128x128xf32, #tpu.memory_space<vmem>>) offsets(%dma_start3A_34 : memref<128xi32, #tpu.memory_space<vmem>>) semaphore(%arg11 : memref<!tpu.dma_semaphore, #tpu.memory_space<semaphore_mem>>)
      %dma_wait3A_38 = arith.constant 1 : i32
      %dma_wait3A_39 = arith.constant 0 : i32
      %dma_wait3A_40 = tpu.memref_slice %arg7[%dma_wait3A_38, %dma_wait3A_39] : memref<8x128xi32, #tpu.memory_space<vmem>> -> memref<1x128xi32, #tpu.memory_space<vmem>>
      %dma_wait3A_41 = tpu.memref_squeeze %dma_wait3A_40 : memref<1x128xi32, #tpu.memory_space<vmem>> -> memref<128xi32, #tpu.memory_space<vmem>>
      %dma_wait3A_42 = arith.constant 0 : i32
      %dma_wait3A_43 = arith.constant 0 : i32
      %dma_wait3A_44 = tpu.memref_slice %arg4[%dma_wait3A_42, %dma_wait3A_43] : memref<100000x128xf32, #tpu.memory_space<hbm>> -> memref<100000x128xf32, #tpu.memory_space<hbm>>
      tpu.wait_indirect_dma semaphore(%arg11 : memref<!tpu.dma_semaphore, #tpu.memory_space<semaphore_mem>>) src(%dma_wait3A_44 : memref<100000x128xf32, #tpu.memory_space<hbm>>) dst(%arg9 : memref<128x128xf32, #tpu.memory_space<vmem>>)
      %run_scoped3A_45 = arith.constant 1 : i32
      "tpu.region"() ({
        %run_scoped3A_136 = tpu.sem_alloc : memref<!tpu.dma_semaphore, #tpu.memory_space<semaphore_mem>>
        %dma_start3A_137 = arith.constant 0 : i32
        %dma_start3A_138 = tpu.memref_slice %arg8[%run_scoped3A_45, %dma_start3A_137] : memref<8x128xi32, #tpu.memory_space<vmem>> -> memref<1x128xi32, #tpu.memory_space<vmem>>
        %dma_start3A_139 = tpu.memref_squeeze %dma_start3A_138 : memref<1x128xi32, #tpu.memory_space<vmem>> -> memref<128xi32, #tpu.memory_space<vmem>>
        %dma_start3A_140 = arith.constant 0 : i32
        %dma_start3A_141 = arith.constant 0 : i32
        %dma_start3A_142 = tpu.memref_slice %arg10[%dma_start3A_140, %dma_start3A_141] : memref<12544x128xf32, #tpu.memory_space<vmem_shared>> -> memref<12544x128xf32, #tpu.memory_space<vmem_shared>>
        tpu.enqueue_indirect_dma source(%arg9 : memref<128x128xf32, #tpu.memory_space<vmem>>) target(%dma_start3A_142 : memref<12544x128xf32, #tpu.memory_space<vmem_shared>>) offsets(%dma_start3A_139 : memref<128xi32, #tpu.memory_space<vmem>>) semaphore(%run_scoped3A_136 : memref<!tpu.dma_semaphore, #tpu.memory_space<semaphore_mem>>) {add = true}
        %dma_wait3A_143 = arith.constant 0 : i32
        %dma_wait3A_144 = tpu.memref_slice %arg8[%run_scoped3A_45, %dma_wait3A_143] : memref<8x128xi32, #tpu.memory_space<vmem>> -> memref<1x128xi32, #tpu.memory_space<vmem>>
        %dma_wait3A_145 = tpu.memref_squeeze %dma_wait3A_144 : memref<1x128xi32, #tpu.memory_space<vmem>> -> memref<128xi32, #tpu.memory_space<vmem>>
        %dma_wait3A_146 = arith.constant 0 : i32
        %dma_wait3A_147 = arith.constant 0 : i32
        %dma_wait3A_148 = tpu.memref_slice %arg10[%dma_wait3A_146, %dma_wait3A_147] : memref<12544x128xf32, #tpu.memory_space<vmem_shared>> -> memref<12544x128xf32, #tpu.memory_space<vmem_shared>>
        tpu.wait_indirect_dma semaphore(%run_scoped3A_136 : memref<!tpu.dma_semaphore, #tpu.memory_space<semaphore_mem>>) src(%arg9 : memref<128x128xf32, #tpu.memory_space<vmem>>) dst(%dma_wait3A_148 : memref<12544x128xf32, #tpu.memory_space<vmem_shared>>)
        tpu.yield
      }) : () -> ()
      %dma_start3A_46 = arith.constant 2 : i32
      %dma_start3A_47 = arith.constant 0 : i32
      %dma_start3A_48 = tpu.memref_slice %arg7[%dma_start3A_46, %dma_start3A_47] : memref<8x128xi32, #tpu.memory_space<vmem>> -> memref<1x128xi32, #tpu.memory_space<vmem>>
      %dma_start3A_49 = tpu.memref_squeeze %dma_start3A_48 : memref<1x128xi32, #tpu.memory_space<vmem>> -> memref<128xi32, #tpu.memory_space<vmem>>
      %dma_start3A_50 = arith.constant 0 : i32
      %dma_start3A_51 = arith.constant 0 : i32
      %dma_start3A_52 = tpu.memref_slice %arg4[%dma_start3A_50, %dma_start3A_51] : memref<100000x128xf32, #tpu.memory_space<hbm>> -> memref<100000x128xf32, #tpu.memory_space<hbm>>
      tpu.enqueue_indirect_dma source(%dma_start3A_52 : memref<100000x128xf32, #tpu.memory_space<hbm>>) target(%arg9 : memref<128x128xf32, #tpu.memory_space<vmem>>) offsets(%dma_start3A_49 : memref<128xi32, #tpu.memory_space<vmem>>) semaphore(%arg11 : memref<!tpu.dma_semaphore, #tpu.memory_space<semaphore_mem>>)
      %dma_wait3A_53 = arith.constant 2 : i32
      %dma_wait3A_54 = arith.constant 0 : i32
      %dma_wait3A_55 = tpu.memref_slice %arg7[%dma_wait3A_53, %dma_wait3A_54] : memref<8x128xi32, #tpu.memory_space<vmem>> -> memref<1x128xi32, #tpu.memory_space<vmem>>
      %dma_wait3A_56 = tpu.memref_squeeze %dma_wait3A_55 : memref<1x128xi32, #tpu.memory_space<vmem>> -> memref<128xi32, #tpu.memory_space<vmem>>
      %dma_wait3A_57 = arith.constant 0 : i32
      %dma_wait3A_58 = arith.constant 0 : i32
      %dma_wait3A_59 = tpu.memref_slice %arg4[%dma_wait3A_57, %dma_wait3A_58] : memref<100000x128xf32, #tpu.memory_space<hbm>> -> memref<100000x128xf32, #tpu.memory_space<hbm>>
      tpu.wait_indirect_dma semaphore(%arg11 : memref<!tpu.dma_semaphore, #tpu.memory_space<semaphore_mem>>) src(%dma_wait3A_59 : memref<100000x128xf32, #tpu.memory_space<hbm>>) dst(%arg9 : memref<128x128xf32, #tpu.memory_space<vmem>>)
      %run_scoped3A_60 = arith.constant 2 : i32
      "tpu.region"() ({
        %run_scoped3A_136 = tpu.sem_alloc : memref<!tpu.dma_semaphore, #tpu.memory_space<semaphore_mem>>
        %dma_start3A_137 = arith.constant 0 : i32
        %dma_start3A_138 = tpu.memref_slice %arg8[%run_scoped3A_60, %dma_start3A_137] : memref<8x128xi32, #tpu.memory_space<vmem>> -> memref<1x128xi32, #tpu.memory_space<vmem>>
        %dma_start3A_139 = tpu.memref_squeeze %dma_start3A_138 : memref<1x128xi32, #tpu.memory_space<vmem>> -> memref<128xi32, #tpu.memory_space<vmem>>
        %dma_start3A_140 = arith.constant 0 : i32
        %dma_start3A_141 = arith.constant 0 : i32
        %dma_start3A_142 = tpu.memref_slice %arg10[%dma_start3A_140, %dma_start3A_141] : memref<12544x128xf32, #tpu.memory_space<vmem_shared>> -> memref<12544x128xf32, #tpu.memory_space<vmem_shared>>
        tpu.enqueue_indirect_dma source(%arg9 : memref<128x128xf32, #tpu.memory_space<vmem>>) target(%dma_start3A_142 : memref<12544x128xf32, #tpu.memory_space<vmem_shared>>) offsets(%dma_start3A_139 : memref<128xi32, #tpu.memory_space<vmem>>) semaphore(%run_scoped3A_136 : memref<!tpu.dma_semaphore, #tpu.memory_space<semaphore_mem>>) {add = true}
        %dma_wait3A_143 = arith.constant 0 : i32
        %dma_wait3A_144 = tpu.memref_slice %arg8[%run_scoped3A_60, %dma_wait3A_143] : memref<8x128xi32, #tpu.memory_space<vmem>> -> memref<1x128xi32, #tpu.memory_space<vmem>>
        %dma_wait3A_145 = tpu.memref_squeeze %dma_wait3A_144 : memref<1x128xi32, #tpu.memory_space<vmem>> -> memref<128xi32, #tpu.memory_space<vmem>>
        %dma_wait3A_146 = arith.constant 0 : i32
        %dma_wait3A_147 = arith.constant 0 : i32
        %dma_wait3A_148 = tpu.memref_slice %arg10[%dma_wait3A_146, %dma_wait3A_147] : memref<12544x128xf32, #tpu.memory_space<vmem_shared>> -> memref<12544x128xf32, #tpu.memory_space<vmem_shared>>
        tpu.wait_indirect_dma semaphore(%run_scoped3A_136 : memref<!tpu.dma_semaphore, #tpu.memory_space<semaphore_mem>>) src(%arg9 : memref<128x128xf32, #tpu.memory_space<vmem>>) dst(%dma_wait3A_148 : memref<12544x128xf32, #tpu.memory_space<vmem_shared>>)
        tpu.yield
      }) : () -> ()
      %dma_start3A_61 = arith.constant 3 : i32
      %dma_start3A_62 = arith.constant 0 : i32
      %dma_start3A_63 = tpu.memref_slice %arg7[%dma_start3A_61, %dma_start3A_62] : memref<8x128xi32, #tpu.memory_space<vmem>> -> memref<1x128xi32, #tpu.memory_space<vmem>>
      %dma_start3A_64 = tpu.memref_squeeze %dma_start3A_63 : memref<1x128xi32, #tpu.memory_space<vmem>> -> memref<128xi32, #tpu.memory_space<vmem>>
      %dma_start3A_65 = arith.constant 0 : i32
      %dma_start3A_66 = arith.constant 0 : i32
      %dma_start3A_67 = tpu.memref_slice %arg4[%dma_start3A_65, %dma_start3A_66] : memref<100000x128xf32, #tpu.memory_space<hbm>> -> memref<100000x128xf32, #tpu.memory_space<hbm>>
      tpu.enqueue_indirect_dma source(%dma_start3A_67 : memref<100000x128xf32, #tpu.memory_space<hbm>>) target(%arg9 : memref<128x128xf32, #tpu.memory_space<vmem>>) offsets(%dma_start3A_64 : memref<128xi32, #tpu.memory_space<vmem>>) semaphore(%arg11 : memref<!tpu.dma_semaphore, #tpu.memory_space<semaphore_mem>>)
      %dma_wait3A_68 = arith.constant 3 : i32
      %dma_wait3A_69 = arith.constant 0 : i32
      %dma_wait3A_70 = tpu.memref_slice %arg7[%dma_wait3A_68, %dma_wait3A_69] : memref<8x128xi32, #tpu.memory_space<vmem>> -> memref<1x128xi32, #tpu.memory_space<vmem>>
      %dma_wait3A_71 = tpu.memref_squeeze %dma_wait3A_70 : memref<1x128xi32, #tpu.memory_space<vmem>> -> memref<128xi32, #tpu.memory_space<vmem>>
      %dma_wait3A_72 = arith.constant 0 : i32
      %dma_wait3A_73 = arith.constant 0 : i32
      %dma_wait3A_74 = tpu.memref_slice %arg4[%dma_wait3A_72, %dma_wait3A_73] : memref<100000x128xf32, #tpu.memory_space<hbm>> -> memref<100000x128xf32, #tpu.memory_space<hbm>>
      tpu.wait_indirect_dma semaphore(%arg11 : memref<!tpu.dma_semaphore, #tpu.memory_space<semaphore_mem>>) src(%dma_wait3A_74 : memref<100000x128xf32, #tpu.memory_space<hbm>>) dst(%arg9 : memref<128x128xf32, #tpu.memory_space<vmem>>)
      %run_scoped3A_75 = arith.constant 3 : i32
      "tpu.region"() ({
        %run_scoped3A_136 = tpu.sem_alloc : memref<!tpu.dma_semaphore, #tpu.memory_space<semaphore_mem>>
        %dma_start3A_137 = arith.constant 0 : i32
        %dma_start3A_138 = tpu.memref_slice %arg8[%run_scoped3A_75, %dma_start3A_137] : memref<8x128xi32, #tpu.memory_space<vmem>> -> memref<1x128xi32, #tpu.memory_space<vmem>>
        %dma_start3A_139 = tpu.memref_squeeze %dma_start3A_138 : memref<1x128xi32, #tpu.memory_space<vmem>> -> memref<128xi32, #tpu.memory_space<vmem>>
        %dma_start3A_140 = arith.constant 0 : i32
        %dma_start3A_141 = arith.constant 0 : i32
        %dma_start3A_142 = tpu.memref_slice %arg10[%dma_start3A_140, %dma_start3A_141] : memref<12544x128xf32, #tpu.memory_space<vmem_shared>> -> memref<12544x128xf32, #tpu.memory_space<vmem_shared>>
        tpu.enqueue_indirect_dma source(%arg9 : memref<128x128xf32, #tpu.memory_space<vmem>>) target(%dma_start3A_142 : memref<12544x128xf32, #tpu.memory_space<vmem_shared>>) offsets(%dma_start3A_139 : memref<128xi32, #tpu.memory_space<vmem>>) semaphore(%run_scoped3A_136 : memref<!tpu.dma_semaphore, #tpu.memory_space<semaphore_mem>>) {add = true}
        %dma_wait3A_143 = arith.constant 0 : i32
        %dma_wait3A_144 = tpu.memref_slice %arg8[%run_scoped3A_75, %dma_wait3A_143] : memref<8x128xi32, #tpu.memory_space<vmem>> -> memref<1x128xi32, #tpu.memory_space<vmem>>
        %dma_wait3A_145 = tpu.memref_squeeze %dma_wait3A_144 : memref<1x128xi32, #tpu.memory_space<vmem>> -> memref<128xi32, #tpu.memory_space<vmem>>
        %dma_wait3A_146 = arith.constant 0 : i32
        %dma_wait3A_147 = arith.constant 0 : i32
        %dma_wait3A_148 = tpu.memref_slice %arg10[%dma_wait3A_146, %dma_wait3A_147] : memref<12544x128xf32, #tpu.memory_space<vmem_shared>> -> memref<12544x128xf32, #tpu.memory_space<vmem_shared>>
        tpu.wait_indirect_dma semaphore(%run_scoped3A_136 : memref<!tpu.dma_semaphore, #tpu.memory_space<semaphore_mem>>) src(%arg9 : memref<128x128xf32, #tpu.memory_space<vmem>>) dst(%dma_wait3A_148 : memref<12544x128xf32, #tpu.memory_space<vmem_shared>>)
        tpu.yield
      }) : () -> ()
      %dma_start3A_76 = arith.constant 4 : i32
      %dma_start3A_77 = arith.constant 0 : i32
      %dma_start3A_78 = tpu.memref_slice %arg7[%dma_start3A_76, %dma_start3A_77] : memref<8x128xi32, #tpu.memory_space<vmem>> -> memref<1x128xi32, #tpu.memory_space<vmem>>
      %dma_start3A_79 = tpu.memref_squeeze %dma_start3A_78 : memref<1x128xi32, #tpu.memory_space<vmem>> -> memref<128xi32, #tpu.memory_space<vmem>>
      %dma_start3A_80 = arith.constant 0 : i32
      %dma_start3A_81 = arith.constant 0 : i32
      %dma_start3A_82 = tpu.memref_slice %arg4[%dma_start3A_80, %dma_start3A_81] : memref<100000x128xf32, #tpu.memory_space<hbm>> -> memref<100000x128xf32, #tpu.memory_space<hbm>>
      tpu.enqueue_indirect_dma source(%dma_start3A_82 : memref<100000x128xf32, #tpu.memory_space<hbm>>) target(%arg9 : memref<128x128xf32, #tpu.memory_space<vmem>>) offsets(%dma_start3A_79 : memref<128xi32, #tpu.memory_space<vmem>>) semaphore(%arg11 : memref<!tpu.dma_semaphore, #tpu.memory_space<semaphore_mem>>)
      %dma_wait3A_83 = arith.constant 4 : i32
      %dma_wait3A_84 = arith.constant 0 : i32
      %dma_wait3A_85 = tpu.memref_slice %arg7[%dma_wait3A_83, %dma_wait3A_84] : memref<8x128xi32, #tpu.memory_space<vmem>> -> memref<1x128xi32, #tpu.memory_space<vmem>>
      %dma_wait3A_86 = tpu.memref_squeeze %dma_wait3A_85 : memref<1x128xi32, #tpu.memory_space<vmem>> -> memref<128xi32, #tpu.memory_space<vmem>>
      %dma_wait3A_87 = arith.constant 0 : i32
      %dma_wait3A_88 = arith.constant 0 : i32
      %dma_wait3A_89 = tpu.memref_slice %arg4[%dma_wait3A_87, %dma_wait3A_88] : memref<100000x128xf32, #tpu.memory_space<hbm>> -> memref<100000x128xf32, #tpu.memory_space<hbm>>
      tpu.wait_indirect_dma semaphore(%arg11 : memref<!tpu.dma_semaphore, #tpu.memory_space<semaphore_mem>>) src(%dma_wait3A_89 : memref<100000x128xf32, #tpu.memory_space<hbm>>) dst(%arg9 : memref<128x128xf32, #tpu.memory_space<vmem>>)
      %run_scoped3A_90 = arith.constant 4 : i32
      "tpu.region"() ({
        %run_scoped3A_136 = tpu.sem_alloc : memref<!tpu.dma_semaphore, #tpu.memory_space<semaphore_mem>>
        %dma_start3A_137 = arith.constant 0 : i32
        %dma_start3A_138 = tpu.memref_slice %arg8[%run_scoped3A_90, %dma_start3A_137] : memref<8x128xi32, #tpu.memory_space<vmem>> -> memref<1x128xi32, #tpu.memory_space<vmem>>
        %dma_start3A_139 = tpu.memref_squeeze %dma_start3A_138 : memref<1x128xi32, #tpu.memory_space<vmem>> -> memref<128xi32, #tpu.memory_space<vmem>>
        %dma_start3A_140 = arith.constant 0 : i32
        %dma_start3A_141 = arith.constant 0 : i32
        %dma_start3A_142 = tpu.memref_slice %arg10[%dma_start3A_140, %dma_start3A_141] : memref<12544x128xf32, #tpu.memory_space<vmem_shared>> -> memref<12544x128xf32, #tpu.memory_space<vmem_shared>>
        tpu.enqueue_indirect_dma source(%arg9 : memref<128x128xf32, #tpu.memory_space<vmem>>) target(%dma_start3A_142 : memref<12544x128xf32, #tpu.memory_space<vmem_shared>>) offsets(%dma_start3A_139 : memref<128xi32, #tpu.memory_space<vmem>>) semaphore(%run_scoped3A_136 : memref<!tpu.dma_semaphore, #tpu.memory_space<semaphore_mem>>) {add = true}
        %dma_wait3A_143 = arith.constant 0 : i32
        %dma_wait3A_144 = tpu.memref_slice %arg8[%run_scoped3A_90, %dma_wait3A_143] : memref<8x128xi32, #tpu.memory_space<vmem>> -> memref<1x128xi32, #tpu.memory_space<vmem>>
        %dma_wait3A_145 = tpu.memref_squeeze %dma_wait3A_144 : memref<1x128xi32, #tpu.memory_space<vmem>> -> memref<128xi32, #tpu.memory_space<vmem>>
        %dma_wait3A_146 = arith.constant 0 : i32
        %dma_wait3A_147 = arith.constant 0 : i32
        %dma_wait3A_148 = tpu.memref_slice %arg10[%dma_wait3A_146, %dma_wait3A_147] : memref<12544x128xf32, #tpu.memory_space<vmem_shared>> -> memref<12544x128xf32, #tpu.memory_space<vmem_shared>>
        tpu.wait_indirect_dma semaphore(%run_scoped3A_136 : memref<!tpu.dma_semaphore, #tpu.memory_space<semaphore_mem>>) src(%arg9 : memref<128x128xf32, #tpu.memory_space<vmem>>) dst(%dma_wait3A_148 : memref<12544x128xf32, #tpu.memory_space<vmem_shared>>)
        tpu.yield
      }) : () -> ()
      %dma_start3A_91 = arith.constant 5 : i32
      %dma_start3A_92 = arith.constant 0 : i32
      %dma_start3A_93 = tpu.memref_slice %arg7[%dma_start3A_91, %dma_start3A_92] : memref<8x128xi32, #tpu.memory_space<vmem>> -> memref<1x128xi32, #tpu.memory_space<vmem>>
      %dma_start3A_94 = tpu.memref_squeeze %dma_start3A_93 : memref<1x128xi32, #tpu.memory_space<vmem>> -> memref<128xi32, #tpu.memory_space<vmem>>
      %dma_start3A_95 = arith.constant 0 : i32
      %dma_start3A_96 = arith.constant 0 : i32
      %dma_start3A_97 = tpu.memref_slice %arg4[%dma_start3A_95, %dma_start3A_96] : memref<100000x128xf32, #tpu.memory_space<hbm>> -> memref<100000x128xf32, #tpu.memory_space<hbm>>
      tpu.enqueue_indirect_dma source(%dma_start3A_97 : memref<100000x128xf32, #tpu.memory_space<hbm>>) target(%arg9 : memref<128x128xf32, #tpu.memory_space<vmem>>) offsets(%dma_start3A_94 : memref<128xi32, #tpu.memory_space<vmem>>) semaphore(%arg11 : memref<!tpu.dma_semaphore, #tpu.memory_space<semaphore_mem>>)
      %dma_wait3A_98 = arith.constant 5 : i32
      %dma_wait3A_99 = arith.constant 0 : i32
      %dma_wait3A_100 = tpu.memref_slice %arg7[%dma_wait3A_98, %dma_wait3A_99] : memref<8x128xi32, #tpu.memory_space<vmem>> -> memref<1x128xi32, #tpu.memory_space<vmem>>
      %dma_wait3A_101 = tpu.memref_squeeze %dma_wait3A_100 : memref<1x128xi32, #tpu.memory_space<vmem>> -> memref<128xi32, #tpu.memory_space<vmem>>
      %dma_wait3A_102 = arith.constant 0 : i32
      %dma_wait3A_103 = arith.constant 0 : i32
      %dma_wait3A_104 = tpu.memref_slice %arg4[%dma_wait3A_102, %dma_wait3A_103] : memref<100000x128xf32, #tpu.memory_space<hbm>> -> memref<100000x128xf32, #tpu.memory_space<hbm>>
      tpu.wait_indirect_dma semaphore(%arg11 : memref<!tpu.dma_semaphore, #tpu.memory_space<semaphore_mem>>) src(%dma_wait3A_104 : memref<100000x128xf32, #tpu.memory_space<hbm>>) dst(%arg9 : memref<128x128xf32, #tpu.memory_space<vmem>>)
      %run_scoped3A_105 = arith.constant 5 : i32
      "tpu.region"() ({
        %run_scoped3A_136 = tpu.sem_alloc : memref<!tpu.dma_semaphore, #tpu.memory_space<semaphore_mem>>
        %dma_start3A_137 = arith.constant 0 : i32
        %dma_start3A_138 = tpu.memref_slice %arg8[%run_scoped3A_105, %dma_start3A_137] : memref<8x128xi32, #tpu.memory_space<vmem>> -> memref<1x128xi32, #tpu.memory_space<vmem>>
        %dma_start3A_139 = tpu.memref_squeeze %dma_start3A_138 : memref<1x128xi32, #tpu.memory_space<vmem>> -> memref<128xi32, #tpu.memory_space<vmem>>
        %dma_start3A_140 = arith.constant 0 : i32
        %dma_start3A_141 = arith.constant 0 : i32
        %dma_start3A_142 = tpu.memref_slice %arg10[%dma_start3A_140, %dma_start3A_141] : memref<12544x128xf32, #tpu.memory_space<vmem_shared>> -> memref<12544x128xf32, #tpu.memory_space<vmem_shared>>
        tpu.enqueue_indirect_dma source(%arg9 : memref<128x128xf32, #tpu.memory_space<vmem>>) target(%dma_start3A_142 : memref<12544x128xf32, #tpu.memory_space<vmem_shared>>) offsets(%dma_start3A_139 : memref<128xi32, #tpu.memory_space<vmem>>) semaphore(%run_scoped3A_136 : memref<!tpu.dma_semaphore, #tpu.memory_space<semaphore_mem>>) {add = true}
        %dma_wait3A_143 = arith.constant 0 : i32
        %dma_wait3A_144 = tpu.memref_slice %arg8[%run_scoped3A_105, %dma_wait3A_143] : memref<8x128xi32, #tpu.memory_space<vmem>> -> memref<1x128xi32, #tpu.memory_space<vmem>>
        %dma_wait3A_145 = tpu.memref_squeeze %dma_wait3A_144 : memref<1x128xi32, #tpu.memory_space<vmem>> -> memref<128xi32, #tpu.memory_space<vmem>>
        %dma_wait3A_146 = arith.constant 0 : i32
        %dma_wait3A_147 = arith.constant 0 : i32
        %dma_wait3A_148 = tpu.memref_slice %arg10[%dma_wait3A_146, %dma_wait3A_147] : memref<12544x128xf32, #tpu.memory_space<vmem_shared>> -> memref<12544x128xf32, #tpu.memory_space<vmem_shared>>
        tpu.wait_indirect_dma semaphore(%run_scoped3A_136 : memref<!tpu.dma_semaphore, #tpu.memory_space<semaphore_mem>>) src(%arg9 : memref<128x128xf32, #tpu.memory_space<vmem>>) dst(%dma_wait3A_148 : memref<12544x128xf32, #tpu.memory_space<vmem_shared>>)
        tpu.yield
      }) : () -> ()
      %dma_start3A_106 = arith.constant 6 : i32
      %dma_start3A_107 = arith.constant 0 : i32
      %dma_start3A_108 = tpu.memref_slice %arg7[%dma_start3A_106, %dma_start3A_107] : memref<8x128xi32, #tpu.memory_space<vmem>> -> memref<1x128xi32, #tpu.memory_space<vmem>>
      %dma_start3A_109 = tpu.memref_squeeze %dma_start3A_108 : memref<1x128xi32, #tpu.memory_space<vmem>> -> memref<128xi32, #tpu.memory_space<vmem>>
      %dma_start3A_110 = arith.constant 0 : i32
      %dma_start3A_111 = arith.constant 0 : i32
      %dma_start3A_112 = tpu.memref_slice %arg4[%dma_start3A_110, %dma_start3A_111] : memref<100000x128xf32, #tpu.memory_space<hbm>> -> memref<100000x128xf32, #tpu.memory_space<hbm>>
      tpu.enqueue_indirect_dma source(%dma_start3A_112 : memref<100000x128xf32, #tpu.memory_space<hbm>>) target(%arg9 : memref<128x128xf32, #tpu.memory_space<vmem>>) offsets(%dma_start3A_109 : memref<128xi32, #tpu.memory_space<vmem>>) semaphore(%arg11 : memref<!tpu.dma_semaphore, #tpu.memory_space<semaphore_mem>>)
      %dma_wait3A_113 = arith.constant 6 : i32
      %dma_wait3A_114 = arith.constant 0 : i32
      %dma_wait3A_115 = tpu.memref_slice %arg7[%dma_wait3A_113, %dma_wait3A_114] : memref<8x128xi32, #tpu.memory_space<vmem>> -> memref<1x128xi32, #tpu.memory_space<vmem>>
      %dma_wait3A_116 = tpu.memref_squeeze %dma_wait3A_115 : memref<1x128xi32, #tpu.memory_space<vmem>> -> memref<128xi32, #tpu.memory_space<vmem>>
      %dma_wait3A_117 = arith.constant 0 : i32
      %dma_wait3A_118 = arith.constant 0 : i32
      %dma_wait3A_119 = tpu.memref_slice %arg4[%dma_wait3A_117, %dma_wait3A_118] : memref<100000x128xf32, #tpu.memory_space<hbm>> -> memref<100000x128xf32, #tpu.memory_space<hbm>>
      tpu.wait_indirect_dma semaphore(%arg11 : memref<!tpu.dma_semaphore, #tpu.memory_space<semaphore_mem>>) src(%dma_wait3A_119 : memref<100000x128xf32, #tpu.memory_space<hbm>>) dst(%arg9 : memref<128x128xf32, #tpu.memory_space<vmem>>)
      %run_scoped3A_120 = arith.constant 6 : i32
      "tpu.region"() ({
        %run_scoped3A_136 = tpu.sem_alloc : memref<!tpu.dma_semaphore, #tpu.memory_space<semaphore_mem>>
        %dma_start3A_137 = arith.constant 0 : i32
        %dma_start3A_138 = tpu.memref_slice %arg8[%run_scoped3A_120, %dma_start3A_137] : memref<8x128xi32, #tpu.memory_space<vmem>> -> memref<1x128xi32, #tpu.memory_space<vmem>>
        %dma_start3A_139 = tpu.memref_squeeze %dma_start3A_138 : memref<1x128xi32, #tpu.memory_space<vmem>> -> memref<128xi32, #tpu.memory_space<vmem>>
        %dma_start3A_140 = arith.constant 0 : i32
        %dma_start3A_141 = arith.constant 0 : i32
        %dma_start3A_142 = tpu.memref_slice %arg10[%dma_start3A_140, %dma_start3A_141] : memref<12544x128xf32, #tpu.memory_space<vmem_shared>> -> memref<12544x128xf32, #tpu.memory_space<vmem_shared>>
        tpu.enqueue_indirect_dma source(%arg9 : memref<128x128xf32, #tpu.memory_space<vmem>>) target(%dma_start3A_142 : memref<12544x128xf32, #tpu.memory_space<vmem_shared>>) offsets(%dma_start3A_139 : memref<128xi32, #tpu.memory_space<vmem>>) semaphore(%run_scoped3A_136 : memref<!tpu.dma_semaphore, #tpu.memory_space<semaphore_mem>>) {add = true}
        %dma_wait3A_143 = arith.constant 0 : i32
        %dma_wait3A_144 = tpu.memref_slice %arg8[%run_scoped3A_120, %dma_wait3A_143] : memref<8x128xi32, #tpu.memory_space<vmem>> -> memref<1x128xi32, #tpu.memory_space<vmem>>
        %dma_wait3A_145 = tpu.memref_squeeze %dma_wait3A_144 : memref<1x128xi32, #tpu.memory_space<vmem>> -> memref<128xi32, #tpu.memory_space<vmem>>
        %dma_wait3A_146 = arith.constant 0 : i32
        %dma_wait3A_147 = arith.constant 0 : i32
        %dma_wait3A_148 = tpu.memref_slice %arg10[%dma_wait3A_146, %dma_wait3A_147] : memref<12544x128xf32, #tpu.memory_space<vmem_shared>> -> memref<12544x128xf32, #tpu.memory_space<vmem_shared>>
        tpu.wait_indirect_dma semaphore(%run_scoped3A_136 : memref<!tpu.dma_semaphore, #tpu.memory_space<semaphore_mem>>) src(%arg9 : memref<128x128xf32, #tpu.memory_space<vmem>>) dst(%dma_wait3A_148 : memref<12544x128xf32, #tpu.memory_space<vmem_shared>>)
        tpu.yield
      }) : () -> ()
      %dma_start3A_121 = arith.constant 7 : i32
      %dma_start3A_122 = arith.constant 0 : i32
      %dma_start3A_123 = tpu.memref_slice %arg7[%dma_start3A_121, %dma_start3A_122] : memref<8x128xi32, #tpu.memory_space<vmem>> -> memref<1x128xi32, #tpu.memory_space<vmem>>
      %dma_start3A_124 = tpu.memref_squeeze %dma_start3A_123 : memref<1x128xi32, #tpu.memory_space<vmem>> -> memref<128xi32, #tpu.memory_space<vmem>>
      %dma_start3A_125 = arith.constant 0 : i32
      %dma_start3A_126 = arith.constant 0 : i32
      %dma_start3A_127 = tpu.memref_slice %arg4[%dma_start3A_125, %dma_start3A_126] : memref<100000x128xf32, #tpu.memory_space<hbm>> -> memref<100000x128xf32, #tpu.memory_space<hbm>>
      tpu.enqueue_indirect_dma source(%dma_start3A_127 : memref<100000x128xf32, #tpu.memory_space<hbm>>) target(%arg9 : memref<128x128xf32, #tpu.memory_space<vmem>>) offsets(%dma_start3A_124 : memref<128xi32, #tpu.memory_space<vmem>>) semaphore(%arg11 : memref<!tpu.dma_semaphore, #tpu.memory_space<semaphore_mem>>)
      %dma_wait3A_128 = arith.constant 7 : i32
      %dma_wait3A_129 = arith.constant 0 : i32
      %dma_wait3A_130 = tpu.memref_slice %arg7[%dma_wait3A_128, %dma_wait3A_129] : memref<8x128xi32, #tpu.memory_space<vmem>> -> memref<1x128xi32, #tpu.memory_space<vmem>>
      %dma_wait3A_131 = tpu.memref_squeeze %dma_wait3A_130 : memref<1x128xi32, #tpu.memory_space<vmem>> -> memref<128xi32, #tpu.memory_space<vmem>>
      %dma_wait3A_132 = arith.constant 0 : i32
      %dma_wait3A_133 = arith.constant 0 : i32
      %dma_wait3A_134 = tpu.memref_slice %arg4[%dma_wait3A_132, %dma_wait3A_133] : memref<100000x128xf32, #tpu.memory_space<hbm>> -> memref<100000x128xf32, #tpu.memory_space<hbm>>
      tpu.wait_indirect_dma semaphore(%arg11 : memref<!tpu.dma_semaphore, #tpu.memory_space<semaphore_mem>>) src(%dma_wait3A_134 : memref<100000x128xf32, #tpu.memory_space<hbm>>) dst(%arg9 : memref<128x128xf32, #tpu.memory_space<vmem>>)
      %run_scoped3A_135 = arith.constant 7 : i32
      "tpu.region"() ({
        %run_scoped3A_136 = tpu.sem_alloc : memref<!tpu.dma_semaphore, #tpu.memory_space<semaphore_mem>>
        %dma_start3A_137 = arith.constant 0 : i32
        %dma_start3A_138 = tpu.memref_slice %arg8[%run_scoped3A_135, %dma_start3A_137] : memref<8x128xi32, #tpu.memory_space<vmem>> -> memref<1x128xi32, #tpu.memory_space<vmem>>
        %dma_start3A_139 = tpu.memref_squeeze %dma_start3A_138 : memref<1x128xi32, #tpu.memory_space<vmem>> -> memref<128xi32, #tpu.memory_space<vmem>>
        %dma_start3A_140 = arith.constant 0 : i32
        %dma_start3A_141 = arith.constant 0 : i32
        %dma_start3A_142 = tpu.memref_slice %arg10[%dma_start3A_140, %dma_start3A_141] : memref<12544x128xf32, #tpu.memory_space<vmem_shared>> -> memref<12544x128xf32, #tpu.memory_space<vmem_shared>>
        tpu.enqueue_indirect_dma source(%arg9 : memref<128x128xf32, #tpu.memory_space<vmem>>) target(%dma_start3A_142 : memref<12544x128xf32, #tpu.memory_space<vmem_shared>>) offsets(%dma_start3A_139 : memref<128xi32, #tpu.memory_space<vmem>>) semaphore(%run_scoped3A_136 : memref<!tpu.dma_semaphore, #tpu.memory_space<semaphore_mem>>) {add = true}
        %dma_wait3A_143 = arith.constant 0 : i32
        %dma_wait3A_144 = tpu.memref_slice %arg8[%run_scoped3A_135, %dma_wait3A_143] : memref<8x128xi32, #tpu.memory_space<vmem>> -> memref<1x128xi32, #tpu.memory_space<vmem>>
        %dma_wait3A_145 = tpu.memref_squeeze %dma_wait3A_144 : memref<1x128xi32, #tpu.memory_space<vmem>> -> memref<128xi32, #tpu.memory_space<vmem>>
        %dma_wait3A_146 = arith.constant 0 : i32
        %dma_wait3A_147 = arith.constant 0 : i32
        %dma_wait3A_148 = tpu.memref_slice %arg10[%dma_wait3A_146, %dma_wait3A_147] : memref<12544x128xf32, #tpu.memory_space<vmem_shared>> -> memref<12544x128xf32, #tpu.memory_space<vmem_shared>>
        tpu.wait_indirect_dma semaphore(%run_scoped3A_136 : memref<!tpu.dma_semaphore, #tpu.memory_space<semaphore_mem>>) src(%arg9 : memref<128x128xf32, #tpu.memory_space<vmem>>) dst(%dma_wait3A_148 : memref<12544x128xf32, #tpu.memory_space<vmem_shared>>)
        tpu.yield
      }) : () -> ()
    }
    %scan3A_6 = arith.constant 49 : i32
    %barrier3A_7 = arith.constant 0 : index
    tpu.barrier barrier_id(%barrier3A_7)
    %mul3A_8 = arith.constant 784 : i32
    %mul3A_9 = arith.muli %arg1, %mul3A_8 : i32
    %mul3A_10 = arith.constant 784 : i32
    %mul3A_11 = arith.muli %arg1, %mul3A_10 : i32
    "tpu.region"() ({
      %run_scoped3A = tpu.sem_alloc : memref<!tpu.dma_semaphore, #tpu.memory_space<semaphore_mem>>
      %dma_start3A = arith.constant 0 : i32
      %dma_start3A_12 = tpu.memref_slice %arg6[%arg0, %mul3A_11, %dma_start3A] : memref<2x12544x128xf32, #tpu.memory_space<hbm>> -> memref<1x784x128xf32, #tpu.memory_space<hbm>>
      %dma_start3A_13 = tpu.memref_squeeze %dma_start3A_12 : memref<1x784x128xf32, #tpu.memory_space<hbm>> -> memref<784x128xf32, #tpu.memory_space<hbm>>
      %dma_start3A_14 = arith.constant 0 : i32
      %dma_start3A_15 = tpu.memref_slice %arg10[%mul3A_9, %dma_start3A_14] : memref<12544x128xf32, #tpu.memory_space<vmem_shared>> -> memref<784x128xf32, #tpu.memory_space<vmem_shared>>
      tpu.enqueue_dma source(%dma_start3A_15 : memref<784x128xf32, #tpu.memory_space<vmem_shared>>) target(%dma_start3A_13 : memref<784x128xf32, #tpu.memory_space<hbm>>) target_semaphore(%run_scoped3A : memref<!tpu.dma_semaphore, #tpu.memory_space<semaphore_mem>>)
      %dma_wait3A = arith.constant 0 : i32
      %dma_wait3A_16 = tpu.memref_slice %arg6[%arg0, %mul3A_11, %dma_wait3A] : memref<2x12544x128xf32, #tpu.memory_space<hbm>> -> memref<1x784x128xf32, #tpu.memory_space<hbm>>
      %dma_wait3A_17 = tpu.memref_squeeze %dma_wait3A_16 : memref<1x784x128xf32, #tpu.memory_space<hbm>> -> memref<784x128xf32, #tpu.memory_space<hbm>>
      %dma_wait3A_18 = arith.constant 0 : i32
      %dma_wait3A_19 = tpu.memref_slice %arg10[%mul3A_9, %dma_wait3A_18] : memref<12544x128xf32, #tpu.memory_space<vmem_shared>> -> memref<784x128xf32, #tpu.memory_space<vmem_shared>>
      tpu.wait_dma2 semaphore(%run_scoped3A : memref<!tpu.dma_semaphore, #tpu.memory_space<semaphore_mem>>) src(%dma_wait3A_19 : memref<784x128xf32, #tpu.memory_space<vmem_shared>>) dst(%dma_wait3A_17 : memref<784x128xf32, #tpu.memory_space<hbm>>)
      tpu.yield
    }) : () -> ()
    return
  }
}

#map = affine_map<(d0, d1) -> (0, 0)>
#map1 = affine_map<(d0, d1) -> (0, 0, 0)>
module attributes {stable_mosaic.version = 14 : i64} {
  func.func @_sc_aggregate(%arg0: i32, %arg1: i32, %arg2: memref<6272x128xi32, #tpu.memory_space<hbm>>, %arg3: memref<2x6272x128xi32, #tpu.memory_space<hbm>>, %arg4: memref<100000x128xf32, #tpu.memory_space<hbm>>, %arg5: memref<784x128xf32, #tpu.memory_space<hbm>>, %arg6: memref<2x12544x128xf32, #tpu.memory_space<hbm>>, %arg7: memref<8x128xi32, #tpu.memory_space<vmem>>, %arg8: memref<8x128xi32, #tpu.memory_space<vmem>>, %arg9: memref<128x128xf32, #tpu.memory_space<vmem>>, %arg10: memref<12544x128xf32, #tpu.memory_space<vmem_shared>>, %arg11: memref<!tpu.dma_semaphore, #tpu.memory_space<semaphore_mem>>) attributes {dimension_semantics = [#tpu.dimension_semantics<core_parallel>, #tpu.dimension_semantics<subcore_parallel>], iteration_bounds = array<i64: 2, 16>, scalar_prefetch = 0 : i64, scratch_operands = 5 : i64, tpu.core_type = #tpu.core_type<sc_vector_subcore>, window_params = [{transform_indices = #map}, {transform_indices = #map1}, {transform_indices = #map}, {transform_indices = #map}, {transform_indices = #map1}]} {
    %mul3A = arith.constant 784 : i32
    %mul3A_0 = arith.muli %arg1, %mul3A : i32
    "tpu.region"() ({
      %run_scoped3A = tpu.sem_alloc : memref<!tpu.dma_semaphore, #tpu.memory_space<semaphore_mem>>
      %dma_start3A = arith.constant 0 : i32
      %dma_start3A_12 = tpu.memref_slice %arg10[%mul3A_0, %dma_start3A] : memref<12544x128xf32, #tpu.memory_space<vmem_shared>> -> memref<784x128xf32, #tpu.memory_space<vmem_shared>>
      tpu.enqueue_dma source(%arg5 : memref<784x128xf32, #tpu.memory_space<hbm>>) target(%dma_start3A_12 : memref<784x128xf32, #tpu.memory_space<vmem_shared>>) target_semaphore(%run_scoped3A : memref<!tpu.dma_semaphore, #tpu.memory_space<semaphore_mem>>)
      %dma_wait3A = arith.constant 0 : i32
      %dma_wait3A_13 = tpu.memref_slice %arg10[%mul3A_0, %dma_wait3A] : memref<12544x128xf32, #tpu.memory_space<vmem_shared>> -> memref<784x128xf32, #tpu.memory_space<vmem_shared>>
      tpu.wait_dma2 semaphore(%run_scoped3A : memref<!tpu.dma_semaphore, #tpu.memory_space<semaphore_mem>>) src(%arg5 : memref<784x128xf32, #tpu.memory_space<hbm>>) dst(%dma_wait3A_13 : memref<784x128xf32, #tpu.memory_space<vmem_shared>>)
      tpu.yield
    }) : () -> ()
    %barrier3A = arith.constant 0 : index
    tpu.barrier barrier_id(%barrier3A)
    %mul3A_1 = arith.constant 392 : i32
    %mul3A_2 = arith.muli %arg1, %mul3A_1 : i32
    %scan3A = arith.constant 0 : i32
    %scan3A_3 = arith.constant 49 : i32
    %scan3A_4 = arith.addi %scan3A, %scan3A_3 : i32
    %scan3A_5 = arith.constant 1 : i32
    scf.for %scan3A_12 = %scan3A to %scan3A_4 step %scan3A_5  : i32 {
      %mul3A_13 = arith.constant 1 : i32
      %mul3A_14 = arith.muli %scan3A_12, %mul3A_13 : i32
      %add3A = arith.constant 0 : i32
      %add3A_15 = arith.addi %add3A, %mul3A_14 : i32
      %mul3A_16 = arith.constant 8 : i32
      %mul3A_17 = arith.muli %add3A_15, %mul3A_16 : i32
      %add3A_18 = arith.addi %mul3A_2, %mul3A_17 : i32
      "tpu.region"() ({
        %run_scoped3A_136 = tpu.sem_alloc : memref<!tpu.dma_semaphore, #tpu.memory_space<semaphore_mem>>
        %dma_start3A_137 = arith.constant 0 : i32
        %dma_start3A_138 = tpu.memref_slice %arg2[%add3A_18, %dma_start3A_137] : memref<6272x128xi32, #tpu.memory_space<hbm>> -> memref<8x128xi32, #tpu.memory_space<hbm>>
        %dma_start3A_139 = arith.constant 0 : i32
        %dma_start3A_140 = tpu.memref_slice %arg2[%add3A_18, %dma_start3A_139] : memref<6272x128xi32, #tpu.memory_space<hbm>> -> memref<8x128xi32, #tpu.memory_space<hbm>>
        tpu.enqueue_dma source(%dma_start3A_140 : memref<8x128xi32, #tpu.memory_space<hbm>>) target(%arg7 : memref<8x128xi32, #tpu.memory_space<vmem>>) target_semaphore(%run_scoped3A_136 : memref<!tpu.dma_semaphore, #tpu.memory_space<semaphore_mem>>)
        %dma_wait3A_141 = arith.constant 0 : i32
        %dma_wait3A_142 = tpu.memref_slice %arg2[%add3A_18, %dma_wait3A_141] : memref<6272x128xi32, #tpu.memory_space<hbm>> -> memref<8x128xi32, #tpu.memory_space<hbm>>
        %dma_wait3A_143 = arith.constant 0 : i32
        %dma_wait3A_144 = tpu.memref_slice %arg2[%add3A_18, %dma_wait3A_143] : memref<6272x128xi32, #tpu.memory_space<hbm>> -> memref<8x128xi32, #tpu.memory_space<hbm>>
        tpu.wait_dma2 semaphore(%run_scoped3A_136 : memref<!tpu.dma_semaphore, #tpu.memory_space<semaphore_mem>>) src(%dma_wait3A_144 : memref<8x128xi32, #tpu.memory_space<hbm>>) dst(%arg7 : memref<8x128xi32, #tpu.memory_space<vmem>>)
        tpu.yield
      }) : () -> ()
      "tpu.region"() ({
        %run_scoped3A_136 = tpu.sem_alloc : memref<!tpu.dma_semaphore, #tpu.memory_space<semaphore_mem>>
        %dma_start3A_137 = arith.constant 0 : i32
        %dma_start3A_138 = tpu.memref_slice %arg3[%arg0, %add3A_18, %dma_start3A_137] : memref<2x6272x128xi32, #tpu.memory_space<hbm>> -> memref<1x8x128xi32, #tpu.memory_space<hbm>>
        %dma_start3A_139 = tpu.memref_squeeze %dma_start3A_138 : memref<1x8x128xi32, #tpu.memory_space<hbm>> -> memref<8x128xi32, #tpu.memory_space<hbm>>
        %dma_start3A_140 = arith.constant 0 : i32
        %dma_start3A_141 = tpu.memref_slice %arg3[%arg0, %add3A_18, %dma_start3A_140] : memref<2x6272x128xi32, #tpu.memory_space<hbm>> -> memref<1x8x128xi32, #tpu.memory_space<hbm>>
        %dma_start3A_142 = tpu.memref_squeeze %dma_start3A_141 : memref<1x8x128xi32, #tpu.memory_space<hbm>> -> memref<8x128xi32, #tpu.memory_space<hbm>>
        tpu.enqueue_dma source(%dma_start3A_142 : memref<8x128xi32, #tpu.memory_space<hbm>>) target(%arg8 : memref<8x128xi32, #tpu.memory_space<vmem>>) target_semaphore(%run_scoped3A_136 : memref<!tpu.dma_semaphore, #tpu.memory_space<semaphore_mem>>)
        %dma_wait3A_143 = arith.constant 0 : i32
        %dma_wait3A_144 = tpu.memref_slice %arg3[%arg0, %add3A_18, %dma_wait3A_143] : memref<2x6272x128xi32, #tpu.memory_space<hbm>> -> memref<1x8x128xi32, #tpu.memory_space<hbm>>
        %dma_wait3A_145 = tpu.memref_squeeze %dma_wait3A_144 : memref<1x8x128xi32, #tpu.memory_space<hbm>> -> memref<8x128xi32, #tpu.memory_space<hbm>>
        %dma_wait3A_146 = arith.constant 0 : i32
        %dma_wait3A_147 = tpu.memref_slice %arg3[%arg0, %add3A_18, %dma_wait3A_146] : memref<2x6272x128xi32, #tpu.memory_space<hbm>> -> memref<1x8x128xi32, #tpu.memory_space<hbm>>
        %dma_wait3A_148 = tpu.memref_squeeze %dma_wait3A_147 : memref<1x8x128xi32, #tpu.memory_space<hbm>> -> memref<8x128xi32, #tpu.memory_space<hbm>>
        tpu.wait_dma2 semaphore(%run_scoped3A_136 : memref<!tpu.dma_semaphore, #tpu.memory_space<semaphore_mem>>) src(%dma_wait3A_148 : memref<8x128xi32, #tpu.memory_space<hbm>>) dst(%arg8 : memref<8x128xi32, #tpu.memory_space<vmem>>)
        tpu.yield
      }) : () -> ()
      %dma_start3A = arith.constant 0 : i32
      %dma_start3A_19 = arith.constant 0 : i32
      %dma_start3A_20 = tpu.memref_slice %arg7[%dma_start3A, %dma_start3A_19] : memref<8x128xi32, #tpu.memory_space<vmem>> -> memref<1x128xi32, #tpu.memory_space<vmem>>
      %dma_start3A_21 = tpu.memref_squeeze %dma_start3A_20 : memref<1x128xi32, #tpu.memory_space<vmem>> -> memref<128xi32, #tpu.memory_space<vmem>>
      %dma_start3A_22 = arith.constant 0 : i32
      %dma_start3A_23 = arith.constant 0 : i32
      %dma_start3A_24 = tpu.memref_slice %arg4[%dma_start3A_22, %dma_start3A_23] : memref<100000x128xf32, #tpu.memory_space<hbm>> -> memref<100000x128xf32, #tpu.memory_space<hbm>>
      tpu.enqueue_indirect_dma source(%dma_start3A_24 : memref<100000x128xf32, #tpu.memory_space<hbm>>) target(%arg9 : memref<128x128xf32, #tpu.memory_space<vmem>>) offsets(%dma_start3A_21 : memref<128xi32, #tpu.memory_space<vmem>>) semaphore(%arg11 : memref<!tpu.dma_semaphore, #tpu.memory_space<semaphore_mem>>)
      %dma_wait3A = arith.constant 0 : i32
      %dma_wait3A_25 = arith.constant 0 : i32
      %dma_wait3A_26 = tpu.memref_slice %arg7[%dma_wait3A, %dma_wait3A_25] : memref<8x128xi32, #tpu.memory_space<vmem>> -> memref<1x128xi32, #tpu.memory_space<vmem>>
      %dma_wait3A_27 = tpu.memref_squeeze %dma_wait3A_26 : memref<1x128xi32, #tpu.memory_space<vmem>> -> memref<128xi32, #tpu.memory_space<vmem>>
      %dma_wait3A_28 = arith.constant 0 : i32
      %dma_wait3A_29 = arith.constant 0 : i32
      %dma_wait3A_30 = tpu.memref_slice %arg4[%dma_wait3A_28, %dma_wait3A_29] : memref<100000x128xf32, #tpu.memory_space<hbm>> -> memref<100000x128xf32, #tpu.memory_space<hbm>>
      tpu.wait_indirect_dma semaphore(%arg11 : memref<!tpu.dma_semaphore, #tpu.memory_space<semaphore_mem>>) src(%dma_wait3A_30 : memref<100000x128xf32, #tpu.memory_space<hbm>>) dst(%arg9 : memref<128x128xf32, #tpu.memory_space<vmem>>)
      %run_scoped3A = arith.constant 0 : i32
      "tpu.region"() ({
        %run_scoped3A_136 = tpu.sem_alloc : memref<!tpu.dma_semaphore, #tpu.memory_space<semaphore_mem>>
        %dma_start3A_137 = arith.constant 0 : i32
        %dma_start3A_138 = tpu.memref_slice %arg8[%run_scoped3A, %dma_start3A_137] : memref<8x128xi32, #tpu.memory_space<vmem>> -> memref<1x128xi32, #tpu.memory_space<vmem>>
        %dma_start3A_139 = tpu.memref_squeeze %dma_start3A_138 : memref<1x128xi32, #tpu.memory_space<vmem>> -> memref<128xi32, #tpu.memory_space<vmem>>
        %dma_start3A_140 = arith.constant 0 : i32
        %dma_start3A_141 = arith.constant 0 : i32
        %dma_start3A_142 = tpu.memref_slice %arg10[%dma_start3A_140, %dma_start3A_141] : memref<12544x128xf32, #tpu.memory_space<vmem_shared>> -> memref<12544x128xf32, #tpu.memory_space<vmem_shared>>
        tpu.enqueue_indirect_dma source(%arg9 : memref<128x128xf32, #tpu.memory_space<vmem>>) target(%dma_start3A_142 : memref<12544x128xf32, #tpu.memory_space<vmem_shared>>) offsets(%dma_start3A_139 : memref<128xi32, #tpu.memory_space<vmem>>) semaphore(%run_scoped3A_136 : memref<!tpu.dma_semaphore, #tpu.memory_space<semaphore_mem>>) {add = true}
        %dma_wait3A_143 = arith.constant 0 : i32
        %dma_wait3A_144 = tpu.memref_slice %arg8[%run_scoped3A, %dma_wait3A_143] : memref<8x128xi32, #tpu.memory_space<vmem>> -> memref<1x128xi32, #tpu.memory_space<vmem>>
        %dma_wait3A_145 = tpu.memref_squeeze %dma_wait3A_144 : memref<1x128xi32, #tpu.memory_space<vmem>> -> memref<128xi32, #tpu.memory_space<vmem>>
        %dma_wait3A_146 = arith.constant 0 : i32
        %dma_wait3A_147 = arith.constant 0 : i32
        %dma_wait3A_148 = tpu.memref_slice %arg10[%dma_wait3A_146, %dma_wait3A_147] : memref<12544x128xf32, #tpu.memory_space<vmem_shared>> -> memref<12544x128xf32, #tpu.memory_space<vmem_shared>>
        tpu.wait_indirect_dma semaphore(%run_scoped3A_136 : memref<!tpu.dma_semaphore, #tpu.memory_space<semaphore_mem>>) src(%arg9 : memref<128x128xf32, #tpu.memory_space<vmem>>) dst(%dma_wait3A_148 : memref<12544x128xf32, #tpu.memory_space<vmem_shared>>)
        tpu.yield
      }) : () -> ()
      %dma_start3A_31 = arith.constant 1 : i32
      %dma_start3A_32 = arith.constant 0 : i32
      %dma_start3A_33 = tpu.memref_slice %arg7[%dma_start3A_31, %dma_start3A_32] : memref<8x128xi32, #tpu.memory_space<vmem>> -> memref<1x128xi32, #tpu.memory_space<vmem>>
      %dma_start3A_34 = tpu.memref_squeeze %dma_start3A_33 : memref<1x128xi32, #tpu.memory_space<vmem>> -> memref<128xi32, #tpu.memory_space<vmem>>
      %dma_start3A_35 = arith.constant 0 : i32
      %dma_start3A_36 = arith.constant 0 : i32
      %dma_start3A_37 = tpu.memref_slice %arg4[%dma_start3A_35, %dma_start3A_36] : memref<100000x128xf32, #tpu.memory_space<hbm>> -> memref<100000x128xf32, #tpu.memory_space<hbm>>
      tpu.enqueue_indirect_dma source(%dma_start3A_37 : memref<100000x128xf32, #tpu.memory_space<hbm>>) target(%arg9 : memref<128x128xf32, #tpu.memory_space<vmem>>) offsets(%dma_start3A_34 : memref<128xi32, #tpu.memory_space<vmem>>) semaphore(%arg11 : memref<!tpu.dma_semaphore, #tpu.memory_space<semaphore_mem>>)
      %dma_wait3A_38 = arith.constant 1 : i32
      %dma_wait3A_39 = arith.constant 0 : i32
      %dma_wait3A_40 = tpu.memref_slice %arg7[%dma_wait3A_38, %dma_wait3A_39] : memref<8x128xi32, #tpu.memory_space<vmem>> -> memref<1x128xi32, #tpu.memory_space<vmem>>
      %dma_wait3A_41 = tpu.memref_squeeze %dma_wait3A_40 : memref<1x128xi32, #tpu.memory_space<vmem>> -> memref<128xi32, #tpu.memory_space<vmem>>
      %dma_wait3A_42 = arith.constant 0 : i32
      %dma_wait3A_43 = arith.constant 0 : i32
      %dma_wait3A_44 = tpu.memref_slice %arg4[%dma_wait3A_42, %dma_wait3A_43] : memref<100000x128xf32, #tpu.memory_space<hbm>> -> memref<100000x128xf32, #tpu.memory_space<hbm>>
      tpu.wait_indirect_dma semaphore(%arg11 : memref<!tpu.dma_semaphore, #tpu.memory_space<semaphore_mem>>) src(%dma_wait3A_44 : memref<100000x128xf32, #tpu.memory_space<hbm>>) dst(%arg9 : memref<128x128xf32, #tpu.memory_space<vmem>>)
      %run_scoped3A_45 = arith.constant 1 : i32
      "tpu.region"() ({
        %run_scoped3A_136 = tpu.sem_alloc : memref<!tpu.dma_semaphore, #tpu.memory_space<semaphore_mem>>
        %dma_start3A_137 = arith.constant 0 : i32
        %dma_start3A_138 = tpu.memref_slice %arg8[%run_scoped3A_45, %dma_start3A_137] : memref<8x128xi32, #tpu.memory_space<vmem>> -> memref<1x128xi32, #tpu.memory_space<vmem>>
        %dma_start3A_139 = tpu.memref_squeeze %dma_start3A_138 : memref<1x128xi32, #tpu.memory_space<vmem>> -> memref<128xi32, #tpu.memory_space<vmem>>
        %dma_start3A_140 = arith.constant 0 : i32
        %dma_start3A_141 = arith.constant 0 : i32
        %dma_start3A_142 = tpu.memref_slice %arg10[%dma_start3A_140, %dma_start3A_141] : memref<12544x128xf32, #tpu.memory_space<vmem_shared>> -> memref<12544x128xf32, #tpu.memory_space<vmem_shared>>
        tpu.enqueue_indirect_dma source(%arg9 : memref<128x128xf32, #tpu.memory_space<vmem>>) target(%dma_start3A_142 : memref<12544x128xf32, #tpu.memory_space<vmem_shared>>) offsets(%dma_start3A_139 : memref<128xi32, #tpu.memory_space<vmem>>) semaphore(%run_scoped3A_136 : memref<!tpu.dma_semaphore, #tpu.memory_space<semaphore_mem>>) {add = true}
        %dma_wait3A_143 = arith.constant 0 : i32
        %dma_wait3A_144 = tpu.memref_slice %arg8[%run_scoped3A_45, %dma_wait3A_143] : memref<8x128xi32, #tpu.memory_space<vmem>> -> memref<1x128xi32, #tpu.memory_space<vmem>>
        %dma_wait3A_145 = tpu.memref_squeeze %dma_wait3A_144 : memref<1x128xi32, #tpu.memory_space<vmem>> -> memref<128xi32, #tpu.memory_space<vmem>>
        %dma_wait3A_146 = arith.constant 0 : i32
        %dma_wait3A_147 = arith.constant 0 : i32
        %dma_wait3A_148 = tpu.memref_slice %arg10[%dma_wait3A_146, %dma_wait3A_147] : memref<12544x128xf32, #tpu.memory_space<vmem_shared>> -> memref<12544x128xf32, #tpu.memory_space<vmem_shared>>
        tpu.wait_indirect_dma semaphore(%run_scoped3A_136 : memref<!tpu.dma_semaphore, #tpu.memory_space<semaphore_mem>>) src(%arg9 : memref<128x128xf32, #tpu.memory_space<vmem>>) dst(%dma_wait3A_148 : memref<12544x128xf32, #tpu.memory_space<vmem_shared>>)
        tpu.yield
      }) : () -> ()
      %dma_start3A_46 = arith.constant 2 : i32
      %dma_start3A_47 = arith.constant 0 : i32
      %dma_start3A_48 = tpu.memref_slice %arg7[%dma_start3A_46, %dma_start3A_47] : memref<8x128xi32, #tpu.memory_space<vmem>> -> memref<1x128xi32, #tpu.memory_space<vmem>>
      %dma_start3A_49 = tpu.memref_squeeze %dma_start3A_48 : memref<1x128xi32, #tpu.memory_space<vmem>> -> memref<128xi32, #tpu.memory_space<vmem>>
      %dma_start3A_50 = arith.constant 0 : i32
      %dma_start3A_51 = arith.constant 0 : i32
      %dma_start3A_52 = tpu.memref_slice %arg4[%dma_start3A_50, %dma_start3A_51] : memref<100000x128xf32, #tpu.memory_space<hbm>> -> memref<100000x128xf32, #tpu.memory_space<hbm>>
      tpu.enqueue_indirect_dma source(%dma_start3A_52 : memref<100000x128xf32, #tpu.memory_space<hbm>>) target(%arg9 : memref<128x128xf32, #tpu.memory_space<vmem>>) offsets(%dma_start3A_49 : memref<128xi32, #tpu.memory_space<vmem>>) semaphore(%arg11 : memref<!tpu.dma_semaphore, #tpu.memory_space<semaphore_mem>>)
      %dma_wait3A_53 = arith.constant 2 : i32
      %dma_wait3A_54 = arith.constant 0 : i32
      %dma_wait3A_55 = tpu.memref_slice %arg7[%dma_wait3A_53, %dma_wait3A_54] : memref<8x128xi32, #tpu.memory_space<vmem>> -> memref<1x128xi32, #tpu.memory_space<vmem>>
      %dma_wait3A_56 = tpu.memref_squeeze %dma_wait3A_55 : memref<1x128xi32, #tpu.memory_space<vmem>> -> memref<128xi32, #tpu.memory_space<vmem>>
      %dma_wait3A_57 = arith.constant 0 : i32
      %dma_wait3A_58 = arith.constant 0 : i32
      %dma_wait3A_59 = tpu.memref_slice %arg4[%dma_wait3A_57, %dma_wait3A_58] : memref<100000x128xf32, #tpu.memory_space<hbm>> -> memref<100000x128xf32, #tpu.memory_space<hbm>>
      tpu.wait_indirect_dma semaphore(%arg11 : memref<!tpu.dma_semaphore, #tpu.memory_space<semaphore_mem>>) src(%dma_wait3A_59 : memref<100000x128xf32, #tpu.memory_space<hbm>>) dst(%arg9 : memref<128x128xf32, #tpu.memory_space<vmem>>)
      %run_scoped3A_60 = arith.constant 2 : i32
      "tpu.region"() ({
        %run_scoped3A_136 = tpu.sem_alloc : memref<!tpu.dma_semaphore, #tpu.memory_space<semaphore_mem>>
        %dma_start3A_137 = arith.constant 0 : i32
        %dma_start3A_138 = tpu.memref_slice %arg8[%run_scoped3A_60, %dma_start3A_137] : memref<8x128xi32, #tpu.memory_space<vmem>> -> memref<1x128xi32, #tpu.memory_space<vmem>>
        %dma_start3A_139 = tpu.memref_squeeze %dma_start3A_138 : memref<1x128xi32, #tpu.memory_space<vmem>> -> memref<128xi32, #tpu.memory_space<vmem>>
        %dma_start3A_140 = arith.constant 0 : i32
        %dma_start3A_141 = arith.constant 0 : i32
        %dma_start3A_142 = tpu.memref_slice %arg10[%dma_start3A_140, %dma_start3A_141] : memref<12544x128xf32, #tpu.memory_space<vmem_shared>> -> memref<12544x128xf32, #tpu.memory_space<vmem_shared>>
        tpu.enqueue_indirect_dma source(%arg9 : memref<128x128xf32, #tpu.memory_space<vmem>>) target(%dma_start3A_142 : memref<12544x128xf32, #tpu.memory_space<vmem_shared>>) offsets(%dma_start3A_139 : memref<128xi32, #tpu.memory_space<vmem>>) semaphore(%run_scoped3A_136 : memref<!tpu.dma_semaphore, #tpu.memory_space<semaphore_mem>>) {add = true}
        %dma_wait3A_143 = arith.constant 0 : i32
        %dma_wait3A_144 = tpu.memref_slice %arg8[%run_scoped3A_60, %dma_wait3A_143] : memref<8x128xi32, #tpu.memory_space<vmem>> -> memref<1x128xi32, #tpu.memory_space<vmem>>
        %dma_wait3A_145 = tpu.memref_squeeze %dma_wait3A_144 : memref<1x128xi32, #tpu.memory_space<vmem>> -> memref<128xi32, #tpu.memory_space<vmem>>
        %dma_wait3A_146 = arith.constant 0 : i32
        %dma_wait3A_147 = arith.constant 0 : i32
        %dma_wait3A_148 = tpu.memref_slice %arg10[%dma_wait3A_146, %dma_wait3A_147] : memref<12544x128xf32, #tpu.memory_space<vmem_shared>> -> memref<12544x128xf32, #tpu.memory_space<vmem_shared>>
        tpu.wait_indirect_dma semaphore(%run_scoped3A_136 : memref<!tpu.dma_semaphore, #tpu.memory_space<semaphore_mem>>) src(%arg9 : memref<128x128xf32, #tpu.memory_space<vmem>>) dst(%dma_wait3A_148 : memref<12544x128xf32, #tpu.memory_space<vmem_shared>>)
        tpu.yield
      }) : () -> ()
      %dma_start3A_61 = arith.constant 3 : i32
      %dma_start3A_62 = arith.constant 0 : i32
      %dma_start3A_63 = tpu.memref_slice %arg7[%dma_start3A_61, %dma_start3A_62] : memref<8x128xi32, #tpu.memory_space<vmem>> -> memref<1x128xi32, #tpu.memory_space<vmem>>
      %dma_start3A_64 = tpu.memref_squeeze %dma_start3A_63 : memref<1x128xi32, #tpu.memory_space<vmem>> -> memref<128xi32, #tpu.memory_space<vmem>>
      %dma_start3A_65 = arith.constant 0 : i32
      %dma_start3A_66 = arith.constant 0 : i32
      %dma_start3A_67 = tpu.memref_slice %arg4[%dma_start3A_65, %dma_start3A_66] : memref<100000x128xf32, #tpu.memory_space<hbm>> -> memref<100000x128xf32, #tpu.memory_space<hbm>>
      tpu.enqueue_indirect_dma source(%dma_start3A_67 : memref<100000x128xf32, #tpu.memory_space<hbm>>) target(%arg9 : memref<128x128xf32, #tpu.memory_space<vmem>>) offsets(%dma_start3A_64 : memref<128xi32, #tpu.memory_space<vmem>>) semaphore(%arg11 : memref<!tpu.dma_semaphore, #tpu.memory_space<semaphore_mem>>)
      %dma_wait3A_68 = arith.constant 3 : i32
      %dma_wait3A_69 = arith.constant 0 : i32
      %dma_wait3A_70 = tpu.memref_slice %arg7[%dma_wait3A_68, %dma_wait3A_69] : memref<8x128xi32, #tpu.memory_space<vmem>> -> memref<1x128xi32, #tpu.memory_space<vmem>>
      %dma_wait3A_71 = tpu.memref_squeeze %dma_wait3A_70 : memref<1x128xi32, #tpu.memory_space<vmem>> -> memref<128xi32, #tpu.memory_space<vmem>>
      %dma_wait3A_72 = arith.constant 0 : i32
      %dma_wait3A_73 = arith.constant 0 : i32
      %dma_wait3A_74 = tpu.memref_slice %arg4[%dma_wait3A_72, %dma_wait3A_73] : memref<100000x128xf32, #tpu.memory_space<hbm>> -> memref<100000x128xf32, #tpu.memory_space<hbm>>
      tpu.wait_indirect_dma semaphore(%arg11 : memref<!tpu.dma_semaphore, #tpu.memory_space<semaphore_mem>>) src(%dma_wait3A_74 : memref<100000x128xf32, #tpu.memory_space<hbm>>) dst(%arg9 : memref<128x128xf32, #tpu.memory_space<vmem>>)
      %run_scoped3A_75 = arith.constant 3 : i32
      "tpu.region"() ({
        %run_scoped3A_136 = tpu.sem_alloc : memref<!tpu.dma_semaphore, #tpu.memory_space<semaphore_mem>>
        %dma_start3A_137 = arith.constant 0 : i32
        %dma_start3A_138 = tpu.memref_slice %arg8[%run_scoped3A_75, %dma_start3A_137] : memref<8x128xi32, #tpu.memory_space<vmem>> -> memref<1x128xi32, #tpu.memory_space<vmem>>
        %dma_start3A_139 = tpu.memref_squeeze %dma_start3A_138 : memref<1x128xi32, #tpu.memory_space<vmem>> -> memref<128xi32, #tpu.memory_space<vmem>>
        %dma_start3A_140 = arith.constant 0 : i32
        %dma_start3A_141 = arith.constant 0 : i32
        %dma_start3A_142 = tpu.memref_slice %arg10[%dma_start3A_140, %dma_start3A_141] : memref<12544x128xf32, #tpu.memory_space<vmem_shared>> -> memref<12544x128xf32, #tpu.memory_space<vmem_shared>>
        tpu.enqueue_indirect_dma source(%arg9 : memref<128x128xf32, #tpu.memory_space<vmem>>) target(%dma_start3A_142 : memref<12544x128xf32, #tpu.memory_space<vmem_shared>>) offsets(%dma_start3A_139 : memref<128xi32, #tpu.memory_space<vmem>>) semaphore(%run_scoped3A_136 : memref<!tpu.dma_semaphore, #tpu.memory_space<semaphore_mem>>) {add = true}
        %dma_wait3A_143 = arith.constant 0 : i32
        %dma_wait3A_144 = tpu.memref_slice %arg8[%run_scoped3A_75, %dma_wait3A_143] : memref<8x128xi32, #tpu.memory_space<vmem>> -> memref<1x128xi32, #tpu.memory_space<vmem>>
        %dma_wait3A_145 = tpu.memref_squeeze %dma_wait3A_144 : memref<1x128xi32, #tpu.memory_space<vmem>> -> memref<128xi32, #tpu.memory_space<vmem>>
        %dma_wait3A_146 = arith.constant 0 : i32
        %dma_wait3A_147 = arith.constant 0 : i32
        %dma_wait3A_148 = tpu.memref_slice %arg10[%dma_wait3A_146, %dma_wait3A_147] : memref<12544x128xf32, #tpu.memory_space<vmem_shared>> -> memref<12544x128xf32, #tpu.memory_space<vmem_shared>>
        tpu.wait_indirect_dma semaphore(%run_scoped3A_136 : memref<!tpu.dma_semaphore, #tpu.memory_space<semaphore_mem>>) src(%arg9 : memref<128x128xf32, #tpu.memory_space<vmem>>) dst(%dma_wait3A_148 : memref<12544x128xf32, #tpu.memory_space<vmem_shared>>)
        tpu.yield
      }) : () -> ()
      %dma_start3A_76 = arith.constant 4 : i32
      %dma_start3A_77 = arith.constant 0 : i32
      %dma_start3A_78 = tpu.memref_slice %arg7[%dma_start3A_76, %dma_start3A_77] : memref<8x128xi32, #tpu.memory_space<vmem>> -> memref<1x128xi32, #tpu.memory_space<vmem>>
      %dma_start3A_79 = tpu.memref_squeeze %dma_start3A_78 : memref<1x128xi32, #tpu.memory_space<vmem>> -> memref<128xi32, #tpu.memory_space<vmem>>
      %dma_start3A_80 = arith.constant 0 : i32
      %dma_start3A_81 = arith.constant 0 : i32
      %dma_start3A_82 = tpu.memref_slice %arg4[%dma_start3A_80, %dma_start3A_81] : memref<100000x128xf32, #tpu.memory_space<hbm>> -> memref<100000x128xf32, #tpu.memory_space<hbm>>
      tpu.enqueue_indirect_dma source(%dma_start3A_82 : memref<100000x128xf32, #tpu.memory_space<hbm>>) target(%arg9 : memref<128x128xf32, #tpu.memory_space<vmem>>) offsets(%dma_start3A_79 : memref<128xi32, #tpu.memory_space<vmem>>) semaphore(%arg11 : memref<!tpu.dma_semaphore, #tpu.memory_space<semaphore_mem>>)
      %dma_wait3A_83 = arith.constant 4 : i32
      %dma_wait3A_84 = arith.constant 0 : i32
      %dma_wait3A_85 = tpu.memref_slice %arg7[%dma_wait3A_83, %dma_wait3A_84] : memref<8x128xi32, #tpu.memory_space<vmem>> -> memref<1x128xi32, #tpu.memory_space<vmem>>
      %dma_wait3A_86 = tpu.memref_squeeze %dma_wait3A_85 : memref<1x128xi32, #tpu.memory_space<vmem>> -> memref<128xi32, #tpu.memory_space<vmem>>
      %dma_wait3A_87 = arith.constant 0 : i32
      %dma_wait3A_88 = arith.constant 0 : i32
      %dma_wait3A_89 = tpu.memref_slice %arg4[%dma_wait3A_87, %dma_wait3A_88] : memref<100000x128xf32, #tpu.memory_space<hbm>> -> memref<100000x128xf32, #tpu.memory_space<hbm>>
      tpu.wait_indirect_dma semaphore(%arg11 : memref<!tpu.dma_semaphore, #tpu.memory_space<semaphore_mem>>) src(%dma_wait3A_89 : memref<100000x128xf32, #tpu.memory_space<hbm>>) dst(%arg9 : memref<128x128xf32, #tpu.memory_space<vmem>>)
      %run_scoped3A_90 = arith.constant 4 : i32
      "tpu.region"() ({
        %run_scoped3A_136 = tpu.sem_alloc : memref<!tpu.dma_semaphore, #tpu.memory_space<semaphore_mem>>
        %dma_start3A_137 = arith.constant 0 : i32
        %dma_start3A_138 = tpu.memref_slice %arg8[%run_scoped3A_90, %dma_start3A_137] : memref<8x128xi32, #tpu.memory_space<vmem>> -> memref<1x128xi32, #tpu.memory_space<vmem>>
        %dma_start3A_139 = tpu.memref_squeeze %dma_start3A_138 : memref<1x128xi32, #tpu.memory_space<vmem>> -> memref<128xi32, #tpu.memory_space<vmem>>
        %dma_start3A_140 = arith.constant 0 : i32
        %dma_start3A_141 = arith.constant 0 : i32
        %dma_start3A_142 = tpu.memref_slice %arg10[%dma_start3A_140, %dma_start3A_141] : memref<12544x128xf32, #tpu.memory_space<vmem_shared>> -> memref<12544x128xf32, #tpu.memory_space<vmem_shared>>
        tpu.enqueue_indirect_dma source(%arg9 : memref<128x128xf32, #tpu.memory_space<vmem>>) target(%dma_start3A_142 : memref<12544x128xf32, #tpu.memory_space<vmem_shared>>) offsets(%dma_start3A_139 : memref<128xi32, #tpu.memory_space<vmem>>) semaphore(%run_scoped3A_136 : memref<!tpu.dma_semaphore, #tpu.memory_space<semaphore_mem>>) {add = true}
        %dma_wait3A_143 = arith.constant 0 : i32
        %dma_wait3A_144 = tpu.memref_slice %arg8[%run_scoped3A_90, %dma_wait3A_143] : memref<8x128xi32, #tpu.memory_space<vmem>> -> memref<1x128xi32, #tpu.memory_space<vmem>>
        %dma_wait3A_145 = tpu.memref_squeeze %dma_wait3A_144 : memref<1x128xi32, #tpu.memory_space<vmem>> -> memref<128xi32, #tpu.memory_space<vmem>>
        %dma_wait3A_146 = arith.constant 0 : i32
        %dma_wait3A_147 = arith.constant 0 : i32
        %dma_wait3A_148 = tpu.memref_slice %arg10[%dma_wait3A_146, %dma_wait3A_147] : memref<12544x128xf32, #tpu.memory_space<vmem_shared>> -> memref<12544x128xf32, #tpu.memory_space<vmem_shared>>
        tpu.wait_indirect_dma semaphore(%run_scoped3A_136 : memref<!tpu.dma_semaphore, #tpu.memory_space<semaphore_mem>>) src(%arg9 : memref<128x128xf32, #tpu.memory_space<vmem>>) dst(%dma_wait3A_148 : memref<12544x128xf32, #tpu.memory_space<vmem_shared>>)
        tpu.yield
      }) : () -> ()
      %dma_start3A_91 = arith.constant 5 : i32
      %dma_start3A_92 = arith.constant 0 : i32
      %dma_start3A_93 = tpu.memref_slice %arg7[%dma_start3A_91, %dma_start3A_92] : memref<8x128xi32, #tpu.memory_space<vmem>> -> memref<1x128xi32, #tpu.memory_space<vmem>>
      %dma_start3A_94 = tpu.memref_squeeze %dma_start3A_93 : memref<1x128xi32, #tpu.memory_space<vmem>> -> memref<128xi32, #tpu.memory_space<vmem>>
      %dma_start3A_95 = arith.constant 0 : i32
      %dma_start3A_96 = arith.constant 0 : i32
      %dma_start3A_97 = tpu.memref_slice %arg4[%dma_start3A_95, %dma_start3A_96] : memref<100000x128xf32, #tpu.memory_space<hbm>> -> memref<100000x128xf32, #tpu.memory_space<hbm>>
      tpu.enqueue_indirect_dma source(%dma_start3A_97 : memref<100000x128xf32, #tpu.memory_space<hbm>>) target(%arg9 : memref<128x128xf32, #tpu.memory_space<vmem>>) offsets(%dma_start3A_94 : memref<128xi32, #tpu.memory_space<vmem>>) semaphore(%arg11 : memref<!tpu.dma_semaphore, #tpu.memory_space<semaphore_mem>>)
      %dma_wait3A_98 = arith.constant 5 : i32
      %dma_wait3A_99 = arith.constant 0 : i32
      %dma_wait3A_100 = tpu.memref_slice %arg7[%dma_wait3A_98, %dma_wait3A_99] : memref<8x128xi32, #tpu.memory_space<vmem>> -> memref<1x128xi32, #tpu.memory_space<vmem>>
      %dma_wait3A_101 = tpu.memref_squeeze %dma_wait3A_100 : memref<1x128xi32, #tpu.memory_space<vmem>> -> memref<128xi32, #tpu.memory_space<vmem>>
      %dma_wait3A_102 = arith.constant 0 : i32
      %dma_wait3A_103 = arith.constant 0 : i32
      %dma_wait3A_104 = tpu.memref_slice %arg4[%dma_wait3A_102, %dma_wait3A_103] : memref<100000x128xf32, #tpu.memory_space<hbm>> -> memref<100000x128xf32, #tpu.memory_space<hbm>>
      tpu.wait_indirect_dma semaphore(%arg11 : memref<!tpu.dma_semaphore, #tpu.memory_space<semaphore_mem>>) src(%dma_wait3A_104 : memref<100000x128xf32, #tpu.memory_space<hbm>>) dst(%arg9 : memref<128x128xf32, #tpu.memory_space<vmem>>)
      %run_scoped3A_105 = arith.constant 5 : i32
      "tpu.region"() ({
        %run_scoped3A_136 = tpu.sem_alloc : memref<!tpu.dma_semaphore, #tpu.memory_space<semaphore_mem>>
        %dma_start3A_137 = arith.constant 0 : i32
        %dma_start3A_138 = tpu.memref_slice %arg8[%run_scoped3A_105, %dma_start3A_137] : memref<8x128xi32, #tpu.memory_space<vmem>> -> memref<1x128xi32, #tpu.memory_space<vmem>>
        %dma_start3A_139 = tpu.memref_squeeze %dma_start3A_138 : memref<1x128xi32, #tpu.memory_space<vmem>> -> memref<128xi32, #tpu.memory_space<vmem>>
        %dma_start3A_140 = arith.constant 0 : i32
        %dma_start3A_141 = arith.constant 0 : i32
        %dma_start3A_142 = tpu.memref_slice %arg10[%dma_start3A_140, %dma_start3A_141] : memref<12544x128xf32, #tpu.memory_space<vmem_shared>> -> memref<12544x128xf32, #tpu.memory_space<vmem_shared>>
        tpu.enqueue_indirect_dma source(%arg9 : memref<128x128xf32, #tpu.memory_space<vmem>>) target(%dma_start3A_142 : memref<12544x128xf32, #tpu.memory_space<vmem_shared>>) offsets(%dma_start3A_139 : memref<128xi32, #tpu.memory_space<vmem>>) semaphore(%run_scoped3A_136 : memref<!tpu.dma_semaphore, #tpu.memory_space<semaphore_mem>>) {add = true}
        %dma_wait3A_143 = arith.constant 0 : i32
        %dma_wait3A_144 = tpu.memref_slice %arg8[%run_scoped3A_105, %dma_wait3A_143] : memref<8x128xi32, #tpu.memory_space<vmem>> -> memref<1x128xi32, #tpu.memory_space<vmem>>
        %dma_wait3A_145 = tpu.memref_squeeze %dma_wait3A_144 : memref<1x128xi32, #tpu.memory_space<vmem>> -> memref<128xi32, #tpu.memory_space<vmem>>
        %dma_wait3A_146 = arith.constant 0 : i32
        %dma_wait3A_147 = arith.constant 0 : i32
        %dma_wait3A_148 = tpu.memref_slice %arg10[%dma_wait3A_146, %dma_wait3A_147] : memref<12544x128xf32, #tpu.memory_space<vmem_shared>> -> memref<12544x128xf32, #tpu.memory_space<vmem_shared>>
        tpu.wait_indirect_dma semaphore(%run_scoped3A_136 : memref<!tpu.dma_semaphore, #tpu.memory_space<semaphore_mem>>) src(%arg9 : memref<128x128xf32, #tpu.memory_space<vmem>>) dst(%dma_wait3A_148 : memref<12544x128xf32, #tpu.memory_space<vmem_shared>>)
        tpu.yield
      }) : () -> ()
      %dma_start3A_106 = arith.constant 6 : i32
      %dma_start3A_107 = arith.constant 0 : i32
      %dma_start3A_108 = tpu.memref_slice %arg7[%dma_start3A_106, %dma_start3A_107] : memref<8x128xi32, #tpu.memory_space<vmem>> -> memref<1x128xi32, #tpu.memory_space<vmem>>
      %dma_start3A_109 = tpu.memref_squeeze %dma_start3A_108 : memref<1x128xi32, #tpu.memory_space<vmem>> -> memref<128xi32, #tpu.memory_space<vmem>>
      %dma_start3A_110 = arith.constant 0 : i32
      %dma_start3A_111 = arith.constant 0 : i32
      %dma_start3A_112 = tpu.memref_slice %arg4[%dma_start3A_110, %dma_start3A_111] : memref<100000x128xf32, #tpu.memory_space<hbm>> -> memref<100000x128xf32, #tpu.memory_space<hbm>>
      tpu.enqueue_indirect_dma source(%dma_start3A_112 : memref<100000x128xf32, #tpu.memory_space<hbm>>) target(%arg9 : memref<128x128xf32, #tpu.memory_space<vmem>>) offsets(%dma_start3A_109 : memref<128xi32, #tpu.memory_space<vmem>>) semaphore(%arg11 : memref<!tpu.dma_semaphore, #tpu.memory_space<semaphore_mem>>)
      %dma_wait3A_113 = arith.constant 6 : i32
      %dma_wait3A_114 = arith.constant 0 : i32
      %dma_wait3A_115 = tpu.memref_slice %arg7[%dma_wait3A_113, %dma_wait3A_114] : memref<8x128xi32, #tpu.memory_space<vmem>> -> memref<1x128xi32, #tpu.memory_space<vmem>>
      %dma_wait3A_116 = tpu.memref_squeeze %dma_wait3A_115 : memref<1x128xi32, #tpu.memory_space<vmem>> -> memref<128xi32, #tpu.memory_space<vmem>>
      %dma_wait3A_117 = arith.constant 0 : i32
      %dma_wait3A_118 = arith.constant 0 : i32
      %dma_wait3A_119 = tpu.memref_slice %arg4[%dma_wait3A_117, %dma_wait3A_118] : memref<100000x128xf32, #tpu.memory_space<hbm>> -> memref<100000x128xf32, #tpu.memory_space<hbm>>
      tpu.wait_indirect_dma semaphore(%arg11 : memref<!tpu.dma_semaphore, #tpu.memory_space<semaphore_mem>>) src(%dma_wait3A_119 : memref<100000x128xf32, #tpu.memory_space<hbm>>) dst(%arg9 : memref<128x128xf32, #tpu.memory_space<vmem>>)
      %run_scoped3A_120 = arith.constant 6 : i32
      "tpu.region"() ({
        %run_scoped3A_136 = tpu.sem_alloc : memref<!tpu.dma_semaphore, #tpu.memory_space<semaphore_mem>>
        %dma_start3A_137 = arith.constant 0 : i32
        %dma_start3A_138 = tpu.memref_slice %arg8[%run_scoped3A_120, %dma_start3A_137] : memref<8x128xi32, #tpu.memory_space<vmem>> -> memref<1x128xi32, #tpu.memory_space<vmem>>
        %dma_start3A_139 = tpu.memref_squeeze %dma_start3A_138 : memref<1x128xi32, #tpu.memory_space<vmem>> -> memref<128xi32, #tpu.memory_space<vmem>>
        %dma_start3A_140 = arith.constant 0 : i32
        %dma_start3A_141 = arith.constant 0 : i32
        %dma_start3A_142 = tpu.memref_slice %arg10[%dma_start3A_140, %dma_start3A_141] : memref<12544x128xf32, #tpu.memory_space<vmem_shared>> -> memref<12544x128xf32, #tpu.memory_space<vmem_shared>>
        tpu.enqueue_indirect_dma source(%arg9 : memref<128x128xf32, #tpu.memory_space<vmem>>) target(%dma_start3A_142 : memref<12544x128xf32, #tpu.memory_space<vmem_shared>>) offsets(%dma_start3A_139 : memref<128xi32, #tpu.memory_space<vmem>>) semaphore(%run_scoped3A_136 : memref<!tpu.dma_semaphore, #tpu.memory_space<semaphore_mem>>) {add = true}
        %dma_wait3A_143 = arith.constant 0 : i32
        %dma_wait3A_144 = tpu.memref_slice %arg8[%run_scoped3A_120, %dma_wait3A_143] : memref<8x128xi32, #tpu.memory_space<vmem>> -> memref<1x128xi32, #tpu.memory_space<vmem>>
        %dma_wait3A_145 = tpu.memref_squeeze %dma_wait3A_144 : memref<1x128xi32, #tpu.memory_space<vmem>> -> memref<128xi32, #tpu.memory_space<vmem>>
        %dma_wait3A_146 = arith.constant 0 : i32
        %dma_wait3A_147 = arith.constant 0 : i32
        %dma_wait3A_148 = tpu.memref_slice %arg10[%dma_wait3A_146, %dma_wait3A_147] : memref<12544x128xf32, #tpu.memory_space<vmem_shared>> -> memref<12544x128xf32, #tpu.memory_space<vmem_shared>>
        tpu.wait_indirect_dma semaphore(%run_scoped3A_136 : memref<!tpu.dma_semaphore, #tpu.memory_space<semaphore_mem>>) src(%arg9 : memref<128x128xf32, #tpu.memory_space<vmem>>) dst(%dma_wait3A_148 : memref<12544x128xf32, #tpu.memory_space<vmem_shared>>)
        tpu.yield
      }) : () -> ()
      %dma_start3A_121 = arith.constant 7 : i32
      %dma_start3A_122 = arith.constant 0 : i32
      %dma_start3A_123 = tpu.memref_slice %arg7[%dma_start3A_121, %dma_start3A_122] : memref<8x128xi32, #tpu.memory_space<vmem>> -> memref<1x128xi32, #tpu.memory_space<vmem>>
      %dma_start3A_124 = tpu.memref_squeeze %dma_start3A_123 : memref<1x128xi32, #tpu.memory_space<vmem>> -> memref<128xi32, #tpu.memory_space<vmem>>
      %dma_start3A_125 = arith.constant 0 : i32
      %dma_start3A_126 = arith.constant 0 : i32
      %dma_start3A_127 = tpu.memref_slice %arg4[%dma_start3A_125, %dma_start3A_126] : memref<100000x128xf32, #tpu.memory_space<hbm>> -> memref<100000x128xf32, #tpu.memory_space<hbm>>
      tpu.enqueue_indirect_dma source(%dma_start3A_127 : memref<100000x128xf32, #tpu.memory_space<hbm>>) target(%arg9 : memref<128x128xf32, #tpu.memory_space<vmem>>) offsets(%dma_start3A_124 : memref<128xi32, #tpu.memory_space<vmem>>) semaphore(%arg11 : memref<!tpu.dma_semaphore, #tpu.memory_space<semaphore_mem>>)
      %dma_wait3A_128 = arith.constant 7 : i32
      %dma_wait3A_129 = arith.constant 0 : i32
      %dma_wait3A_130 = tpu.memref_slice %arg7[%dma_wait3A_128, %dma_wait3A_129] : memref<8x128xi32, #tpu.memory_space<vmem>> -> memref<1x128xi32, #tpu.memory_space<vmem>>
      %dma_wait3A_131 = tpu.memref_squeeze %dma_wait3A_130 : memref<1x128xi32, #tpu.memory_space<vmem>> -> memref<128xi32, #tpu.memory_space<vmem>>
      %dma_wait3A_132 = arith.constant 0 : i32
      %dma_wait3A_133 = arith.constant 0 : i32
      %dma_wait3A_134 = tpu.memref_slice %arg4[%dma_wait3A_132, %dma_wait3A_133] : memref<100000x128xf32, #tpu.memory_space<hbm>> -> memref<100000x128xf32, #tpu.memory_space<hbm>>
      tpu.wait_indirect_dma semaphore(%arg11 : memref<!tpu.dma_semaphore, #tpu.memory_space<semaphore_mem>>) src(%dma_wait3A_134 : memref<100000x128xf32, #tpu.memory_space<hbm>>) dst(%arg9 : memref<128x128xf32, #tpu.memory_space<vmem>>)
      %run_scoped3A_135 = arith.constant 7 : i32
      "tpu.region"() ({
        %run_scoped3A_136 = tpu.sem_alloc : memref<!tpu.dma_semaphore, #tpu.memory_space<semaphore_mem>>
        %dma_start3A_137 = arith.constant 0 : i32
        %dma_start3A_138 = tpu.memref_slice %arg8[%run_scoped3A_135, %dma_start3A_137] : memref<8x128xi32, #tpu.memory_space<vmem>> -> memref<1x128xi32, #tpu.memory_space<vmem>>
        %dma_start3A_139 = tpu.memref_squeeze %dma_start3A_138 : memref<1x128xi32, #tpu.memory_space<vmem>> -> memref<128xi32, #tpu.memory_space<vmem>>
        %dma_start3A_140 = arith.constant 0 : i32
        %dma_start3A_141 = arith.constant 0 : i32
        %dma_start3A_142 = tpu.memref_slice %arg10[%dma_start3A_140, %dma_start3A_141] : memref<12544x128xf32, #tpu.memory_space<vmem_shared>> -> memref<12544x128xf32, #tpu.memory_space<vmem_shared>>
        tpu.enqueue_indirect_dma source(%arg9 : memref<128x128xf32, #tpu.memory_space<vmem>>) target(%dma_start3A_142 : memref<12544x128xf32, #tpu.memory_space<vmem_shared>>) offsets(%dma_start3A_139 : memref<128xi32, #tpu.memory_space<vmem>>) semaphore(%run_scoped3A_136 : memref<!tpu.dma_semaphore, #tpu.memory_space<semaphore_mem>>) {add = true}
        %dma_wait3A_143 = arith.constant 0 : i32
        %dma_wait3A_144 = tpu.memref_slice %arg8[%run_scoped3A_135, %dma_wait3A_143] : memref<8x128xi32, #tpu.memory_space<vmem>> -> memref<1x128xi32, #tpu.memory_space<vmem>>
        %dma_wait3A_145 = tpu.memref_squeeze %dma_wait3A_144 : memref<1x128xi32, #tpu.memory_space<vmem>> -> memref<128xi32, #tpu.memory_space<vmem>>
        %dma_wait3A_146 = arith.constant 0 : i32
        %dma_wait3A_147 = arith.constant 0 : i32
        %dma_wait3A_148 = tpu.memref_slice %arg10[%dma_wait3A_146, %dma_wait3A_147] : memref<12544x128xf32, #tpu.memory_space<vmem_shared>> -> memref<12544x128xf32, #tpu.memory_space<vmem_shared>>
        tpu.wait_indirect_dma semaphore(%run_scoped3A_136 : memref<!tpu.dma_semaphore, #tpu.memory_space<semaphore_mem>>) src(%arg9 : memref<128x128xf32, #tpu.memory_space<vmem>>) dst(%dma_wait3A_148 : memref<12544x128xf32, #tpu.memory_space<vmem_shared>>)
        tpu.yield
      }) : () -> ()
    }
    %scan3A_6 = arith.constant 49 : i32
    %barrier3A_7 = arith.constant 0 : index
    tpu.barrier barrier_id(%barrier3A_7)
    %mul3A_8 = arith.constant 784 : i32
    %mul3A_9 = arith.muli %arg1, %mul3A_8 : i32
    %mul3A_10 = arith.constant 784 : i32
    %mul3A_11 = arith.muli %arg1, %mul3A_10 : i32
    "tpu.region"() ({
      %run_scoped3A = tpu.sem_alloc : memref<!tpu.dma_semaphore, #tpu.memory_space<semaphore_mem>>
      %dma_start3A = arith.constant 0 : i32
      %dma_start3A_12 = tpu.memref_slice %arg6[%arg0, %mul3A_11, %dma_start3A] : memref<2x12544x128xf32, #tpu.memory_space<hbm>> -> memref<1x784x128xf32, #tpu.memory_space<hbm>>
      %dma_start3A_13 = tpu.memref_squeeze %dma_start3A_12 : memref<1x784x128xf32, #tpu.memory_space<hbm>> -> memref<784x128xf32, #tpu.memory_space<hbm>>
      %dma_start3A_14 = arith.constant 0 : i32
      %dma_start3A_15 = tpu.memref_slice %arg10[%mul3A_9, %dma_start3A_14] : memref<12544x128xf32, #tpu.memory_space<vmem_shared>> -> memref<784x128xf32, #tpu.memory_space<vmem_shared>>
      tpu.enqueue_dma source(%dma_start3A_15 : memref<784x128xf32, #tpu.memory_space<vmem_shared>>) target(%dma_start3A_13 : memref<784x128xf32, #tpu.memory_space<hbm>>) target_semaphore(%run_scoped3A : memref<!tpu.dma_semaphore, #tpu.memory_space<semaphore_mem>>)
      %dma_wait3A = arith.constant 0 : i32
      %dma_wait3A_16 = tpu.memref_slice %arg6[%arg0, %mul3A_11, %dma_wait3A] : memref<2x12544x128xf32, #tpu.memory_space<hbm>> -> memref<1x784x128xf32, #tpu.memory_space<hbm>>
      %dma_wait3A_17 = tpu.memref_squeeze %dma_wait3A_16 : memref<1x784x128xf32, #tpu.memory_space<hbm>> -> memref<784x128xf32, #tpu.memory_space<hbm>>
      %dma_wait3A_18 = arith.constant 0 : i32
      %dma_wait3A_19 = tpu.memref_slice %arg10[%mul3A_9, %dma_wait3A_18] : memref<12544x128xf32, #tpu.memory_space<vmem_shared>> -> memref<784x128xf32, #tpu.memory_space<vmem_shared>>
      tpu.wait_dma2 semaphore(%run_scoped3A : memref<!tpu.dma_semaphore, #tpu.memory_space<semaphore_mem>>) src(%dma_wait3A_19 : memref<784x128xf32, #tpu.memory_space<vmem_shared>>) dst(%dma_wait3A_17 : memref<784x128xf32, #tpu.memory_space<hbm>>)
      tpu.yield
    }) : () -> ()
    return
  }
}

#map = affine_map<(d0, d1) -> (0)>
#map1 = affine_map<(d0, d1) -> (0, 0)>
#map2 = affine_map<(d0, d1) -> (0, 0, 0)>
module attributes {stable_mosaic.version = 14 : i64} {
  func.func @_sc_batch_gather(%arg0: i32, %arg1: i32, %arg2: memref<4096xi32, #tpu.memory_space<hbm>>, %arg3: memref<4096xi32, #tpu.memory_space<hbm>>, %arg4: memref<50000x128xf32, #tpu.memory_space<hbm>>, %arg5: memref<50000x128xf32, #tpu.memory_space<hbm>>, %arg6: memref<50000x128xf32, #tpu.memory_space<hbm>>, %arg7: memref<50000x128xf32, #tpu.memory_space<hbm>>, %arg8: memref<4x4096x128xf32, #tpu.memory_space<hbm>>, %arg9: memref<4x4096x128xf32, #tpu.memory_space<hbm>>, %arg10: memref<128xi32, #tpu.memory_space<vmem>>, %arg11: memref<128xi32, #tpu.memory_space<vmem>>, %arg12: memref<128x128xf32, #tpu.memory_space<vmem>>, %arg13: memref<!tpu.dma_semaphore, #tpu.memory_space<semaphore_mem>>) attributes {dimension_semantics = [#tpu.dimension_semantics<core_parallel>, #tpu.dimension_semantics<subcore_parallel>], iteration_bounds = array<i64: 2, 16>, scalar_prefetch = 0 : i64, scratch_operands = 4 : i64, tpu.core_type = #tpu.core_type<sc_vector_subcore>, window_params = [{transform_indices = #map}, {transform_indices = #map}, {transform_indices = #map1}, {transform_indices = #map1}, {transform_indices = #map1}, {transform_indices = #map1}, {transform_indices = #map2}, {transform_indices = #map2}]} {
    %mul3A = arith.constant 2 : i32
    %mul3A_0 = arith.muli %arg1, %mul3A : i32
    %add3A = arith.addi %mul3A_0, %arg0 : i32
    %mul3A_1 = arith.constant 128 : i32
    %mul3A_2 = arith.muli %add3A, %mul3A_1 : i32
    "tpu.region"() ({
      %run_scoped3A_60 = tpu.sem_alloc : memref<!tpu.dma_semaphore, #tpu.memory_space<semaphore_mem>>
      %dma_start3A_61 = tpu.memref_slice %arg2[%mul3A_2] : memref<4096xi32, #tpu.memory_space<hbm>> -> memref<128xi32, #tpu.memory_space<hbm>>
      %dma_start3A_62 = tpu.memref_slice %arg2[%mul3A_2] : memref<4096xi32, #tpu.memory_space<hbm>> -> memref<128xi32, #tpu.memory_space<hbm>>
      tpu.enqueue_dma source(%dma_start3A_62 : memref<128xi32, #tpu.memory_space<hbm>>) target(%arg10 : memref<128xi32, #tpu.memory_space<vmem>>) target_semaphore(%run_scoped3A_60 : memref<!tpu.dma_semaphore, #tpu.memory_space<semaphore_mem>>)
      %dma_wait3A_63 = tpu.memref_slice %arg2[%mul3A_2] : memref<4096xi32, #tpu.memory_space<hbm>> -> memref<128xi32, #tpu.memory_space<hbm>>
      %dma_wait3A_64 = tpu.memref_slice %arg2[%mul3A_2] : memref<4096xi32, #tpu.memory_space<hbm>> -> memref<128xi32, #tpu.memory_space<hbm>>
      tpu.wait_dma2 semaphore(%run_scoped3A_60 : memref<!tpu.dma_semaphore, #tpu.memory_space<semaphore_mem>>) src(%dma_wait3A_64 : memref<128xi32, #tpu.memory_space<hbm>>) dst(%arg10 : memref<128xi32, #tpu.memory_space<vmem>>)
      tpu.yield
    }) : () -> ()
    "tpu.region"() ({
      %run_scoped3A_60 = tpu.sem_alloc : memref<!tpu.dma_semaphore, #tpu.memory_space<semaphore_mem>>
      %dma_start3A_61 = tpu.memref_slice %arg3[%mul3A_2] : memref<4096xi32, #tpu.memory_space<hbm>> -> memref<128xi32, #tpu.memory_space<hbm>>
      %dma_start3A_62 = tpu.memref_slice %arg3[%mul3A_2] : memref<4096xi32, #tpu.memory_space<hbm>> -> memref<128xi32, #tpu.memory_space<hbm>>
      tpu.enqueue_dma source(%dma_start3A_62 : memref<128xi32, #tpu.memory_space<hbm>>) target(%arg11 : memref<128xi32, #tpu.memory_space<vmem>>) target_semaphore(%run_scoped3A_60 : memref<!tpu.dma_semaphore, #tpu.memory_space<semaphore_mem>>)
      %dma_wait3A_63 = tpu.memref_slice %arg3[%mul3A_2] : memref<4096xi32, #tpu.memory_space<hbm>> -> memref<128xi32, #tpu.memory_space<hbm>>
      %dma_wait3A_64 = tpu.memref_slice %arg3[%mul3A_2] : memref<4096xi32, #tpu.memory_space<hbm>> -> memref<128xi32, #tpu.memory_space<hbm>>
      tpu.wait_dma2 semaphore(%run_scoped3A_60 : memref<!tpu.dma_semaphore, #tpu.memory_space<semaphore_mem>>) src(%dma_wait3A_64 : memref<128xi32, #tpu.memory_space<hbm>>) dst(%arg11 : memref<128xi32, #tpu.memory_space<vmem>>)
      tpu.yield
    }) : () -> ()
    %scan3A = arith.constant 0 : i32
    %scan3A_3 = arith.constant 8 : i32
    %scan3A_4 = arith.addi %scan3A, %scan3A_3 : i32
    %scan3A_5 = arith.constant 1 : i32
    scf.for %scan3A_60 = %scan3A to %scan3A_4 step %scan3A_5  : i32 {
      %mul3A_61 = arith.constant 1 : i32
      %mul3A_62 = arith.muli %scan3A_60, %mul3A_61 : i32
      %add3A_63 = arith.constant 0 : i32
      %add3A_64 = arith.addi %add3A_63, %mul3A_62 : i32
      %mul3A_65 = arith.constant 16 : i32
      %mul3A_66 = arith.muli %add3A_64, %mul3A_65 : i32
      %get3A = arith.index_cast %mul3A_66 : i32 to index
      %get3A_67 = tpu.vector_load %arg11[%get3A] {strides = array<i32>} : memref<128xi32, #tpu.memory_space<vmem>>, vector<16xi32>,
      %get3A_68 = vector.shape_cast %get3A_67 : vector<16xi32> to vector<16xi32>
      %add3A_69 = arith.constant 25000 : i32
      %add3A_70 = vector.broadcast %add3A_69 : i32 to vector<16xi32>
      %add3A_71 = arith.addi %get3A_68, %add3A_70 : vector<16xi32>
      %mul3A_72 = arith.constant 16 : i32
      %mul3A_73 = arith.muli %add3A_64, %mul3A_72 : i32
      %swap3A = arith.index_cast %mul3A_73 : i32 to index
      %swap3A_74 = tpu.vector_load %arg11[%swap3A] {strides = array<i32>} : memref<128xi32, #tpu.memory_space<vmem>>, vector<16xi32>,
      %swap3A_75 = vector.shape_cast %swap3A_74 : vector<16xi32> to vector<16xi32>
      %swap3A_76 = vector.shape_cast %add3A_71 : vector<16xi32> to vector<16xi32>
      tpu.vector_store %arg11[%swap3A], %swap3A_76 {strides = array<i32>} : memref<128xi32, #tpu.memory_space<vmem>>, vector<16xi32>,
    }
    %scan3A_6 = arith.constant 8 : i32
    %dma_start3A = arith.constant 0 : i32
    %dma_start3A_7 = arith.constant 0 : i32
    %dma_start3A_8 = tpu.memref_slice %arg4[%dma_start3A, %dma_start3A_7] : memref<50000x128xf32, #tpu.memory_space<hbm>> -> memref<50000x128xf32, #tpu.memory_space<hbm>>
    tpu.enqueue_indirect_dma source(%dma_start3A_8 : memref<50000x128xf32, #tpu.memory_space<hbm>>) target(%arg12 : memref<128x128xf32, #tpu.memory_space<vmem>>) offsets(%arg10 : memref<128xi32, #tpu.memory_space<vmem>>) semaphore(%arg13 : memref<!tpu.dma_semaphore, #tpu.memory_space<semaphore_mem>>)
    %dma_wait3A = arith.constant 0 : i32
    %dma_wait3A_9 = arith.constant 0 : i32
    %dma_wait3A_10 = tpu.memref_slice %arg4[%dma_wait3A, %dma_wait3A_9] : memref<50000x128xf32, #tpu.memory_space<hbm>> -> memref<50000x128xf32, #tpu.memory_space<hbm>>
    tpu.wait_indirect_dma semaphore(%arg13 : memref<!tpu.dma_semaphore, #tpu.memory_space<semaphore_mem>>) src(%dma_wait3A_10 : memref<50000x128xf32, #tpu.memory_space<hbm>>) dst(%arg12 : memref<128x128xf32, #tpu.memory_space<vmem>>)
    %run_scoped3A = arith.constant 0 : i32
    "tpu.region"() ({
      %run_scoped3A_60 = tpu.sem_alloc : memref<!tpu.dma_semaphore, #tpu.memory_space<semaphore_mem>>
      %dma_start3A_61 = arith.constant 0 : i32
      %dma_start3A_62 = tpu.memref_slice %arg8[%run_scoped3A, %mul3A_2, %dma_start3A_61] : memref<4x4096x128xf32, #tpu.memory_space<hbm>> -> memref<1x128x128xf32, #tpu.memory_space<hbm>>
      %dma_start3A_63 = tpu.memref_squeeze %dma_start3A_62 : memref<1x128x128xf32, #tpu.memory_space<hbm>> -> memref<128x128xf32, #tpu.memory_space<hbm>>
      %dma_start3A_64 = arith.constant 0 : i32
      %dma_start3A_65 = tpu.memref_slice %arg8[%run_scoped3A, %mul3A_2, %dma_start3A_64] : memref<4x4096x128xf32, #tpu.memory_space<hbm>> -> memref<1x128x128xf32, #tpu.memory_space<hbm>>
      %dma_start3A_66 = tpu.memref_squeeze %dma_start3A_65 : memref<1x128x128xf32, #tpu.memory_space<hbm>> -> memref<128x128xf32, #tpu.memory_space<hbm>>
      tpu.enqueue_dma source(%arg12 : memref<128x128xf32, #tpu.memory_space<vmem>>) target(%dma_start3A_66 : memref<128x128xf32, #tpu.memory_space<hbm>>) target_semaphore(%run_scoped3A_60 : memref<!tpu.dma_semaphore, #tpu.memory_space<semaphore_mem>>)
      %dma_wait3A_67 = arith.constant 0 : i32
      %dma_wait3A_68 = tpu.memref_slice %arg8[%run_scoped3A, %mul3A_2, %dma_wait3A_67] : memref<4x4096x128xf32, #tpu.memory_space<hbm>> -> memref<1x128x128xf32, #tpu.memory_space<hbm>>
      %dma_wait3A_69 = tpu.memref_squeeze %dma_wait3A_68 : memref<1x128x128xf32, #tpu.memory_space<hbm>> -> memref<128x128xf32, #tpu.memory_space<hbm>>
      %dma_wait3A_70 = arith.constant 0 : i32
      %dma_wait3A_71 = tpu.memref_slice %arg8[%run_scoped3A, %mul3A_2, %dma_wait3A_70] : memref<4x4096x128xf32, #tpu.memory_space<hbm>> -> memref<1x128x128xf32, #tpu.memory_space<hbm>>
      %dma_wait3A_72 = tpu.memref_squeeze %dma_wait3A_71 : memref<1x128x128xf32, #tpu.memory_space<hbm>> -> memref<128x128xf32, #tpu.memory_space<hbm>>
      tpu.wait_dma2 semaphore(%run_scoped3A_60 : memref<!tpu.dma_semaphore, #tpu.memory_space<semaphore_mem>>) src(%arg12 : memref<128x128xf32, #tpu.memory_space<vmem>>) dst(%dma_wait3A_72 : memref<128x128xf32, #tpu.memory_space<hbm>>)
      tpu.yield
    }) : () -> ()
    %dma_start3A_11 = arith.constant 0 : i32
    %dma_start3A_12 = arith.constant 0 : i32
    %dma_start3A_13 = tpu.memref_slice %arg4[%dma_start3A_11, %dma_start3A_12] : memref<50000x128xf32, #tpu.memory_space<hbm>> -> memref<50000x128xf32, #tpu.memory_space<hbm>>
    tpu.enqueue_indirect_dma source(%dma_start3A_13 : memref<50000x128xf32, #tpu.memory_space<hbm>>) target(%arg12 : memref<128x128xf32, #tpu.memory_space<vmem>>) offsets(%arg11 : memref<128xi32, #tpu.memory_space<vmem>>) semaphore(%arg13 : memref<!tpu.dma_semaphore, #tpu.memory_space<semaphore_mem>>)
    %dma_wait3A_14 = arith.constant 0 : i32
    %dma_wait3A_15 = arith.constant 0 : i32
    %dma_wait3A_16 = tpu.memref_slice %arg4[%dma_wait3A_14, %dma_wait3A_15] : memref<50000x128xf32, #tpu.memory_space<hbm>> -> memref<50000x128xf32, #tpu.memory_space<hbm>>
    tpu.wait_indirect_dma semaphore(%arg13 : memref<!tpu.dma_semaphore, #tpu.memory_space<semaphore_mem>>) src(%dma_wait3A_16 : memref<50000x128xf32, #tpu.memory_space<hbm>>) dst(%arg12 : memref<128x128xf32, #tpu.memory_space<vmem>>)
    %run_scoped3A_17 = arith.constant 0 : i32
    "tpu.region"() ({
      %run_scoped3A_60 = tpu.sem_alloc : memref<!tpu.dma_semaphore, #tpu.memory_space<semaphore_mem>>
      %dma_start3A_61 = arith.constant 0 : i32
      %dma_start3A_62 = tpu.memref_slice %arg9[%run_scoped3A_17, %mul3A_2, %dma_start3A_61] : memref<4x4096x128xf32, #tpu.memory_space<hbm>> -> memref<1x128x128xf32, #tpu.memory_space<hbm>>
      %dma_start3A_63 = tpu.memref_squeeze %dma_start3A_62 : memref<1x128x128xf32, #tpu.memory_space<hbm>> -> memref<128x128xf32, #tpu.memory_space<hbm>>
      %dma_start3A_64 = arith.constant 0 : i32
      %dma_start3A_65 = tpu.memref_slice %arg9[%run_scoped3A_17, %mul3A_2, %dma_start3A_64] : memref<4x4096x128xf32, #tpu.memory_space<hbm>> -> memref<1x128x128xf32, #tpu.memory_space<hbm>>
      %dma_start3A_66 = tpu.memref_squeeze %dma_start3A_65 : memref<1x128x128xf32, #tpu.memory_space<hbm>> -> memref<128x128xf32, #tpu.memory_space<hbm>>
      tpu.enqueue_dma source(%arg12 : memref<128x128xf32, #tpu.memory_space<vmem>>) target(%dma_start3A_66 : memref<128x128xf32, #tpu.memory_space<hbm>>) target_semaphore(%run_scoped3A_60 : memref<!tpu.dma_semaphore, #tpu.memory_space<semaphore_mem>>)
      %dma_wait3A_67 = arith.constant 0 : i32
      %dma_wait3A_68 = tpu.memref_slice %arg9[%run_scoped3A_17, %mul3A_2, %dma_wait3A_67] : memref<4x4096x128xf32, #tpu.memory_space<hbm>> -> memref<1x128x128xf32, #tpu.memory_space<hbm>>
      %dma_wait3A_69 = tpu.memref_squeeze %dma_wait3A_68 : memref<1x128x128xf32, #tpu.memory_space<hbm>> -> memref<128x128xf32, #tpu.memory_space<hbm>>
      %dma_wait3A_70 = arith.constant 0 : i32
      %dma_wait3A_71 = tpu.memref_slice %arg9[%run_scoped3A_17, %mul3A_2, %dma_wait3A_70] : memref<4x4096x128xf32, #tpu.memory_space<hbm>> -> memref<1x128x128xf32, #tpu.memory_space<hbm>>
      %dma_wait3A_72 = tpu.memref_squeeze %dma_wait3A_71 : memref<1x128x128xf32, #tpu.memory_space<hbm>> -> memref<128x128xf32, #tpu.memory_space<hbm>>
      tpu.wait_dma2 semaphore(%run_scoped3A_60 : memref<!tpu.dma_semaphore, #tpu.memory_space<semaphore_mem>>) src(%arg12 : memref<128x128xf32, #tpu.memory_space<vmem>>) dst(%dma_wait3A_72 : memref<128x128xf32, #tpu.memory_space<hbm>>)
      tpu.yield
    }) : () -> ()
    %dma_start3A_18 = arith.constant 0 : i32
    %dma_start3A_19 = arith.constant 0 : i32
    %dma_start3A_20 = tpu.memref_slice %arg5[%dma_start3A_18, %dma_start3A_19] : memref<50000x128xf32, #tpu.memory_space<hbm>> -> memref<50000x128xf32, #tpu.memory_space<hbm>>
    tpu.enqueue_indirect_dma source(%dma_start3A_20 : memref<50000x128xf32, #tpu.memory_space<hbm>>) target(%arg12 : memref<128x128xf32, #tpu.memory_space<vmem>>) offsets(%arg10 : memref<128xi32, #tpu.memory_space<vmem>>) semaphore(%arg13 : memref<!tpu.dma_semaphore, #tpu.memory_space<semaphore_mem>>)
    %dma_wait3A_21 = arith.constant 0 : i32
    %dma_wait3A_22 = arith.constant 0 : i32
    %dma_wait3A_23 = tpu.memref_slice %arg5[%dma_wait3A_21, %dma_wait3A_22] : memref<50000x128xf32, #tpu.memory_space<hbm>> -> memref<50000x128xf32, #tpu.memory_space<hbm>>
    tpu.wait_indirect_dma semaphore(%arg13 : memref<!tpu.dma_semaphore, #tpu.memory_space<semaphore_mem>>) src(%dma_wait3A_23 : memref<50000x128xf32, #tpu.memory_space<hbm>>) dst(%arg12 : memref<128x128xf32, #tpu.memory_space<vmem>>)
    %run_scoped3A_24 = arith.constant 1 : i32
    "tpu.region"() ({
      %run_scoped3A_60 = tpu.sem_alloc : memref<!tpu.dma_semaphore, #tpu.memory_space<semaphore_mem>>
      %dma_start3A_61 = arith.constant 0 : i32
      %dma_start3A_62 = tpu.memref_slice %arg8[%run_scoped3A_24, %mul3A_2, %dma_start3A_61] : memref<4x4096x128xf32, #tpu.memory_space<hbm>> -> memref<1x128x128xf32, #tpu.memory_space<hbm>>
      %dma_start3A_63 = tpu.memref_squeeze %dma_start3A_62 : memref<1x128x128xf32, #tpu.memory_space<hbm>> -> memref<128x128xf32, #tpu.memory_space<hbm>>
      %dma_start3A_64 = arith.constant 0 : i32
      %dma_start3A_65 = tpu.memref_slice %arg8[%run_scoped3A_24, %mul3A_2, %dma_start3A_64] : memref<4x4096x128xf32, #tpu.memory_space<hbm>> -> memref<1x128x128xf32, #tpu.memory_space<hbm>>
      %dma_start3A_66 = tpu.memref_squeeze %dma_start3A_65 : memref<1x128x128xf32, #tpu.memory_space<hbm>> -> memref<128x128xf32, #tpu.memory_space<hbm>>
      tpu.enqueue_dma source(%arg12 : memref<128x128xf32, #tpu.memory_space<vmem>>) target(%dma_start3A_66 : memref<128x128xf32, #tpu.memory_space<hbm>>) target_semaphore(%run_scoped3A_60 : memref<!tpu.dma_semaphore, #tpu.memory_space<semaphore_mem>>)
      %dma_wait3A_67 = arith.constant 0 : i32
      %dma_wait3A_68 = tpu.memref_slice %arg8[%run_scoped3A_24, %mul3A_2, %dma_wait3A_67] : memref<4x4096x128xf32, #tpu.memory_space<hbm>> -> memref<1x128x128xf32, #tpu.memory_space<hbm>>
      %dma_wait3A_69 = tpu.memref_squeeze %dma_wait3A_68 : memref<1x128x128xf32, #tpu.memory_space<hbm>> -> memref<128x128xf32, #tpu.memory_space<hbm>>
      %dma_wait3A_70 = arith.constant 0 : i32
      %dma_wait3A_71 = tpu.memref_slice %arg8[%run_scoped3A_24, %mul3A_2, %dma_wait3A_70] : memref<4x4096x128xf32, #tpu.memory_space<hbm>> -> memref<1x128x128xf32, #tpu.memory_space<hbm>>
      %dma_wait3A_72 = tpu.memref_squeeze %dma_wait3A_71 : memref<1x128x128xf32, #tpu.memory_space<hbm>> -> memref<128x128xf32, #tpu.memory_space<hbm>>
      tpu.wait_dma2 semaphore(%run_scoped3A_60 : memref<!tpu.dma_semaphore, #tpu.memory_space<semaphore_mem>>) src(%arg12 : memref<128x128xf32, #tpu.memory_space<vmem>>) dst(%dma_wait3A_72 : memref<128x128xf32, #tpu.memory_space<hbm>>)
      tpu.yield
    }) : () -> ()
    %dma_start3A_25 = arith.constant 0 : i32
    %dma_start3A_26 = arith.constant 0 : i32
    %dma_start3A_27 = tpu.memref_slice %arg5[%dma_start3A_25, %dma_start3A_26] : memref<50000x128xf32, #tpu.memory_space<hbm>> -> memref<50000x128xf32, #tpu.memory_space<hbm>>
    tpu.enqueue_indirect_dma source(%dma_start3A_27 : memref<50000x128xf32, #tpu.memory_space<hbm>>) target(%arg12 : memref<128x128xf32, #tpu.memory_space<vmem>>) offsets(%arg11 : memref<128xi32, #tpu.memory_space<vmem>>) semaphore(%arg13 : memref<!tpu.dma_semaphore, #tpu.memory_space<semaphore_mem>>)
    %dma_wait3A_28 = arith.constant 0 : i32
    %dma_wait3A_29 = arith.constant 0 : i32
    %dma_wait3A_30 = tpu.memref_slice %arg5[%dma_wait3A_28, %dma_wait3A_29] : memref<50000x128xf32, #tpu.memory_space<hbm>> -> memref<50000x128xf32, #tpu.memory_space<hbm>>
    tpu.wait_indirect_dma semaphore(%arg13 : memref<!tpu.dma_semaphore, #tpu.memory_space<semaphore_mem>>) src(%dma_wait3A_30 : memref<50000x128xf32, #tpu.memory_space<hbm>>) dst(%arg12 : memref<128x128xf32, #tpu.memory_space<vmem>>)
    %run_scoped3A_31 = arith.constant 1 : i32
    "tpu.region"() ({
      %run_scoped3A_60 = tpu.sem_alloc : memref<!tpu.dma_semaphore, #tpu.memory_space<semaphore_mem>>
      %dma_start3A_61 = arith.constant 0 : i32
      %dma_start3A_62 = tpu.memref_slice %arg9[%run_scoped3A_31, %mul3A_2, %dma_start3A_61] : memref<4x4096x128xf32, #tpu.memory_space<hbm>> -> memref<1x128x128xf32, #tpu.memory_space<hbm>>
      %dma_start3A_63 = tpu.memref_squeeze %dma_start3A_62 : memref<1x128x128xf32, #tpu.memory_space<hbm>> -> memref<128x128xf32, #tpu.memory_space<hbm>>
      %dma_start3A_64 = arith.constant 0 : i32
      %dma_start3A_65 = tpu.memref_slice %arg9[%run_scoped3A_31, %mul3A_2, %dma_start3A_64] : memref<4x4096x128xf32, #tpu.memory_space<hbm>> -> memref<1x128x128xf32, #tpu.memory_space<hbm>>
      %dma_start3A_66 = tpu.memref_squeeze %dma_start3A_65 : memref<1x128x128xf32, #tpu.memory_space<hbm>> -> memref<128x128xf32, #tpu.memory_space<hbm>>
      tpu.enqueue_dma source(%arg12 : memref<128x128xf32, #tpu.memory_space<vmem>>) target(%dma_start3A_66 : memref<128x128xf32, #tpu.memory_space<hbm>>) target_semaphore(%run_scoped3A_60 : memref<!tpu.dma_semaphore, #tpu.memory_space<semaphore_mem>>)
      %dma_wait3A_67 = arith.constant 0 : i32
      %dma_wait3A_68 = tpu.memref_slice %arg9[%run_scoped3A_31, %mul3A_2, %dma_wait3A_67] : memref<4x4096x128xf32, #tpu.memory_space<hbm>> -> memref<1x128x128xf32, #tpu.memory_space<hbm>>
      %dma_wait3A_69 = tpu.memref_squeeze %dma_wait3A_68 : memref<1x128x128xf32, #tpu.memory_space<hbm>> -> memref<128x128xf32, #tpu.memory_space<hbm>>
      %dma_wait3A_70 = arith.constant 0 : i32
      %dma_wait3A_71 = tpu.memref_slice %arg9[%run_scoped3A_31, %mul3A_2, %dma_wait3A_70] : memref<4x4096x128xf32, #tpu.memory_space<hbm>> -> memref<1x128x128xf32, #tpu.memory_space<hbm>>
      %dma_wait3A_72 = tpu.memref_squeeze %dma_wait3A_71 : memref<1x128x128xf32, #tpu.memory_space<hbm>> -> memref<128x128xf32, #tpu.memory_space<hbm>>
      tpu.wait_dma2 semaphore(%run_scoped3A_60 : memref<!tpu.dma_semaphore, #tpu.memory_space<semaphore_mem>>) src(%arg12 : memref<128x128xf32, #tpu.memory_space<vmem>>) dst(%dma_wait3A_72 : memref<128x128xf32, #tpu.memory_space<hbm>>)
      tpu.yield
    }) : () -> ()
    %dma_start3A_32 = arith.constant 0 : i32
    %dma_start3A_33 = arith.constant 0 : i32
    %dma_start3A_34 = tpu.memref_slice %arg6[%dma_start3A_32, %dma_start3A_33] : memref<50000x128xf32, #tpu.memory_space<hbm>> -> memref<50000x128xf32, #tpu.memory_space<hbm>>
    tpu.enqueue_indirect_dma source(%dma_start3A_34 : memref<50000x128xf32, #tpu.memory_space<hbm>>) target(%arg12 : memref<128x128xf32, #tpu.memory_space<vmem>>) offsets(%arg10 : memref<128xi32, #tpu.memory_space<vmem>>) semaphore(%arg13 : memref<!tpu.dma_semaphore, #tpu.memory_space<semaphore_mem>>)
    %dma_wait3A_35 = arith.constant 0 : i32
    %dma_wait3A_36 = arith.constant 0 : i32
    %dma_wait3A_37 = tpu.memref_slice %arg6[%dma_wait3A_35, %dma_wait3A_36] : memref<50000x128xf32, #tpu.memory_space<hbm>> -> memref<50000x128xf32, #tpu.memory_space<hbm>>
    tpu.wait_indirect_dma semaphore(%arg13 : memref<!tpu.dma_semaphore, #tpu.memory_space<semaphore_mem>>) src(%dma_wait3A_37 : memref<50000x128xf32, #tpu.memory_space<hbm>>) dst(%arg12 : memref<128x128xf32, #tpu.memory_space<vmem>>)
    %run_scoped3A_38 = arith.constant 2 : i32
    "tpu.region"() ({
      %run_scoped3A_60 = tpu.sem_alloc : memref<!tpu.dma_semaphore, #tpu.memory_space<semaphore_mem>>
      %dma_start3A_61 = arith.constant 0 : i32
      %dma_start3A_62 = tpu.memref_slice %arg8[%run_scoped3A_38, %mul3A_2, %dma_start3A_61] : memref<4x4096x128xf32, #tpu.memory_space<hbm>> -> memref<1x128x128xf32, #tpu.memory_space<hbm>>
      %dma_start3A_63 = tpu.memref_squeeze %dma_start3A_62 : memref<1x128x128xf32, #tpu.memory_space<hbm>> -> memref<128x128xf32, #tpu.memory_space<hbm>>
      %dma_start3A_64 = arith.constant 0 : i32
      %dma_start3A_65 = tpu.memref_slice %arg8[%run_scoped3A_38, %mul3A_2, %dma_start3A_64] : memref<4x4096x128xf32, #tpu.memory_space<hbm>> -> memref<1x128x128xf32, #tpu.memory_space<hbm>>
      %dma_start3A_66 = tpu.memref_squeeze %dma_start3A_65 : memref<1x128x128xf32, #tpu.memory_space<hbm>> -> memref<128x128xf32, #tpu.memory_space<hbm>>
      tpu.enqueue_dma source(%arg12 : memref<128x128xf32, #tpu.memory_space<vmem>>) target(%dma_start3A_66 : memref<128x128xf32, #tpu.memory_space<hbm>>) target_semaphore(%run_scoped3A_60 : memref<!tpu.dma_semaphore, #tpu.memory_space<semaphore_mem>>)
      %dma_wait3A_67 = arith.constant 0 : i32
      %dma_wait3A_68 = tpu.memref_slice %arg8[%run_scoped3A_38, %mul3A_2, %dma_wait3A_67] : memref<4x4096x128xf32, #tpu.memory_space<hbm>> -> memref<1x128x128xf32, #tpu.memory_space<hbm>>
      %dma_wait3A_69 = tpu.memref_squeeze %dma_wait3A_68 : memref<1x128x128xf32, #tpu.memory_space<hbm>> -> memref<128x128xf32, #tpu.memory_space<hbm>>
      %dma_wait3A_70 = arith.constant 0 : i32
      %dma_wait3A_71 = tpu.memref_slice %arg8[%run_scoped3A_38, %mul3A_2, %dma_wait3A_70] : memref<4x4096x128xf32, #tpu.memory_space<hbm>> -> memref<1x128x128xf32, #tpu.memory_space<hbm>>
      %dma_wait3A_72 = tpu.memref_squeeze %dma_wait3A_71 : memref<1x128x128xf32, #tpu.memory_space<hbm>> -> memref<128x128xf32, #tpu.memory_space<hbm>>
      tpu.wait_dma2 semaphore(%run_scoped3A_60 : memref<!tpu.dma_semaphore, #tpu.memory_space<semaphore_mem>>) src(%arg12 : memref<128x128xf32, #tpu.memory_space<vmem>>) dst(%dma_wait3A_72 : memref<128x128xf32, #tpu.memory_space<hbm>>)
      tpu.yield
    }) : () -> ()
    %dma_start3A_39 = arith.constant 0 : i32
    %dma_start3A_40 = arith.constant 0 : i32
    %dma_start3A_41 = tpu.memref_slice %arg6[%dma_start3A_39, %dma_start3A_40] : memref<50000x128xf32, #tpu.memory_space<hbm>> -> memref<50000x128xf32, #tpu.memory_space<hbm>>
    tpu.enqueue_indirect_dma source(%dma_start3A_41 : memref<50000x128xf32, #tpu.memory_space<hbm>>) target(%arg12 : memref<128x128xf32, #tpu.memory_space<vmem>>) offsets(%arg11 : memref<128xi32, #tpu.memory_space<vmem>>) semaphore(%arg13 : memref<!tpu.dma_semaphore, #tpu.memory_space<semaphore_mem>>)
    %dma_wait3A_42 = arith.constant 0 : i32
    %dma_wait3A_43 = arith.constant 0 : i32
    %dma_wait3A_44 = tpu.memref_slice %arg6[%dma_wait3A_42, %dma_wait3A_43] : memref<50000x128xf32, #tpu.memory_space<hbm>> -> memref<50000x128xf32, #tpu.memory_space<hbm>>
    tpu.wait_indirect_dma semaphore(%arg13 : memref<!tpu.dma_semaphore, #tpu.memory_space<semaphore_mem>>) src(%dma_wait3A_44 : memref<50000x128xf32, #tpu.memory_space<hbm>>) dst(%arg12 : memref<128x128xf32, #tpu.memory_space<vmem>>)
    %run_scoped3A_45 = arith.constant 2 : i32
    "tpu.region"() ({
      %run_scoped3A_60 = tpu.sem_alloc : memref<!tpu.dma_semaphore, #tpu.memory_space<semaphore_mem>>
      %dma_start3A_61 = arith.constant 0 : i32
      %dma_start3A_62 = tpu.memref_slice %arg9[%run_scoped3A_45, %mul3A_2, %dma_start3A_61] : memref<4x4096x128xf32, #tpu.memory_space<hbm>> -> memref<1x128x128xf32, #tpu.memory_space<hbm>>
      %dma_start3A_63 = tpu.memref_squeeze %dma_start3A_62 : memref<1x128x128xf32, #tpu.memory_space<hbm>> -> memref<128x128xf32, #tpu.memory_space<hbm>>
      %dma_start3A_64 = arith.constant 0 : i32
      %dma_start3A_65 = tpu.memref_slice %arg9[%run_scoped3A_45, %mul3A_2, %dma_start3A_64] : memref<4x4096x128xf32, #tpu.memory_space<hbm>> -> memref<1x128x128xf32, #tpu.memory_space<hbm>>
      %dma_start3A_66 = tpu.memref_squeeze %dma_start3A_65 : memref<1x128x128xf32, #tpu.memory_space<hbm>> -> memref<128x128xf32, #tpu.memory_space<hbm>>
      tpu.enqueue_dma source(%arg12 : memref<128x128xf32, #tpu.memory_space<vmem>>) target(%dma_start3A_66 : memref<128x128xf32, #tpu.memory_space<hbm>>) target_semaphore(%run_scoped3A_60 : memref<!tpu.dma_semaphore, #tpu.memory_space<semaphore_mem>>)
      %dma_wait3A_67 = arith.constant 0 : i32
      %dma_wait3A_68 = tpu.memref_slice %arg9[%run_scoped3A_45, %mul3A_2, %dma_wait3A_67] : memref<4x4096x128xf32, #tpu.memory_space<hbm>> -> memref<1x128x128xf32, #tpu.memory_space<hbm>>
      %dma_wait3A_69 = tpu.memref_squeeze %dma_wait3A_68 : memref<1x128x128xf32, #tpu.memory_space<hbm>> -> memref<128x128xf32, #tpu.memory_space<hbm>>
      %dma_wait3A_70 = arith.constant 0 : i32
      %dma_wait3A_71 = tpu.memref_slice %arg9[%run_scoped3A_45, %mul3A_2, %dma_wait3A_70] : memref<4x4096x128xf32, #tpu.memory_space<hbm>> -> memref<1x128x128xf32, #tpu.memory_space<hbm>>
      %dma_wait3A_72 = tpu.memref_squeeze %dma_wait3A_71 : memref<1x128x128xf32, #tpu.memory_space<hbm>> -> memref<128x128xf32, #tpu.memory_space<hbm>>
      tpu.wait_dma2 semaphore(%run_scoped3A_60 : memref<!tpu.dma_semaphore, #tpu.memory_space<semaphore_mem>>) src(%arg12 : memref<128x128xf32, #tpu.memory_space<vmem>>) dst(%dma_wait3A_72 : memref<128x128xf32, #tpu.memory_space<hbm>>)
      tpu.yield
    }) : () -> ()
    %dma_start3A_46 = arith.constant 0 : i32
    %dma_start3A_47 = arith.constant 0 : i32
    %dma_start3A_48 = tpu.memref_slice %arg7[%dma_start3A_46, %dma_start3A_47] : memref<50000x128xf32, #tpu.memory_space<hbm>> -> memref<50000x128xf32, #tpu.memory_space<hbm>>
    tpu.enqueue_indirect_dma source(%dma_start3A_48 : memref<50000x128xf32, #tpu.memory_space<hbm>>) target(%arg12 : memref<128x128xf32, #tpu.memory_space<vmem>>) offsets(%arg10 : memref<128xi32, #tpu.memory_space<vmem>>) semaphore(%arg13 : memref<!tpu.dma_semaphore, #tpu.memory_space<semaphore_mem>>)
    %dma_wait3A_49 = arith.constant 0 : i32
    %dma_wait3A_50 = arith.constant 0 : i32
    %dma_wait3A_51 = tpu.memref_slice %arg7[%dma_wait3A_49, %dma_wait3A_50] : memref<50000x128xf32, #tpu.memory_space<hbm>> -> memref<50000x128xf32, #tpu.memory_space<hbm>>
    tpu.wait_indirect_dma semaphore(%arg13 : memref<!tpu.dma_semaphore, #tpu.memory_space<semaphore_mem>>) src(%dma_wait3A_51 : memref<50000x128xf32, #tpu.memory_space<hbm>>) dst(%arg12 : memref<128x128xf32, #tpu.memory_space<vmem>>)
    %run_scoped3A_52 = arith.constant 3 : i32
    "tpu.region"() ({
      %run_scoped3A_60 = tpu.sem_alloc : memref<!tpu.dma_semaphore, #tpu.memory_space<semaphore_mem>>
      %dma_start3A_61 = arith.constant 0 : i32
      %dma_start3A_62 = tpu.memref_slice %arg8[%run_scoped3A_52, %mul3A_2, %dma_start3A_61] : memref<4x4096x128xf32, #tpu.memory_space<hbm>> -> memref<1x128x128xf32, #tpu.memory_space<hbm>>
      %dma_start3A_63 = tpu.memref_squeeze %dma_start3A_62 : memref<1x128x128xf32, #tpu.memory_space<hbm>> -> memref<128x128xf32, #tpu.memory_space<hbm>>
      %dma_start3A_64 = arith.constant 0 : i32
      %dma_start3A_65 = tpu.memref_slice %arg8[%run_scoped3A_52, %mul3A_2, %dma_start3A_64] : memref<4x4096x128xf32, #tpu.memory_space<hbm>> -> memref<1x128x128xf32, #tpu.memory_space<hbm>>
      %dma_start3A_66 = tpu.memref_squeeze %dma_start3A_65 : memref<1x128x128xf32, #tpu.memory_space<hbm>> -> memref<128x128xf32, #tpu.memory_space<hbm>>
      tpu.enqueue_dma source(%arg12 : memref<128x128xf32, #tpu.memory_space<vmem>>) target(%dma_start3A_66 : memref<128x128xf32, #tpu.memory_space<hbm>>) target_semaphore(%run_scoped3A_60 : memref<!tpu.dma_semaphore, #tpu.memory_space<semaphore_mem>>)
      %dma_wait3A_67 = arith.constant 0 : i32
      %dma_wait3A_68 = tpu.memref_slice %arg8[%run_scoped3A_52, %mul3A_2, %dma_wait3A_67] : memref<4x4096x128xf32, #tpu.memory_space<hbm>> -> memref<1x128x128xf32, #tpu.memory_space<hbm>>
      %dma_wait3A_69 = tpu.memref_squeeze %dma_wait3A_68 : memref<1x128x128xf32, #tpu.memory_space<hbm>> -> memref<128x128xf32, #tpu.memory_space<hbm>>
      %dma_wait3A_70 = arith.constant 0 : i32
      %dma_wait3A_71 = tpu.memref_slice %arg8[%run_scoped3A_52, %mul3A_2, %dma_wait3A_70] : memref<4x4096x128xf32, #tpu.memory_space<hbm>> -> memref<1x128x128xf32, #tpu.memory_space<hbm>>
      %dma_wait3A_72 = tpu.memref_squeeze %dma_wait3A_71 : memref<1x128x128xf32, #tpu.memory_space<hbm>> -> memref<128x128xf32, #tpu.memory_space<hbm>>
      tpu.wait_dma2 semaphore(%run_scoped3A_60 : memref<!tpu.dma_semaphore, #tpu.memory_space<semaphore_mem>>) src(%arg12 : memref<128x128xf32, #tpu.memory_space<vmem>>) dst(%dma_wait3A_72 : memref<128x128xf32, #tpu.memory_space<hbm>>)
      tpu.yield
    }) : () -> ()
    %dma_start3A_53 = arith.constant 0 : i32
    %dma_start3A_54 = arith.constant 0 : i32
    %dma_start3A_55 = tpu.memref_slice %arg7[%dma_start3A_53, %dma_start3A_54] : memref<50000x128xf32, #tpu.memory_space<hbm>> -> memref<50000x128xf32, #tpu.memory_space<hbm>>
    tpu.enqueue_indirect_dma source(%dma_start3A_55 : memref<50000x128xf32, #tpu.memory_space<hbm>>) target(%arg12 : memref<128x128xf32, #tpu.memory_space<vmem>>) offsets(%arg11 : memref<128xi32, #tpu.memory_space<vmem>>) semaphore(%arg13 : memref<!tpu.dma_semaphore, #tpu.memory_space<semaphore_mem>>)
    %dma_wait3A_56 = arith.constant 0 : i32
    %dma_wait3A_57 = arith.constant 0 : i32
    %dma_wait3A_58 = tpu.memref_slice %arg7[%dma_wait3A_56, %dma_wait3A_57] : memref<50000x128xf32, #tpu.memory_space<hbm>> -> memref<50000x128xf32, #tpu.memory_space<hbm>>
    tpu.wait_indirect_dma semaphore(%arg13 : memref<!tpu.dma_semaphore, #tpu.memory_space<semaphore_mem>>) src(%dma_wait3A_58 : memref<50000x128xf32, #tpu.memory_space<hbm>>) dst(%arg12 : memref<128x128xf32, #tpu.memory_space<vmem>>)
    %run_scoped3A_59 = arith.constant 3 : i32
    "tpu.region"() ({
      %run_scoped3A_60 = tpu.sem_alloc : memref<!tpu.dma_semaphore, #tpu.memory_space<semaphore_mem>>
      %dma_start3A_61 = arith.constant 0 : i32
      %dma_start3A_62 = tpu.memref_slice %arg9[%run_scoped3A_59, %mul3A_2, %dma_start3A_61] : memref<4x4096x128xf32, #tpu.memory_space<hbm>> -> memref<1x128x128xf32, #tpu.memory_space<hbm>>
      %dma_start3A_63 = tpu.memref_squeeze %dma_start3A_62 : memref<1x128x128xf32, #tpu.memory_space<hbm>> -> memref<128x128xf32, #tpu.memory_space<hbm>>
      %dma_start3A_64 = arith.constant 0 : i32
      %dma_start3A_65 = tpu.memref_slice %arg9[%run_scoped3A_59, %mul3A_2, %dma_start3A_64] : memref<4x4096x128xf32, #tpu.memory_space<hbm>> -> memref<1x128x128xf32, #tpu.memory_space<hbm>>
      %dma_start3A_66 = tpu.memref_squeeze %dma_start3A_65 : memref<1x128x128xf32, #tpu.memory_space<hbm>> -> memref<128x128xf32, #tpu.memory_space<hbm>>
      tpu.enqueue_dma source(%arg12 : memref<128x128xf32, #tpu.memory_space<vmem>>) target(%dma_start3A_66 : memref<128x128xf32, #tpu.memory_space<hbm>>) target_semaphore(%run_scoped3A_60 : memref<!tpu.dma_semaphore, #tpu.memory_space<semaphore_mem>>)
      %dma_wait3A_67 = arith.constant 0 : i32
      %dma_wait3A_68 = tpu.memref_slice %arg9[%run_scoped3A_59, %mul3A_2, %dma_wait3A_67] : memref<4x4096x128xf32, #tpu.memory_space<hbm>> -> memref<1x128x128xf32, #tpu.memory_space<hbm>>
      %dma_wait3A_69 = tpu.memref_squeeze %dma_wait3A_68 : memref<1x128x128xf32, #tpu.memory_space<hbm>> -> memref<128x128xf32, #tpu.memory_space<hbm>>
      %dma_wait3A_70 = arith.constant 0 : i32
      %dma_wait3A_71 = tpu.memref_slice %arg9[%run_scoped3A_59, %mul3A_2, %dma_wait3A_70] : memref<4x4096x128xf32, #tpu.memory_space<hbm>> -> memref<1x128x128xf32, #tpu.memory_space<hbm>>
      %dma_wait3A_72 = tpu.memref_squeeze %dma_wait3A_71 : memref<1x128x128xf32, #tpu.memory_space<hbm>> -> memref<128x128xf32, #tpu.memory_space<hbm>>
      tpu.wait_dma2 semaphore(%run_scoped3A_60 : memref<!tpu.dma_semaphore, #tpu.memory_space<semaphore_mem>>) src(%arg12 : memref<128x128xf32, #tpu.memory_space<vmem>>) dst(%dma_wait3A_72 : memref<128x128xf32, #tpu.memory_space<hbm>>)
      tpu.yield
    }) : () -> ()
    return
  }
}

module attributes {stable_mosaic.version = 14 : i64} {
  func.func @_tc_prep_body(%arg0: i32, %arg1: memref<1000x1xf32, #tpu.memory_space<vmem>>, %arg2: memref<1000x64xf32, #tpu.memory_space<vmem>>, %arg3: memref<1000x1xf32, #tpu.memory_space<vmem>>, %arg4: memref<1000x128xf32, #tpu.memory_space<vmem>>, %arg5: memref<2000x128xf32, #tpu.memory_space<vmem>>) attributes {dimension_semantics = [#tpu.dimension_semantics<arbitrary>], iteration_bounds = array<i64: 50>, scalar_prefetch = 0 : i64, scratch_operands = 0 : i64, tpu.core_type = #tpu.core_type<tc>, window_params = [{transform_indices = @transform_0, window_bounds = array<i64: 1000, 1>}, {transform_indices = @transform_1, window_bounds = array<i64: 1000, 64>}, {transform_indices = @transform_2, window_bounds = array<i64: 1000, 1>}, {transform_indices = @transform_3, window_bounds = array<i64: 1000, 128>}, {transform_indices = @transform_4, window_bounds = array<i64: 2000, 128>}]} {
    %get3A = arith.constant 0 : index
    %get3A_0 = arith.constant 0 : index
    %get3A_1 = vector.load %arg1[%get3A, %get3A_0] : memref<1000x1xf32, #tpu.memory_space<vmem>>, vector<1000x1xf32>
    %gt3A = arith.constant 0.000000e+00 : f32
    %gt3A_2 = vector.broadcast %gt3A : f32 to vector<1000x1xf32>
    %gt3A_3 = arith.cmpf ogt, %get3A_1, %gt3A_2 : vector<1000x1xf32>
    %rsqrt3A = math.rsqrt %get3A_1 : vector<1000x1xf32>
    %jit3A = arith.constant 0.000000e+00 : f32
    %broadcast_in_dim3A = vector.broadcast %jit3A : f32 to vector<1000x1xf32>
    %select_n3A = arith.select %gt3A_3, %rsqrt3A, %broadcast_in_dim3A : vector<1000x1xi1>, vector<1000x1xf32>
    %swap3A = arith.constant 0 : index
    %swap3A_4 = arith.constant 0 : index
    %swap3A_5 = vector.load %arg3[%swap3A, %swap3A_4] : memref<1000x1xf32, #tpu.memory_space<vmem>>, vector<1000x1xf32>
    tpu.vector_store %arg3[%swap3A, %swap3A_4], %select_n3A {strides = array<i32>} : memref<1000x1xf32, #tpu.memory_space<vmem>>, vector<1000x1xf32>,
    %get3A_6 = arith.constant 0 : index
    %get3A_7 = arith.constant 0 : index
    %get3A_8 = vector.load %arg2[%get3A_6, %get3A_7] : memref<1000x64xf32, #tpu.memory_space<vmem>>, vector<1000x64xf32>
    %broadcast_in_dim3A_9 = arith.constant 0.000000e+00 : f32
    %broadcast_in_dim3A_10 = vector.broadcast %broadcast_in_dim3A_9 : f32 to vector<1000x64xf32>
    %concatenate3A = tpu.concatenate %get3A_8, %broadcast_in_dim3A_10 in 1 : vector<1000x64xf32>, vector<1000x64xf32> -> vector<1000x128xf32>
    %swap3A_11 = arith.constant 0 : index
    %swap3A_12 = arith.constant 0 : index
    %swap3A_13 = vector.load %arg4[%swap3A_11, %swap3A_12] : memref<1000x128xf32, #tpu.memory_space<vmem>>, vector<1000x128xf32>
    tpu.vector_store %arg4[%swap3A_11, %swap3A_12], %concatenate3A {strides = array<i32>} : memref<1000x128xf32, #tpu.memory_space<vmem>>, vector<1000x128xf32>,
    %mul3A = vector.broadcast %select_n3A : vector<1000x1xf32> to vector<1000x64xf32>
    %mul3A_14 = arith.mulf %get3A_8, %mul3A : vector<1000x64xf32>
    %concatenate3A_15 = tpu.concatenate %mul3A_14, %broadcast_in_dim3A_10 in 1 : vector<1000x64xf32>, vector<1000x64xf32> -> vector<1000x128xf32>
    %concatenate3A_16 = tpu.concatenate %broadcast_in_dim3A_10, %mul3A_14 in 1 : vector<1000x64xf32>, vector<1000x64xf32> -> vector<1000x128xf32>
    %stack3A = vector.shape_cast %concatenate3A_15 : vector<1000x128xf32> to vector<1000x1x128xf32>
    %stack3A_17 = vector.shape_cast %concatenate3A_16 : vector<1000x128xf32> to vector<1000x1x128xf32>
    %stack3A_18 = tpu.concatenate %stack3A, %stack3A_17 in 1 : vector<1000x1x128xf32>, vector<1000x1x128xf32> -> vector<1000x2x128xf32>
    %reshape3A = vector.shape_cast %stack3A_18 : vector<1000x2x128xf32> to vector<2000x128xf32>
    %swap3A_19 = arith.constant 0 : index
    %swap3A_20 = arith.constant 0 : index
    %swap3A_21 = vector.load %arg5[%swap3A_19, %swap3A_20] : memref<2000x128xf32, #tpu.memory_space<vmem>>, vector<2000x128xf32>
    tpu.vector_store %arg5[%swap3A_19, %swap3A_20], %reshape3A {strides = array<i32>} : memref<2000x128xf32, #tpu.memory_space<vmem>>, vector<2000x128xf32>,
    return
  }
  func.func @transform_0(%arg0: i32) -> (i32, i32) {
    %c0_i32 = arith.constant 0 : i32
    %c0_i32_0 = arith.constant 0 : i32
    return %arg0, %c0_i32 : i32, i32
  }
  func.func @transform_1(%arg0: i32) -> (i32, i32) {
    %c0_i32 = arith.constant 0 : i32
    %c0_i32_0 = arith.constant 0 : i32
    return %arg0, %c0_i32 : i32, i32
  }
  func.func @transform_2(%arg0: i32) -> (i32, i32) {
    %c0_i32 = arith.constant 0 : i32
    %c0_i32_0 = arith.constant 0 : i32
    return %arg0, %c0_i32 : i32, i32
  }
  func.func @transform_3(%arg0: i32) -> (i32, i32) {
    %c0_i32 = arith.constant 0 : i32
    %c0_i32_0 = arith.constant 0 : i32
    return %arg0, %c0_i32 : i32, i32
  }
  func.func @transform_4(%arg0: i32) -> (i32, i32) {
    %c0_i32 = arith.constant 0 : i32
    %c0_i32_0 = arith.constant 0 : i32
    return %arg0, %c0_i32 : i32, i32
  }
}

module attributes {stable_mosaic.version = 14 : i64} {
  func.func @_tc_transform_body(%arg0: i32, %arg1: memref<1000x64xf32, #tpu.memory_space<vmem>>, %arg2: memref<1000x128xf32, #tpu.memory_space<vmem>>, %arg3: memref<1000x1xf32, #tpu.memory_space<vmem>>, %arg4: memref<64x64xf32, #tpu.memory_space<vmem>>, %arg5: memref<1x64xf32, #tpu.memory_space<vmem>>, %arg6: memref<64x64xf32, #tpu.memory_space<vmem>>, %arg7: memref<1x64xf32, #tpu.memory_space<vmem>>, %arg8: memref<1000x128xf32, #tpu.memory_space<vmem>>, %arg9: memref<2000x128xf32, #tpu.memory_space<vmem>>) attributes {dimension_semantics = [#tpu.dimension_semantics<arbitrary>], iteration_bounds = array<i64: 50>, scalar_prefetch = 0 : i64, scratch_operands = 0 : i64, tpu.core_type = #tpu.core_type<tc>, window_params = [{transform_indices = @transform_0, window_bounds = array<i64: 1000, 64>}, {transform_indices = @transform_1, window_bounds = array<i64: 1000, 128>}, {transform_indices = @transform_2, window_bounds = array<i64: 1000, 1>}, {pipeline_mode = #tpu.pipeline_mode<synchronous>, transform_indices = @transform_3, window_bounds = array<i64: 64, 64>}, {pipeline_mode = #tpu.pipeline_mode<synchronous>, transform_indices = @transform_4, window_bounds = array<i64: 1, 64>}, {pipeline_mode = #tpu.pipeline_mode<synchronous>, transform_indices = @transform_5, window_bounds = array<i64: 64, 64>}, {pipeline_mode = #tpu.pipeline_mode<synchronous>, transform_indices = @transform_6, window_bounds = array<i64: 1, 64>}, {transform_indices = @transform_7, window_bounds = array<i64: 1000, 128>}, {transform_indices = @transform_8, window_bounds = array<i64: 2000, 128>}]} {
    %get3A = arith.constant 0 : index
    %get3A_0 = arith.constant 0 : index
    %get3A_1 = vector.load %arg3[%get3A, %get3A_0] : memref<1000x1xf32, #tpu.memory_space<vmem>>, vector<1000x1xf32>
    %get3A_2 = arith.constant 0 : index
    %get3A_3 = arith.constant 0 : index
    %get3A_4 = vector.load %arg1[%get3A_2, %get3A_3] : memref<1000x64xf32, #tpu.memory_space<vmem>>, vector<1000x64xf32>
    %mul3A = vector.broadcast %get3A_1 : vector<1000x1xf32> to vector<1000x64xf32>
    %mul3A_5 = arith.mulf %get3A_4, %mul3A : vector<1000x64xf32>
    %get3A_6 = arith.constant 0 : index
    %get3A_7 = arith.constant 0 : index
    %get3A_8 = vector.load %arg2[%get3A_6, %get3A_7] : memref<1000x128xf32, #tpu.memory_space<vmem>>, vector<1000x64xf32>
    %add3A = arith.addf %get3A_8, %mul3A_5 : vector<1000x64xf32>
    %get3A_9 = arith.constant 0 : index
    %get3A_10 = arith.constant 0 : index
    %get3A_11 = vector.load %arg4[%get3A_9, %get3A_10] : memref<64x64xf32, #tpu.memory_space<vmem>>, vector<64x64xf32>
    %dot_general3A = arith.constant dense<0.000000e+00> : vector<1000x64xf32>
    %dot_general3A_12 = tpu.matmul %add3A, %get3A_11, %dot_general3A {dimension_numbers = #tpu.dot_dimension_numbers<[1], [1], [0], [0], [0, 0, 1, 0], [], []>, transpose_lhs_hint = false} : vector<1000x64xf32>, vector<64x64xf32>, vector<1000x64xf32> -> vector<1000x64xf32>
    %mul3A_13 = arith.mulf %get3A_8, %mul3A_5 : vector<1000x64xf32>
    %get3A_14 = arith.constant 0 : index
    %get3A_15 = arith.constant 0 : index
    %get3A_16 = vector.load %arg6[%get3A_14, %get3A_15] : memref<64x64xf32, #tpu.memory_space<vmem>>, vector<64x64xf32>
    %dot_general3A_17 = arith.constant dense<0.000000e+00> : vector<1000x64xf32>
    %dot_general3A_18 = tpu.matmul %mul3A_13, %get3A_16, %dot_general3A_17 {dimension_numbers = #tpu.dot_dimension_numbers<[1], [1], [0], [0], [0, 0, 1, 0], [], []>, transpose_lhs_hint = false} : vector<1000x64xf32>, vector<64x64xf32>, vector<1000x64xf32> -> vector<1000x64xf32>
    %add3A_19 = arith.addf %dot_general3A_12, %dot_general3A_18 : vector<1000x64xf32>
    %get3A_20 = arith.constant 0 : index
    %get3A_21 = arith.constant 0 : index
    %get3A_22 = vector.load %arg5[%get3A_20, %get3A_21] : memref<1x64xf32, #tpu.memory_space<vmem>>, vector<1x64xf32>
    %add3A_23 = vector.broadcast %get3A_22 : vector<1x64xf32> to vector<1000x64xf32>
    %add3A_24 = arith.addf %add3A_19, %add3A_23 : vector<1000x64xf32>
    %get3A_25 = arith.constant 0 : index
    %get3A_26 = arith.constant 0 : index
    %get3A_27 = vector.load %arg7[%get3A_25, %get3A_26] : memref<1x64xf32, #tpu.memory_space<vmem>>, vector<1x64xf32>
    %add3A_28 = vector.broadcast %get3A_27 : vector<1x64xf32> to vector<1000x64xf32>
    %add3A_29 = arith.addf %add3A_24, %add3A_28 : vector<1000x64xf32>
    %gt3A = arith.constant 0.000000e+00 : f32
    %gt3A_30 = vector.broadcast %gt3A : f32 to vector<1000x64xf32>
    %gt3A_31 = arith.cmpf ogt, %add3A_29, %gt3A_30 : vector<1000x64xf32>
    %mul3A_32 = arith.constant 0.00999999977 : f32
    %mul3A_33 = vector.broadcast %mul3A_32 : f32 to vector<1000x64xf32>
    %mul3A_34 = arith.mulf %mul3A_33, %add3A_29 : vector<1000x64xf32>
    %select_n3A = arith.select %gt3A_31, %add3A_29, %mul3A_34 : vector<1000x64xi1>, vector<1000x64xf32>
    %broadcast_in_dim3A = arith.constant 0.000000e+00 : f32
    %broadcast_in_dim3A_35 = vector.broadcast %broadcast_in_dim3A : f32 to vector<1000x64xf32>
    %concatenate3A = tpu.concatenate %select_n3A, %broadcast_in_dim3A_35 in 1 : vector<1000x64xf32>, vector<1000x64xf32> -> vector<1000x128xf32>
    %swap3A = arith.constant 0 : index
    %swap3A_36 = arith.constant 0 : index
    %swap3A_37 = vector.load %arg8[%swap3A, %swap3A_36] : memref<1000x128xf32, #tpu.memory_space<vmem>>, vector<1000x128xf32>
    tpu.vector_store %arg8[%swap3A, %swap3A_36], %concatenate3A {strides = array<i32>} : memref<1000x128xf32, #tpu.memory_space<vmem>>, vector<1000x128xf32>,
    %mul3A_38 = vector.broadcast %get3A_1 : vector<1000x1xf32> to vector<1000x64xf32>
    %mul3A_39 = arith.mulf %select_n3A, %mul3A_38 : vector<1000x64xf32>
    %concatenate3A_40 = tpu.concatenate %mul3A_39, %broadcast_in_dim3A_35 in 1 : vector<1000x64xf32>, vector<1000x64xf32> -> vector<1000x128xf32>
    %concatenate3A_41 = tpu.concatenate %broadcast_in_dim3A_35, %mul3A_39 in 1 : vector<1000x64xf32>, vector<1000x64xf32> -> vector<1000x128xf32>
    %stack3A = vector.shape_cast %concatenate3A_40 : vector<1000x128xf32> to vector<1000x1x128xf32>
    %stack3A_42 = vector.shape_cast %concatenate3A_41 : vector<1000x128xf32> to vector<1000x1x128xf32>
    %stack3A_43 = tpu.concatenate %stack3A, %stack3A_42 in 1 : vector<1000x1x128xf32>, vector<1000x1x128xf32> -> vector<1000x2x128xf32>
    %reshape3A = vector.shape_cast %stack3A_43 : vector<1000x2x128xf32> to vector<2000x128xf32>
    %swap3A_44 = arith.constant 0 : index
    %swap3A_45 = arith.constant 0 : index
    %swap3A_46 = vector.load %arg9[%swap3A_44, %swap3A_45] : memref<2000x128xf32, #tpu.memory_space<vmem>>, vector<2000x128xf32>
    tpu.vector_store %arg9[%swap3A_44, %swap3A_45], %reshape3A {strides = array<i32>} : memref<2000x128xf32, #tpu.memory_space<vmem>>, vector<2000x128xf32>,
    return
  }
  func.func @transform_0(%arg0: i32) -> (i32, i32) {
    %c0_i32 = arith.constant 0 : i32
    %c0_i32_0 = arith.constant 0 : i32
    return %arg0, %c0_i32 : i32, i32
  }
  func.func @transform_1(%arg0: i32) -> (i32, i32) {
    %c0_i32 = arith.constant 0 : i32
    %c0_i32_0 = arith.constant 0 : i32
    return %arg0, %c0_i32 : i32, i32
  }
  func.func @transform_2(%arg0: i32) -> (i32, i32) {
    %c0_i32 = arith.constant 0 : i32
    %c0_i32_0 = arith.constant 0 : i32
    return %arg0, %c0_i32 : i32, i32
  }
  func.func @transform_3(%arg0: i32) -> (i32, i32) {
    %c0_i32 = arith.constant 0 : i32
    %c0_i32_0 = arith.constant 0 : i32
    %c0_i32_1 = arith.constant 0 : i32
    return %c0_i32, %c0_i32_0 : i32, i32
  }
  func.func @transform_4(%arg0: i32) -> (i32, i32) {
    %c0_i32 = arith.constant 0 : i32
    %c0_i32_0 = arith.constant 0 : i32
    %c0_i32_1 = arith.constant 0 : i32
    return %c0_i32, %c0_i32_0 : i32, i32
  }
  func.func @transform_5(%arg0: i32) -> (i32, i32) {
    %c0_i32 = arith.constant 0 : i32
    %c0_i32_0 = arith.constant 0 : i32
    %c0_i32_1 = arith.constant 0 : i32
    return %c0_i32, %c0_i32_0 : i32, i32
  }
  func.func @transform_6(%arg0: i32) -> (i32, i32) {
    %c0_i32 = arith.constant 0 : i32
    %c0_i32_0 = arith.constant 0 : i32
    %c0_i32_1 = arith.constant 0 : i32
    return %c0_i32, %c0_i32_0 : i32, i32
  }
  func.func @transform_7(%arg0: i32) -> (i32, i32) {
    %c0_i32 = arith.constant 0 : i32
    %c0_i32_0 = arith.constant 0 : i32
    return %arg0, %c0_i32 : i32, i32
  }
  func.func @transform_8(%arg0: i32) -> (i32, i32) {
    %c0_i32 = arith.constant 0 : i32
    %c0_i32_0 = arith.constant 0 : i32
    return %arg0, %c0_i32 : i32, i32
  }
}

module attributes {stable_mosaic.version = 14 : i64} {
  func.func @_tc_transform_last_body(%arg0: i32, %arg1: memref<1000x64xf32, #tpu.memory_space<vmem>>, %arg2: memref<1000x128xf32, #tpu.memory_space<vmem>>, %arg3: memref<1000x1xf32, #tpu.memory_space<vmem>>, %arg4: memref<64x64xf32, #tpu.memory_space<vmem>>, %arg5: memref<1x64xf32, #tpu.memory_space<vmem>>, %arg6: memref<64x64xf32, #tpu.memory_space<vmem>>, %arg7: memref<1x64xf32, #tpu.memory_space<vmem>>, %arg8: memref<1000x128xf32, #tpu.memory_space<vmem>>) attributes {dimension_semantics = [#tpu.dimension_semantics<arbitrary>], iteration_bounds = array<i64: 50>, scalar_prefetch = 0 : i64, scratch_operands = 0 : i64, tpu.core_type = #tpu.core_type<tc>, window_params = [{transform_indices = @transform_0, window_bounds = array<i64: 1000, 64>}, {transform_indices = @transform_1, window_bounds = array<i64: 1000, 128>}, {transform_indices = @transform_2, window_bounds = array<i64: 1000, 1>}, {pipeline_mode = #tpu.pipeline_mode<synchronous>, transform_indices = @transform_3, window_bounds = array<i64: 64, 64>}, {pipeline_mode = #tpu.pipeline_mode<synchronous>, transform_indices = @transform_4, window_bounds = array<i64: 1, 64>}, {pipeline_mode = #tpu.pipeline_mode<synchronous>, transform_indices = @transform_5, window_bounds = array<i64: 64, 64>}, {pipeline_mode = #tpu.pipeline_mode<synchronous>, transform_indices = @transform_6, window_bounds = array<i64: 1, 64>}, {transform_indices = @transform_7, window_bounds = array<i64: 1000, 128>}]} {
    %get3A = arith.constant 0 : index
    %get3A_0 = arith.constant 0 : index
    %get3A_1 = vector.load %arg3[%get3A, %get3A_0] : memref<1000x1xf32, #tpu.memory_space<vmem>>, vector<1000x1xf32>
    %get3A_2 = arith.constant 0 : index
    %get3A_3 = arith.constant 0 : index
    %get3A_4 = vector.load %arg1[%get3A_2, %get3A_3] : memref<1000x64xf32, #tpu.memory_space<vmem>>, vector<1000x64xf32>
    %mul3A = vector.broadcast %get3A_1 : vector<1000x1xf32> to vector<1000x64xf32>
    %mul3A_5 = arith.mulf %get3A_4, %mul3A : vector<1000x64xf32>
    %get3A_6 = arith.constant 0 : index
    %get3A_7 = arith.constant 0 : index
    %get3A_8 = vector.load %arg2[%get3A_6, %get3A_7] : memref<1000x128xf32, #tpu.memory_space<vmem>>, vector<1000x64xf32>
    %add3A = arith.addf %get3A_8, %mul3A_5 : vector<1000x64xf32>
    %get3A_9 = arith.constant 0 : index
    %get3A_10 = arith.constant 0 : index
    %get3A_11 = vector.load %arg4[%get3A_9, %get3A_10] : memref<64x64xf32, #tpu.memory_space<vmem>>, vector<64x64xf32>
    %dot_general3A = arith.constant dense<0.000000e+00> : vector<1000x64xf32>
    %dot_general3A_12 = tpu.matmul %add3A, %get3A_11, %dot_general3A {dimension_numbers = #tpu.dot_dimension_numbers<[1], [1], [0], [0], [0, 0, 1, 0], [], []>, transpose_lhs_hint = false} : vector<1000x64xf32>, vector<64x64xf32>, vector<1000x64xf32> -> vector<1000x64xf32>
    %mul3A_13 = arith.mulf %get3A_8, %mul3A_5 : vector<1000x64xf32>
    %get3A_14 = arith.constant 0 : index
    %get3A_15 = arith.constant 0 : index
    %get3A_16 = vector.load %arg6[%get3A_14, %get3A_15] : memref<64x64xf32, #tpu.memory_space<vmem>>, vector<64x64xf32>
    %dot_general3A_17 = arith.constant dense<0.000000e+00> : vector<1000x64xf32>
    %dot_general3A_18 = tpu.matmul %mul3A_13, %get3A_16, %dot_general3A_17 {dimension_numbers = #tpu.dot_dimension_numbers<[1], [1], [0], [0], [0, 0, 1, 0], [], []>, transpose_lhs_hint = false} : vector<1000x64xf32>, vector<64x64xf32>, vector<1000x64xf32> -> vector<1000x64xf32>
    %add3A_19 = arith.addf %dot_general3A_12, %dot_general3A_18 : vector<1000x64xf32>
    %get3A_20 = arith.constant 0 : index
    %get3A_21 = arith.constant 0 : index
    %get3A_22 = vector.load %arg5[%get3A_20, %get3A_21] : memref<1x64xf32, #tpu.memory_space<vmem>>, vector<1x64xf32>
    %add3A_23 = vector.broadcast %get3A_22 : vector<1x64xf32> to vector<1000x64xf32>
    %add3A_24 = arith.addf %add3A_19, %add3A_23 : vector<1000x64xf32>
    %get3A_25 = arith.constant 0 : index
    %get3A_26 = arith.constant 0 : index
    %get3A_27 = vector.load %arg7[%get3A_25, %get3A_26] : memref<1x64xf32, #tpu.memory_space<vmem>>, vector<1x64xf32>
    %add3A_28 = vector.broadcast %get3A_27 : vector<1x64xf32> to vector<1000x64xf32>
    %add3A_29 = arith.addf %add3A_24, %add3A_28 : vector<1000x64xf32>
    %gt3A = arith.constant 0.000000e+00 : f32
    %gt3A_30 = vector.broadcast %gt3A : f32 to vector<1000x64xf32>
    %gt3A_31 = arith.cmpf ogt, %add3A_29, %gt3A_30 : vector<1000x64xf32>
    %mul3A_32 = arith.constant 0.00999999977 : f32
    %mul3A_33 = vector.broadcast %mul3A_32 : f32 to vector<1000x64xf32>
    %mul3A_34 = arith.mulf %mul3A_33, %add3A_29 : vector<1000x64xf32>
    %select_n3A = arith.select %gt3A_31, %add3A_29, %mul3A_34 : vector<1000x64xi1>, vector<1000x64xf32>
    %broadcast_in_dim3A = arith.constant 0.000000e+00 : f32
    %broadcast_in_dim3A_35 = vector.broadcast %broadcast_in_dim3A : f32 to vector<1000x64xf32>
    %concatenate3A = tpu.concatenate %select_n3A, %broadcast_in_dim3A_35 in 1 : vector<1000x64xf32>, vector<1000x64xf32> -> vector<1000x128xf32>
    %swap3A = arith.constant 0 : index
    %swap3A_36 = arith.constant 0 : index
    %swap3A_37 = vector.load %arg8[%swap3A, %swap3A_36] : memref<1000x128xf32, #tpu.memory_space<vmem>>, vector<1000x128xf32>
    tpu.vector_store %arg8[%swap3A, %swap3A_36], %concatenate3A {strides = array<i32>} : memref<1000x128xf32, #tpu.memory_space<vmem>>, vector<1000x128xf32>,
    return
  }
  func.func @transform_0(%arg0: i32) -> (i32, i32) {
    %c0_i32 = arith.constant 0 : i32
    %c0_i32_0 = arith.constant 0 : i32
    return %arg0, %c0_i32 : i32, i32
  }
  func.func @transform_1(%arg0: i32) -> (i32, i32) {
    %c0_i32 = arith.constant 0 : i32
    %c0_i32_0 = arith.constant 0 : i32
    return %arg0, %c0_i32 : i32, i32
  }
  func.func @transform_2(%arg0: i32) -> (i32, i32) {
    %c0_i32 = arith.constant 0 : i32
    %c0_i32_0 = arith.constant 0 : i32
    return %arg0, %c0_i32 : i32, i32
  }
  func.func @transform_3(%arg0: i32) -> (i32, i32) {
    %c0_i32 = arith.constant 0 : i32
    %c0_i32_0 = arith.constant 0 : i32
    %c0_i32_1 = arith.constant 0 : i32
    return %c0_i32, %c0_i32_0 : i32, i32
  }
  func.func @transform_4(%arg0: i32) -> (i32, i32) {
    %c0_i32 = arith.constant 0 : i32
    %c0_i32_0 = arith.constant 0 : i32
    %c0_i32_1 = arith.constant 0 : i32
    return %c0_i32, %c0_i32_0 : i32, i32
  }
  func.func @transform_5(%arg0: i32) -> (i32, i32) {
    %c0_i32 = arith.constant 0 : i32
    %c0_i32_0 = arith.constant 0 : i32
    %c0_i32_1 = arith.constant 0 : i32
    return %c0_i32, %c0_i32_0 : i32, i32
  }
  func.func @transform_6(%arg0: i32) -> (i32, i32) {
    %c0_i32 = arith.constant 0 : i32
    %c0_i32_0 = arith.constant 0 : i32
    %c0_i32_1 = arith.constant 0 : i32
    return %c0_i32, %c0_i32_0 : i32, i32
  }
  func.func @transform_7(%arg0: i32) -> (i32, i32) {
    %c0_i32 = arith.constant 0 : i32
    %c0_i32_0 = arith.constant 0 : i32
    return %arg0, %c0_i32 : i32, i32
  }
}

module attributes {stable_mosaic.version = 14 : i64} {
  func.func @_tc_dot_body(%arg0: i32, %arg1: memref<4x512x128xf32, #tpu.memory_space<vmem>>, %arg2: memref<4x512x128xf32, #tpu.memory_space<vmem>>, %arg3: memref<512x1xf32, #tpu.memory_space<vmem>>) attributes {dimension_semantics = [#tpu.dimension_semantics<arbitrary>], iteration_bounds = array<i64: 8>, scalar_prefetch = 0 : i64, scratch_operands = 0 : i64, tpu.core_type = #tpu.core_type<tc>, window_params = [{transform_indices = @transform_0, window_bounds = array<i64: 4, 512, 128>}, {transform_indices = @transform_1, window_bounds = array<i64: 4, 512, 128>}, {transform_indices = @transform_2, window_bounds = array<i64: 512, 1>}]} {
    %get3A = arith.constant 0 : index
    %get3A_0 = arith.constant 0 : index
    %get3A_1 = arith.constant 0 : index
    %get3A_2 = vector.load %arg1[%get3A, %get3A_0, %get3A_1] : memref<4x512x128xf32, #tpu.memory_space<vmem>>, vector<4x512x128xf32>
    %get3A_3 = arith.constant 0 : index
    %get3A_4 = arith.constant 0 : index
    %get3A_5 = arith.constant 0 : index
    %get3A_6 = vector.load %arg2[%get3A_3, %get3A_4, %get3A_5] : memref<4x512x128xf32, #tpu.memory_space<vmem>>, vector<4x512x128xf32>
    %mul3A = arith.mulf %get3A_2, %get3A_6 : vector<4x512x128xf32>
    %reduce_sum3A = arith.constant dense<0.000000e+00> : vector<512xf32>
    %reduce_sum3A_7 = vector.multi_reduction <add>, %mul3A, %reduce_sum3A [0, 2] : vector<4x512x128xf32> to vector<512xf32>
    %broadcast_in_dim3A = vector.shape_cast %reduce_sum3A_7 : vector<512xf32> to vector<512x1xf32>
    %swap3A = arith.constant 0 : index
    %swap3A_8 = arith.constant 0 : index
    %swap3A_9 = vector.load %arg3[%swap3A, %swap3A_8] : memref<512x1xf32, #tpu.memory_space<vmem>>, vector<512x1xf32>
    tpu.vector_store %arg3[%swap3A, %swap3A_8], %broadcast_in_dim3A {strides = array<i32>} : memref<512x1xf32, #tpu.memory_space<vmem>>, vector<512x1xf32>,
    return
  }
  func.func @transform_0(%arg0: i32) -> (i32, i32, i32) {
    %c0_i32 = arith.constant 0 : i32
    %c0_i32_0 = arith.constant 0 : i32
    %c0_i32_1 = arith.constant 0 : i32
    return %c0_i32, %arg0, %c0_i32_0 : i32, i32, i32
  }
  func.func @transform_1(%arg0: i32) -> (i32, i32, i32) {
    %c0_i32 = arith.constant 0 : i32
    %c0_i32_0 = arith.constant 0 : i32
    %c0_i32_1 = arith.constant 0 : i32
    return %c0_i32, %arg0, %c0_i32_0 : i32, i32, i32
  }
  func.func @transform_2(%arg0: i32) -> (i32, i32) {
    %c0_i32 = arith.constant 0 : i32
    %c0_i32_0 = arith.constant 0 : i32
    return %arg0, %c0_i32 : i32, i32
  }
}

</mosaic_0001>

<sc_bundles>
// kernel: kernel.12.cloned.1.call-start
scs
__scs_entry_jumppad:
0x0: {  	(pc) =	sbr.rel $0x88, $3  }
0x1: {  	(tag) =	ssettag $0x0;
	lr =	simm.s32 $0x1  }
0x2: {  	[smem:$0x3F98] =	sst lr;
	_ =	strace $0xD0000000  }
0x3: {  	_ = 	snop  }
0x4: {  	_ = 	snop  }
0x5: {  	_ = 	snop  }
0x6: {  	_ = 	snop  }
0x7: {  	_ = 	snop  }
__scs_overlays_trampoline_lowered:
0x8: {  	[smem:$0x3FA7] =	sst s0  }
0x9: {  	[smem:$0x3FA8] =	sst s1  }
0xa: {  	[smem:$0x3FA9] =	sst s2  }
0xb: {  	[smem:$0x3FAA] =	sst s3  }
0xc: {  	[smem:$0x3FAB] =	sst s4  }
0xd: {  	[smem:$0x3FAC] =	sst s5  }
0xe: {  	[smem:$0x3FAD] =	sst s6  }
0xf: {  	[smem:$0x3FAE] =	sst s7  }
0x10: {  	[smem:$0x3FAF] =	sst s8  }
0x11: {  	[smem:$0x3FB0] =	sst s9;
	s0 =	simm.s32 @!p0 $0x0  }
0x12: {  	s1 =	sld [smem:$0x3F96];
	s0 =	simm.s32 @p0 $0x1  }
0x13: {  	[smem:$0x3FB1] =	sst s0;
	s0 =	simm.s32 @!p1 $0x0  }
0x14: {  	s2 =	sld [smem:$0x3F95];
	s0 =	simm.s32 @p1 $0x1  }
0x15: {  	[smem:$0x3FB2] =	sst s0;
	s0 =	simm.s32 @!p2 $0x0  }
0x16: {  	s3 =	sld [smem:$0x3FDB];
	s0 =	simm.s32 @p2 $0x1  }
0x17: {  	s4 =	simm.s32 $0x1BF5;
	[smem:$0x3FB4] =	sst s0  }
0x18: {  	s0 =	sld [smem:$0x3F97];
	_ =	swait.ge [sflag:s4], $0x0  }
0x19: {  	s7 =	sld [smem:$0x3F98]  }
0x1a: {  	s8 =	sadd.s32 $0xFFFFE003, lr  }
0x1b: {  	s9 =	sadd.s32 $0xFFFFFEF7, lr;
	s5 =	simm.s32 $0xFFFFFFFF;
	p2 =	slt.u32 s8, $0xFFFFF086  }
0x1c: {  	p1 =	slt.u32 s9, $0xF7A;
	s5 =	simm.s32 @!p2 $0x0  }
0x1d: {  	s5 =	simm.s32 @p1 $0x1;
	p0 =	seq.s32 s7, s2  }
0x1e: {  	s7 =	smul.u32 @!p0 $0xF7A, s2;
	p2 =	seq.s32 @!p0 s5, $0x0  }
0x1f: {  	s9 =	smul.u32 $0xF7A, s1;
	s8 =	simm.s32 @!p0 $0x1BF5;
	p2 =	por !p2, p0  }
0x20: {  	[sflag:s8] =	ssyncset.s32 @!p0 $0xFFFFF086;
	s6 =	sadd.s32 @!p0 s3, s7;
	s7 =	simm.s32 @!p0 $0x108  }
0x21: {  	s3 =	sadd.s32 s3, s9;
	s6 =	sadd.s32 @!p0 $0x88, s6;
	s7 =	simm.s32 @p2 $0x1082  }
0x22: {  	[simem:s7], [sflag:s8] =	dma.local @!p0 [hbm:s6], $0xF7A  }
0x23: {  	s9 =	sor.u32 $0xD0000000, s2;
	s6 =	simm.s32 $0x108;
	_ =	swait.ge @!p0 [sflag:s8], $0x0  }
0x24: {  	s3 =	sadd.s32 $0x88, s3;
	s6 =	simm.s32 @!p1 $0x1082;
	[sflag:s4] =	ssyncset.s32 $0xFFFFF086  }
0x25: {  	[simem:s6], [sflag:s4] =	dma.local [hbm:s3], $0xF7A  }
0x26: {  	[smem:$0x3F98] =	sst s1;
	(tag) =	ssettag s2;
	_ =	strace s9  }
0x27: {  	s1 =	sld [smem:$0x3FA8]  }
0x28: {  	s2 =	sld [smem:$0x3FA9]  }
0x29: {  	s4 =	sld [smem:$0x3FAB]  }
0x2a: {  	p0 =	seq.s32 s5, $0x0;
	s5 =	sld [smem:$0x3FAC]  }
0x2b: {  	s6 =	sld [smem:$0x3FAD]  }
0x2c: {  	s7 =	sld [smem:$0x3FAE]  }
0x2d: {  	s3 =	simm.s32 $0x108;
	s8 =	sld [smem:$0x3FAF]  }
0x2e: {  	s3 =	simm.s32 @!p0 $0x1082;
	s9 =	sld [smem:$0x3FB0]  }
0x2f: {  	lr =	sadd.s32 s0, s3;
	s0 =	sld [smem:$0x3FA7]  }
0x30: {  	s3 =	sld [smem:$0x3FAA]  }
0x31: {  	[smem:$0x3FB3] =	sst s10  }
0x32: {  	s10 =	sld [smem:$0x3FB1];
	_ =	sdelay $0x3  }
0x33: {  	p0 =	seq.s32 s10, $0x1;
	s10 =	sld [smem:$0x3FB3];
	_ =	sdelay $0x3  }
0x34: {  	[smem:$0x3FB3] =	sst s10  }
0x35: {  	s10 =	sld [smem:$0x3FB2];
	_ =	sdelay $0x3  }
0x36: {  	p1 =	seq.s32 s10, $0x1;
	s10 =	sld [smem:$0x3FB3];
	_ =	sdelay $0x3  }
0x37: {  	[smem:$0x3FB3] =	sst s10  }
0x38: {  	s10 =	sld [smem:$0x3FB4]  }
0x39: {  	_ = 	snop;
	(pc) =	sbr.ind lr, $3  }
0x3a: {  	_ = 	snop  }
0x3b: {  	_ = 	snop  }
0x3c: {  	p2 =	seq.s32 s10, $0x1;
	s10 =	sld [smem:$0x3FB3]  }
0x3d: {  	_ =	shalt  }
0x3e: {  	_ =	shalt  }
0x3f: {  	_ =	shalt  }
0x40: {  	_ =	shalt  }
0x41: {  	_ =	shalt  }
0x42: {  	_ =	shalt  }
0x43: {  	_ =	shalt  }
0x44: {  	_ =	shalt  }
0x45: {  	_ =	shalt  }
0x46: {  	_ =	shalt  }
0x47: {  	_ =	shalt  }
0x48: {  	_ =	shalt  }
0x49: {  	_ =	shalt  }
0x4a: {  	_ =	shalt  }
0x4b: {  	_ =	shalt  }
0x4c: {  	_ =	shalt  }
0x4d: {  	_ =	shalt  }
0x4e: {  	_ =	shalt  }
0x4f: {  	_ =	shalt  }
0x50: {  	_ =	shalt  }
0x51: {  	_ =	shalt  }
0x52: {  	_ =	shalt  }
0x53: {  	_ =	shalt  }
0x54: {  	_ =	shalt  }
0x55: {  	_ =	shalt  }
0x56: {  	_ =	shalt  }
0x57: {  	_ =	shalt  }
0x58: {  	_ =	shalt  }
0x59: {  	_ =	shalt  }
0x5a: {  	_ =	shalt  }
0x5b: {  	_ =	shalt  }
0x5c: {  	_ =	shalt  }
0x5d: {  	_ =	shalt  }
0x5e: {  	_ =	shalt  }
0x5f: {  	_ =	shalt  }
0x60: {  	_ =	shalt  }
0x61: {  	_ =	shalt  }
0x62: {  	_ =	shalt  }
0x63: {  	_ =	shalt  }
0x64: {  	_ =	shalt  }
0x65: {  	_ =	shalt  }
0x66: {  	_ =	shalt  }
0x67: {  	_ =	shalt  }
0x68: {  	_ =	shalt  }
0x69: {  	_ =	shalt  }
0x6a: {  	_ =	shalt  }
0x6b: {  	_ =	shalt  }
0x6c: {  	_ =	shalt  }
0x6d: {  	_ =	shalt  }
0x6e: {  	_ =	shalt  }
0x6f: {  	_ =	shalt  }
0x70: {  	_ =	shalt  }
0x71: {  	_ =	shalt  }
0x72: {  	_ =	shalt  }
0x73: {  	_ =	shalt  }
0x74: {  	_ =	shalt  }
0x75: {  	_ =	shalt  }
0x76: {  	_ =	shalt  }
0x77: {  	_ =	shalt  }
0x78: {  	_ =	shalt  }
0x79: {  	_ =	shalt  }
0x7a: {  	_ =	shalt  }
0x7b: {  	_ =	shalt  }
0x7c: {  	_ =	shalt  }
0x7d: {  	_ =	shalt  }
0x7e: {  	_ =	shalt  }
0x7f: {  	_ =	shalt  }
0x80: {  	_ =	shalt  }
0x81: {  	_ =	shalt  }
0x82: {  	_ =	shalt  }
0x83: {  	_ =	shalt  }
0x84: {  	_ =	shalt  }
0x85: {  	_ =	shalt  }
0x86: {  	_ =	shalt  }
0x87: {  	_ =	shalt  }
.Lfunc_end0:
.L_simem_size_0:
called_computation_lowered:
.L_overlay_start_0:
0x88: {  	s2 =	sld [smem:$0x3FD9]  }
0x89: {  	s3 =	sld [smem:$0x3FFE];
	_ =	sdelay $0x1  }
0x8a: {  	s1 =	srdreg.scid  }
0x8b: {  	s0 =	sand.u32 $0x1, s1  }
0x8c: {  	s17 =	sshll.u32 s0, $0xA;
	s2 =	sadd.s32 s3, s2  }
0x8d: {  	s2 =	sadd.s32 s2, s17  }
0x8e: {  	[smem:$0x3FBF] =	sst s2  }
0x8f: {  	_ = 	snop  }
0x90: {  	s2 =	sld [smem:$0x3FD0];
	(tm) =	ssettm $0x1  }
0x91: {  	s18 =	sld [smem:$0x3FFB];
	_ =	sdelay $0x3  }
0x92: {  	_ =	strace s18  }
0x93: {  	s3 =	sld [smem:$0x3FFC];
	_ =	sdelay $0x3  }
0x94: {  	_ =	strace s3  }
0x95: {  	s3 =	sld [smem:$0x3FFD];
	_ =	sdelay $0x3  }
0x96: {  	_ =	strace s3  }
0x97: {  	_ =	strace $0x8FFFFFFF  }
0x98: {  	s19 =	sld [smem:$0x3FDB];
	_ =	sdelay $0x1  }
0x99: {  	s4 =	simm.s32 $_scs_section_size  }
0x9a: {  	s5 =	simm.s32 $_size__tile_overlayer_lowered;
	s6 =	simm.s32 $_tile_overlayer_lowered  }
0x9b: {  	s22 =	simm.s32 $0x1BFF;
	s21 =	sshll.u32 s6, $0x1;
	s3 =	sadd.s32 s4, s19  }
0x9c: {  	s7 =	simm.s32 $0x0;
	s20 =	sshll.u32 s5, $0x1;
	s5 =	sadd.s32 s21, s3  }
0x9d: {  	[timem:s7], [sflag:s22] =	dma.local [hbm:s5], s20  }
0x9e: {  	_ =	swait.ge [sflag:s22], s20  }
0x9f: {  	s4 =	ssub.s32 $0x0, s20;
	[sflag:s22] =	ssyncset.done $0x0  }
0xa0: {  	[sflag:s22] =	ssyncadd.s32 s4;
	_ =	sdelay $0x1  }
0xa1: {  	s23 =	simm.s32 $0x1B8B  }
0xa2: {  	_ =	swait.ge [sflag:s23], $0x1  }
0xa3: {  	[sflag:s23] =	ssyncset.done $0x0  }
0xa4: {  	s25 =	simm.s32 $0x1B8E;
	s24 =	sld [smem:$0x3FFE];
	[sflag:s23] =	ssyncadd.s32 $0xFFFFFFFF  }
0xa5: {  	s26 =	simm.s32 $execute0_lowered;
	[smem:$0x3FD2] =	sst s25  }
0xa6: {  	s5 =	sshll.u32 s26, $0x1;
	_ =	strace $0x80000046;
	[dreg:$0x1] =	wrdreg $0xFFFFFFFF  }
0xa7: {  	s28 =	simm.s32 $_size_execute0_lowered;
	s3 =	sadd.s32 s3, s5;
	[dreg:$0x0] =	wrdreg $0x0  }
0xa8: {  	s5 =	sshll.u32 s28, $0x1;
	[dreg:$0x2] =	wrdreg s3  }
0xa9: {  	[dreg:$0x3] =	wrdreg s5  }
0xaa: {  	[dreg:$0x4] =	wrdreg $0xC0  }
0xab: {  	_ =	task [dreg:s7], $0x5FFFF  }
0xac: {  	[dreg:$0x1] =	wrdreg $0xFFFFFFFF  }
0xad: {  	[dreg:$0x0] =	wrdreg $0x60  }
0xae: {  	[dreg:$0x2] =	wrdreg s24  }
0xaf: {  	[dreg:$0x3] =	wrdreg s2  }
0xb0: {  	[dreg:$0x4] =	wrdreg $0x48000  }
0xb1: {  	[dreg:$0x5] =	wrdreg $0x9  }
0xb2: {  	_ =	task.clear_ibuf [dreg:s7], $0x6FFFF;
	_ =	strace $0x90000046  }
0xb3: {  	s29 =	simm.s32 $0x9;
	_ =	strace $0x80000048  }
0xb4: {  	_ =	swait.ge [sflag:s29], $0x1  }
0xb5: {  	[sflag:s29] =	ssyncadd.s32 $0xFFFFFFFF  }
0xb6: {  	_ =	strace $0x90000048  }
0xb7: {  	_ =	sfence  }
0xb8: {  	s30 =	sld [smem:$0x0];
	_ =	sdelay $0x2  }
0xb9: {  	s31 =	sshll.u32 s1, $0xD;
	s1 =	sshrl.u32 s1, $0x2  }
0xba: {  	s3 =	sand.u32 $0x4000, s31;
	s1 =	sadd.s32 s1, s30  }
0xbb: {  	s0 =	sor.u32 s3, s0;
	s1 =	sshll.u32 s1, $0x11  }
0xbc: {  	s0 =	sor.u32 s1, s0  }
0xbd: {  	s0 =	sadd.s32 $0x8F2B, s0  }
0xbe: {  	[sflag:s0] =	ssyncadd.remote.s32 $0x1  }
0xbf: {  	_ =	sfence.sel $0xFFFF  }
0xc0: {  	[dreg:$0x0] =	wrdreg $0xFFFFFFFF;
	(pc) =	sbr.abs _section_cstart, $3  }
0xc1: {  	[dreg:$0x1] =	wrdreg $0xFFFFFFFF  }
0xc2: {  	_ =	task.clear_ibuf [dreg:s7], $0x2FFFF;
	_ =	strace $0x9FFFFFFF  }
0xc3: {  	(tm) =	ssettm $0x7FFFFFFF  }
tec
execute0_lowered:
.L_overlay_start_1:
0x0: {  	(tag) =	ssettag $0x1  }
0x1: {  	s1 =	rddreg [dreg:$0x0]  }
0x2: {  	s10 =	stileid.u32;
	s2 =	rddreg [dreg:$0x1]  }
0x3: {  	s0 =	srdreg.scid;
	s3 =	rddreg [dreg:$0x2];
	s4 =	simm.s32 $0x0  }
0x4: {  	s12 =	simm.s32 $0x2;
	s13 =	simm.s32 $0x400;
	s14 =	simm.s32 $0x80  }
0x5: {  	s15 =	simm.s32 $0x800;
	s16 =	simm.s32 $0x1;
	s17 =	simm.s32 $0x480  }
0x6: {  	s18 =	simm.s32 $0x100;
	s19 =	simm.s32 $0x500;
	s5 =	smul.u32 $0x1880, s10  }
0x7: {  	s28 =	simm.s32 $0x700;
	s29 =	simm.s32 $0x380;
	s7 =	smul.u32 $0xC400, s10  }
0x8: {  	s30 =	simm.s32 $0x780;
	s31 =	simm.s32 $0x0;
	s9 =	smul.u32 $0x18800, s10  }
0x9: {  	s0 =	sand.u32 $0x1, s0;
	[smem:$0x7FF] =	sst s4;
	s23 =	smul.u32 $0x62000, s10  }
0xa: {  	s24 =	sadd.s32 $0x7F000, s1;
	s26 =	sshll.u32 s10, $0x6;
	s6 =	smul.u32 $0xC4000, s0  }
0xb: {  	s8 =	smul.u32 $0x188000, s0;
	_ =	strace $0x80000047;
	[dreg:$0x4] =	wrdreg s24  }
0xc: {  	s0 =	ssub.s32 $0x2, s0;
	s24 =	simm.s32 $0x280;
	s5 =	sadd.s32 s5, s1  }
0xd: {  	s25 =	sshrl.u32 s0, $0x1;
	s6 =	sadd.s32 s7, s6;
	s20 =	sadd.s32 s9, s8  }
0xe: {  	s7 =	sshrl.u32 s23, $0x2;
	s0 =	ssub.s32 s0, s25;
	s10 =	sadd.s32 $0x4800, s5  }
0xf: {  	s23 =	simm.s32 $0x600;
	s25 =	simm.s32 $0x680;
	s6 =	sshrl.u32 s6, $0x3  }
0x10: {  	s22 =	sshrl.u32 s20, $0x3;
	s11 =	sadd.s32 s7, s3;
	s0 =	smax.u32 s0, $0x1  }
0x11: {  	s20 =	simm.s32 $0x180;
	s21 =	sadd.s32 s6, s1;
	s1 =	sadd.s32 s22, s1  }
0x12: {  	s6 =	sor.u32 $0x1C02, s26;
	[dreg:$0x6] =	wrdreg s0;
	s11 =	sshrl.u32 s11, $0x3  }
0x13: {  	s22 =	simm.s32 $0x200;
	s26 =	simm.s32 $0x300;
	s1 =	sadd.s32 $0x82200, s1  }
0x14: {  	s9 =	sadd.s32 $0x1D000, s21;
	s21 =	simm.s32 $0x580;
	[dreg:$0x5] =	wrdreg s1  }
.LBB2_1:
0x15: {  	s0 =	rddreg [dreg:$0x4]  }
0x16: {  	[spmem:s11], [sflag:s6] =	dma.local [hbm:s0], $0x3100  }
0x17: {  	_ =	swait.ge [sflag:s12], $0x3100  }
0x18: {  	[sflag:s12] =	ssyncset.done $0x0  }
0x19: {  	[sflag:s12] =	ssyncadd.s32 $0xFFFFCF00  }
0x1a: {  	s7 =	sadd.s32 $0x0, s10;
	[bflag:$0x0] =	sbarrier.arrive $0xFFFF  }
0x1b: {  	[tilespmem:s4], [sflag:$0x2] =	stream.linear.gather [hbm4b:s7+s4], $0x400, $0x38;
	[tilespmem:$0x1D000] =	vst v63  }
0x1c: {  	_ =	swait.ge [sflag:s12], $0x400  }
0x1d: {  	[sflag:s12] =	ssyncset.done $0x0  }
0x1e: {  	s8 =	sadd.s32 $0x0, s9;
	[sflag:s12] =	ssyncadd.s32 $0xFFFFFC00  }
0x1f: {  	[tilespmem:s13], [sflag:$0x2] =	stream.linear.gather [hbm4b:s8+s4], $0x400, $0x38;
	[tilespmem:$0x1D000] =	vst v63  }
0x20: {  	_ =	swait.ge [sflag:s12], $0x400  }
0x21: {  	[sflag:s12] =	ssyncset.done $0x0  }
0x22: {  	[sflag:s12] =	ssyncadd.s32 $0xFFFFFC00  }
0x23: {  	[tilespmem:s15], [sflag:$0x1] =	stream.indirect.gather [hbm4b:s2+s14], $0x80, s4, s14, $0xb8;
	[tilespmem:$0x1D000] =	vst v63  }
0x24: {  	_ =	swait.ge [sflag:s16], $0x4000  }
0x25: {  	[sflag:s16] =	ssyncset.done $0x0  }
0x26: {  	[sflag:s16] =	ssyncadd.s32 $0xFFFFC000  }
0x27: {  	[spmem:s3] =	stream.indirect.scatter.add.f32 [tilespmem:s15], [sflag:$0x2], $0x80, s13, s14, $0xb8;
	[tilespmem:$0x1D000] =	vst v63  }
0x28: {  	_ =	swait.ge [sflag:s12], $0x4000  }
0x29: {  	[sflag:s12] =	ssyncset.done $0x0  }
0x2a: {  	[sflag:s12] =	ssyncadd.s32 $0xFFFFC000  }
0x2b: {  	[tilespmem:s15], [sflag:$0x1] =	stream.indirect.gather [hbm4b:s2+s14], $0x80, s14, s14, $0xb8;
	[tilespmem:$0x1D000] =	vst v63  }
0x2c: {  	_ =	swait.ge [sflag:s16], $0x4000  }
0x2d: {  	[sflag:s16] =	ssyncset.done $0x0  }
0x2e: {  	[sflag:s16] =	ssyncadd.s32 $0xFFFFC000  }
0x2f: {  	[spmem:s3] =	stream.indirect.scatter.add.f32 [tilespmem:s15], [sflag:$0x2], $0x80, s17, s14, $0xb8;
	[tilespmem:$0x1D000] =	vst v63  }
0x30: {  	_ =	swait.ge [sflag:s12], $0x4000  }
0x31: {  	[sflag:s12] =	ssyncset.done $0x0  }
0x32: {  	[sflag:s12] =	ssyncadd.s32 $0xFFFFC000  }
0x33: {  	[tilespmem:s15], [sflag:$0x1] =	stream.indirect.gather [hbm4b:s2+s14], $0x80, s18, s14, $0xb8;
	[tilespmem:$0x1D000] =	vst v63  }
0x34: {  	_ =	swait.ge [sflag:s16], $0x4000  }
0x35: {  	[sflag:s16] =	ssyncset.done $0x0  }
0x36: {  	[sflag:s16] =	ssyncadd.s32 $0xFFFFC000  }
0x37: {  	[spmem:s3] =	stream.indirect.scatter.add.f32 [tilespmem:s15], [sflag:$0x2], $0x80, s19, s14, $0xb8;
	[tilespmem:$0x1D000] =	vst v63  }
0x38: {  	_ =	swait.ge [sflag:s12], $0x4000  }
0x39: {  	[sflag:s12] =	ssyncset.done $0x0  }
0x3a: {  	[sflag:s12] =	ssyncadd.s32 $0xFFFFC000  }
0x3b: {  	[tilespmem:s15], [sflag:$0x1] =	stream.indirect.gather [hbm4b:s2+s14], $0x80, s20, s14, $0xb8;
	[tilespmem:$0x1D000] =	vst v63  }
0x3c: {  	_ =	swait.ge [sflag:s16], $0x4000  }
0x3d: {  	[sflag:s16] =	ssyncset.done $0x0  }
0x3e: {  	[sflag:s16] =	ssyncadd.s32 $0xFFFFC000  }
0x3f: {  	[spmem:s3] =	stream.indirect.scatter.add.f32 [tilespmem:s15], [sflag:$0x2], $0x80, s21, s14, $0xb8;
	[tilespmem:$0x1D000] =	vst v63  }
0x40: {  	_ =	swait.ge [sflag:s12], $0x4000  }
0x41: {  	[sflag:s12] =	ssyncset.done $0x0  }
0x42: {  	[sflag:s12] =	ssyncadd.s32 $0xFFFFC000  }
0x43: {  	[tilespmem:s15], [sflag:$0x1] =	stream.indirect.gather [hbm4b:s2+s14], $0x80, s22, s14, $0xb8;
	[tilespmem:$0x1D000] =	vst v63  }
0x44: {  	_ =	swait.ge [sflag:s16], $0x4000  }
0x45: {  	[sflag:s16] =	ssyncset.done $0x0  }
0x46: {  	[sflag:s16] =	ssyncadd.s32 $0xFFFFC000  }
0x47: {  	[spmem:s3] =	stream.indirect.scatter.add.f32 [tilespmem:s15], [sflag:$0x2], $0x80, s23, s14, $0xb8;
	[tilespmem:$0x1D000] =	vst v63  }
0x48: {  	_ =	swait.ge [sflag:s12], $0x4000  }
0x49: {  	[sflag:s12] =	ssyncset.done $0x0  }
0x4a: {  	[sflag:s12] =	ssyncadd.s32 $0xFFFFC000  }
0x4b: {  	[tilespmem:s15], [sflag:$0x1] =	stream.indirect.gather [hbm4b:s2+s14], $0x80, s24, s14, $0xb8;
	[tilespmem:$0x1D000] =	vst v63  }
0x4c: {  	_ =	swait.ge [sflag:s16], $0x4000  }
0x4d: {  	[sflag:s16] =	ssyncset.done $0x0  }
0x4e: {  	[sflag:s16] =	ssyncadd.s32 $0xFFFFC000  }
0x4f: {  	[spmem:s3] =	stream.indirect.scatter.add.f32 [tilespmem:s15], [sflag:$0x2], $0x80, s25, s14, $0xb8;
	[tilespmem:$0x1D000] =	vst v63  }
0x50: {  	_ =	swait.ge [sflag:s12], $0x4000  }
0x51: {  	[sflag:s12] =	ssyncset.done $0x0  }
0x52: {  	[sflag:s12] =	ssyncadd.s32 $0xFFFFC000  }
0x53: {  	[tilespmem:s15], [sflag:$0x1] =	stream.indirect.gather [hbm4b:s2+s14], $0x80, s26, s14, $0xb8;
	[tilespmem:$0x1D000] =	vst v63  }
0x54: {  	_ =	swait.ge [sflag:s16], $0x4000  }
0x55: {  	[sflag:s16] =	ssyncset.done $0x0  }
0x56: {  	[sflag:s16] =	ssyncadd.s32 $0xFFFFC000  }
0x57: {  	[spmem:s3] =	stream.indirect.scatter.add.f32 [tilespmem:s15], [sflag:$0x2], $0x80, s28, s14, $0xb8;
	[tilespmem:$0x1D000] =	vst v63  }
0x58: {  	_ =	swait.ge [sflag:s12], $0x4000  }
0x59: {  	[sflag:s12] =	ssyncset.done $0x0  }
0x5a: {  	[sflag:s12] =	ssyncadd.s32 $0xFFFFC000  }
0x5b: {  	[tilespmem:s15], [sflag:$0x1] =	stream.indirect.gather [hbm4b:s2+s14], $0x80, s29, s14, $0xb8;
	[tilespmem:$0x1D000] =	vst v63  }
0x5c: {  	_ =	swait.ge [sflag:s16], $0x4000  }
0x5d: {  	[sflag:s16] =	ssyncset.done $0x0  }
0x5e: {  	[sflag:s16] =	ssyncadd.s32 $0xFFFFC000  }
0x5f: {  	[spmem:s3] =	stream.indirect.scatter.add.f32 [tilespmem:s15], [sflag:$0x2], $0x80, s30, s14, $0xb8;
	[tilespmem:$0x1D000] =	vst v63  }
0x60: {  	_ =	swait.ge [sflag:s12], $0x4000  }
0x61: {  	s1 =	simm.s32 $0x80;
	s0 =	simm.s32 $0x100;
	[sflag:s12] =	ssyncset.done $0x0  }
.LBB2_2:
0x62: {  	s7 =	sadd.s32 s1, s10  }
0x63: {  	[sflag:s12] =	ssyncadd.s32 $0xFFFFC000;
	s8 =	smov.u32 s0;
	s5 =	sadd.s32 $0x80, s0  }
0x64: {  	[tilespmem:s4], [sflag:$0x2] =	stream.linear.gather [hbm4b:s7+s4], $0x400, $0x38;
	[tilespmem:$0x1D000] =	vst v63  }
0x65: {  	p0 =	sne.s32 s0, $0x1800;
	_ =	swait.ge [sflag:s12], $0x400  }
0x66: {  	[sflag:s12] =	ssyncset.done $0x0  }
0x67: {  	s0 =	sadd.s32 s1, s9;
	s1 =	smov.u32 s8;
	[sflag:s12] =	ssyncadd.s32 $0xFFFFFC00  }
0x68: {  	[tilespmem:s13], [sflag:$0x2] =	stream.linear.gather [hbm4b:s0+s4], $0x400, $0x38;
	[tilespmem:$0x1D000] =	vst v63  }
0x69: {  	_ =	swait.ge [sflag:s12], $0x400  }
0x6a: {  	[sflag:s12] =	ssyncset.done $0x0  }
0x6b: {  	[sflag:s12] =	ssyncadd.s32 $0xFFFFFC00  }
0x6c: {  	[tilespmem:s15], [sflag:$0x1] =	stream.indirect.gather [hbm4b:s2+s14], $0x80, s4, s14, $0xb8;
	[tilespmem:$0x1D000] =	vst v63  }
0x6d: {  	_ =	swait.ge [sflag:s16], $0x4000  }
0x6e: {  	[sflag:s16] =	ssyncset.done $0x0  }
0x6f: {  	[sflag:s16] =	ssyncadd.s32 $0xFFFFC000  }
0x70: {  	[spmem:s3] =	stream.indirect.scatter.add.f32 [tilespmem:s15], [sflag:$0x2], $0x80, s13, s14, $0xb8;
	[tilespmem:$0x1D000] =	vst v63  }
0x71: {  	_ =	swait.ge [sflag:s12], $0x4000  }
0x72: {  	[sflag:s12] =	ssyncset.done $0x0  }
0x73: {  	[sflag:s12] =	ssyncadd.s32 $0xFFFFC000  }
0x74: {  	[tilespmem:s15], [sflag:$0x1] =	stream.indirect.gather [hbm4b:s2+s14], $0x80, s14, s14, $0xb8;
	[tilespmem:$0x1D000] =	vst v63  }
0x75: {  	_ =	swait.ge [sflag:s16], $0x4000  }
0x76: {  	[sflag:s16] =	ssyncset.done $0x0  }
0x77: {  	[sflag:s16] =	ssyncadd.s32 $0xFFFFC000  }
0x78: {  	[spmem:s3] =	stream.indirect.scatter.add.f32 [tilespmem:s15], [sflag:$0x2], $0x80, s17, s14, $0xb8;
	[tilespmem:$0x1D000] =	vst v63  }
0x79: {  	_ =	swait.ge [sflag:s12], $0x4000  }
0x7a: {  	[sflag:s12] =	ssyncset.done $0x0  }
0x7b: {  	[sflag:s12] =	ssyncadd.s32 $0xFFFFC000  }
0x7c: {  	[tilespmem:s15], [sflag:$0x1] =	stream.indirect.gather [hbm4b:s2+s14], $0x80, s18, s14, $0xb8;
	[tilespmem:$0x1D000] =	vst v63  }
0x7d: {  	_ =	swait.ge [sflag:s16], $0x4000  }
0x7e: {  	[sflag:s16] =	ssyncset.done $0x0  }
0x7f: {  	[sflag:s16] =	ssyncadd.s32 $0xFFFFC000  }
0x80: {  	[spmem:s3] =	stream.indirect.scatter.add.f32 [tilespmem:s15], [sflag:$0x2], $0x80, s19, s14, $0xb8;
	[tilespmem:$0x1D000] =	vst v63  }
0x81: {  	_ =	swait.ge [sflag:s12], $0x4000  }
0x82: {  	[sflag:s12] =	ssyncset.done $0x0  }
0x83: {  	[sflag:s12] =	ssyncadd.s32 $0xFFFFC000  }
0x84: {  	[tilespmem:s15], [sflag:$0x1] =	stream.indirect.gather [hbm4b:s2+s14], $0x80, s20, s14, $0xb8;
	[tilespmem:$0x1D000] =	vst v63  }
0x85: {  	_ =	swait.ge [sflag:s16], $0x4000  }
0x86: {  	[sflag:s16] =	ssyncset.done $0x0  }
0x87: {  	[sflag:s16] =	ssyncadd.s32 $0xFFFFC000  }
0x88: {  	[spmem:s3] =	stream.indirect.scatter.add.f32 [tilespmem:s15], [sflag:$0x2], $0x80, s21, s14, $0xb8;
	[tilespmem:$0x1D000] =	vst v63  }
0x89: {  	_ =	swait.ge [sflag:s12], $0x4000  }
0x8a: {  	[sflag:s12] =	ssyncset.done $0x0  }
0x8b: {  	[sflag:s12] =	ssyncadd.s32 $0xFFFFC000  }
0x8c: {  	[tilespmem:s15], [sflag:$0x1] =	stream.indirect.gather [hbm4b:s2+s14], $0x80, s22, s14, $0xb8;
	[tilespmem:$0x1D000] =	vst v63  }
0x8d: {  	_ =	swait.ge [sflag:s16], $0x4000  }
0x8e: {  	[sflag:s16] =	ssyncset.done $0x0  }
0x8f: {  	[sflag:s16] =	ssyncadd.s32 $0xFFFFC000  }
0x90: {  	[spmem:s3] =	stream.indirect.scatter.add.f32 [tilespmem:s15], [sflag:$0x2], $0x80, s23, s14, $0xb8;
	[tilespmem:$0x1D000] =	vst v63  }
0x91: {  	_ =	swait.ge [sflag:s12], $0x4000  }
0x92: {  	[sflag:s12] =	ssyncset.done $0x0  }
0x93: {  	[sflag:s12] =	ssyncadd.s32 $0xFFFFC000  }
0x94: {  	[tilespmem:s15], [sflag:$0x1] =	stream.indirect.gather [hbm4b:s2+s14], $0x80, s24, s14, $0xb8;
	[tilespmem:$0x1D000] =	vst v63  }
0x95: {  	_ =	swait.ge [sflag:s16], $0x4000  }
0x96: {  	[sflag:s16] =	ssyncset.done $0x0  }
0x97: {  	[sflag:s16] =	ssyncadd.s32 $0xFFFFC000  }
0x98: {  	[spmem:s3] =	stream.indirect.scatter.add.f32 [tilespmem:s15], [sflag:$0x2], $0x80, s25, s14, $0xb8;
	[tilespmem:$0x1D000] =	vst v63  }
0x99: {  	_ =	swait.ge [sflag:s12], $0x4000  }
0x9a: {  	[sflag:s12] =	ssyncset.done $0x0  }
0x9b: {  	[sflag:s12] =	ssyncadd.s32 $0xFFFFC000  }
0x9c: {  	[tilespmem:s15], [sflag:$0x1] =	stream.indirect.gather [hbm4b:s2+s14], $0x80, s26, s14, $0xb8;
	[tilespmem:$0x1D000] =	vst v63  }
0x9d: {  	_ =	swait.ge [sflag:s16], $0x4000  }
0x9e: {  	[sflag:s16] =	ssyncset.done $0x0  }
0x9f: {  	[sflag:s16] =	ssyncadd.s32 $0xFFFFC000  }
0xa0: {  	[spmem:s3] =	stream.indirect.scatter.add.f32 [tilespmem:s15], [sflag:$0x2], $0x80, s28, s14, $0xb8;
	[tilespmem:$0x1D000] =	vst v63  }
0xa1: {  	_ =	swait.ge [sflag:s12], $0x4000  }
0xa2: {  	[sflag:s12] =	ssyncset.done $0x0  }
0xa3: {  	[sflag:s12] =	ssyncadd.s32 $0xFFFFC000  }
0xa4: {  	[tilespmem:s15], [sflag:$0x1] =	stream.indirect.gather [hbm4b:s2+s14], $0x80, s29, s14, $0xb8;
	[tilespmem:$0x1D000] =	vst v63  }
0xa5: {  	_ =	swait.ge [sflag:s16], $0x4000  }
.Ltmp0:
0xa6: {  	[sflag:s16] =	ssyncset.done $0x0;
	(pc) =	sbr.rel @p0 .LBB2_2-.Ltmp0, $4  }
0xa7: {  	[sflag:s16] =	ssyncadd.s32 $0xFFFFC000  }
0xa8: {  	[spmem:s3] =	stream.indirect.scatter.add.f32 [tilespmem:s15], [sflag:$0x2], $0x80, s30, s14, $0xb8;
	[tilespmem:$0x1D000] =	vst v63  }
0xa9: {  	_ =	swait.ge [sflag:s12], $0x4000  }
0xaa: {  	s0 =	smov.u32 s5;
	[sflag:s12] =	ssyncset.done $0x0  }
0xab: {  	s0 =	sadd.s32 s1, s10;
	[sflag:s12] =	ssyncadd.s32 $0xFFFFC000  }
0xac: {  	[tilespmem:s4], [sflag:$0x2] =	stream.linear.gather [hbm4b:s0+s4], $0x400, $0x38;
	[tilespmem:$0x1D000] =	vst v63  }
0xad: {  	_ =	swait.ge [sflag:s12], $0x400  }
0xae: {  	[sflag:s12] =	ssyncset.done $0x0  }
0xaf: {  	s5 =	sadd.s32 s1, s9;
	[sflag:s12] =	ssyncadd.s32 $0xFFFFFC00  }
0xb0: {  	[tilespmem:s13], [sflag:$0x2] =	stream.linear.gather [hbm4b:s5+s4], $0x400, $0x38;
	[tilespmem:$0x1D000] =	vst v63  }
0xb1: {  	_ =	swait.ge [sflag:s12], $0x400  }
0xb2: {  	[sflag:s12] =	ssyncset.done $0x0  }
0xb3: {  	[sflag:s12] =	ssyncadd.s32 $0xFFFFFC00  }
0xb4: {  	[tilespmem:s15], [sflag:$0x1] =	stream.indirect.gather [hbm4b:s2+s14], $0x80, s4, s14, $0xb8;
	[tilespmem:$0x1D000] =	vst v63  }
0xb5: {  	_ =	swait.ge [sflag:s16], $0x4000  }
0xb6: {  	[sflag:s16] =	ssyncset.done $0x0  }
0xb7: {  	[sflag:s16] =	ssyncadd.s32 $0xFFFFC000  }
0xb8: {  	[spmem:s3] =	stream.indirect.scatter.add.f32 [tilespmem:s15], [sflag:$0x2], $0x80, s13, s14, $0xb8;
	[tilespmem:$0x1D000] =	vst v63  }
0xb9: {  	_ =	swait.ge [sflag:s12], $0x4000  }
0xba: {  	[sflag:s12] =	ssyncset.done $0x0  }
0xbb: {  	[sflag:s12] =	ssyncadd.s32 $0xFFFFC000  }
0xbc: {  	[tilespmem:s15], [sflag:$0x1] =	stream.indirect.gather [hbm4b:s2+s14], $0x80, s14, s14, $0xb8;
	[tilespmem:$0x1D000] =	vst v63  }
0xbd: {  	_ =	swait.ge [sflag:s16], $0x4000  }
0xbe: {  	[sflag:s16] =	ssyncset.done $0x0  }
0xbf: {  	[sflag:s16] =	ssyncadd.s32 $0xFFFFC000  }
0xc0: {  	[spmem:s3] =	stream.indirect.scatter.add.f32 [tilespmem:s15], [sflag:$0x2], $0x80, s17, s14, $0xb8;
	[tilespmem:$0x1D000] =	vst v63  }
0xc1: {  	_ =	swait.ge [sflag:s12], $0x4000  }
0xc2: {  	[sflag:s12] =	ssyncset.done $0x0  }
0xc3: {  	[sflag:s12] =	ssyncadd.s32 $0xFFFFC000  }
0xc4: {  	[tilespmem:s15], [sflag:$0x1] =	stream.indirect.gather [hbm4b:s2+s14], $0x80, s18, s14, $0xb8;
	[tilespmem:$0x1D000] =	vst v63  }
0xc5: {  	_ =	swait.ge [sflag:s16], $0x4000  }
0xc6: {  	[sflag:s16] =	ssyncset.done $0x0  }
0xc7: {  	[sflag:s16] =	ssyncadd.s32 $0xFFFFC000  }
0xc8: {  	[spmem:s3] =	stream.indirect.scatter.add.f32 [tilespmem:s15], [sflag:$0x2], $0x80, s19, s14, $0xb8;
	[tilespmem:$0x1D000] =	vst v63  }
0xc9: {  	_ =	swait.ge [sflag:s12], $0x4000  }
0xca: {  	[sflag:s12] =	ssyncset.done $0x0  }
0xcb: {  	[sflag:s12] =	ssyncadd.s32 $0xFFFFC000  }
0xcc: {  	[tilespmem:s15], [sflag:$0x1] =	stream.indirect.gather [hbm4b:s2+s14], $0x80, s20, s14, $0xb8;
	[tilespmem:$0x1D000] =	vst v63  }
0xcd: {  	_ =	swait.ge [sflag:s16], $0x4000  }
0xce: {  	[sflag:s16] =	ssyncset.done $0x0  }
0xcf: {  	[sflag:s16] =	ssyncadd.s32 $0xFFFFC000  }
0xd0: {  	[spmem:s3] =	stream.indirect.scatter.add.f32 [tilespmem:s15], [sflag:$0x2], $0x80, s21, s14, $0xb8;
	[tilespmem:$0x1D000] =	vst v63  }
0xd1: {  	_ =	swait.ge [sflag:s12], $0x4000  }
0xd2: {  	[sflag:s12] =	ssyncset.done $0x0  }
0xd3: {  	[sflag:s12] =	ssyncadd.s32 $0xFFFFC000  }
0xd4: {  	[tilespmem:s15], [sflag:$0x1] =	stream.indirect.gather [hbm4b:s2+s14], $0x80, s22, s14, $0xb8;
	[tilespmem:$0x1D000] =	vst v63  }
0xd5: {  	_ =	swait.ge [sflag:s16], $0x4000  }
0xd6: {  	[sflag:s16] =	ssyncset.done $0x0  }
0xd7: {  	[sflag:s16] =	ssyncadd.s32 $0xFFFFC000  }
0xd8: {  	[spmem:s3] =	stream.indirect.scatter.add.f32 [tilespmem:s15], [sflag:$0x2], $0x80, s23, s14, $0xb8;
	[tilespmem:$0x1D000] =	vst v63  }
0xd9: {  	_ =	swait.ge [sflag:s12], $0x4000  }
0xda: {  	[sflag:s12] =	ssyncset.done $0x0  }
0xdb: {  	[sflag:s12] =	ssyncadd.s32 $0xFFFFC000  }
0xdc: {  	[tilespmem:s15], [sflag:$0x1] =	stream.indirect.gather [hbm4b:s2+s14], $0x80, s24, s14, $0xb8;
	[tilespmem:$0x1D000] =	vst v63  }
0xdd: {  	_ =	swait.ge [sflag:s16], $0x4000  }
0xde: {  	[sflag:s16] =	ssyncset.done $0x0  }
0xdf: {  	[sflag:s16] =	ssyncadd.s32 $0xFFFFC000  }
0xe0: {  	[spmem:s3] =	stream.indirect.scatter.add.f32 [tilespmem:s15], [sflag:$0x2], $0x80, s25, s14, $0xb8;
	[tilespmem:$0x1D000] =	vst v63  }
0xe1: {  	_ =	swait.ge [sflag:s12], $0x4000  }
0xe2: {  	[sflag:s12] =	ssyncset.done $0x0  }
0xe3: {  	[sflag:s12] =	ssyncadd.s32 $0xFFFFC000  }
0xe4: {  	[tilespmem:s15], [sflag:$0x1] =	stream.indirect.gather [hbm4b:s2+s14], $0x80, s26, s14, $0xb8;
	[tilespmem:$0x1D000] =	vst v63  }
0xe5: {  	_ =	swait.ge [sflag:s16], $0x4000  }
0xe6: {  	[sflag:s16] =	ssyncset.done $0x0  }
0xe7: {  	[sflag:s16] =	ssyncadd.s32 $0xFFFFC000  }
0xe8: {  	[spmem:s3] =	stream.indirect.scatter.add.f32 [tilespmem:s15], [sflag:$0x2], $0x80, s28, s14, $0xb8;
	[tilespmem:$0x1D000] =	vst v63  }
0xe9: {  	_ =	swait.ge [sflag:s12], $0x4000  }
0xea: {  	[sflag:s12] =	ssyncset.done $0x0  }
0xeb: {  	[sflag:s12] =	ssyncadd.s32 $0xFFFFC000  }
0xec: {  	[tilespmem:s15], [sflag:$0x1] =	stream.indirect.gather [hbm4b:s2+s14], $0x80, s29, s14, $0xb8;
	[tilespmem:$0x1D000] =	vst v63  }
0xed: {  	_ =	swait.ge [sflag:s16], $0x4000  }
0xee: {  	[sflag:s16] =	ssyncset.done $0x0  }
0xef: {  	[sflag:s16] =	ssyncadd.s32 $0xFFFFC000  }
0xf0: {  	[spmem:s3] =	stream.indirect.scatter.add.f32 [tilespmem:s15], [sflag:$0x2], $0x80, s30, s14, $0xb8;
	[tilespmem:$0x1D000] =	vst v63  }
0xf1: {  	_ =	swait.ge [sflag:s12], $0x4000  }
0xf2: {  	[sflag:s12] =	ssyncset.done $0x0  }
0xf3: {  	[sflag:s12] =	ssyncadd.s32 $0xFFFFC000  }
0xf4: {  	[bflag:$0x0] =	sbarrier.arrive $0xFFFF  }
0xf5: {  	s7 =	rddreg [dreg:$0x5]  }
0xf6: {  	[hbm:s7], [sflag:s6] =	dma.local [spmem:s11], $0x3100  }
0xf7: {  	_ =	swait.ge [sflag:s12], $0x3100  }
0xf8: {  	s31 =	sadd.s32 $0x1, s31;
	s8 =	rddreg [dreg:$0x6]  }
0xf9: {  	p0 =	sne.s32 s31, s8  }
.Ltmp1:
0xfa: {  	_ = 	snop;
	(pc) =	sbr.rel @p0 .LBB2_1-.Ltmp1, $3  }
0xfb: {  	_ =	sdelay $0x1  }
0xfc: {  	[sflag:s12] =	ssyncset.done $0x0  }
0xfd: {  	[sflag:s12] =	ssyncadd.s32 $0xFFFFCF00  }
0xfe: {  	_ =	sfence.sel $0x180000  }
0xff: {  	[bflag:$0x0] =	sbarrier.arrive $0xFFFF  }
0x100: {  	_ =	strace $0x90000047  }
0x101: {  	s0 =	stileid.u32;
	[bflag:$0x2] =	sbarrier.arrive $0xFFFF  }
0x102: {  	p0 =	sne.s32 s0, $0x0;
	s0 =	rddreg [dreg:$0x3]  }
0x103: {  	s0 =	sadd.s32 @!p0 $0x100000, s0  }
0x104: {  	[sflag:s0] =	ssyncadd.tile.s32 @!p0 $0x1;
	_ =	shalt  }
.Lfunc_end2:
_tile_overlayer_lowered:
.L_overlay_start_2:
0x105: {  	(tag) =	ssettag $0x2  }
0x106: {  	s0 =	rddreg [dreg:$0x0];
	s2 =	stileid.u32  }
0x107: {  	s1 =	rddreg [dreg:$0x1];
	p0 =	sne.s32 s2, $0x0  }
0x108: {  	s3 =	rddreg [dreg:$0x2];
	[bflag:$0x3] =	sbarrier.arrive $0xFFFF;
	s2 =	simm.s32 @!p0 $0x1C02  }
0x109: {  	[timem:s3], [sflag:s2] =	dma.local @!p0 [hbm:s0], s1  }
0x10a: {  	s0 =	simm.s32 @!p0 $0x2  }
0x10b: {  	_ =	swait.ge @!p0 [sflag:s0], s1  }
0x10c: {  	s1 =	ssub.s32 @!p0 $0x0, s1;
	[sflag:s0] =	ssyncset.done @!p0 $0x0  }
0x10d: {  	[sflag:s0] =	ssyncadd.s32 @!p0 s1  }
0x10e: {  	[bflag:$0x3] =	sbarrier.arrive $0xFFFF  }
0x10f: {  	_ =	shalt  }

// kernel: kernel.15.cloned.1.call-start
scs
__scs_entry_jumppad:
0x0: {  	(pc) =	sbr.rel $0x88, $3  }
0x1: {  	(tag) =	ssettag $0x0;
	lr =	simm.s32 $0x1  }
0x2: {  	[smem:$0x3F98] =	sst lr;
	_ =	strace $0xD0000000  }
0x3: {  	_ = 	snop  }
0x4: {  	_ = 	snop  }
0x5: {  	_ = 	snop  }
0x6: {  	_ = 	snop  }
0x7: {  	_ = 	snop  }
__scs_overlays_trampoline_lowered:
0x8: {  	[smem:$0x3FA7] =	sst s0  }
0x9: {  	[smem:$0x3FA8] =	sst s1  }
0xa: {  	[smem:$0x3FA9] =	sst s2  }
0xb: {  	[smem:$0x3FAA] =	sst s3  }
0xc: {  	[smem:$0x3FAB] =	sst s4  }
0xd: {  	[smem:$0x3FAC] =	sst s5  }
0xe: {  	[smem:$0x3FAD] =	sst s6  }
0xf: {  	[smem:$0x3FAE] =	sst s7  }
0x10: {  	[smem:$0x3FAF] =	sst s8  }
0x11: {  	[smem:$0x3FB0] =	sst s9;
	s0 =	simm.s32 @!p0 $0x0  }
0x12: {  	s1 =	sld [smem:$0x3F96];
	s0 =	simm.s32 @p0 $0x1  }
0x13: {  	[smem:$0x3FB1] =	sst s0;
	s0 =	simm.s32 @!p1 $0x0  }
0x14: {  	s2 =	sld [smem:$0x3F95];
	s0 =	simm.s32 @p1 $0x1  }
0x15: {  	[smem:$0x3FB2] =	sst s0;
	s0 =	simm.s32 @!p2 $0x0  }
0x16: {  	s3 =	sld [smem:$0x3FDB];
	s0 =	simm.s32 @p2 $0x1  }
0x17: {  	s4 =	simm.s32 $0x1BF5;
	[smem:$0x3FB4] =	sst s0  }
0x18: {  	s0 =	sld [smem:$0x3F97];
	_ =	swait.ge [sflag:s4], $0x0  }
0x19: {  	s7 =	sld [smem:$0x3F98]  }
0x1a: {  	s8 =	sadd.s32 $0xFFFFE003, lr  }
0x1b: {  	s9 =	sadd.s32 $0xFFFFFEF7, lr;
	s5 =	simm.s32 $0xFFFFFFFF;
	p2 =	slt.u32 s8, $0xFFFFF086  }
0x1c: {  	p1 =	slt.u32 s9, $0xF7A;
	s5 =	simm.s32 @!p2 $0x0  }
0x1d: {  	s5 =	simm.s32 @p1 $0x1;
	p0 =	seq.s32 s7, s2  }
0x1e: {  	s7 =	smul.u32 @!p0 $0xF7A, s2;
	p2 =	seq.s32 @!p0 s5, $0x0  }
0x1f: {  	s9 =	smul.u32 $0xF7A, s1;
	s8 =	simm.s32 @!p0 $0x1BF5;
	p2 =	por !p2, p0  }
0x20: {  	[sflag:s8] =	ssyncset.s32 @!p0 $0xFFFFF086;
	s6 =	sadd.s32 @!p0 s3, s7;
	s7 =	simm.s32 @!p0 $0x108  }
0x21: {  	s3 =	sadd.s32 s3, s9;
	s6 =	sadd.s32 @!p0 $0x88, s6;
	s7 =	simm.s32 @p2 $0x1082  }
0x22: {  	[simem:s7], [sflag:s8] =	dma.local @!p0 [hbm:s6], $0xF7A  }
0x23: {  	s9 =	sor.u32 $0xD0000000, s2;
	s6 =	simm.s32 $0x108;
	_ =	swait.ge @!p0 [sflag:s8], $0x0  }
0x24: {  	s3 =	sadd.s32 $0x88, s3;
	s6 =	simm.s32 @!p1 $0x1082;
	[sflag:s4] =	ssyncset.s32 $0xFFFFF086  }
0x25: {  	[simem:s6], [sflag:s4] =	dma.local [hbm:s3], $0xF7A  }
0x26: {  	[smem:$0x3F98] =	sst s1;
	(tag) =	ssettag s2;
	_ =	strace s9  }
0x27: {  	s1 =	sld [smem:$0x3FA8]  }
0x28: {  	s2 =	sld [smem:$0x3FA9]  }
0x29: {  	s4 =	sld [smem:$0x3FAB]  }
0x2a: {  	p0 =	seq.s32 s5, $0x0;
	s5 =	sld [smem:$0x3FAC]  }
0x2b: {  	s6 =	sld [smem:$0x3FAD]  }
0x2c: {  	s7 =	sld [smem:$0x3FAE]  }
0x2d: {  	s3 =	simm.s32 $0x108;
	s8 =	sld [smem:$0x3FAF]  }
0x2e: {  	s3 =	simm.s32 @!p0 $0x1082;
	s9 =	sld [smem:$0x3FB0]  }
0x2f: {  	lr =	sadd.s32 s0, s3;
	s0 =	sld [smem:$0x3FA7]  }
0x30: {  	s3 =	sld [smem:$0x3FAA]  }
0x31: {  	[smem:$0x3FB3] =	sst s10  }
0x32: {  	s10 =	sld [smem:$0x3FB1];
	_ =	sdelay $0x3  }
0x33: {  	p0 =	seq.s32 s10, $0x1;
	s10 =	sld [smem:$0x3FB3];
	_ =	sdelay $0x3  }
0x34: {  	[smem:$0x3FB3] =	sst s10  }
0x35: {  	s10 =	sld [smem:$0x3FB2];
	_ =	sdelay $0x3  }
0x36: {  	p1 =	seq.s32 s10, $0x1;
	s10 =	sld [smem:$0x3FB3];
	_ =	sdelay $0x3  }
0x37: {  	[smem:$0x3FB3] =	sst s10  }
0x38: {  	s10 =	sld [smem:$0x3FB4]  }
0x39: {  	_ = 	snop;
	(pc) =	sbr.ind lr, $3  }
0x3a: {  	_ = 	snop  }
0x3b: {  	_ = 	snop  }
0x3c: {  	p2 =	seq.s32 s10, $0x1;
	s10 =	sld [smem:$0x3FB3]  }
0x3d: {  	_ =	shalt  }
0x3e: {  	_ =	shalt  }
0x3f: {  	_ =	shalt  }
0x40: {  	_ =	shalt  }
0x41: {  	_ =	shalt  }
0x42: {  	_ =	shalt  }
0x43: {  	_ =	shalt  }
0x44: {  	_ =	shalt  }
0x45: {  	_ =	shalt  }
0x46: {  	_ =	shalt  }
0x47: {  	_ =	shalt  }
0x48: {  	_ =	shalt  }
0x49: {  	_ =	shalt  }
0x4a: {  	_ =	shalt  }
0x4b: {  	_ =	shalt  }
0x4c: {  	_ =	shalt  }
0x4d: {  	_ =	shalt  }
0x4e: {  	_ =	shalt  }
0x4f: {  	_ =	shalt  }
0x50: {  	_ =	shalt  }
0x51: {  	_ =	shalt  }
0x52: {  	_ =	shalt  }
0x53: {  	_ =	shalt  }
0x54: {  	_ =	shalt  }
0x55: {  	_ =	shalt  }
0x56: {  	_ =	shalt  }
0x57: {  	_ =	shalt  }
0x58: {  	_ =	shalt  }
0x59: {  	_ =	shalt  }
0x5a: {  	_ =	shalt  }
0x5b: {  	_ =	shalt  }
0x5c: {  	_ =	shalt  }
0x5d: {  	_ =	shalt  }
0x5e: {  	_ =	shalt  }
0x5f: {  	_ =	shalt  }
0x60: {  	_ =	shalt  }
0x61: {  	_ =	shalt  }
0x62: {  	_ =	shalt  }
0x63: {  	_ =	shalt  }
0x64: {  	_ =	shalt  }
0x65: {  	_ =	shalt  }
0x66: {  	_ =	shalt  }
0x67: {  	_ =	shalt  }
0x68: {  	_ =	shalt  }
0x69: {  	_ =	shalt  }
0x6a: {  	_ =	shalt  }
0x6b: {  	_ =	shalt  }
0x6c: {  	_ =	shalt  }
0x6d: {  	_ =	shalt  }
0x6e: {  	_ =	shalt  }
0x6f: {  	_ =	shalt  }
0x70: {  	_ =	shalt  }
0x71: {  	_ =	shalt  }
0x72: {  	_ =	shalt  }
0x73: {  	_ =	shalt  }
0x74: {  	_ =	shalt  }
0x75: {  	_ =	shalt  }
0x76: {  	_ =	shalt  }
0x77: {  	_ =	shalt  }
0x78: {  	_ =	shalt  }
0x79: {  	_ =	shalt  }
0x7a: {  	_ =	shalt  }
0x7b: {  	_ =	shalt  }
0x7c: {  	_ =	shalt  }
0x7d: {  	_ =	shalt  }
0x7e: {  	_ =	shalt  }
0x7f: {  	_ =	shalt  }
0x80: {  	_ =	shalt  }
0x81: {  	_ =	shalt  }
0x82: {  	_ =	shalt  }
0x83: {  	_ =	shalt  }
0x84: {  	_ =	shalt  }
0x85: {  	_ =	shalt  }
0x86: {  	_ =	shalt  }
0x87: {  	_ =	shalt  }
.Lfunc_end0:
.L_simem_size_0:
called_computation.1_lowered:
.L_overlay_start_0:
0x88: {  	s2 =	sld [smem:$0x3FD9]  }
0x89: {  	s3 =	sld [smem:$0x3FFE];
	_ =	sdelay $0x1  }
0x8a: {  	s1 =	srdreg.scid  }
0x8b: {  	s0 =	sand.u32 $0x1, s1  }
0x8c: {  	s16 =	sshll.u32 s0, $0xA;
	s2 =	sadd.s32 s3, s2  }
0x8d: {  	s2 =	sadd.s32 s2, s16  }
0x8e: {  	[smem:$0x3FBF] =	sst s2  }
0x8f: {  	_ = 	snop  }
0x90: {  	(tm) =	ssettm $0x1  }
0x91: {  	s17 =	sld [smem:$0x3FFB];
	_ =	sdelay $0x3  }
0x92: {  	_ =	strace s17  }
0x93: {  	s2 =	sld [smem:$0x3FFC];
	_ =	sdelay $0x3  }
0x94: {  	_ =	strace s2  }
0x95: {  	s2 =	sld [smem:$0x3FFD];
	_ =	sdelay $0x3  }
0x96: {  	_ =	strace s2  }
0x97: {  	_ =	strace $0x8FFFFFFF  }
0x98: {  	s18 =	sld [smem:$0x3FDB];
	_ =	sdelay $0x1  }
0x99: {  	s19 =	simm.s32 $_scs_section_size  }
0x9a: {  	s4 =	simm.s32 $_size__tile_overlayer_lowered;
	s5 =	simm.s32 $_tile_overlayer_lowered  }
0x9b: {  	s22 =	simm.s32 $0x1BFF;
	s21 =	sshll.u32 s5, $0x1;
	s2 =	sadd.s32 s19, s18  }
0x9c: {  	s6 =	simm.s32 $0x0;
	s20 =	sshll.u32 s4, $0x1;
	s4 =	sadd.s32 s21, s2  }
0x9d: {  	[timem:s6], [sflag:s22] =	dma.local [hbm:s4], s20  }
0x9e: {  	_ =	swait.ge [sflag:s22], s20  }
0x9f: {  	s3 =	ssub.s32 $0x0, s20;
	[sflag:s22] =	ssyncset.done $0x0  }
0xa0: {  	[sflag:s22] =	ssyncadd.s32 s3;
	_ =	sdelay $0x1  }
0xa1: {  	s23 =	simm.s32 $0x1B8B  }
0xa2: {  	_ =	swait.ge [sflag:s23], $0x1  }
0xa3: {  	[sflag:s23] =	ssyncset.done $0x0  }
0xa4: {  	s25 =	simm.s32 $0x1B8E;
	s24 =	sld [smem:$0x3FFE];
	[sflag:s23] =	ssyncadd.s32 $0xFFFFFFFF  }
0xa5: {  	s26 =	simm.s32 $execute0_lowered;
	[smem:$0x3FD2] =	sst s25  }
0xa6: {  	s4 =	sshll.u32 s26, $0x1;
	_ =	strace $0x80000049;
	[dreg:$0x1] =	wrdreg $0xFFFFFFFF  }
0xa7: {  	s28 =	simm.s32 $_size_execute0_lowered;
	s2 =	sadd.s32 s2, s4;
	[dreg:$0x0] =	wrdreg $0x0  }
0xa8: {  	s4 =	sshll.u32 s28, $0x1;
	[dreg:$0x2] =	wrdreg s2  }
0xa9: {  	[dreg:$0x3] =	wrdreg s4  }
0xaa: {  	[dreg:$0x4] =	wrdreg $0xC0  }
0xab: {  	_ =	task [dreg:s6], $0x5FFFF  }
0xac: {  	[dreg:$0x1] =	wrdreg $0xFFFFFFFF  }
0xad: {  	[dreg:$0x0] =	wrdreg $0x60  }
0xae: {  	[dreg:$0x2] =	wrdreg s24  }
0xaf: {  	[dreg:$0x3] =	wrdreg $0x48000  }
0xb0: {  	[dreg:$0x4] =	wrdreg $0x9  }
0xb1: {  	_ =	task.clear_ibuf [dreg:s6], $0x5FFFF;
	_ =	strace $0x90000049  }
0xb2: {  	s29 =	simm.s32 $0x9;
	_ =	strace $0x8000004B  }
0xb3: {  	_ =	swait.ge [sflag:s29], $0x1  }
0xb4: {  	[sflag:s29] =	ssyncadd.s32 $0xFFFFFFFF  }
0xb5: {  	_ =	strace $0x9000004B  }
0xb6: {  	_ =	sfence  }
0xb7: {  	s30 =	sld [smem:$0x0];
	_ =	sdelay $0x2  }
0xb8: {  	s31 =	sshll.u32 s1, $0xD;
	s1 =	sshrl.u32 s1, $0x2  }
0xb9: {  	s3 =	sand.u32 $0x4000, s31;
	s1 =	sadd.s32 s1, s30  }
0xba: {  	s0 =	sor.u32 s3, s0;
	s1 =	sshll.u32 s1, $0x11  }
0xbb: {  	s0 =	sor.u32 s1, s0  }
0xbc: {  	s0 =	sadd.s32 $0x8F2B, s0  }
0xbd: {  	[sflag:s0] =	ssyncadd.remote.s32 $0x1  }
0xbe: {  	_ =	sfence.sel $0xFFFF  }
0xbf: {  	[dreg:$0x0] =	wrdreg $0xFFFFFFFF;
	(pc) =	sbr.abs _section_cstart, $3  }
0xc0: {  	[dreg:$0x1] =	wrdreg $0xFFFFFFFF  }
0xc1: {  	_ =	task.clear_ibuf [dreg:s6], $0x2FFFF;
	_ =	strace $0x9FFFFFFF  }
0xc2: {  	(tm) =	ssettm $0x7FFFFFFF  }
0xc3: {  	_ =	shalt  }
tec
execute0_lowered:
.L_overlay_start_1:
0x0: {  	(tag) =	ssettag $0x1  }
0x1: {  	s8 =	stileid.u32  }
0x2: {  	s0 =	srdreg.scid;
	s5 =	rddreg [dreg:$0x0]  }
0x3: {  	s2 =	rddreg [dreg:$0x1];
	s3 =	simm.s32 $0x0;
	s12 =	simm.s32 $0x2  }
0x4: {  	s13 =	simm.s32 $0x400;
	s14 =	simm.s32 $0x80;
	s15 =	simm.s32 $0x800  }
0x5: {  	s16 =	simm.s32 $0x1;
	s17 =	simm.s32 $0x480;
	s18 =	simm.s32 $0x100  }
0x6: {  	s19 =	simm.s32 $0x500;
	s20 =	simm.s32 $0x180;
	s21 =	simm.s32 $0x580  }
0x7: {  	s22 =	simm.s32 $0x200;
	s23 =	simm.s32 $0x600;
	s1 =	smul.u32 $0x1880, s8  }
0x8: {  	s28 =	simm.s32 $0x700;
	s29 =	simm.s32 $0x380;
	s6 =	smul.u32 $0xC400, s8  }
0x9: {  	s30 =	simm.s32 $0x780;
	s31 =	simm.s32 $0x0;
	s24 =	smul.u32 $0x18800, s8  }
0xa: {  	s0 =	sand.u32 $0x1, s0;
	[smem:$0x7FF] =	sst s3;
	s25 =	smul.u32 $0x62000, s8  }
0xb: {  	s10 =	sadd.s32 $0x7F000, s5;
	s8 =	sshll.u32 s8, $0x6;
	s4 =	smul.u32 $0xC4000, s0  }
0xc: {  	s7 =	smul.u32 $0x188000, s0;
	_ =	strace $0x8000004A;
	s0 =	ssub.s32 $0x2, s0  }
0xd: {  	[dreg:$0x3] =	wrdreg s10;
	s1 =	sadd.s32 s1, s5;
	s26 =	sshrl.u32 s0, $0x1  }
0xe: {  	s4 =	sadd.s32 s6, s4;
	s6 =	sadd.s32 s24, s7;
	s7 =	sshrl.u32 s25, $0x2  }
0xf: {  	s0 =	ssub.s32 s0, s26;
	s10 =	sadd.s32 $0xE4200, s1;
	s24 =	simm.s32 $0x280  }
0x10: {  	s25 =	simm.s32 $0x680;
	s26 =	simm.s32 $0x300;
	s4 =	sshrl.u32 s4, $0x3  }
0x11: {  	s6 =	sshrl.u32 s6, $0x3;
	s11 =	sadd.s32 s7, s2;
	s0 =	smax.u32 s0, $0x1  }
0x12: {  	s9 =	sadd.s32 s4, s5;
	s4 =	sadd.s32 $0x283600, s5;
	s5 =	sadd.s32 s6, s5  }
0x13: {  	s6 =	sor.u32 $0x1C02, s8;
	[dreg:$0x5] =	wrdreg s0;
	s5 =	sadd.s32 $0x82200, s5  }
0x14: {  	s11 =	sshrl.u32 s11, $0x3;
	s9 =	sadd.s32 $0x4E000, s9;
	[dreg:$0x4] =	wrdreg s5  }
.LBB2_1:
0x15: {  	s0 =	rddreg [dreg:$0x3]  }
0x16: {  	[spmem:s11], [sflag:s6] =	dma.local [hbm:s0], $0x3100  }
0x17: {  	_ =	swait.ge [sflag:s12], $0x3100  }
0x18: {  	[sflag:s12] =	ssyncset.done $0x0  }
0x19: {  	[sflag:s12] =	ssyncadd.s32 $0xFFFFCF00  }
0x1a: {  	s7 =	sadd.s32 $0x0, s10;
	[bflag:$0x0] =	sbarrier.arrive $0xFFFF  }
0x1b: {  	[tilespmem:s3], [sflag:$0x2] =	stream.linear.gather [hbm4b:s7+s3], $0x400, $0x38;
	[tilespmem:$0x1D000] =	vst v63  }
0x1c: {  	_ =	swait.ge [sflag:s12], $0x400  }
0x1d: {  	[sflag:s12] =	ssyncset.done $0x0  }
0x1e: {  	s8 =	sadd.s32 $0x0, s9;
	[sflag:s12] =	ssyncadd.s32 $0xFFFFFC00  }
0x1f: {  	[tilespmem:s13], [sflag:$0x2] =	stream.linear.gather [hbm4b:s8+s3], $0x400, $0x38;
	[tilespmem:$0x1D000] =	vst v63  }
0x20: {  	_ =	swait.ge [sflag:s12], $0x400  }
0x21: {  	[sflag:s12] =	ssyncset.done $0x0  }
0x22: {  	[sflag:s12] =	ssyncadd.s32 $0xFFFFFC00  }
0x23: {  	[tilespmem:s15], [sflag:$0x1] =	stream.indirect.gather [hbm4b:s4+s14], $0x80, s3, s14, $0xb8;
	[tilespmem:$0x1D000] =	vst v63  }
0x24: {  	_ =	swait.ge [sflag:s16], $0x4000  }
0x25: {  	[sflag:s16] =	ssyncset.done $0x0  }
0x26: {  	[sflag:s16] =	ssyncadd.s32 $0xFFFFC000  }
0x27: {  	[spmem:s2] =	stream.indirect.scatter.add.f32 [tilespmem:s15], [sflag:$0x2], $0x80, s13, s14, $0xb8;
	[tilespmem:$0x1D000] =	vst v63  }
0x28: {  	_ =	swait.ge [sflag:s12], $0x4000  }
0x29: {  	[sflag:s12] =	ssyncset.done $0x0  }
0x2a: {  	[sflag:s12] =	ssyncadd.s32 $0xFFFFC000  }
0x2b: {  	[tilespmem:s15], [sflag:$0x1] =	stream.indirect.gather [hbm4b:s4+s14], $0x80, s14, s14, $0xb8;
	[tilespmem:$0x1D000] =	vst v63  }
0x2c: {  	_ =	swait.ge [sflag:s16], $0x4000  }
0x2d: {  	[sflag:s16] =	ssyncset.done $0x0  }
0x2e: {  	[sflag:s16] =	ssyncadd.s32 $0xFFFFC000  }
0x2f: {  	[spmem:s2] =	stream.indirect.scatter.add.f32 [tilespmem:s15], [sflag:$0x2], $0x80, s17, s14, $0xb8;
	[tilespmem:$0x1D000] =	vst v63  }
0x30: {  	_ =	swait.ge [sflag:s12], $0x4000  }
0x31: {  	[sflag:s12] =	ssyncset.done $0x0  }
0x32: {  	[sflag:s12] =	ssyncadd.s32 $0xFFFFC000  }
0x33: {  	[tilespmem:s15], [sflag:$0x1] =	stream.indirect.gather [hbm4b:s4+s14], $0x80, s18, s14, $0xb8;
	[tilespmem:$0x1D000] =	vst v63  }
0x34: {  	_ =	swait.ge [sflag:s16], $0x4000  }
0x35: {  	[sflag:s16] =	ssyncset.done $0x0  }
0x36: {  	[sflag:s16] =	ssyncadd.s32 $0xFFFFC000  }
0x37: {  	[spmem:s2] =	stream.indirect.scatter.add.f32 [tilespmem:s15], [sflag:$0x2], $0x80, s19, s14, $0xb8;
	[tilespmem:$0x1D000] =	vst v63  }
0x38: {  	_ =	swait.ge [sflag:s12], $0x4000  }
0x39: {  	[sflag:s12] =	ssyncset.done $0x0  }
0x3a: {  	[sflag:s12] =	ssyncadd.s32 $0xFFFFC000  }
0x3b: {  	[tilespmem:s15], [sflag:$0x1] =	stream.indirect.gather [hbm4b:s4+s14], $0x80, s20, s14, $0xb8;
	[tilespmem:$0x1D000] =	vst v63  }
0x3c: {  	_ =	swait.ge [sflag:s16], $0x4000  }
0x3d: {  	[sflag:s16] =	ssyncset.done $0x0  }
0x3e: {  	[sflag:s16] =	ssyncadd.s32 $0xFFFFC000  }
0x3f: {  	[spmem:s2] =	stream.indirect.scatter.add.f32 [tilespmem:s15], [sflag:$0x2], $0x80, s21, s14, $0xb8;
	[tilespmem:$0x1D000] =	vst v63  }
0x40: {  	_ =	swait.ge [sflag:s12], $0x4000  }
0x41: {  	[sflag:s12] =	ssyncset.done $0x0  }
0x42: {  	[sflag:s12] =	ssyncadd.s32 $0xFFFFC000  }
0x43: {  	[tilespmem:s15], [sflag:$0x1] =	stream.indirect.gather [hbm4b:s4+s14], $0x80, s22, s14, $0xb8;
	[tilespmem:$0x1D000] =	vst v63  }
0x44: {  	_ =	swait.ge [sflag:s16], $0x4000  }
0x45: {  	[sflag:s16] =	ssyncset.done $0x0  }
0x46: {  	[sflag:s16] =	ssyncadd.s32 $0xFFFFC000  }
0x47: {  	[spmem:s2] =	stream.indirect.scatter.add.f32 [tilespmem:s15], [sflag:$0x2], $0x80, s23, s14, $0xb8;
	[tilespmem:$0x1D000] =	vst v63  }
0x48: {  	_ =	swait.ge [sflag:s12], $0x4000  }
0x49: {  	[sflag:s12] =	ssyncset.done $0x0  }
0x4a: {  	[sflag:s12] =	ssyncadd.s32 $0xFFFFC000  }
0x4b: {  	[tilespmem:s15], [sflag:$0x1] =	stream.indirect.gather [hbm4b:s4+s14], $0x80, s24, s14, $0xb8;
	[tilespmem:$0x1D000] =	vst v63  }
0x4c: {  	_ =	swait.ge [sflag:s16], $0x4000  }
0x4d: {  	[sflag:s16] =	ssyncset.done $0x0  }
0x4e: {  	[sflag:s16] =	ssyncadd.s32 $0xFFFFC000  }
0x4f: {  	[spmem:s2] =	stream.indirect.scatter.add.f32 [tilespmem:s15], [sflag:$0x2], $0x80, s25, s14, $0xb8;
	[tilespmem:$0x1D000] =	vst v63  }
0x50: {  	_ =	swait.ge [sflag:s12], $0x4000  }
0x51: {  	[sflag:s12] =	ssyncset.done $0x0  }
0x52: {  	[sflag:s12] =	ssyncadd.s32 $0xFFFFC000  }
0x53: {  	[tilespmem:s15], [sflag:$0x1] =	stream.indirect.gather [hbm4b:s4+s14], $0x80, s26, s14, $0xb8;
	[tilespmem:$0x1D000] =	vst v63  }
0x54: {  	_ =	swait.ge [sflag:s16], $0x4000  }
0x55: {  	[sflag:s16] =	ssyncset.done $0x0  }
0x56: {  	[sflag:s16] =	ssyncadd.s32 $0xFFFFC000  }
0x57: {  	[spmem:s2] =	stream.indirect.scatter.add.f32 [tilespmem:s15], [sflag:$0x2], $0x80, s28, s14, $0xb8;
	[tilespmem:$0x1D000] =	vst v63  }
0x58: {  	_ =	swait.ge [sflag:s12], $0x4000  }
0x59: {  	[sflag:s12] =	ssyncset.done $0x0  }
0x5a: {  	[sflag:s12] =	ssyncadd.s32 $0xFFFFC000  }
0x5b: {  	[tilespmem:s15], [sflag:$0x1] =	stream.indirect.gather [hbm4b:s4+s14], $0x80, s29, s14, $0xb8;
	[tilespmem:$0x1D000] =	vst v63  }
0x5c: {  	_ =	swait.ge [sflag:s16], $0x4000  }
0x5d: {  	[sflag:s16] =	ssyncset.done $0x0  }
0x5e: {  	[sflag:s16] =	ssyncadd.s32 $0xFFFFC000  }
0x5f: {  	[spmem:s2] =	stream.indirect.scatter.add.f32 [tilespmem:s15], [sflag:$0x2], $0x80, s30, s14, $0xb8;
	[tilespmem:$0x1D000] =	vst v63  }
0x60: {  	_ =	swait.ge [sflag:s12], $0x4000  }
0x61: {  	s1 =	simm.s32 $0x80;
	s0 =	simm.s32 $0x100;
	[sflag:s12] =	ssyncset.done $0x0  }
.LBB2_2:
0x62: {  	s7 =	sadd.s32 s1, s10  }
0x63: {  	[sflag:s12] =	ssyncadd.s32 $0xFFFFC000;
	s8 =	smov.u32 s0;
	s5 =	sadd.s32 $0x80, s0  }
0x64: {  	[tilespmem:s3], [sflag:$0x2] =	stream.linear.gather [hbm4b:s7+s3], $0x400, $0x38;
	[tilespmem:$0x1D000] =	vst v63  }
0x65: {  	p0 =	sne.s32 s0, $0x1800;
	_ =	swait.ge [sflag:s12], $0x400  }
0x66: {  	[sflag:s12] =	ssyncset.done $0x0  }
0x67: {  	s0 =	sadd.s32 s1, s9;
	s1 =	smov.u32 s8;
	[sflag:s12] =	ssyncadd.s32 $0xFFFFFC00  }
0x68: {  	[tilespmem:s13], [sflag:$0x2] =	stream.linear.gather [hbm4b:s0+s3], $0x400, $0x38;
	[tilespmem:$0x1D000] =	vst v63  }
0x69: {  	_ =	swait.ge [sflag:s12], $0x400  }
0x6a: {  	[sflag:s12] =	ssyncset.done $0x0  }
0x6b: {  	[sflag:s12] =	ssyncadd.s32 $0xFFFFFC00  }
0x6c: {  	[tilespmem:s15], [sflag:$0x1] =	stream.indirect.gather [hbm4b:s4+s14], $0x80, s3, s14, $0xb8;
	[tilespmem:$0x1D000] =	vst v63  }
0x6d: {  	_ =	swait.ge [sflag:s16], $0x4000  }
0x6e: {  	[sflag:s16] =	ssyncset.done $0x0  }
0x6f: {  	[sflag:s16] =	ssyncadd.s32 $0xFFFFC000  }
0x70: {  	[spmem:s2] =	stream.indirect.scatter.add.f32 [tilespmem:s15], [sflag:$0x2], $0x80, s13, s14, $0xb8;
	[tilespmem:$0x1D000] =	vst v63  }
0x71: {  	_ =	swait.ge [sflag:s12], $0x4000  }
0x72: {  	[sflag:s12] =	ssyncset.done $0x0  }
0x73: {  	[sflag:s12] =	ssyncadd.s32 $0xFFFFC000  }
0x74: {  	[tilespmem:s15], [sflag:$0x1] =	stream.indirect.gather [hbm4b:s4+s14], $0x80, s14, s14, $0xb8;
	[tilespmem:$0x1D000] =	vst v63  }
0x75: {  	_ =	swait.ge [sflag:s16], $0x4000  }
0x76: {  	[sflag:s16] =	ssyncset.done $0x0  }
0x77: {  	[sflag:s16] =	ssyncadd.s32 $0xFFFFC000  }
0x78: {  	[spmem:s2] =	stream.indirect.scatter.add.f32 [tilespmem:s15], [sflag:$0x2], $0x80, s17, s14, $0xb8;
	[tilespmem:$0x1D000] =	vst v63  }
0x79: {  	_ =	swait.ge [sflag:s12], $0x4000  }
0x7a: {  	[sflag:s12] =	ssyncset.done $0x0  }
0x7b: {  	[sflag:s12] =	ssyncadd.s32 $0xFFFFC000  }
0x7c: {  	[tilespmem:s15], [sflag:$0x1] =	stream.indirect.gather [hbm4b:s4+s14], $0x80, s18, s14, $0xb8;
	[tilespmem:$0x1D000] =	vst v63  }
0x7d: {  	_ =	swait.ge [sflag:s16], $0x4000  }
0x7e: {  	[sflag:s16] =	ssyncset.done $0x0  }
0x7f: {  	[sflag:s16] =	ssyncadd.s32 $0xFFFFC000  }
0x80: {  	[spmem:s2] =	stream.indirect.scatter.add.f32 [tilespmem:s15], [sflag:$0x2], $0x80, s19, s14, $0xb8;
	[tilespmem:$0x1D000] =	vst v63  }
0x81: {  	_ =	swait.ge [sflag:s12], $0x4000  }
0x82: {  	[sflag:s12] =	ssyncset.done $0x0  }
0x83: {  	[sflag:s12] =	ssyncadd.s32 $0xFFFFC000  }
0x84: {  	[tilespmem:s15], [sflag:$0x1] =	stream.indirect.gather [hbm4b:s4+s14], $0x80, s20, s14, $0xb8;
	[tilespmem:$0x1D000] =	vst v63  }
0x85: {  	_ =	swait.ge [sflag:s16], $0x4000  }
0x86: {  	[sflag:s16] =	ssyncset.done $0x0  }
0x87: {  	[sflag:s16] =	ssyncadd.s32 $0xFFFFC000  }
0x88: {  	[spmem:s2] =	stream.indirect.scatter.add.f32 [tilespmem:s15], [sflag:$0x2], $0x80, s21, s14, $0xb8;
	[tilespmem:$0x1D000] =	vst v63  }
0x89: {  	_ =	swait.ge [sflag:s12], $0x4000  }
0x8a: {  	[sflag:s12] =	ssyncset.done $0x0  }
0x8b: {  	[sflag:s12] =	ssyncadd.s32 $0xFFFFC000  }
0x8c: {  	[tilespmem:s15], [sflag:$0x1] =	stream.indirect.gather [hbm4b:s4+s14], $0x80, s22, s14, $0xb8;
	[tilespmem:$0x1D000] =	vst v63  }
0x8d: {  	_ =	swait.ge [sflag:s16], $0x4000  }
0x8e: {  	[sflag:s16] =	ssyncset.done $0x0  }
0x8f: {  	[sflag:s16] =	ssyncadd.s32 $0xFFFFC000  }
0x90: {  	[spmem:s2] =	stream.indirect.scatter.add.f32 [tilespmem:s15], [sflag:$0x2], $0x80, s23, s14, $0xb8;
	[tilespmem:$0x1D000] =	vst v63  }
0x91: {  	_ =	swait.ge [sflag:s12], $0x4000  }
0x92: {  	[sflag:s12] =	ssyncset.done $0x0  }
0x93: {  	[sflag:s12] =	ssyncadd.s32 $0xFFFFC000  }
0x94: {  	[tilespmem:s15], [sflag:$0x1] =	stream.indirect.gather [hbm4b:s4+s14], $0x80, s24, s14, $0xb8;
	[tilespmem:$0x1D000] =	vst v63  }
0x95: {  	_ =	swait.ge [sflag:s16], $0x4000  }
0x96: {  	[sflag:s16] =	ssyncset.done $0x0  }
0x97: {  	[sflag:s16] =	ssyncadd.s32 $0xFFFFC000  }
0x98: {  	[spmem:s2] =	stream.indirect.scatter.add.f32 [tilespmem:s15], [sflag:$0x2], $0x80, s25, s14, $0xb8;
	[tilespmem:$0x1D000] =	vst v63  }
0x99: {  	_ =	swait.ge [sflag:s12], $0x4000  }
0x9a: {  	[sflag:s12] =	ssyncset.done $0x0  }
0x9b: {  	[sflag:s12] =	ssyncadd.s32 $0xFFFFC000  }
0x9c: {  	[tilespmem:s15], [sflag:$0x1] =	stream.indirect.gather [hbm4b:s4+s14], $0x80, s26, s14, $0xb8;
	[tilespmem:$0x1D000] =	vst v63  }
0x9d: {  	_ =	swait.ge [sflag:s16], $0x4000  }
0x9e: {  	[sflag:s16] =	ssyncset.done $0x0  }
0x9f: {  	[sflag:s16] =	ssyncadd.s32 $0xFFFFC000  }
0xa0: {  	[spmem:s2] =	stream.indirect.scatter.add.f32 [tilespmem:s15], [sflag:$0x2], $0x80, s28, s14, $0xb8;
	[tilespmem:$0x1D000] =	vst v63  }
0xa1: {  	_ =	swait.ge [sflag:s12], $0x4000  }
0xa2: {  	[sflag:s12] =	ssyncset.done $0x0  }
0xa3: {  	[sflag:s12] =	ssyncadd.s32 $0xFFFFC000  }
0xa4: {  	[tilespmem:s15], [sflag:$0x1] =	stream.indirect.gather [hbm4b:s4+s14], $0x80, s29, s14, $0xb8;
	[tilespmem:$0x1D000] =	vst v63  }
0xa5: {  	_ =	swait.ge [sflag:s16], $0x4000  }
.Ltmp0:
0xa6: {  	[sflag:s16] =	ssyncset.done $0x0;
	(pc) =	sbr.rel @p0 .LBB2_2-.Ltmp0, $4  }
0xa7: {  	[sflag:s16] =	ssyncadd.s32 $0xFFFFC000  }
0xa8: {  	[spmem:s2] =	stream.indirect.scatter.add.f32 [tilespmem:s15], [sflag:$0x2], $0x80, s30, s14, $0xb8;
	[tilespmem:$0x1D000] =	vst v63  }
0xa9: {  	_ =	swait.ge [sflag:s12], $0x4000  }
0xaa: {  	s0 =	smov.u32 s5;
	[sflag:s12] =	ssyncset.done $0x0  }
0xab: {  	s0 =	sadd.s32 s1, s10;
	[sflag:s12] =	ssyncadd.s32 $0xFFFFC000  }
0xac: {  	[tilespmem:s3], [sflag:$0x2] =	stream.linear.gather [hbm4b:s0+s3], $0x400, $0x38;
	[tilespmem:$0x1D000] =	vst v63  }
0xad: {  	_ =	swait.ge [sflag:s12], $0x400  }
0xae: {  	[sflag:s12] =	ssyncset.done $0x0  }
0xaf: {  	s5 =	sadd.s32 s1, s9;
	[sflag:s12] =	ssyncadd.s32 $0xFFFFFC00  }
0xb0: {  	[tilespmem:s13], [sflag:$0x2] =	stream.linear.gather [hbm4b:s5+s3], $0x400, $0x38;
	[tilespmem:$0x1D000] =	vst v63  }
0xb1: {  	_ =	swait.ge [sflag:s12], $0x400  }
0xb2: {  	[sflag:s12] =	ssyncset.done $0x0  }
0xb3: {  	[sflag:s12] =	ssyncadd.s32 $0xFFFFFC00  }
0xb4: {  	[tilespmem:s15], [sflag:$0x1] =	stream.indirect.gather [hbm4b:s4+s14], $0x80, s3, s14, $0xb8;
	[tilespmem:$0x1D000] =	vst v63  }
0xb5: {  	_ =	swait.ge [sflag:s16], $0x4000  }
0xb6: {  	[sflag:s16] =	ssyncset.done $0x0  }
0xb7: {  	[sflag:s16] =	ssyncadd.s32 $0xFFFFC000  }
0xb8: {  	[spmem:s2] =	stream.indirect.scatter.add.f32 [tilespmem:s15], [sflag:$0x2], $0x80, s13, s14, $0xb8;
	[tilespmem:$0x1D000] =	vst v63  }
0xb9: {  	_ =	swait.ge [sflag:s12], $0x4000  }
0xba: {  	[sflag:s12] =	ssyncset.done $0x0  }
0xbb: {  	[sflag:s12] =	ssyncadd.s32 $0xFFFFC000  }
0xbc: {  	[tilespmem:s15], [sflag:$0x1] =	stream.indirect.gather [hbm4b:s4+s14], $0x80, s14, s14, $0xb8;
	[tilespmem:$0x1D000] =	vst v63  }
0xbd: {  	_ =	swait.ge [sflag:s16], $0x4000  }
0xbe: {  	[sflag:s16] =	ssyncset.done $0x0  }
0xbf: {  	[sflag:s16] =	ssyncadd.s32 $0xFFFFC000  }
0xc0: {  	[spmem:s2] =	stream.indirect.scatter.add.f32 [tilespmem:s15], [sflag:$0x2], $0x80, s17, s14, $0xb8;
	[tilespmem:$0x1D000] =	vst v63  }
0xc1: {  	_ =	swait.ge [sflag:s12], $0x4000  }
0xc2: {  	[sflag:s12] =	ssyncset.done $0x0  }
0xc3: {  	[sflag:s12] =	ssyncadd.s32 $0xFFFFC000  }
0xc4: {  	[tilespmem:s15], [sflag:$0x1] =	stream.indirect.gather [hbm4b:s4+s14], $0x80, s18, s14, $0xb8;
	[tilespmem:$0x1D000] =	vst v63  }
0xc5: {  	_ =	swait.ge [sflag:s16], $0x4000  }
0xc6: {  	[sflag:s16] =	ssyncset.done $0x0  }
0xc7: {  	[sflag:s16] =	ssyncadd.s32 $0xFFFFC000  }
0xc8: {  	[spmem:s2] =	stream.indirect.scatter.add.f32 [tilespmem:s15], [sflag:$0x2], $0x80, s19, s14, $0xb8;
	[tilespmem:$0x1D000] =	vst v63  }
0xc9: {  	_ =	swait.ge [sflag:s12], $0x4000  }
0xca: {  	[sflag:s12] =	ssyncset.done $0x0  }
0xcb: {  	[sflag:s12] =	ssyncadd.s32 $0xFFFFC000  }
0xcc: {  	[tilespmem:s15], [sflag:$0x1] =	stream.indirect.gather [hbm4b:s4+s14], $0x80, s20, s14, $0xb8;
	[tilespmem:$0x1D000] =	vst v63  }
0xcd: {  	_ =	swait.ge [sflag:s16], $0x4000  }
0xce: {  	[sflag:s16] =	ssyncset.done $0x0  }
0xcf: {  	[sflag:s16] =	ssyncadd.s32 $0xFFFFC000  }
0xd0: {  	[spmem:s2] =	stream.indirect.scatter.add.f32 [tilespmem:s15], [sflag:$0x2], $0x80, s21, s14, $0xb8;
	[tilespmem:$0x1D000] =	vst v63  }
0xd1: {  	_ =	swait.ge [sflag:s12], $0x4000  }
0xd2: {  	[sflag:s12] =	ssyncset.done $0x0  }
0xd3: {  	[sflag:s12] =	ssyncadd.s32 $0xFFFFC000  }
0xd4: {  	[tilespmem:s15], [sflag:$0x1] =	stream.indirect.gather [hbm4b:s4+s14], $0x80, s22, s14, $0xb8;
	[tilespmem:$0x1D000] =	vst v63  }
0xd5: {  	_ =	swait.ge [sflag:s16], $0x4000  }
0xd6: {  	[sflag:s16] =	ssyncset.done $0x0  }
0xd7: {  	[sflag:s16] =	ssyncadd.s32 $0xFFFFC000  }
0xd8: {  	[spmem:s2] =	stream.indirect.scatter.add.f32 [tilespmem:s15], [sflag:$0x2], $0x80, s23, s14, $0xb8;
	[tilespmem:$0x1D000] =	vst v63  }
0xd9: {  	_ =	swait.ge [sflag:s12], $0x4000  }
0xda: {  	[sflag:s12] =	ssyncset.done $0x0  }
0xdb: {  	[sflag:s12] =	ssyncadd.s32 $0xFFFFC000  }
0xdc: {  	[tilespmem:s15], [sflag:$0x1] =	stream.indirect.gather [hbm4b:s4+s14], $0x80, s24, s14, $0xb8;
	[tilespmem:$0x1D000] =	vst v63  }
0xdd: {  	_ =	swait.ge [sflag:s16], $0x4000  }
0xde: {  	[sflag:s16] =	ssyncset.done $0x0  }
0xdf: {  	[sflag:s16] =	ssyncadd.s32 $0xFFFFC000  }
0xe0: {  	[spmem:s2] =	stream.indirect.scatter.add.f32 [tilespmem:s15], [sflag:$0x2], $0x80, s25, s14, $0xb8;
	[tilespmem:$0x1D000] =	vst v63  }
0xe1: {  	_ =	swait.ge [sflag:s12], $0x4000  }
0xe2: {  	[sflag:s12] =	ssyncset.done $0x0  }
0xe3: {  	[sflag:s12] =	ssyncadd.s32 $0xFFFFC000  }
0xe4: {  	[tilespmem:s15], [sflag:$0x1] =	stream.indirect.gather [hbm4b:s4+s14], $0x80, s26, s14, $0xb8;
	[tilespmem:$0x1D000] =	vst v63  }
0xe5: {  	_ =	swait.ge [sflag:s16], $0x4000  }
0xe6: {  	[sflag:s16] =	ssyncset.done $0x0  }
0xe7: {  	[sflag:s16] =	ssyncadd.s32 $0xFFFFC000  }
0xe8: {  	[spmem:s2] =	stream.indirect.scatter.add.f32 [tilespmem:s15], [sflag:$0x2], $0x80, s28, s14, $0xb8;
	[tilespmem:$0x1D000] =	vst v63  }
0xe9: {  	_ =	swait.ge [sflag:s12], $0x4000  }
0xea: {  	[sflag:s12] =	ssyncset.done $0x0  }
0xeb: {  	[sflag:s12] =	ssyncadd.s32 $0xFFFFC000  }
0xec: {  	[tilespmem:s15], [sflag:$0x1] =	stream.indirect.gather [hbm4b:s4+s14], $0x80, s29, s14, $0xb8;
	[tilespmem:$0x1D000] =	vst v63  }
0xed: {  	_ =	swait.ge [sflag:s16], $0x4000  }
0xee: {  	[sflag:s16] =	ssyncset.done $0x0  }
0xef: {  	[sflag:s16] =	ssyncadd.s32 $0xFFFFC000  }
0xf0: {  	[spmem:s2] =	stream.indirect.scatter.add.f32 [tilespmem:s15], [sflag:$0x2], $0x80, s30, s14, $0xb8;
	[tilespmem:$0x1D000] =	vst v63  }
0xf1: {  	_ =	swait.ge [sflag:s12], $0x4000  }
0xf2: {  	[sflag:s12] =	ssyncset.done $0x0  }
0xf3: {  	[sflag:s12] =	ssyncadd.s32 $0xFFFFC000  }
0xf4: {  	[bflag:$0x0] =	sbarrier.arrive $0xFFFF  }
0xf5: {  	s7 =	rddreg [dreg:$0x4]  }
0xf6: {  	[hbm:s7], [sflag:s6] =	dma.local [spmem:s11], $0x3100  }
0xf7: {  	_ =	swait.ge [sflag:s12], $0x3100  }
0xf8: {  	s31 =	sadd.s32 $0x1, s31;
	s8 =	rddreg [dreg:$0x5]  }
0xf9: {  	p0 =	sne.s32 s31, s8  }
.Ltmp1:
0xfa: {  	_ = 	snop;
	(pc) =	sbr.rel @p0 .LBB2_1-.Ltmp1, $3  }
0xfb: {  	_ =	sdelay $0x1  }
0xfc: {  	[sflag:s12] =	ssyncset.done $0x0  }
0xfd: {  	[sflag:s12] =	ssyncadd.s32 $0xFFFFCF00  }
0xfe: {  	_ =	sfence.sel $0x180000  }
0xff: {  	[bflag:$0x0] =	sbarrier.arrive $0xFFFF  }
0x100: {  	_ =	strace $0x9000004A  }
0x101: {  	s0 =	stileid.u32;
	[bflag:$0x2] =	sbarrier.arrive $0xFFFF  }
0x102: {  	p0 =	sne.s32 s0, $0x0;
	s0 =	rddreg [dreg:$0x2]  }
0x103: {  	s0 =	sadd.s32 @!p0 $0x100000, s0  }
0x104: {  	[sflag:s0] =	ssyncadd.tile.s32 @!p0 $0x1;
	_ =	shalt  }
.Lfunc_end2:
_tile_overlayer_lowered:
.L_overlay_start_2:
0x105: {  	(tag) =	ssettag $0x2  }
0x106: {  	s0 =	rddreg [dreg:$0x0];
	s2 =	stileid.u32  }
0x107: {  	s1 =	rddreg [dreg:$0x1];
	p0 =	sne.s32 s2, $0x0  }
0x108: {  	s3 =	rddreg [dreg:$0x2];
	[bflag:$0x3] =	sbarrier.arrive $0xFFFF;
	s2 =	simm.s32 @!p0 $0x1C02  }
0x109: {  	[timem:s3], [sflag:s2] =	dma.local @!p0 [hbm:s0], s1  }
0x10a: {  	s0 =	simm.s32 @!p0 $0x2  }
0x10b: {  	_ =	swait.ge @!p0 [sflag:s0], s1  }
0x10c: {  	s1 =	ssub.s32 @!p0 $0x0, s1;
	[sflag:s0] =	ssyncset.done @!p0 $0x0  }
0x10d: {  	[sflag:s0] =	ssyncadd.s32 @!p0 s1  }
0x10e: {  	[bflag:$0x3] =	sbarrier.arrive $0xFFFF  }
0x10f: {  	_ =	shalt  }

// kernel: kernel.18.cloned.1.call-start
scs
__scs_entry_jumppad:
0x0: {  	(pc) =	sbr.rel $0x88, $3  }
0x1: {  	(tag) =	ssettag $0x0;
	lr =	simm.s32 $0x1  }
0x2: {  	[smem:$0x3F98] =	sst lr;
	_ =	strace $0xD0000000  }
0x3: {  	_ = 	snop  }
0x4: {  	_ = 	snop  }
0x5: {  	_ = 	snop  }
0x6: {  	_ = 	snop  }
0x7: {  	_ = 	snop  }
__scs_overlays_trampoline_lowered:
0x8: {  	[smem:$0x3FA7] =	sst s0  }
0x9: {  	[smem:$0x3FA8] =	sst s1  }
0xa: {  	[smem:$0x3FA9] =	sst s2  }
0xb: {  	[smem:$0x3FAA] =	sst s3  }
0xc: {  	[smem:$0x3FAB] =	sst s4  }
0xd: {  	[smem:$0x3FAC] =	sst s5  }
0xe: {  	[smem:$0x3FAD] =	sst s6  }
0xf: {  	[smem:$0x3FAE] =	sst s7  }
0x10: {  	[smem:$0x3FAF] =	sst s8  }
0x11: {  	[smem:$0x3FB0] =	sst s9;
	s0 =	simm.s32 @!p0 $0x0  }
0x12: {  	s1 =	sld [smem:$0x3F96];
	s0 =	simm.s32 @p0 $0x1  }
0x13: {  	[smem:$0x3FB1] =	sst s0;
	s0 =	simm.s32 @!p1 $0x0  }
0x14: {  	s2 =	sld [smem:$0x3F95];
	s0 =	simm.s32 @p1 $0x1  }
0x15: {  	[smem:$0x3FB2] =	sst s0;
	s0 =	simm.s32 @!p2 $0x0  }
0x16: {  	s3 =	sld [smem:$0x3FDB];
	s0 =	simm.s32 @p2 $0x1  }
0x17: {  	s4 =	simm.s32 $0x1BF5;
	[smem:$0x3FB4] =	sst s0  }
0x18: {  	s0 =	sld [smem:$0x3F97];
	_ =	swait.ge [sflag:s4], $0x0  }
0x19: {  	s7 =	sld [smem:$0x3F98]  }
0x1a: {  	s8 =	sadd.s32 $0xFFFFE003, lr  }
0x1b: {  	s9 =	sadd.s32 $0xFFFFFEF7, lr;
	s5 =	simm.s32 $0xFFFFFFFF;
	p2 =	slt.u32 s8, $0xFFFFF086  }
0x1c: {  	p1 =	slt.u32 s9, $0xF7A;
	s5 =	simm.s32 @!p2 $0x0  }
0x1d: {  	s5 =	simm.s32 @p1 $0x1;
	p0 =	seq.s32 s7, s2  }
0x1e: {  	s7 =	smul.u32 @!p0 $0xF7A, s2;
	p2 =	seq.s32 @!p0 s5, $0x0  }
0x1f: {  	s9 =	smul.u32 $0xF7A, s1;
	s8 =	simm.s32 @!p0 $0x1BF5;
	p2 =	por !p2, p0  }
0x20: {  	[sflag:s8] =	ssyncset.s32 @!p0 $0xFFFFF086;
	s6 =	sadd.s32 @!p0 s3, s7;
	s7 =	simm.s32 @!p0 $0x108  }
0x21: {  	s3 =	sadd.s32 s3, s9;
	s6 =	sadd.s32 @!p0 $0x88, s6;
	s7 =	simm.s32 @p2 $0x1082  }
0x22: {  	[simem:s7], [sflag:s8] =	dma.local @!p0 [hbm:s6], $0xF7A  }
0x23: {  	s9 =	sor.u32 $0xD0000000, s2;
	s6 =	simm.s32 $0x108;
	_ =	swait.ge @!p0 [sflag:s8], $0x0  }
0x24: {  	s3 =	sadd.s32 $0x88, s3;
	s6 =	simm.s32 @!p1 $0x1082;
	[sflag:s4] =	ssyncset.s32 $0xFFFFF086  }
0x25: {  	[simem:s6], [sflag:s4] =	dma.local [hbm:s3], $0xF7A  }
0x26: {  	[smem:$0x3F98] =	sst s1;
	(tag) =	ssettag s2;
	_ =	strace s9  }
0x27: {  	s1 =	sld [smem:$0x3FA8]  }
0x28: {  	s2 =	sld [smem:$0x3FA9]  }
0x29: {  	s4 =	sld [smem:$0x3FAB]  }
0x2a: {  	p0 =	seq.s32 s5, $0x0;
	s5 =	sld [smem:$0x3FAC]  }
0x2b: {  	s6 =	sld [smem:$0x3FAD]  }
0x2c: {  	s7 =	sld [smem:$0x3FAE]  }
0x2d: {  	s3 =	simm.s32 $0x108;
	s8 =	sld [smem:$0x3FAF]  }
0x2e: {  	s3 =	simm.s32 @!p0 $0x1082;
	s9 =	sld [smem:$0x3FB0]  }
0x2f: {  	lr =	sadd.s32 s0, s3;
	s0 =	sld [smem:$0x3FA7]  }
0x30: {  	s3 =	sld [smem:$0x3FAA]  }
0x31: {  	[smem:$0x3FB3] =	sst s10  }
0x32: {  	s10 =	sld [smem:$0x3FB1];
	_ =	sdelay $0x3  }
0x33: {  	p0 =	seq.s32 s10, $0x1;
	s10 =	sld [smem:$0x3FB3];
	_ =	sdelay $0x3  }
0x34: {  	[smem:$0x3FB3] =	sst s10  }
0x35: {  	s10 =	sld [smem:$0x3FB2];
	_ =	sdelay $0x3  }
0x36: {  	p1 =	seq.s32 s10, $0x1;
	s10 =	sld [smem:$0x3FB3];
	_ =	sdelay $0x3  }
0x37: {  	[smem:$0x3FB3] =	sst s10  }
0x38: {  	s10 =	sld [smem:$0x3FB4]  }
0x39: {  	_ = 	snop;
	(pc) =	sbr.ind lr, $3  }
0x3a: {  	_ = 	snop  }
0x3b: {  	_ = 	snop  }
0x3c: {  	p2 =	seq.s32 s10, $0x1;
	s10 =	sld [smem:$0x3FB3]  }
0x3d: {  	_ =	shalt  }
0x3e: {  	_ =	shalt  }
0x3f: {  	_ =	shalt  }
0x40: {  	_ =	shalt  }
0x41: {  	_ =	shalt  }
0x42: {  	_ =	shalt  }
0x43: {  	_ =	shalt  }
0x44: {  	_ =	shalt  }
0x45: {  	_ =	shalt  }
0x46: {  	_ =	shalt  }
0x47: {  	_ =	shalt  }
0x48: {  	_ =	shalt  }
0x49: {  	_ =	shalt  }
0x4a: {  	_ =	shalt  }
0x4b: {  	_ =	shalt  }
0x4c: {  	_ =	shalt  }
0x4d: {  	_ =	shalt  }
0x4e: {  	_ =	shalt  }
0x4f: {  	_ =	shalt  }
0x50: {  	_ =	shalt  }
0x51: {  	_ =	shalt  }
0x52: {  	_ =	shalt  }
0x53: {  	_ =	shalt  }
0x54: {  	_ =	shalt  }
0x55: {  	_ =	shalt  }
0x56: {  	_ =	shalt  }
0x57: {  	_ =	shalt  }
0x58: {  	_ =	shalt  }
0x59: {  	_ =	shalt  }
0x5a: {  	_ =	shalt  }
0x5b: {  	_ =	shalt  }
0x5c: {  	_ =	shalt  }
0x5d: {  	_ =	shalt  }
0x5e: {  	_ =	shalt  }
0x5f: {  	_ =	shalt  }
0x60: {  	_ =	shalt  }
0x61: {  	_ =	shalt  }
0x62: {  	_ =	shalt  }
0x63: {  	_ =	shalt  }
0x64: {  	_ =	shalt  }
0x65: {  	_ =	shalt  }
0x66: {  	_ =	shalt  }
0x67: {  	_ =	shalt  }
0x68: {  	_ =	shalt  }
0x69: {  	_ =	shalt  }
0x6a: {  	_ =	shalt  }
0x6b: {  	_ =	shalt  }
0x6c: {  	_ =	shalt  }
0x6d: {  	_ =	shalt  }
0x6e: {  	_ =	shalt  }
0x6f: {  	_ =	shalt  }
0x70: {  	_ =	shalt  }
0x71: {  	_ =	shalt  }
0x72: {  	_ =	shalt  }
0x73: {  	_ =	shalt  }
0x74: {  	_ =	shalt  }
0x75: {  	_ =	shalt  }
0x76: {  	_ =	shalt  }
0x77: {  	_ =	shalt  }
0x78: {  	_ =	shalt  }
0x79: {  	_ =	shalt  }
0x7a: {  	_ =	shalt  }
0x7b: {  	_ =	shalt  }
0x7c: {  	_ =	shalt  }
0x7d: {  	_ =	shalt  }
0x7e: {  	_ =	shalt  }
0x7f: {  	_ =	shalt  }
0x80: {  	_ =	shalt  }
0x81: {  	_ =	shalt  }
0x82: {  	_ =	shalt  }
0x83: {  	_ =	shalt  }
0x84: {  	_ =	shalt  }
0x85: {  	_ =	shalt  }
0x86: {  	_ =	shalt  }
0x87: {  	_ =	shalt  }
.Lfunc_end0:
.L_simem_size_0:
called_computation.2_lowered:
.L_overlay_start_0:
0x88: {  	s2 =	sld [smem:$0x3FD9]  }
0x89: {  	s3 =	sld [smem:$0x3FFE];
	_ =	sdelay $0x1  }
0x8a: {  	s1 =	srdreg.scid  }
0x8b: {  	s0 =	sand.u32 $0x1, s1  }
0x8c: {  	s16 =	sshll.u32 s0, $0xA;
	s2 =	sadd.s32 s3, s2  }
0x8d: {  	s2 =	sadd.s32 s2, s16  }
0x8e: {  	[smem:$0x3FBF] =	sst s2  }
0x8f: {  	_ = 	snop  }
0x90: {  	(tm) =	ssettm $0x1  }
0x91: {  	s17 =	sld [smem:$0x3FFB];
	_ =	sdelay $0x3  }
0x92: {  	_ =	strace s17  }
0x93: {  	s2 =	sld [smem:$0x3FFC];
	_ =	sdelay $0x3  }
0x94: {  	_ =	strace s2  }
0x95: {  	s2 =	sld [smem:$0x3FFD];
	_ =	sdelay $0x3  }
0x96: {  	_ =	strace s2  }
0x97: {  	_ =	strace $0x8FFFFFFF  }
0x98: {  	s18 =	sld [smem:$0x3FDB];
	_ =	sdelay $0x1  }
0x99: {  	s19 =	simm.s32 $_scs_section_size  }
0x9a: {  	s4 =	simm.s32 $_size__tile_overlayer_lowered;
	s5 =	simm.s32 $_tile_overlayer_lowered  }
0x9b: {  	s22 =	simm.s32 $0x1BFF;
	s21 =	sshll.u32 s5, $0x1;
	s2 =	sadd.s32 s19, s18  }
0x9c: {  	s6 =	simm.s32 $0x0;
	s20 =	sshll.u32 s4, $0x1;
	s4 =	sadd.s32 s21, s2  }
0x9d: {  	[timem:s6], [sflag:s22] =	dma.local [hbm:s4], s20  }
0x9e: {  	_ =	swait.ge [sflag:s22], s20  }
0x9f: {  	s3 =	ssub.s32 $0x0, s20;
	[sflag:s22] =	ssyncset.done $0x0  }
0xa0: {  	[sflag:s22] =	ssyncadd.s32 s3;
	_ =	sdelay $0x1  }
0xa1: {  	s23 =	simm.s32 $0x1B8B  }
0xa2: {  	_ =	swait.ge [sflag:s23], $0x1  }
0xa3: {  	[sflag:s23] =	ssyncset.done $0x0  }
0xa4: {  	s25 =	simm.s32 $0x1B8E;
	s24 =	sld [smem:$0x3FFE];
	[sflag:s23] =	ssyncadd.s32 $0xFFFFFFFF  }
0xa5: {  	s26 =	simm.s32 $execute0_lowered;
	[smem:$0x3FD2] =	sst s25  }
0xa6: {  	s4 =	sshll.u32 s26, $0x1;
	_ =	strace $0x8000004C;
	[dreg:$0x1] =	wrdreg $0xFFFFFFFF  }
0xa7: {  	s28 =	simm.s32 $_size_execute0_lowered;
	s2 =	sadd.s32 s2, s4;
	[dreg:$0x0] =	wrdreg $0x0  }
0xa8: {  	s4 =	sshll.u32 s28, $0x1;
	[dreg:$0x2] =	wrdreg s2  }
0xa9: {  	[dreg:$0x3] =	wrdreg s4  }
0xaa: {  	[dreg:$0x4] =	wrdreg $0xC0  }
0xab: {  	_ =	task [dreg:s6], $0x5FFFF  }
0xac: {  	[dreg:$0x1] =	wrdreg $0xFFFFFFFF  }
0xad: {  	[dreg:$0x0] =	wrdreg $0x60  }
0xae: {  	[dreg:$0x2] =	wrdreg s24  }
0xaf: {  	[dreg:$0x3] =	wrdreg $0x48000  }
0xb0: {  	[dreg:$0x4] =	wrdreg $0x9  }
0xb1: {  	_ =	task.clear_ibuf [dreg:s6], $0x5FFFF;
	_ =	strace $0x9000004C  }
0xb2: {  	s29 =	simm.s32 $0x9;
	_ =	strace $0x8000004E  }
0xb3: {  	_ =	swait.ge [sflag:s29], $0x1  }
0xb4: {  	[sflag:s29] =	ssyncadd.s32 $0xFFFFFFFF  }
0xb5: {  	_ =	strace $0x9000004E  }
0xb6: {  	_ =	sfence  }
0xb7: {  	s30 =	sld [smem:$0x0];
	_ =	sdelay $0x2  }
0xb8: {  	s31 =	sshll.u32 s1, $0xD;
	s1 =	sshrl.u32 s1, $0x2  }
0xb9: {  	s3 =	sand.u32 $0x4000, s31;
	s1 =	sadd.s32 s1, s30  }
0xba: {  	s0 =	sor.u32 s3, s0;
	s1 =	sshll.u32 s1, $0x11  }
0xbb: {  	s0 =	sor.u32 s1, s0  }
0xbc: {  	s0 =	sadd.s32 $0x8F2B, s0  }
0xbd: {  	[sflag:s0] =	ssyncadd.remote.s32 $0x1  }
0xbe: {  	_ =	sfence.sel $0xFFFF  }
0xbf: {  	[dreg:$0x0] =	wrdreg $0xFFFFFFFF;
	(pc) =	sbr.abs _section_cstart, $3  }
0xc0: {  	[dreg:$0x1] =	wrdreg $0xFFFFFFFF  }
0xc1: {  	_ =	task.clear_ibuf [dreg:s6], $0x2FFFF;
	_ =	strace $0x9FFFFFFF  }
0xc2: {  	(tm) =	ssettm $0x7FFFFFFF  }
0xc3: {  	_ =	shalt  }
tec
execute0_lowered:
.L_overlay_start_1:
0x0: {  	(tag) =	ssettag $0x1  }
0x1: {  	s8 =	stileid.u32  }
0x2: {  	s0 =	srdreg.scid;
	s5 =	rddreg [dreg:$0x0]  }
0x3: {  	s2 =	rddreg [dreg:$0x1];
	s3 =	simm.s32 $0x0;
	s12 =	simm.s32 $0x2  }
0x4: {  	s13 =	simm.s32 $0x400;
	s14 =	simm.s32 $0x80;
	s15 =	simm.s32 $0x800  }
0x5: {  	s16 =	simm.s32 $0x1;
	s17 =	simm.s32 $0x480;
	s18 =	simm.s32 $0x100  }
0x6: {  	s19 =	simm.s32 $0x500;
	s20 =	simm.s32 $0x180;
	s21 =	simm.s32 $0x580  }
0x7: {  	s22 =	simm.s32 $0x200;
	s23 =	simm.s32 $0x600;
	s1 =	smul.u32 $0x1880, s8  }
0x8: {  	s28 =	simm.s32 $0x700;
	s29 =	simm.s32 $0x380;
	s6 =	smul.u32 $0xC400, s8  }
0x9: {  	s30 =	simm.s32 $0x780;
	s31 =	simm.s32 $0x0;
	s24 =	smul.u32 $0x18800, s8  }
0xa: {  	s0 =	sand.u32 $0x1, s0;
	[smem:$0x7FF] =	sst s3;
	s25 =	smul.u32 $0x62000, s8  }
0xb: {  	s10 =	sadd.s32 $0x7F000, s5;
	s8 =	sshll.u32 s8, $0x6;
	s4 =	smul.u32 $0xC4000, s0  }
0xc: {  	s7 =	smul.u32 $0x188000, s0;
	_ =	strace $0x8000004D;
	s0 =	ssub.s32 $0x2, s0  }
0xd: {  	[dreg:$0x3] =	wrdreg s10;
	s1 =	sadd.s32 s1, s5;
	s26 =	sshrl.u32 s0, $0x1  }
0xe: {  	s4 =	sadd.s32 s6, s4;
	s6 =	sadd.s32 s24, s7;
	s7 =	sshrl.u32 s25, $0x2  }
0xf: {  	s0 =	ssub.s32 s0, s26;
	s10 =	sadd.s32 $0xE4200, s1;
	s24 =	simm.s32 $0x280  }
0x10: {  	s25 =	simm.s32 $0x680;
	s26 =	simm.s32 $0x300;
	s4 =	sshrl.u32 s4, $0x3  }
0x11: {  	s6 =	sshrl.u32 s6, $0x3;
	s11 =	sadd.s32 s7, s2;
	s0 =	smax.u32 s0, $0x1  }
0x12: {  	s9 =	sadd.s32 s4, s5;
	s4 =	sadd.s32 $0x1C0000, s5;
	s5 =	sadd.s32 s6, s5  }
0x13: {  	s6 =	sor.u32 $0x1C02, s8;
	[dreg:$0x5] =	wrdreg s0;
	s5 =	sadd.s32 $0x82200, s5  }
0x14: {  	s11 =	sshrl.u32 s11, $0x3;
	s9 =	sadd.s32 $0x4E000, s9;
	[dreg:$0x4] =	wrdreg s5  }
.LBB2_1:
0x15: {  	s0 =	rddreg [dreg:$0x3]  }
0x16: {  	[spmem:s11], [sflag:s6] =	dma.local [hbm:s0], $0x3100  }
0x17: {  	_ =	swait.ge [sflag:s12], $0x3100  }
0x18: {  	[sflag:s12] =	ssyncset.done $0x0  }
0x19: {  	[sflag:s12] =	ssyncadd.s32 $0xFFFFCF00  }
0x1a: {  	s7 =	sadd.s32 $0x0, s10;
	[bflag:$0x0] =	sbarrier.arrive $0xFFFF  }
0x1b: {  	[tilespmem:s3], [sflag:$0x2] =	stream.linear.gather [hbm4b:s7+s3], $0x400, $0x38;
	[tilespmem:$0x1D000] =	vst v63  }
0x1c: {  	_ =	swait.ge [sflag:s12], $0x400  }
0x1d: {  	[sflag:s12] =	ssyncset.done $0x0  }
0x1e: {  	s8 =	sadd.s32 $0x0, s9;
	[sflag:s12] =	ssyncadd.s32 $0xFFFFFC00  }
0x1f: {  	[tilespmem:s13], [sflag:$0x2] =	stream.linear.gather [hbm4b:s8+s3], $0x400, $0x38;
	[tilespmem:$0x1D000] =	vst v63  }
0x20: {  	_ =	swait.ge [sflag:s12], $0x400  }
0x21: {  	[sflag:s12] =	ssyncset.done $0x0  }
0x22: {  	[sflag:s12] =	ssyncadd.s32 $0xFFFFFC00  }
0x23: {  	[tilespmem:s15], [sflag:$0x1] =	stream.indirect.gather [hbm4b:s4+s14], $0x80, s3, s14, $0xb8;
	[tilespmem:$0x1D000] =	vst v63  }
0x24: {  	_ =	swait.ge [sflag:s16], $0x4000  }
0x25: {  	[sflag:s16] =	ssyncset.done $0x0  }
0x26: {  	[sflag:s16] =	ssyncadd.s32 $0xFFFFC000  }
0x27: {  	[spmem:s2] =	stream.indirect.scatter.add.f32 [tilespmem:s15], [sflag:$0x2], $0x80, s13, s14, $0xb8;
	[tilespmem:$0x1D000] =	vst v63  }
0x28: {  	_ =	swait.ge [sflag:s12], $0x4000  }
0x29: {  	[sflag:s12] =	ssyncset.done $0x0  }
0x2a: {  	[sflag:s12] =	ssyncadd.s32 $0xFFFFC000  }
0x2b: {  	[tilespmem:s15], [sflag:$0x1] =	stream.indirect.gather [hbm4b:s4+s14], $0x80, s14, s14, $0xb8;
	[tilespmem:$0x1D000] =	vst v63  }
0x2c: {  	_ =	swait.ge [sflag:s16], $0x4000  }
0x2d: {  	[sflag:s16] =	ssyncset.done $0x0  }
0x2e: {  	[sflag:s16] =	ssyncadd.s32 $0xFFFFC000  }
0x2f: {  	[spmem:s2] =	stream.indirect.scatter.add.f32 [tilespmem:s15], [sflag:$0x2], $0x80, s17, s14, $0xb8;
	[tilespmem:$0x1D000] =	vst v63  }
0x30: {  	_ =	swait.ge [sflag:s12], $0x4000  }
0x31: {  	[sflag:s12] =	ssyncset.done $0x0  }
0x32: {  	[sflag:s12] =	ssyncadd.s32 $0xFFFFC000  }
0x33: {  	[tilespmem:s15], [sflag:$0x1] =	stream.indirect.gather [hbm4b:s4+s14], $0x80, s18, s14, $0xb8;
	[tilespmem:$0x1D000] =	vst v63  }
0x34: {  	_ =	swait.ge [sflag:s16], $0x4000  }
0x35: {  	[sflag:s16] =	ssyncset.done $0x0  }
0x36: {  	[sflag:s16] =	ssyncadd.s32 $0xFFFFC000  }
0x37: {  	[spmem:s2] =	stream.indirect.scatter.add.f32 [tilespmem:s15], [sflag:$0x2], $0x80, s19, s14, $0xb8;
	[tilespmem:$0x1D000] =	vst v63  }
0x38: {  	_ =	swait.ge [sflag:s12], $0x4000  }
0x39: {  	[sflag:s12] =	ssyncset.done $0x0  }
0x3a: {  	[sflag:s12] =	ssyncadd.s32 $0xFFFFC000  }
0x3b: {  	[tilespmem:s15], [sflag:$0x1] =	stream.indirect.gather [hbm4b:s4+s14], $0x80, s20, s14, $0xb8;
	[tilespmem:$0x1D000] =	vst v63  }
0x3c: {  	_ =	swait.ge [sflag:s16], $0x4000  }
0x3d: {  	[sflag:s16] =	ssyncset.done $0x0  }
0x3e: {  	[sflag:s16] =	ssyncadd.s32 $0xFFFFC000  }
0x3f: {  	[spmem:s2] =	stream.indirect.scatter.add.f32 [tilespmem:s15], [sflag:$0x2], $0x80, s21, s14, $0xb8;
	[tilespmem:$0x1D000] =	vst v63  }
0x40: {  	_ =	swait.ge [sflag:s12], $0x4000  }
0x41: {  	[sflag:s12] =	ssyncset.done $0x0  }
0x42: {  	[sflag:s12] =	ssyncadd.s32 $0xFFFFC000  }
0x43: {  	[tilespmem:s15], [sflag:$0x1] =	stream.indirect.gather [hbm4b:s4+s14], $0x80, s22, s14, $0xb8;
	[tilespmem:$0x1D000] =	vst v63  }
0x44: {  	_ =	swait.ge [sflag:s16], $0x4000  }
0x45: {  	[sflag:s16] =	ssyncset.done $0x0  }
0x46: {  	[sflag:s16] =	ssyncadd.s32 $0xFFFFC000  }
0x47: {  	[spmem:s2] =	stream.indirect.scatter.add.f32 [tilespmem:s15], [sflag:$0x2], $0x80, s23, s14, $0xb8;
	[tilespmem:$0x1D000] =	vst v63  }
0x48: {  	_ =	swait.ge [sflag:s12], $0x4000  }
0x49: {  	[sflag:s12] =	ssyncset.done $0x0  }
0x4a: {  	[sflag:s12] =	ssyncadd.s32 $0xFFFFC000  }
0x4b: {  	[tilespmem:s15], [sflag:$0x1] =	stream.indirect.gather [hbm4b:s4+s14], $0x80, s24, s14, $0xb8;
	[tilespmem:$0x1D000] =	vst v63  }
0x4c: {  	_ =	swait.ge [sflag:s16], $0x4000  }
0x4d: {  	[sflag:s16] =	ssyncset.done $0x0  }
0x4e: {  	[sflag:s16] =	ssyncadd.s32 $0xFFFFC000  }
0x4f: {  	[spmem:s2] =	stream.indirect.scatter.add.f32 [tilespmem:s15], [sflag:$0x2], $0x80, s25, s14, $0xb8;
	[tilespmem:$0x1D000] =	vst v63  }
0x50: {  	_ =	swait.ge [sflag:s12], $0x4000  }
0x51: {  	[sflag:s12] =	ssyncset.done $0x0  }
0x52: {  	[sflag:s12] =	ssyncadd.s32 $0xFFFFC000  }
0x53: {  	[tilespmem:s15], [sflag:$0x1] =	stream.indirect.gather [hbm4b:s4+s14], $0x80, s26, s14, $0xb8;
	[tilespmem:$0x1D000] =	vst v63  }
0x54: {  	_ =	swait.ge [sflag:s16], $0x4000  }
0x55: {  	[sflag:s16] =	ssyncset.done $0x0  }
0x56: {  	[sflag:s16] =	ssyncadd.s32 $0xFFFFC000  }
0x57: {  	[spmem:s2] =	stream.indirect.scatter.add.f32 [tilespmem:s15], [sflag:$0x2], $0x80, s28, s14, $0xb8;
	[tilespmem:$0x1D000] =	vst v63  }
0x58: {  	_ =	swait.ge [sflag:s12], $0x4000  }
0x59: {  	[sflag:s12] =	ssyncset.done $0x0  }
0x5a: {  	[sflag:s12] =	ssyncadd.s32 $0xFFFFC000  }
0x5b: {  	[tilespmem:s15], [sflag:$0x1] =	stream.indirect.gather [hbm4b:s4+s14], $0x80, s29, s14, $0xb8;
	[tilespmem:$0x1D000] =	vst v63  }
0x5c: {  	_ =	swait.ge [sflag:s16], $0x4000  }
0x5d: {  	[sflag:s16] =	ssyncset.done $0x0  }
0x5e: {  	[sflag:s16] =	ssyncadd.s32 $0xFFFFC000  }
0x5f: {  	[spmem:s2] =	stream.indirect.scatter.add.f32 [tilespmem:s15], [sflag:$0x2], $0x80, s30, s14, $0xb8;
	[tilespmem:$0x1D000] =	vst v63  }
0x60: {  	_ =	swait.ge [sflag:s12], $0x4000  }
0x61: {  	s1 =	simm.s32 $0x80;
	s0 =	simm.s32 $0x100;
	[sflag:s12] =	ssyncset.done $0x0  }
.LBB2_2:
0x62: {  	s7 =	sadd.s32 s1, s10  }
0x63: {  	[sflag:s12] =	ssyncadd.s32 $0xFFFFC000;
	s8 =	smov.u32 s0;
	s5 =	sadd.s32 $0x80, s0  }
0x64: {  	[tilespmem:s3], [sflag:$0x2] =	stream.linear.gather [hbm4b:s7+s3], $0x400, $0x38;
	[tilespmem:$0x1D000] =	vst v63  }
0x65: {  	p0 =	sne.s32 s0, $0x1800;
	_ =	swait.ge [sflag:s12], $0x400  }
0x66: {  	[sflag:s12] =	ssyncset.done $0x0  }
0x67: {  	s0 =	sadd.s32 s1, s9;
	s1 =	smov.u32 s8;
	[sflag:s12] =	ssyncadd.s32 $0xFFFFFC00  }
0x68: {  	[tilespmem:s13], [sflag:$0x2] =	stream.linear.gather [hbm4b:s0+s3], $0x400, $0x38;
	[tilespmem:$0x1D000] =	vst v63  }
0x69: {  	_ =	swait.ge [sflag:s12], $0x400  }
0x6a: {  	[sflag:s12] =	ssyncset.done $0x0  }
0x6b: {  	[sflag:s12] =	ssyncadd.s32 $0xFFFFFC00  }
0x6c: {  	[tilespmem:s15], [sflag:$0x1] =	stream.indirect.gather [hbm4b:s4+s14], $0x80, s3, s14, $0xb8;
	[tilespmem:$0x1D000] =	vst v63  }
0x6d: {  	_ =	swait.ge [sflag:s16], $0x4000  }
0x6e: {  	[sflag:s16] =	ssyncset.done $0x0  }
0x6f: {  	[sflag:s16] =	ssyncadd.s32 $0xFFFFC000  }
0x70: {  	[spmem:s2] =	stream.indirect.scatter.add.f32 [tilespmem:s15], [sflag:$0x2], $0x80, s13, s14, $0xb8;
	[tilespmem:$0x1D000] =	vst v63  }
0x71: {  	_ =	swait.ge [sflag:s12], $0x4000  }
0x72: {  	[sflag:s12] =	ssyncset.done $0x0  }
0x73: {  	[sflag:s12] =	ssyncadd.s32 $0xFFFFC000  }
0x74: {  	[tilespmem:s15], [sflag:$0x1] =	stream.indirect.gather [hbm4b:s4+s14], $0x80, s14, s14, $0xb8;
	[tilespmem:$0x1D000] =	vst v63  }
0x75: {  	_ =	swait.ge [sflag:s16], $0x4000  }
0x76: {  	[sflag:s16] =	ssyncset.done $0x0  }
0x77: {  	[sflag:s16] =	ssyncadd.s32 $0xFFFFC000  }
0x78: {  	[spmem:s2] =	stream.indirect.scatter.add.f32 [tilespmem:s15], [sflag:$0x2], $0x80, s17, s14, $0xb8;
	[tilespmem:$0x1D000] =	vst v63  }
0x79: {  	_ =	swait.ge [sflag:s12], $0x4000  }
0x7a: {  	[sflag:s12] =	ssyncset.done $0x0  }
0x7b: {  	[sflag:s12] =	ssyncadd.s32 $0xFFFFC000  }
0x7c: {  	[tilespmem:s15], [sflag:$0x1] =	stream.indirect.gather [hbm4b:s4+s14], $0x80, s18, s14, $0xb8;
	[tilespmem:$0x1D000] =	vst v63  }
0x7d: {  	_ =	swait.ge [sflag:s16], $0x4000  }
0x7e: {  	[sflag:s16] =	ssyncset.done $0x0  }
0x7f: {  	[sflag:s16] =	ssyncadd.s32 $0xFFFFC000  }
0x80: {  	[spmem:s2] =	stream.indirect.scatter.add.f32 [tilespmem:s15], [sflag:$0x2], $0x80, s19, s14, $0xb8;
	[tilespmem:$0x1D000] =	vst v63  }
0x81: {  	_ =	swait.ge [sflag:s12], $0x4000  }
0x82: {  	[sflag:s12] =	ssyncset.done $0x0  }
0x83: {  	[sflag:s12] =	ssyncadd.s32 $0xFFFFC000  }
0x84: {  	[tilespmem:s15], [sflag:$0x1] =	stream.indirect.gather [hbm4b:s4+s14], $0x80, s20, s14, $0xb8;
	[tilespmem:$0x1D000] =	vst v63  }
0x85: {  	_ =	swait.ge [sflag:s16], $0x4000  }
0x86: {  	[sflag:s16] =	ssyncset.done $0x0  }
0x87: {  	[sflag:s16] =	ssyncadd.s32 $0xFFFFC000  }
0x88: {  	[spmem:s2] =	stream.indirect.scatter.add.f32 [tilespmem:s15], [sflag:$0x2], $0x80, s21, s14, $0xb8;
	[tilespmem:$0x1D000] =	vst v63  }
0x89: {  	_ =	swait.ge [sflag:s12], $0x4000  }
0x8a: {  	[sflag:s12] =	ssyncset.done $0x0  }
0x8b: {  	[sflag:s12] =	ssyncadd.s32 $0xFFFFC000  }
0x8c: {  	[tilespmem:s15], [sflag:$0x1] =	stream.indirect.gather [hbm4b:s4+s14], $0x80, s22, s14, $0xb8;
	[tilespmem:$0x1D000] =	vst v63  }
0x8d: {  	_ =	swait.ge [sflag:s16], $0x4000  }
0x8e: {  	[sflag:s16] =	ssyncset.done $0x0  }
0x8f: {  	[sflag:s16] =	ssyncadd.s32 $0xFFFFC000  }
0x90: {  	[spmem:s2] =	stream.indirect.scatter.add.f32 [tilespmem:s15], [sflag:$0x2], $0x80, s23, s14, $0xb8;
	[tilespmem:$0x1D000] =	vst v63  }
0x91: {  	_ =	swait.ge [sflag:s12], $0x4000  }
0x92: {  	[sflag:s12] =	ssyncset.done $0x0  }
0x93: {  	[sflag:s12] =	ssyncadd.s32 $0xFFFFC000  }
0x94: {  	[tilespmem:s15], [sflag:$0x1] =	stream.indirect.gather [hbm4b:s4+s14], $0x80, s24, s14, $0xb8;
	[tilespmem:$0x1D000] =	vst v63  }
0x95: {  	_ =	swait.ge [sflag:s16], $0x4000  }
0x96: {  	[sflag:s16] =	ssyncset.done $0x0  }
0x97: {  	[sflag:s16] =	ssyncadd.s32 $0xFFFFC000  }
0x98: {  	[spmem:s2] =	stream.indirect.scatter.add.f32 [tilespmem:s15], [sflag:$0x2], $0x80, s25, s14, $0xb8;
	[tilespmem:$0x1D000] =	vst v63  }
0x99: {  	_ =	swait.ge [sflag:s12], $0x4000  }
0x9a: {  	[sflag:s12] =	ssyncset.done $0x0  }
0x9b: {  	[sflag:s12] =	ssyncadd.s32 $0xFFFFC000  }
0x9c: {  	[tilespmem:s15], [sflag:$0x1] =	stream.indirect.gather [hbm4b:s4+s14], $0x80, s26, s14, $0xb8;
	[tilespmem:$0x1D000] =	vst v63  }
0x9d: {  	_ =	swait.ge [sflag:s16], $0x4000  }
0x9e: {  	[sflag:s16] =	ssyncset.done $0x0  }
0x9f: {  	[sflag:s16] =	ssyncadd.s32 $0xFFFFC000  }
0xa0: {  	[spmem:s2] =	stream.indirect.scatter.add.f32 [tilespmem:s15], [sflag:$0x2], $0x80, s28, s14, $0xb8;
	[tilespmem:$0x1D000] =	vst v63  }
0xa1: {  	_ =	swait.ge [sflag:s12], $0x4000  }
0xa2: {  	[sflag:s12] =	ssyncset.done $0x0  }
0xa3: {  	[sflag:s12] =	ssyncadd.s32 $0xFFFFC000  }
0xa4: {  	[tilespmem:s15], [sflag:$0x1] =	stream.indirect.gather [hbm4b:s4+s14], $0x80, s29, s14, $0xb8;
	[tilespmem:$0x1D000] =	vst v63  }
0xa5: {  	_ =	swait.ge [sflag:s16], $0x4000  }
.Ltmp0:
0xa6: {  	[sflag:s16] =	ssyncset.done $0x0;
	(pc) =	sbr.rel @p0 .LBB2_2-.Ltmp0, $4  }
0xa7: {  	[sflag:s16] =	ssyncadd.s32 $0xFFFFC000  }
0xa8: {  	[spmem:s2] =	stream.indirect.scatter.add.f32 [tilespmem:s15], [sflag:$0x2], $0x80, s30, s14, $0xb8;
	[tilespmem:$0x1D000] =	vst v63  }
0xa9: {  	_ =	swait.ge [sflag:s12], $0x4000  }
0xaa: {  	s0 =	smov.u32 s5;
	[sflag:s12] =	ssyncset.done $0x0  }
0xab: {  	s0 =	sadd.s32 s1, s10;
	[sflag:s12] =	ssyncadd.s32 $0xFFFFC000  }
0xac: {  	[tilespmem:s3], [sflag:$0x2] =	stream.linear.gather [hbm4b:s0+s3], $0x400, $0x38;
	[tilespmem:$0x1D000] =	vst v63  }
0xad: {  	_ =	swait.ge [sflag:s12], $0x400  }
0xae: {  	[sflag:s12] =	ssyncset.done $0x0  }
0xaf: {  	s5 =	sadd.s32 s1, s9;
	[sflag:s12] =	ssyncadd.s32 $0xFFFFFC00  }
0xb0: {  	[tilespmem:s13], [sflag:$0x2] =	stream.linear.gather [hbm4b:s5+s3], $0x400, $0x38;
	[tilespmem:$0x1D000] =	vst v63  }
0xb1: {  	_ =	swait.ge [sflag:s12], $0x400  }
0xb2: {  	[sflag:s12] =	ssyncset.done $0x0  }
0xb3: {  	[sflag:s12] =	ssyncadd.s32 $0xFFFFFC00  }
0xb4: {  	[tilespmem:s15], [sflag:$0x1] =	stream.indirect.gather [hbm4b:s4+s14], $0x80, s3, s14, $0xb8;
	[tilespmem:$0x1D000] =	vst v63  }
0xb5: {  	_ =	swait.ge [sflag:s16], $0x4000  }
0xb6: {  	[sflag:s16] =	ssyncset.done $0x0  }
0xb7: {  	[sflag:s16] =	ssyncadd.s32 $0xFFFFC000  }
0xb8: {  	[spmem:s2] =	stream.indirect.scatter.add.f32 [tilespmem:s15], [sflag:$0x2], $0x80, s13, s14, $0xb8;
	[tilespmem:$0x1D000] =	vst v63  }
0xb9: {  	_ =	swait.ge [sflag:s12], $0x4000  }
0xba: {  	[sflag:s12] =	ssyncset.done $0x0  }
0xbb: {  	[sflag:s12] =	ssyncadd.s32 $0xFFFFC000  }
0xbc: {  	[tilespmem:s15], [sflag:$0x1] =	stream.indirect.gather [hbm4b:s4+s14], $0x80, s14, s14, $0xb8;
	[tilespmem:$0x1D000] =	vst v63  }
0xbd: {  	_ =	swait.ge [sflag:s16], $0x4000  }
0xbe: {  	[sflag:s16] =	ssyncset.done $0x0  }
0xbf: {  	[sflag:s16] =	ssyncadd.s32 $0xFFFFC000  }
0xc0: {  	[spmem:s2] =	stream.indirect.scatter.add.f32 [tilespmem:s15], [sflag:$0x2], $0x80, s17, s14, $0xb8;
	[tilespmem:$0x1D000] =	vst v63  }
0xc1: {  	_ =	swait.ge [sflag:s12], $0x4000  }
0xc2: {  	[sflag:s12] =	ssyncset.done $0x0  }
0xc3: {  	[sflag:s12] =	ssyncadd.s32 $0xFFFFC000  }
0xc4: {  	[tilespmem:s15], [sflag:$0x1] =	stream.indirect.gather [hbm4b:s4+s14], $0x80, s18, s14, $0xb8;
	[tilespmem:$0x1D000] =	vst v63  }
0xc5: {  	_ =	swait.ge [sflag:s16], $0x4000  }
0xc6: {  	[sflag:s16] =	ssyncset.done $0x0  }
0xc7: {  	[sflag:s16] =	ssyncadd.s32 $0xFFFFC000  }
0xc8: {  	[spmem:s2] =	stream.indirect.scatter.add.f32 [tilespmem:s15], [sflag:$0x2], $0x80, s19, s14, $0xb8;
	[tilespmem:$0x1D000] =	vst v63  }
0xc9: {  	_ =	swait.ge [sflag:s12], $0x4000  }
0xca: {  	[sflag:s12] =	ssyncset.done $0x0  }
0xcb: {  	[sflag:s12] =	ssyncadd.s32 $0xFFFFC000  }
0xcc: {  	[tilespmem:s15], [sflag:$0x1] =	stream.indirect.gather [hbm4b:s4+s14], $0x80, s20, s14, $0xb8;
	[tilespmem:$0x1D000] =	vst v63  }
0xcd: {  	_ =	swait.ge [sflag:s16], $0x4000  }
0xce: {  	[sflag:s16] =	ssyncset.done $0x0  }
0xcf: {  	[sflag:s16] =	ssyncadd.s32 $0xFFFFC000  }
0xd0: {  	[spmem:s2] =	stream.indirect.scatter.add.f32 [tilespmem:s15], [sflag:$0x2], $0x80, s21, s14, $0xb8;
	[tilespmem:$0x1D000] =	vst v63  }
0xd1: {  	_ =	swait.ge [sflag:s12], $0x4000  }
0xd2: {  	[sflag:s12] =	ssyncset.done $0x0  }
0xd3: {  	[sflag:s12] =	ssyncadd.s32 $0xFFFFC000  }
0xd4: {  	[tilespmem:s15], [sflag:$0x1] =	stream.indirect.gather [hbm4b:s4+s14], $0x80, s22, s14, $0xb8;
	[tilespmem:$0x1D000] =	vst v63  }
0xd5: {  	_ =	swait.ge [sflag:s16], $0x4000  }
0xd6: {  	[sflag:s16] =	ssyncset.done $0x0  }
0xd7: {  	[sflag:s16] =	ssyncadd.s32 $0xFFFFC000  }
0xd8: {  	[spmem:s2] =	stream.indirect.scatter.add.f32 [tilespmem:s15], [sflag:$0x2], $0x80, s23, s14, $0xb8;
	[tilespmem:$0x1D000] =	vst v63  }
0xd9: {  	_ =	swait.ge [sflag:s12], $0x4000  }
0xda: {  	[sflag:s12] =	ssyncset.done $0x0  }
0xdb: {  	[sflag:s12] =	ssyncadd.s32 $0xFFFFC000  }
0xdc: {  	[tilespmem:s15], [sflag:$0x1] =	stream.indirect.gather [hbm4b:s4+s14], $0x80, s24, s14, $0xb8;
	[tilespmem:$0x1D000] =	vst v63  }
0xdd: {  	_ =	swait.ge [sflag:s16], $0x4000  }
0xde: {  	[sflag:s16] =	ssyncset.done $0x0  }
0xdf: {  	[sflag:s16] =	ssyncadd.s32 $0xFFFFC000  }
0xe0: {  	[spmem:s2] =	stream.indirect.scatter.add.f32 [tilespmem:s15], [sflag:$0x2], $0x80, s25, s14, $0xb8;
	[tilespmem:$0x1D000] =	vst v63  }
0xe1: {  	_ =	swait.ge [sflag:s12], $0x4000  }
0xe2: {  	[sflag:s12] =	ssyncset.done $0x0  }
0xe3: {  	[sflag:s12] =	ssyncadd.s32 $0xFFFFC000  }
0xe4: {  	[tilespmem:s15], [sflag:$0x1] =	stream.indirect.gather [hbm4b:s4+s14], $0x80, s26, s14, $0xb8;
	[tilespmem:$0x1D000] =	vst v63  }
0xe5: {  	_ =	swait.ge [sflag:s16], $0x4000  }
0xe6: {  	[sflag:s16] =	ssyncset.done $0x0  }
0xe7: {  	[sflag:s16] =	ssyncadd.s32 $0xFFFFC000  }
0xe8: {  	[spmem:s2] =	stream.indirect.scatter.add.f32 [tilespmem:s15], [sflag:$0x2], $0x80, s28, s14, $0xb8;
	[tilespmem:$0x1D000] =	vst v63  }
0xe9: {  	_ =	swait.ge [sflag:s12], $0x4000  }
0xea: {  	[sflag:s12] =	ssyncset.done $0x0  }
0xeb: {  	[sflag:s12] =	ssyncadd.s32 $0xFFFFC000  }
0xec: {  	[tilespmem:s15], [sflag:$0x1] =	stream.indirect.gather [hbm4b:s4+s14], $0x80, s29, s14, $0xb8;
	[tilespmem:$0x1D000] =	vst v63  }
0xed: {  	_ =	swait.ge [sflag:s16], $0x4000  }
0xee: {  	[sflag:s16] =	ssyncset.done $0x0  }
0xef: {  	[sflag:s16] =	ssyncadd.s32 $0xFFFFC000  }
0xf0: {  	[spmem:s2] =	stream.indirect.scatter.add.f32 [tilespmem:s15], [sflag:$0x2], $0x80, s30, s14, $0xb8;
	[tilespmem:$0x1D000] =	vst v63  }
0xf1: {  	_ =	swait.ge [sflag:s12], $0x4000  }
0xf2: {  	[sflag:s12] =	ssyncset.done $0x0  }
0xf3: {  	[sflag:s12] =	ssyncadd.s32 $0xFFFFC000  }
0xf4: {  	[bflag:$0x0] =	sbarrier.arrive $0xFFFF  }
0xf5: {  	s7 =	rddreg [dreg:$0x4]  }
0xf6: {  	[hbm:s7], [sflag:s6] =	dma.local [spmem:s11], $0x3100  }
0xf7: {  	_ =	swait.ge [sflag:s12], $0x3100  }
0xf8: {  	s31 =	sadd.s32 $0x1, s31;
	s8 =	rddreg [dreg:$0x5]  }
0xf9: {  	p0 =	sne.s32 s31, s8  }
.Ltmp1:
0xfa: {  	_ = 	snop;
	(pc) =	sbr.rel @p0 .LBB2_1-.Ltmp1, $3  }
0xfb: {  	_ =	sdelay $0x1  }
0xfc: {  	[sflag:s12] =	ssyncset.done $0x0  }
0xfd: {  	[sflag:s12] =	ssyncadd.s32 $0xFFFFCF00  }
0xfe: {  	_ =	sfence.sel $0x180000  }
0xff: {  	[bflag:$0x0] =	sbarrier.arrive $0xFFFF  }
0x100: {  	_ =	strace $0x9000004D  }
0x101: {  	s0 =	stileid.u32;
	[bflag:$0x2] =	sbarrier.arrive $0xFFFF  }
0x102: {  	p0 =	sne.s32 s0, $0x0;
	s0 =	rddreg [dreg:$0x2]  }
0x103: {  	s0 =	sadd.s32 @!p0 $0x100000, s0  }
0x104: {  	[sflag:s0] =	ssyncadd.tile.s32 @!p0 $0x1;
	_ =	shalt  }
.Lfunc_end2:
_tile_overlayer_lowered:
.L_overlay_start_2:
0x105: {  	(tag) =	ssettag $0x2  }
0x106: {  	s0 =	rddreg [dreg:$0x0];
	s2 =	stileid.u32  }
0x107: {  	s1 =	rddreg [dreg:$0x1];
	p0 =	sne.s32 s2, $0x0  }
0x108: {  	s3 =	rddreg [dreg:$0x2];
	[bflag:$0x3] =	sbarrier.arrive $0xFFFF;
	s2 =	simm.s32 @!p0 $0x1C02  }
0x109: {  	[timem:s3], [sflag:s2] =	dma.local @!p0 [hbm:s0], s1  }
0x10a: {  	s0 =	simm.s32 @!p0 $0x2  }
0x10b: {  	_ =	swait.ge @!p0 [sflag:s0], s1  }
0x10c: {  	s1 =	ssub.s32 @!p0 $0x0, s1;
	[sflag:s0] =	ssyncset.done @!p0 $0x0  }
0x10d: {  	[sflag:s0] =	ssyncadd.s32 @!p0 s1  }
0x10e: {  	[bflag:$0x3] =	sbarrier.arrive $0xFFFF  }
0x10f: {  	_ =	shalt  }

// kernel: kernel.21.cloned.1.call-start
scs
__scs_entry_jumppad:
0x0: {  	(pc) =	sbr.rel $0x88, $3  }
0x1: {  	(tag) =	ssettag $0x0;
	lr =	simm.s32 $0x1  }
0x2: {  	[smem:$0x3F98] =	sst lr;
	_ =	strace $0xD0000000  }
0x3: {  	_ = 	snop  }
0x4: {  	_ = 	snop  }
0x5: {  	_ = 	snop  }
0x6: {  	_ = 	snop  }
0x7: {  	_ = 	snop  }
__scs_overlays_trampoline_lowered:
0x8: {  	[smem:$0x3FA7] =	sst s0  }
0x9: {  	[smem:$0x3FA8] =	sst s1  }
0xa: {  	[smem:$0x3FA9] =	sst s2  }
0xb: {  	[smem:$0x3FAA] =	sst s3  }
0xc: {  	[smem:$0x3FAB] =	sst s4  }
0xd: {  	[smem:$0x3FAC] =	sst s5  }
0xe: {  	[smem:$0x3FAD] =	sst s6  }
0xf: {  	[smem:$0x3FAE] =	sst s7  }
0x10: {  	[smem:$0x3FAF] =	sst s8  }
0x11: {  	[smem:$0x3FB0] =	sst s9;
	s0 =	simm.s32 @!p0 $0x0  }
0x12: {  	s1 =	sld [smem:$0x3F96];
	s0 =	simm.s32 @p0 $0x1  }
0x13: {  	[smem:$0x3FB1] =	sst s0;
	s0 =	simm.s32 @!p1 $0x0  }
0x14: {  	s2 =	sld [smem:$0x3F95];
	s0 =	simm.s32 @p1 $0x1  }
0x15: {  	[smem:$0x3FB2] =	sst s0;
	s0 =	simm.s32 @!p2 $0x0  }
0x16: {  	s3 =	sld [smem:$0x3FDB];
	s0 =	simm.s32 @p2 $0x1  }
0x17: {  	s4 =	simm.s32 $0x1BF5;
	[smem:$0x3FB4] =	sst s0  }
0x18: {  	s0 =	sld [smem:$0x3F97];
	_ =	swait.ge [sflag:s4], $0x0  }
0x19: {  	s7 =	sld [smem:$0x3F98]  }
0x1a: {  	s8 =	sadd.s32 $0xFFFFE003, lr  }
0x1b: {  	s9 =	sadd.s32 $0xFFFFFEF7, lr;
	s5 =	simm.s32 $0xFFFFFFFF;
	p2 =	slt.u32 s8, $0xFFFFF086  }
0x1c: {  	p1 =	slt.u32 s9, $0xF7A;
	s5 =	simm.s32 @!p2 $0x0  }
0x1d: {  	s5 =	simm.s32 @p1 $0x1;
	p0 =	seq.s32 s7, s2  }
0x1e: {  	s7 =	smul.u32 @!p0 $0xF7A, s2;
	p2 =	seq.s32 @!p0 s5, $0x0  }
0x1f: {  	s9 =	smul.u32 $0xF7A, s1;
	s8 =	simm.s32 @!p0 $0x1BF5;
	p2 =	por !p2, p0  }
0x20: {  	[sflag:s8] =	ssyncset.s32 @!p0 $0xFFFFF086;
	s6 =	sadd.s32 @!p0 s3, s7;
	s7 =	simm.s32 @!p0 $0x108  }
0x21: {  	s3 =	sadd.s32 s3, s9;
	s6 =	sadd.s32 @!p0 $0x88, s6;
	s7 =	simm.s32 @p2 $0x1082  }
0x22: {  	[simem:s7], [sflag:s8] =	dma.local @!p0 [hbm:s6], $0xF7A  }
0x23: {  	s9 =	sor.u32 $0xD0000000, s2;
	s6 =	simm.s32 $0x108;
	_ =	swait.ge @!p0 [sflag:s8], $0x0  }
0x24: {  	s3 =	sadd.s32 $0x88, s3;
	s6 =	simm.s32 @!p1 $0x1082;
	[sflag:s4] =	ssyncset.s32 $0xFFFFF086  }
0x25: {  	[simem:s6], [sflag:s4] =	dma.local [hbm:s3], $0xF7A  }
0x26: {  	[smem:$0x3F98] =	sst s1;
	(tag) =	ssettag s2;
	_ =	strace s9  }
0x27: {  	s1 =	sld [smem:$0x3FA8]  }
0x28: {  	s2 =	sld [smem:$0x3FA9]  }
0x29: {  	s4 =	sld [smem:$0x3FAB]  }
0x2a: {  	p0 =	seq.s32 s5, $0x0;
	s5 =	sld [smem:$0x3FAC]  }
0x2b: {  	s6 =	sld [smem:$0x3FAD]  }
0x2c: {  	s7 =	sld [smem:$0x3FAE]  }
0x2d: {  	s3 =	simm.s32 $0x108;
	s8 =	sld [smem:$0x3FAF]  }
0x2e: {  	s3 =	simm.s32 @!p0 $0x1082;
	s9 =	sld [smem:$0x3FB0]  }
0x2f: {  	lr =	sadd.s32 s0, s3;
	s0 =	sld [smem:$0x3FA7]  }
0x30: {  	s3 =	sld [smem:$0x3FAA]  }
0x31: {  	[smem:$0x3FB3] =	sst s10  }
0x32: {  	s10 =	sld [smem:$0x3FB1];
	_ =	sdelay $0x3  }
0x33: {  	p0 =	seq.s32 s10, $0x1;
	s10 =	sld [smem:$0x3FB3];
	_ =	sdelay $0x3  }
0x34: {  	[smem:$0x3FB3] =	sst s10  }
0x35: {  	s10 =	sld [smem:$0x3FB2];
	_ =	sdelay $0x3  }
0x36: {  	p1 =	seq.s32 s10, $0x1;
	s10 =	sld [smem:$0x3FB3];
	_ =	sdelay $0x3  }
0x37: {  	[smem:$0x3FB3] =	sst s10  }
0x38: {  	s10 =	sld [smem:$0x3FB4]  }
0x39: {  	_ = 	snop;
	(pc) =	sbr.ind lr, $3  }
0x3a: {  	_ = 	snop  }
0x3b: {  	_ = 	snop  }
0x3c: {  	p2 =	seq.s32 s10, $0x1;
	s10 =	sld [smem:$0x3FB3]  }
0x3d: {  	_ =	shalt  }
0x3e: {  	_ =	shalt  }
0x3f: {  	_ =	shalt  }
0x40: {  	_ =	shalt  }
0x41: {  	_ =	shalt  }
0x42: {  	_ =	shalt  }
0x43: {  	_ =	shalt  }
0x44: {  	_ =	shalt  }
0x45: {  	_ =	shalt  }
0x46: {  	_ =	shalt  }
0x47: {  	_ =	shalt  }
0x48: {  	_ =	shalt  }
0x49: {  	_ =	shalt  }
0x4a: {  	_ =	shalt  }
0x4b: {  	_ =	shalt  }
0x4c: {  	_ =	shalt  }
0x4d: {  	_ =	shalt  }
0x4e: {  	_ =	shalt  }
0x4f: {  	_ =	shalt  }
0x50: {  	_ =	shalt  }
0x51: {  	_ =	shalt  }
0x52: {  	_ =	shalt  }
0x53: {  	_ =	shalt  }
0x54: {  	_ =	shalt  }
0x55: {  	_ =	shalt  }
0x56: {  	_ =	shalt  }
0x57: {  	_ =	shalt  }
0x58: {  	_ =	shalt  }
0x59: {  	_ =	shalt  }
0x5a: {  	_ =	shalt  }
0x5b: {  	_ =	shalt  }
0x5c: {  	_ =	shalt  }
0x5d: {  	_ =	shalt  }
0x5e: {  	_ =	shalt  }
0x5f: {  	_ =	shalt  }
0x60: {  	_ =	shalt  }
0x61: {  	_ =	shalt  }
0x62: {  	_ =	shalt  }
0x63: {  	_ =	shalt  }
0x64: {  	_ =	shalt  }
0x65: {  	_ =	shalt  }
0x66: {  	_ =	shalt  }
0x67: {  	_ =	shalt  }
0x68: {  	_ =	shalt  }
0x69: {  	_ =	shalt  }
0x6a: {  	_ =	shalt  }
0x6b: {  	_ =	shalt  }
0x6c: {  	_ =	shalt  }
0x6d: {  	_ =	shalt  }
0x6e: {  	_ =	shalt  }
0x6f: {  	_ =	shalt  }
0x70: {  	_ =	shalt  }
0x71: {  	_ =	shalt  }
0x72: {  	_ =	shalt  }
0x73: {  	_ =	shalt  }
0x74: {  	_ =	shalt  }
0x75: {  	_ =	shalt  }
0x76: {  	_ =	shalt  }
0x77: {  	_ =	shalt  }
0x78: {  	_ =	shalt  }
0x79: {  	_ =	shalt  }
0x7a: {  	_ =	shalt  }
0x7b: {  	_ =	shalt  }
0x7c: {  	_ =	shalt  }
0x7d: {  	_ =	shalt  }
0x7e: {  	_ =	shalt  }
0x7f: {  	_ =	shalt  }
0x80: {  	_ =	shalt  }
0x81: {  	_ =	shalt  }
0x82: {  	_ =	shalt  }
0x83: {  	_ =	shalt  }
0x84: {  	_ =	shalt  }
0x85: {  	_ =	shalt  }
0x86: {  	_ =	shalt  }
0x87: {  	_ =	shalt  }
.Lfunc_end0:
.L_simem_size_0:
called_computation.3_lowered:
.L_overlay_start_0:
0x88: {  	s2 =	sld [smem:$0x3FD9]  }
0x89: {  	s3 =	sld [smem:$0x3FFE];
	_ =	sdelay $0x1  }
0x8a: {  	s1 =	srdreg.scid  }
0x8b: {  	s0 =	sand.u32 $0x1, s1  }
0x8c: {  	s16 =	sshll.u32 s0, $0xA;
	s2 =	sadd.s32 s3, s2  }
0x8d: {  	s2 =	sadd.s32 s2, s16  }
0x8e: {  	[smem:$0x3FBF] =	sst s2  }
0x8f: {  	_ = 	snop  }
0x90: {  	(tm) =	ssettm $0x1  }
0x91: {  	s17 =	sld [smem:$0x3FFB];
	_ =	sdelay $0x3  }
0x92: {  	_ =	strace s17  }
0x93: {  	s2 =	sld [smem:$0x3FFC];
	_ =	sdelay $0x3  }
0x94: {  	_ =	strace s2  }
0x95: {  	s2 =	sld [smem:$0x3FFD];
	_ =	sdelay $0x3  }
0x96: {  	_ =	strace s2  }
0x97: {  	_ =	strace $0x8FFFFFFF  }
0x98: {  	s18 =	sld [smem:$0x3FDB];
	_ =	sdelay $0x1  }
0x99: {  	s19 =	simm.s32 $_scs_section_size  }
0x9a: {  	s4 =	simm.s32 $_size__tile_overlayer_lowered;
	s5 =	simm.s32 $_tile_overlayer_lowered  }
0x9b: {  	s22 =	simm.s32 $0x1BFF;
	s21 =	sshll.u32 s5, $0x1;
	s2 =	sadd.s32 s19, s18  }
0x9c: {  	s6 =	simm.s32 $0x0;
	s20 =	sshll.u32 s4, $0x1;
	s4 =	sadd.s32 s21, s2  }
0x9d: {  	[timem:s6], [sflag:s22] =	dma.local [hbm:s4], s20  }
0x9e: {  	_ =	swait.ge [sflag:s22], s20  }
0x9f: {  	s3 =	ssub.s32 $0x0, s20;
	[sflag:s22] =	ssyncset.done $0x0  }
0xa0: {  	[sflag:s22] =	ssyncadd.s32 s3;
	_ =	sdelay $0x1  }
0xa1: {  	s23 =	simm.s32 $0x1B8B  }
0xa2: {  	_ =	swait.ge [sflag:s23], $0x1  }
0xa3: {  	[sflag:s23] =	ssyncset.done $0x0  }
0xa4: {  	s25 =	simm.s32 $0x1B8E;
	s24 =	sld [smem:$0x3FFE];
	[sflag:s23] =	ssyncadd.s32 $0xFFFFFFFF  }
0xa5: {  	s26 =	simm.s32 $execute0_lowered;
	[smem:$0x3FD2] =	sst s25  }
0xa6: {  	s4 =	sshll.u32 s26, $0x1;
	_ =	strace $0x8000004F;
	[dreg:$0x1] =	wrdreg $0xFFFFFFFF  }
0xa7: {  	s28 =	simm.s32 $_size_execute0_lowered;
	s2 =	sadd.s32 s2, s4;
	[dreg:$0x0] =	wrdreg $0x0  }
0xa8: {  	s4 =	sshll.u32 s28, $0x1;
	[dreg:$0x2] =	wrdreg s2  }
0xa9: {  	[dreg:$0x3] =	wrdreg s4  }
0xaa: {  	[dreg:$0x4] =	wrdreg $0xC0  }
0xab: {  	_ =	task [dreg:s6], $0x5FFFF  }
0xac: {  	[dreg:$0x1] =	wrdreg $0xFFFFFFFF  }
0xad: {  	[dreg:$0x0] =	wrdreg $0x60  }
0xae: {  	[dreg:$0x2] =	wrdreg s24  }
0xaf: {  	[dreg:$0x3] =	wrdreg $0x48000  }
0xb0: {  	[dreg:$0x4] =	wrdreg $0x9  }
0xb1: {  	_ =	task.clear_ibuf [dreg:s6], $0x5FFFF;
	_ =	strace $0x9000004F  }
0xb2: {  	s29 =	simm.s32 $0x9;
	_ =	strace $0x80000051  }
0xb3: {  	_ =	swait.ge [sflag:s29], $0x1  }
0xb4: {  	[sflag:s29] =	ssyncadd.s32 $0xFFFFFFFF  }
0xb5: {  	_ =	strace $0x90000051  }
0xb6: {  	_ =	sfence  }
0xb7: {  	s30 =	sld [smem:$0x0];
	_ =	sdelay $0x2  }
0xb8: {  	s31 =	sshll.u32 s1, $0xD;
	s1 =	sshrl.u32 s1, $0x2  }
0xb9: {  	s3 =	sand.u32 $0x4000, s31;
	s1 =	sadd.s32 s1, s30  }
0xba: {  	s0 =	sor.u32 s3, s0;
	s1 =	sshll.u32 s1, $0x11  }
0xbb: {  	s0 =	sor.u32 s1, s0  }
0xbc: {  	s0 =	sadd.s32 $0x8F2B, s0  }
0xbd: {  	[sflag:s0] =	ssyncadd.remote.s32 $0x1  }
0xbe: {  	_ =	sfence.sel $0xFFFF  }
0xbf: {  	[dreg:$0x0] =	wrdreg $0xFFFFFFFF;
	(pc) =	sbr.abs _section_cstart, $3  }
0xc0: {  	[dreg:$0x1] =	wrdreg $0xFFFFFFFF  }
0xc1: {  	_ =	task.clear_ibuf [dreg:s6], $0x2FFFF;
	_ =	strace $0x9FFFFFFF  }
0xc2: {  	(tm) =	ssettm $0x7FFFFFFF  }
0xc3: {  	_ =	shalt  }
tec
execute0_lowered:
.L_overlay_start_1:
0x0: {  	(tag) =	ssettag $0x1  }
0x1: {  	s8 =	stileid.u32  }
0x2: {  	s0 =	srdreg.scid;
	s5 =	rddreg [dreg:$0x0]  }
0x3: {  	s2 =	rddreg [dreg:$0x1];
	s3 =	simm.s32 $0x0;
	s12 =	simm.s32 $0x2  }
0x4: {  	s13 =	simm.s32 $0x400;
	s14 =	simm.s32 $0x80;
	s15 =	simm.s32 $0x800  }
0x5: {  	s16 =	simm.s32 $0x1;
	s17 =	simm.s32 $0x480;
	s18 =	simm.s32 $0x100  }
0x6: {  	s19 =	simm.s32 $0x500;
	s20 =	simm.s32 $0x180;
	s21 =	simm.s32 $0x580  }
0x7: {  	s22 =	simm.s32 $0x200;
	s23 =	simm.s32 $0x600;
	s1 =	smul.u32 $0x1880, s8  }
0x8: {  	s28 =	simm.s32 $0x700;
	s29 =	simm.s32 $0x380;
	s6 =	smul.u32 $0xC400, s8  }
0x9: {  	s30 =	simm.s32 $0x780;
	s31 =	simm.s32 $0x0;
	s24 =	smul.u32 $0x18800, s8  }
0xa: {  	s0 =	sand.u32 $0x1, s0;
	[smem:$0x7FF] =	sst s3;
	s25 =	smul.u32 $0x62000, s8  }
0xb: {  	s10 =	sadd.s32 $0x7F000, s5;
	s8 =	sshll.u32 s8, $0x6;
	s4 =	smul.u32 $0xC4000, s0  }
0xc: {  	s7 =	smul.u32 $0x188000, s0;
	_ =	strace $0x80000050;
	s0 =	ssub.s32 $0x2, s0  }
0xd: {  	[dreg:$0x3] =	wrdreg s10;
	s1 =	sadd.s32 s1, s5;
	s26 =	sshrl.u32 s0, $0x1  }
0xe: {  	s4 =	sadd.s32 s6, s4;
	s6 =	sadd.s32 s24, s7;
	s7 =	sshrl.u32 s25, $0x2  }
0xf: {  	s0 =	ssub.s32 s0, s26;
	s10 =	sadd.s32 $0xE4200, s1;
	s24 =	simm.s32 $0x280  }
0x10: {  	s25 =	simm.s32 $0x680;
	s26 =	simm.s32 $0x300;
	s4 =	sshrl.u32 s4, $0x3  }
0x11: {  	s6 =	sshrl.u32 s6, $0x3;
	s11 =	sadd.s32 s7, s2;
	s0 =	smax.u32 s0, $0x1  }
0x12: {  	s9 =	sadd.s32 s4, s5;
	s4 =	sadd.s32 $0x1C0000, s5;
	s5 =	sadd.s32 s6, s5  }
0x13: {  	s6 =	sor.u32 $0x1C02, s8;
	[dreg:$0x5] =	wrdreg s0;
	s5 =	sadd.s32 $0x82200, s5  }
0x14: {  	s11 =	sshrl.u32 s11, $0x3;
	s9 =	sadd.s32 $0x4E000, s9;
	[dreg:$0x4] =	wrdreg s5  }
.LBB2_1:
0x15: {  	s0 =	rddreg [dreg:$0x3]  }
0x16: {  	[spmem:s11], [sflag:s6] =	dma.local [hbm:s0], $0x3100  }
0x17: {  	_ =	swait.ge [sflag:s12], $0x3100  }
0x18: {  	[sflag:s12] =	ssyncset.done $0x0  }
0x19: {  	[sflag:s12] =	ssyncadd.s32 $0xFFFFCF00  }
0x1a: {  	s7 =	sadd.s32 $0x0, s10;
	[bflag:$0x0] =	sbarrier.arrive $0xFFFF  }
0x1b: {  	[tilespmem:s3], [sflag:$0x2] =	stream.linear.gather [hbm4b:s7+s3], $0x400, $0x38;
	[tilespmem:$0x1D000] =	vst v63  }
0x1c: {  	_ =	swait.ge [sflag:s12], $0x400  }
0x1d: {  	[sflag:s12] =	ssyncset.done $0x0  }
0x1e: {  	s8 =	sadd.s32 $0x0, s9;
	[sflag:s12] =	ssyncadd.s32 $0xFFFFFC00  }
0x1f: {  	[tilespmem:s13], [sflag:$0x2] =	stream.linear.gather [hbm4b:s8+s3], $0x400, $0x38;
	[tilespmem:$0x1D000] =	vst v63  }
0x20: {  	_ =	swait.ge [sflag:s12], $0x400  }
0x21: {  	[sflag:s12] =	ssyncset.done $0x0  }
0x22: {  	[sflag:s12] =	ssyncadd.s32 $0xFFFFFC00  }
0x23: {  	[tilespmem:s15], [sflag:$0x1] =	stream.indirect.gather [hbm4b:s4+s14], $0x80, s3, s14, $0xb8;
	[tilespmem:$0x1D000] =	vst v63  }
0x24: {  	_ =	swait.ge [sflag:s16], $0x4000  }
0x25: {  	[sflag:s16] =	ssyncset.done $0x0  }
0x26: {  	[sflag:s16] =	ssyncadd.s32 $0xFFFFC000  }
0x27: {  	[spmem:s2] =	stream.indirect.scatter.add.f32 [tilespmem:s15], [sflag:$0x2], $0x80, s13, s14, $0xb8;
	[tilespmem:$0x1D000] =	vst v63  }
0x28: {  	_ =	swait.ge [sflag:s12], $0x4000  }
0x29: {  	[sflag:s12] =	ssyncset.done $0x0  }
0x2a: {  	[sflag:s12] =	ssyncadd.s32 $0xFFFFC000  }
0x2b: {  	[tilespmem:s15], [sflag:$0x1] =	stream.indirect.gather [hbm4b:s4+s14], $0x80, s14, s14, $0xb8;
	[tilespmem:$0x1D000] =	vst v63  }
0x2c: {  	_ =	swait.ge [sflag:s16], $0x4000  }
0x2d: {  	[sflag:s16] =	ssyncset.done $0x0  }
0x2e: {  	[sflag:s16] =	ssyncadd.s32 $0xFFFFC000  }
0x2f: {  	[spmem:s2] =	stream.indirect.scatter.add.f32 [tilespmem:s15], [sflag:$0x2], $0x80, s17, s14, $0xb8;
	[tilespmem:$0x1D000] =	vst v63  }
0x30: {  	_ =	swait.ge [sflag:s12], $0x4000  }
0x31: {  	[sflag:s12] =	ssyncset.done $0x0  }
0x32: {  	[sflag:s12] =	ssyncadd.s32 $0xFFFFC000  }
0x33: {  	[tilespmem:s15], [sflag:$0x1] =	stream.indirect.gather [hbm4b:s4+s14], $0x80, s18, s14, $0xb8;
	[tilespmem:$0x1D000] =	vst v63  }
0x34: {  	_ =	swait.ge [sflag:s16], $0x4000  }
0x35: {  	[sflag:s16] =	ssyncset.done $0x0  }
0x36: {  	[sflag:s16] =	ssyncadd.s32 $0xFFFFC000  }
0x37: {  	[spmem:s2] =	stream.indirect.scatter.add.f32 [tilespmem:s15], [sflag:$0x2], $0x80, s19, s14, $0xb8;
	[tilespmem:$0x1D000] =	vst v63  }
0x38: {  	_ =	swait.ge [sflag:s12], $0x4000  }
0x39: {  	[sflag:s12] =	ssyncset.done $0x0  }
0x3a: {  	[sflag:s12] =	ssyncadd.s32 $0xFFFFC000  }
0x3b: {  	[tilespmem:s15], [sflag:$0x1] =	stream.indirect.gather [hbm4b:s4+s14], $0x80, s20, s14, $0xb8;
	[tilespmem:$0x1D000] =	vst v63  }
0x3c: {  	_ =	swait.ge [sflag:s16], $0x4000  }
0x3d: {  	[sflag:s16] =	ssyncset.done $0x0  }
0x3e: {  	[sflag:s16] =	ssyncadd.s32 $0xFFFFC000  }
0x3f: {  	[spmem:s2] =	stream.indirect.scatter.add.f32 [tilespmem:s15], [sflag:$0x2], $0x80, s21, s14, $0xb8;
	[tilespmem:$0x1D000] =	vst v63  }
0x40: {  	_ =	swait.ge [sflag:s12], $0x4000  }
0x41: {  	[sflag:s12] =	ssyncset.done $0x0  }
0x42: {  	[sflag:s12] =	ssyncadd.s32 $0xFFFFC000  }
0x43: {  	[tilespmem:s15], [sflag:$0x1] =	stream.indirect.gather [hbm4b:s4+s14], $0x80, s22, s14, $0xb8;
	[tilespmem:$0x1D000] =	vst v63  }
0x44: {  	_ =	swait.ge [sflag:s16], $0x4000  }
0x45: {  	[sflag:s16] =	ssyncset.done $0x0  }
0x46: {  	[sflag:s16] =	ssyncadd.s32 $0xFFFFC000  }
0x47: {  	[spmem:s2] =	stream.indirect.scatter.add.f32 [tilespmem:s15], [sflag:$0x2], $0x80, s23, s14, $0xb8;
	[tilespmem:$0x1D000] =	vst v63  }
0x48: {  	_ =	swait.ge [sflag:s12], $0x4000  }
0x49: {  	[sflag:s12] =	ssyncset.done $0x0  }
0x4a: {  	[sflag:s12] =	ssyncadd.s32 $0xFFFFC000  }
0x4b: {  	[tilespmem:s15], [sflag:$0x1] =	stream.indirect.gather [hbm4b:s4+s14], $0x80, s24, s14, $0xb8;
	[tilespmem:$0x1D000] =	vst v63  }
0x4c: {  	_ =	swait.ge [sflag:s16], $0x4000  }
0x4d: {  	[sflag:s16] =	ssyncset.done $0x0  }
0x4e: {  	[sflag:s16] =	ssyncadd.s32 $0xFFFFC000  }
0x4f: {  	[spmem:s2] =	stream.indirect.scatter.add.f32 [tilespmem:s15], [sflag:$0x2], $0x80, s25, s14, $0xb8;
	[tilespmem:$0x1D000] =	vst v63  }
0x50: {  	_ =	swait.ge [sflag:s12], $0x4000  }
0x51: {  	[sflag:s12] =	ssyncset.done $0x0  }
0x52: {  	[sflag:s12] =	ssyncadd.s32 $0xFFFFC000  }
0x53: {  	[tilespmem:s15], [sflag:$0x1] =	stream.indirect.gather [hbm4b:s4+s14], $0x80, s26, s14, $0xb8;
	[tilespmem:$0x1D000] =	vst v63  }
0x54: {  	_ =	swait.ge [sflag:s16], $0x4000  }
0x55: {  	[sflag:s16] =	ssyncset.done $0x0  }
0x56: {  	[sflag:s16] =	ssyncadd.s32 $0xFFFFC000  }
0x57: {  	[spmem:s2] =	stream.indirect.scatter.add.f32 [tilespmem:s15], [sflag:$0x2], $0x80, s28, s14, $0xb8;
	[tilespmem:$0x1D000] =	vst v63  }
0x58: {  	_ =	swait.ge [sflag:s12], $0x4000  }
0x59: {  	[sflag:s12] =	ssyncset.done $0x0  }
0x5a: {  	[sflag:s12] =	ssyncadd.s32 $0xFFFFC000  }
0x5b: {  	[tilespmem:s15], [sflag:$0x1] =	stream.indirect.gather [hbm4b:s4+s14], $0x80, s29, s14, $0xb8;
	[tilespmem:$0x1D000] =	vst v63  }
0x5c: {  	_ =	swait.ge [sflag:s16], $0x4000  }
0x5d: {  	[sflag:s16] =	ssyncset.done $0x0  }
0x5e: {  	[sflag:s16] =	ssyncadd.s32 $0xFFFFC000  }
0x5f: {  	[spmem:s2] =	stream.indirect.scatter.add.f32 [tilespmem:s15], [sflag:$0x2], $0x80, s30, s14, $0xb8;
	[tilespmem:$0x1D000] =	vst v63  }
0x60: {  	_ =	swait.ge [sflag:s12], $0x4000  }
0x61: {  	s1 =	simm.s32 $0x80;
	s0 =	simm.s32 $0x100;
	[sflag:s12] =	ssyncset.done $0x0  }
.LBB2_2:
0x62: {  	s7 =	sadd.s32 s1, s10  }
0x63: {  	[sflag:s12] =	ssyncadd.s32 $0xFFFFC000;
	s8 =	smov.u32 s0;
	s5 =	sadd.s32 $0x80, s0  }
0x64: {  	[tilespmem:s3], [sflag:$0x2] =	stream.linear.gather [hbm4b:s7+s3], $0x400, $0x38;
	[tilespmem:$0x1D000] =	vst v63  }
0x65: {  	p0 =	sne.s32 s0, $0x1800;
	_ =	swait.ge [sflag:s12], $0x400  }
0x66: {  	[sflag:s12] =	ssyncset.done $0x0  }
0x67: {  	s0 =	sadd.s32 s1, s9;
	s1 =	smov.u32 s8;
	[sflag:s12] =	ssyncadd.s32 $0xFFFFFC00  }
0x68: {  	[tilespmem:s13], [sflag:$0x2] =	stream.linear.gather [hbm4b:s0+s3], $0x400, $0x38;
	[tilespmem:$0x1D000] =	vst v63  }
0x69: {  	_ =	swait.ge [sflag:s12], $0x400  }
0x6a: {  	[sflag:s12] =	ssyncset.done $0x0  }
0x6b: {  	[sflag:s12] =	ssyncadd.s32 $0xFFFFFC00  }
0x6c: {  	[tilespmem:s15], [sflag:$0x1] =	stream.indirect.gather [hbm4b:s4+s14], $0x80, s3, s14, $0xb8;
	[tilespmem:$0x1D000] =	vst v63  }
0x6d: {  	_ =	swait.ge [sflag:s16], $0x4000  }
0x6e: {  	[sflag:s16] =	ssyncset.done $0x0  }
0x6f: {  	[sflag:s16] =	ssyncadd.s32 $0xFFFFC000  }
0x70: {  	[spmem:s2] =	stream.indirect.scatter.add.f32 [tilespmem:s15], [sflag:$0x2], $0x80, s13, s14, $0xb8;
	[tilespmem:$0x1D000] =	vst v63  }
0x71: {  	_ =	swait.ge [sflag:s12], $0x4000  }
0x72: {  	[sflag:s12] =	ssyncset.done $0x0  }
0x73: {  	[sflag:s12] =	ssyncadd.s32 $0xFFFFC000  }
0x74: {  	[tilespmem:s15], [sflag:$0x1] =	stream.indirect.gather [hbm4b:s4+s14], $0x80, s14, s14, $0xb8;
	[tilespmem:$0x1D000] =	vst v63  }
0x75: {  	_ =	swait.ge [sflag:s16], $0x4000  }
0x76: {  	[sflag:s16] =	ssyncset.done $0x0  }
0x77: {  	[sflag:s16] =	ssyncadd.s32 $0xFFFFC000  }
0x78: {  	[spmem:s2] =	stream.indirect.scatter.add.f32 [tilespmem:s15], [sflag:$0x2], $0x80, s17, s14, $0xb8;
	[tilespmem:$0x1D000] =	vst v63  }
0x79: {  	_ =	swait.ge [sflag:s12], $0x4000  }
0x7a: {  	[sflag:s12] =	ssyncset.done $0x0  }
0x7b: {  	[sflag:s12] =	ssyncadd.s32 $0xFFFFC000  }
0x7c: {  	[tilespmem:s15], [sflag:$0x1] =	stream.indirect.gather [hbm4b:s4+s14], $0x80, s18, s14, $0xb8;
	[tilespmem:$0x1D000] =	vst v63  }
0x7d: {  	_ =	swait.ge [sflag:s16], $0x4000  }
0x7e: {  	[sflag:s16] =	ssyncset.done $0x0  }
0x7f: {  	[sflag:s16] =	ssyncadd.s32 $0xFFFFC000  }
0x80: {  	[spmem:s2] =	stream.indirect.scatter.add.f32 [tilespmem:s15], [sflag:$0x2], $0x80, s19, s14, $0xb8;
	[tilespmem:$0x1D000] =	vst v63  }
0x81: {  	_ =	swait.ge [sflag:s12], $0x4000  }
0x82: {  	[sflag:s12] =	ssyncset.done $0x0  }
0x83: {  	[sflag:s12] =	ssyncadd.s32 $0xFFFFC000  }
0x84: {  	[tilespmem:s15], [sflag:$0x1] =	stream.indirect.gather [hbm4b:s4+s14], $0x80, s20, s14, $0xb8;
	[tilespmem:$0x1D000] =	vst v63  }
0x85: {  	_ =	swait.ge [sflag:s16], $0x4000  }
0x86: {  	[sflag:s16] =	ssyncset.done $0x0  }
0x87: {  	[sflag:s16] =	ssyncadd.s32 $0xFFFFC000  }
0x88: {  	[spmem:s2] =	stream.indirect.scatter.add.f32 [tilespmem:s15], [sflag:$0x2], $0x80, s21, s14, $0xb8;
	[tilespmem:$0x1D000] =	vst v63  }
0x89: {  	_ =	swait.ge [sflag:s12], $0x4000  }
0x8a: {  	[sflag:s12] =	ssyncset.done $0x0  }
0x8b: {  	[sflag:s12] =	ssyncadd.s32 $0xFFFFC000  }
0x8c: {  	[tilespmem:s15], [sflag:$0x1] =	stream.indirect.gather [hbm4b:s4+s14], $0x80, s22, s14, $0xb8;
	[tilespmem:$0x1D000] =	vst v63  }
0x8d: {  	_ =	swait.ge [sflag:s16], $0x4000  }
0x8e: {  	[sflag:s16] =	ssyncset.done $0x0  }
0x8f: {  	[sflag:s16] =	ssyncadd.s32 $0xFFFFC000  }
0x90: {  	[spmem:s2] =	stream.indirect.scatter.add.f32 [tilespmem:s15], [sflag:$0x2], $0x80, s23, s14, $0xb8;
	[tilespmem:$0x1D000] =	vst v63  }
0x91: {  	_ =	swait.ge [sflag:s12], $0x4000  }
0x92: {  	[sflag:s12] =	ssyncset.done $0x0  }
0x93: {  	[sflag:s12] =	ssyncadd.s32 $0xFFFFC000  }
0x94: {  	[tilespmem:s15], [sflag:$0x1] =	stream.indirect.gather [hbm4b:s4+s14], $0x80, s24, s14, $0xb8;
	[tilespmem:$0x1D000] =	vst v63  }
0x95: {  	_ =	swait.ge [sflag:s16], $0x4000  }
0x96: {  	[sflag:s16] =	ssyncset.done $0x0  }
0x97: {  	[sflag:s16] =	ssyncadd.s32 $0xFFFFC000  }
0x98: {  	[spmem:s2] =	stream.indirect.scatter.add.f32 [tilespmem:s15], [sflag:$0x2], $0x80, s25, s14, $0xb8;
	[tilespmem:$0x1D000] =	vst v63  }
0x99: {  	_ =	swait.ge [sflag:s12], $0x4000  }
0x9a: {  	[sflag:s12] =	ssyncset.done $0x0  }
0x9b: {  	[sflag:s12] =	ssyncadd.s32 $0xFFFFC000  }
0x9c: {  	[tilespmem:s15], [sflag:$0x1] =	stream.indirect.gather [hbm4b:s4+s14], $0x80, s26, s14, $0xb8;
	[tilespmem:$0x1D000] =	vst v63  }
0x9d: {  	_ =	swait.ge [sflag:s16], $0x4000  }
0x9e: {  	[sflag:s16] =	ssyncset.done $0x0  }
0x9f: {  	[sflag:s16] =	ssyncadd.s32 $0xFFFFC000  }
0xa0: {  	[spmem:s2] =	stream.indirect.scatter.add.f32 [tilespmem:s15], [sflag:$0x2], $0x80, s28, s14, $0xb8;
	[tilespmem:$0x1D000] =	vst v63  }
0xa1: {  	_ =	swait.ge [sflag:s12], $0x4000  }
0xa2: {  	[sflag:s12] =	ssyncset.done $0x0  }
0xa3: {  	[sflag:s12] =	ssyncadd.s32 $0xFFFFC000  }
0xa4: {  	[tilespmem:s15], [sflag:$0x1] =	stream.indirect.gather [hbm4b:s4+s14], $0x80, s29, s14, $0xb8;
	[tilespmem:$0x1D000] =	vst v63  }
0xa5: {  	_ =	swait.ge [sflag:s16], $0x4000  }
.Ltmp0:
0xa6: {  	[sflag:s16] =	ssyncset.done $0x0;
	(pc) =	sbr.rel @p0 .LBB2_2-.Ltmp0, $4  }
0xa7: {  	[sflag:s16] =	ssyncadd.s32 $0xFFFFC000  }
0xa8: {  	[spmem:s2] =	stream.indirect.scatter.add.f32 [tilespmem:s15], [sflag:$0x2], $0x80, s30, s14, $0xb8;
	[tilespmem:$0x1D000] =	vst v63  }
0xa9: {  	_ =	swait.ge [sflag:s12], $0x4000  }
0xaa: {  	s0 =	smov.u32 s5;
	[sflag:s12] =	ssyncset.done $0x0  }
0xab: {  	s0 =	sadd.s32 s1, s10;
	[sflag:s12] =	ssyncadd.s32 $0xFFFFC000  }
0xac: {  	[tilespmem:s3], [sflag:$0x2] =	stream.linear.gather [hbm4b:s0+s3], $0x400, $0x38;
	[tilespmem:$0x1D000] =	vst v63  }
0xad: {  	_ =	swait.ge [sflag:s12], $0x400  }
0xae: {  	[sflag:s12] =	ssyncset.done $0x0  }
0xaf: {  	s5 =	sadd.s32 s1, s9;
	[sflag:s12] =	ssyncadd.s32 $0xFFFFFC00  }
0xb0: {  	[tilespmem:s13], [sflag:$0x2] =	stream.linear.gather [hbm4b:s5+s3], $0x400, $0x38;
	[tilespmem:$0x1D000] =	vst v63  }
0xb1: {  	_ =	swait.ge [sflag:s12], $0x400  }
0xb2: {  	[sflag:s12] =	ssyncset.done $0x0  }
0xb3: {  	[sflag:s12] =	ssyncadd.s32 $0xFFFFFC00  }
0xb4: {  	[tilespmem:s15], [sflag:$0x1] =	stream.indirect.gather [hbm4b:s4+s14], $0x80, s3, s14, $0xb8;
	[tilespmem:$0x1D000] =	vst v63  }
0xb5: {  	_ =	swait.ge [sflag:s16], $0x4000  }
0xb6: {  	[sflag:s16] =	ssyncset.done $0x0  }
0xb7: {  	[sflag:s16] =	ssyncadd.s32 $0xFFFFC000  }
0xb8: {  	[spmem:s2] =	stream.indirect.scatter.add.f32 [tilespmem:s15], [sflag:$0x2], $0x80, s13, s14, $0xb8;
	[tilespmem:$0x1D000] =	vst v63  }
0xb9: {  	_ =	swait.ge [sflag:s12], $0x4000  }
0xba: {  	[sflag:s12] =	ssyncset.done $0x0  }
0xbb: {  	[sflag:s12] =	ssyncadd.s32 $0xFFFFC000  }
0xbc: {  	[tilespmem:s15], [sflag:$0x1] =	stream.indirect.gather [hbm4b:s4+s14], $0x80, s14, s14, $0xb8;
	[tilespmem:$0x1D000] =	vst v63  }
0xbd: {  	_ =	swait.ge [sflag:s16], $0x4000  }
0xbe: {  	[sflag:s16] =	ssyncset.done $0x0  }
0xbf: {  	[sflag:s16] =	ssyncadd.s32 $0xFFFFC000  }
0xc0: {  	[spmem:s2] =	stream.indirect.scatter.add.f32 [tilespmem:s15], [sflag:$0x2], $0x80, s17, s14, $0xb8;
	[tilespmem:$0x1D000] =	vst v63  }
0xc1: {  	_ =	swait.ge [sflag:s12], $0x4000  }
0xc2: {  	[sflag:s12] =	ssyncset.done $0x0  }
0xc3: {  	[sflag:s12] =	ssyncadd.s32 $0xFFFFC000  }
0xc4: {  	[tilespmem:s15], [sflag:$0x1] =	stream.indirect.gather [hbm4b:s4+s14], $0x80, s18, s14, $0xb8;
	[tilespmem:$0x1D000] =	vst v63  }
0xc5: {  	_ =	swait.ge [sflag:s16], $0x4000  }
0xc6: {  	[sflag:s16] =	ssyncset.done $0x0  }
0xc7: {  	[sflag:s16] =	ssyncadd.s32 $0xFFFFC000  }
0xc8: {  	[spmem:s2] =	stream.indirect.scatter.add.f32 [tilespmem:s15], [sflag:$0x2], $0x80, s19, s14, $0xb8;
	[tilespmem:$0x1D000] =	vst v63  }
0xc9: {  	_ =	swait.ge [sflag:s12], $0x4000  }
0xca: {  	[sflag:s12] =	ssyncset.done $0x0  }
0xcb: {  	[sflag:s12] =	ssyncadd.s32 $0xFFFFC000  }
0xcc: {  	[tilespmem:s15], [sflag:$0x1] =	stream.indirect.gather [hbm4b:s4+s14], $0x80, s20, s14, $0xb8;
	[tilespmem:$0x1D000] =	vst v63  }
0xcd: {  	_ =	swait.ge [sflag:s16], $0x4000  }
0xce: {  	[sflag:s16] =	ssyncset.done $0x0  }
0xcf: {  	[sflag:s16] =	ssyncadd.s32 $0xFFFFC000  }
0xd0: {  	[spmem:s2] =	stream.indirect.scatter.add.f32 [tilespmem:s15], [sflag:$0x2], $0x80, s21, s14, $0xb8;
	[tilespmem:$0x1D000] =	vst v63  }
0xd1: {  	_ =	swait.ge [sflag:s12], $0x4000  }
0xd2: {  	[sflag:s12] =	ssyncset.done $0x0  }
0xd3: {  	[sflag:s12] =	ssyncadd.s32 $0xFFFFC000  }
0xd4: {  	[tilespmem:s15], [sflag:$0x1] =	stream.indirect.gather [hbm4b:s4+s14], $0x80, s22, s14, $0xb8;
	[tilespmem:$0x1D000] =	vst v63  }
0xd5: {  	_ =	swait.ge [sflag:s16], $0x4000  }
0xd6: {  	[sflag:s16] =	ssyncset.done $0x0  }
0xd7: {  	[sflag:s16] =	ssyncadd.s32 $0xFFFFC000  }
0xd8: {  	[spmem:s2] =	stream.indirect.scatter.add.f32 [tilespmem:s15], [sflag:$0x2], $0x80, s23, s14, $0xb8;
	[tilespmem:$0x1D000] =	vst v63  }
0xd9: {  	_ =	swait.ge [sflag:s12], $0x4000  }
0xda: {  	[sflag:s12] =	ssyncset.done $0x0  }
0xdb: {  	[sflag:s12] =	ssyncadd.s32 $0xFFFFC000  }
0xdc: {  	[tilespmem:s15], [sflag:$0x1] =	stream.indirect.gather [hbm4b:s4+s14], $0x80, s24, s14, $0xb8;
	[tilespmem:$0x1D000] =	vst v63  }
0xdd: {  	_ =	swait.ge [sflag:s16], $0x4000  }
0xde: {  	[sflag:s16] =	ssyncset.done $0x0  }
0xdf: {  	[sflag:s16] =	ssyncadd.s32 $0xFFFFC000  }
0xe0: {  	[spmem:s2] =	stream.indirect.scatter.add.f32 [tilespmem:s15], [sflag:$0x2], $0x80, s25, s14, $0xb8;
	[tilespmem:$0x1D000] =	vst v63  }
0xe1: {  	_ =	swait.ge [sflag:s12], $0x4000  }
0xe2: {  	[sflag:s12] =	ssyncset.done $0x0  }
0xe3: {  	[sflag:s12] =	ssyncadd.s32 $0xFFFFC000  }
0xe4: {  	[tilespmem:s15], [sflag:$0x1] =	stream.indirect.gather [hbm4b:s4+s14], $0x80, s26, s14, $0xb8;
	[tilespmem:$0x1D000] =	vst v63  }
0xe5: {  	_ =	swait.ge [sflag:s16], $0x4000  }
0xe6: {  	[sflag:s16] =	ssyncset.done $0x0  }
0xe7: {  	[sflag:s16] =	ssyncadd.s32 $0xFFFFC000  }
0xe8: {  	[spmem:s2] =	stream.indirect.scatter.add.f32 [tilespmem:s15], [sflag:$0x2], $0x80, s28, s14, $0xb8;
	[tilespmem:$0x1D000] =	vst v63  }
0xe9: {  	_ =	swait.ge [sflag:s12], $0x4000  }
0xea: {  	[sflag:s12] =	ssyncset.done $0x0  }
0xeb: {  	[sflag:s12] =	ssyncadd.s32 $0xFFFFC000  }
0xec: {  	[tilespmem:s15], [sflag:$0x1] =	stream.indirect.gather [hbm4b:s4+s14], $0x80, s29, s14, $0xb8;
	[tilespmem:$0x1D000] =	vst v63  }
0xed: {  	_ =	swait.ge [sflag:s16], $0x4000  }
0xee: {  	[sflag:s16] =	ssyncset.done $0x0  }
0xef: {  	[sflag:s16] =	ssyncadd.s32 $0xFFFFC000  }
0xf0: {  	[spmem:s2] =	stream.indirect.scatter.add.f32 [tilespmem:s15], [sflag:$0x2], $0x80, s30, s14, $0xb8;
	[tilespmem:$0x1D000] =	vst v63  }
0xf1: {  	_ =	swait.ge [sflag:s12], $0x4000  }
0xf2: {  	[sflag:s12] =	ssyncset.done $0x0  }
0xf3: {  	[sflag:s12] =	ssyncadd.s32 $0xFFFFC000  }
0xf4: {  	[bflag:$0x0] =	sbarrier.arrive $0xFFFF  }
0xf5: {  	s7 =	rddreg [dreg:$0x4]  }
0xf6: {  	[hbm:s7], [sflag:s6] =	dma.local [spmem:s11], $0x3100  }
0xf7: {  	_ =	swait.ge [sflag:s12], $0x3100  }
0xf8: {  	s31 =	sadd.s32 $0x1, s31;
	s8 =	rddreg [dreg:$0x5]  }
0xf9: {  	p0 =	sne.s32 s31, s8  }
.Ltmp1:
0xfa: {  	_ = 	snop;
	(pc) =	sbr.rel @p0 .LBB2_1-.Ltmp1, $3  }
0xfb: {  	_ =	sdelay $0x1  }
0xfc: {  	[sflag:s12] =	ssyncset.done $0x0  }
0xfd: {  	[sflag:s12] =	ssyncadd.s32 $0xFFFFCF00  }
0xfe: {  	_ =	sfence.sel $0x180000  }
0xff: {  	[bflag:$0x0] =	sbarrier.arrive $0xFFFF  }
0x100: {  	_ =	strace $0x90000050  }
0x101: {  	s0 =	stileid.u32;
	[bflag:$0x2] =	sbarrier.arrive $0xFFFF  }
0x102: {  	p0 =	sne.s32 s0, $0x0;
	s0 =	rddreg [dreg:$0x2]  }
0x103: {  	s0 =	sadd.s32 @!p0 $0x100000, s0  }
0x104: {  	[sflag:s0] =	ssyncadd.tile.s32 @!p0 $0x1;
	_ =	shalt  }
.Lfunc_end2:
_tile_overlayer_lowered:
.L_overlay_start_2:
0x105: {  	(tag) =	ssettag $0x2  }
0x106: {  	s0 =	rddreg [dreg:$0x0];
	s2 =	stileid.u32  }
0x107: {  	s1 =	rddreg [dreg:$0x1];
	p0 =	sne.s32 s2, $0x0  }
0x108: {  	s3 =	rddreg [dreg:$0x2];
	[bflag:$0x3] =	sbarrier.arrive $0xFFFF;
	s2 =	simm.s32 @!p0 $0x1C02  }
0x109: {  	[timem:s3], [sflag:s2] =	dma.local @!p0 [hbm:s0], s1  }
0x10a: {  	s0 =	simm.s32 @!p0 $0x2  }
0x10b: {  	_ =	swait.ge @!p0 [sflag:s0], s1  }
0x10c: {  	s1 =	ssub.s32 @!p0 $0x0, s1;
	[sflag:s0] =	ssyncset.done @!p0 $0x0  }
0x10d: {  	[sflag:s0] =	ssyncadd.s32 @!p0 s1  }
0x10e: {  	[bflag:$0x3] =	sbarrier.arrive $0xFFFF  }
0x10f: {  	_ =	shalt  }

// kernel: kernel.24.cloned.1.call-start
scs
__scs_entry_jumppad:
0x0: {  	(pc) =	sbr.rel $0x88, $3  }
0x1: {  	(tag) =	ssettag $0x0;
	lr =	simm.s32 $0x1  }
0x2: {  	[smem:$0x3F98] =	sst lr;
	_ =	strace $0xD0000000  }
0x3: {  	_ = 	snop  }
0x4: {  	_ = 	snop  }
0x5: {  	_ = 	snop  }
0x6: {  	_ = 	snop  }
0x7: {  	_ = 	snop  }
__scs_overlays_trampoline_lowered:
0x8: {  	[smem:$0x3FA7] =	sst s0  }
0x9: {  	[smem:$0x3FA8] =	sst s1  }
0xa: {  	[smem:$0x3FA9] =	sst s2  }
0xb: {  	[smem:$0x3FAA] =	sst s3  }
0xc: {  	[smem:$0x3FAB] =	sst s4  }
0xd: {  	[smem:$0x3FAC] =	sst s5  }
0xe: {  	[smem:$0x3FAD] =	sst s6  }
0xf: {  	[smem:$0x3FAE] =	sst s7  }
0x10: {  	[smem:$0x3FAF] =	sst s8  }
0x11: {  	[smem:$0x3FB0] =	sst s9;
	s0 =	simm.s32 @!p0 $0x0  }
0x12: {  	s1 =	sld [smem:$0x3F96];
	s0 =	simm.s32 @p0 $0x1  }
0x13: {  	[smem:$0x3FB1] =	sst s0;
	s0 =	simm.s32 @!p1 $0x0  }
0x14: {  	s2 =	sld [smem:$0x3F95];
	s0 =	simm.s32 @p1 $0x1  }
0x15: {  	[smem:$0x3FB2] =	sst s0;
	s0 =	simm.s32 @!p2 $0x0  }
0x16: {  	s3 =	sld [smem:$0x3FDB];
	s0 =	simm.s32 @p2 $0x1  }
0x17: {  	s4 =	simm.s32 $0x1BF5;
	[smem:$0x3FB4] =	sst s0  }
0x18: {  	s0 =	sld [smem:$0x3F97];
	_ =	swait.ge [sflag:s4], $0x0  }
0x19: {  	s7 =	sld [smem:$0x3F98]  }
0x1a: {  	s8 =	sadd.s32 $0xFFFFE003, lr  }
0x1b: {  	s9 =	sadd.s32 $0xFFFFFEF7, lr;
	s5 =	simm.s32 $0xFFFFFFFF;
	p2 =	slt.u32 s8, $0xFFFFF086  }
0x1c: {  	p1 =	slt.u32 s9, $0xF7A;
	s5 =	simm.s32 @!p2 $0x0  }
0x1d: {  	s5 =	simm.s32 @p1 $0x1;
	p0 =	seq.s32 s7, s2  }
0x1e: {  	s7 =	smul.u32 @!p0 $0xF7A, s2;
	p2 =	seq.s32 @!p0 s5, $0x0  }
0x1f: {  	s9 =	smul.u32 $0xF7A, s1;
	s8 =	simm.s32 @!p0 $0x1BF5;
	p2 =	por !p2, p0  }
0x20: {  	[sflag:s8] =	ssyncset.s32 @!p0 $0xFFFFF086;
	s6 =	sadd.s32 @!p0 s3, s7;
	s7 =	simm.s32 @!p0 $0x108  }
0x21: {  	s3 =	sadd.s32 s3, s9;
	s6 =	sadd.s32 @!p0 $0x88, s6;
	s7 =	simm.s32 @p2 $0x1082  }
0x22: {  	[simem:s7], [sflag:s8] =	dma.local @!p0 [hbm:s6], $0xF7A  }
0x23: {  	s9 =	sor.u32 $0xD0000000, s2;
	s6 =	simm.s32 $0x108;
	_ =	swait.ge @!p0 [sflag:s8], $0x0  }
0x24: {  	s3 =	sadd.s32 $0x88, s3;
	s6 =	simm.s32 @!p1 $0x1082;
	[sflag:s4] =	ssyncset.s32 $0xFFFFF086  }
0x25: {  	[simem:s6], [sflag:s4] =	dma.local [hbm:s3], $0xF7A  }
0x26: {  	[smem:$0x3F98] =	sst s1;
	(tag) =	ssettag s2;
	_ =	strace s9  }
0x27: {  	s1 =	sld [smem:$0x3FA8]  }
0x28: {  	s2 =	sld [smem:$0x3FA9]  }
0x29: {  	s4 =	sld [smem:$0x3FAB]  }
0x2a: {  	p0 =	seq.s32 s5, $0x0;
	s5 =	sld [smem:$0x3FAC]  }
0x2b: {  	s6 =	sld [smem:$0x3FAD]  }
0x2c: {  	s7 =	sld [smem:$0x3FAE]  }
0x2d: {  	s3 =	simm.s32 $0x108;
	s8 =	sld [smem:$0x3FAF]  }
0x2e: {  	s3 =	simm.s32 @!p0 $0x1082;
	s9 =	sld [smem:$0x3FB0]  }
0x2f: {  	lr =	sadd.s32 s0, s3;
	s0 =	sld [smem:$0x3FA7]  }
0x30: {  	s3 =	sld [smem:$0x3FAA]  }
0x31: {  	[smem:$0x3FB3] =	sst s10  }
0x32: {  	s10 =	sld [smem:$0x3FB1];
	_ =	sdelay $0x3  }
0x33: {  	p0 =	seq.s32 s10, $0x1;
	s10 =	sld [smem:$0x3FB3];
	_ =	sdelay $0x3  }
0x34: {  	[smem:$0x3FB3] =	sst s10  }
0x35: {  	s10 =	sld [smem:$0x3FB2];
	_ =	sdelay $0x3  }
0x36: {  	p1 =	seq.s32 s10, $0x1;
	s10 =	sld [smem:$0x3FB3];
	_ =	sdelay $0x3  }
0x37: {  	[smem:$0x3FB3] =	sst s10  }
0x38: {  	s10 =	sld [smem:$0x3FB4]  }
0x39: {  	_ = 	snop;
	(pc) =	sbr.ind lr, $3  }
0x3a: {  	_ = 	snop  }
0x3b: {  	_ = 	snop  }
0x3c: {  	p2 =	seq.s32 s10, $0x1;
	s10 =	sld [smem:$0x3FB3]  }
0x3d: {  	_ =	shalt  }
0x3e: {  	_ =	shalt  }
0x3f: {  	_ =	shalt  }
0x40: {  	_ =	shalt  }
0x41: {  	_ =	shalt  }
0x42: {  	_ =	shalt  }
0x43: {  	_ =	shalt  }
0x44: {  	_ =	shalt  }
0x45: {  	_ =	shalt  }
0x46: {  	_ =	shalt  }
0x47: {  	_ =	shalt  }
0x48: {  	_ =	shalt  }
0x49: {  	_ =	shalt  }
0x4a: {  	_ =	shalt  }
0x4b: {  	_ =	shalt  }
0x4c: {  	_ =	shalt  }
0x4d: {  	_ =	shalt  }
0x4e: {  	_ =	shalt  }
0x4f: {  	_ =	shalt  }
0x50: {  	_ =	shalt  }
0x51: {  	_ =	shalt  }
0x52: {  	_ =	shalt  }
0x53: {  	_ =	shalt  }
0x54: {  	_ =	shalt  }
0x55: {  	_ =	shalt  }
0x56: {  	_ =	shalt  }
0x57: {  	_ =	shalt  }
0x58: {  	_ =	shalt  }
0x59: {  	_ =	shalt  }
0x5a: {  	_ =	shalt  }
0x5b: {  	_ =	shalt  }
0x5c: {  	_ =	shalt  }
0x5d: {  	_ =	shalt  }
0x5e: {  	_ =	shalt  }
0x5f: {  	_ =	shalt  }
0x60: {  	_ =	shalt  }
0x61: {  	_ =	shalt  }
0x62: {  	_ =	shalt  }
0x63: {  	_ =	shalt  }
0x64: {  	_ =	shalt  }
0x65: {  	_ =	shalt  }
0x66: {  	_ =	shalt  }
0x67: {  	_ =	shalt  }
0x68: {  	_ =	shalt  }
0x69: {  	_ =	shalt  }
0x6a: {  	_ =	shalt  }
0x6b: {  	_ =	shalt  }
0x6c: {  	_ =	shalt  }
0x6d: {  	_ =	shalt  }
0x6e: {  	_ =	shalt  }
0x6f: {  	_ =	shalt  }
0x70: {  	_ =	shalt  }
0x71: {  	_ =	shalt  }
0x72: {  	_ =	shalt  }
0x73: {  	_ =	shalt  }
0x74: {  	_ =	shalt  }
0x75: {  	_ =	shalt  }
0x76: {  	_ =	shalt  }
0x77: {  	_ =	shalt  }
0x78: {  	_ =	shalt  }
0x79: {  	_ =	shalt  }
0x7a: {  	_ =	shalt  }
0x7b: {  	_ =	shalt  }
0x7c: {  	_ =	shalt  }
0x7d: {  	_ =	shalt  }
0x7e: {  	_ =	shalt  }
0x7f: {  	_ =	shalt  }
0x80: {  	_ =	shalt  }
0x81: {  	_ =	shalt  }
0x82: {  	_ =	shalt  }
0x83: {  	_ =	shalt  }
0x84: {  	_ =	shalt  }
0x85: {  	_ =	shalt  }
0x86: {  	_ =	shalt  }
0x87: {  	_ =	shalt  }
.Lfunc_end0:
.L_simem_size_0:
called_computation.4_lowered:
.L_overlay_start_0:
0x88: {  	s2 =	sld [smem:$0x3FD9]  }
0x89: {  	s3 =	sld [smem:$0x3FFE];
	_ =	sdelay $0x1  }
0x8a: {  	s1 =	srdreg.scid  }
0x8b: {  	s0 =	sand.u32 $0x1, s1  }
0x8c: {  	s17 =	sshll.u32 s0, $0xA;
	s2 =	sadd.s32 s3, s2  }
0x8d: {  	s2 =	sadd.s32 s2, s17  }
0x8e: {  	[smem:$0x3FBF] =	sst s2  }
0x8f: {  	_ = 	snop  }
0x90: {  	s2 =	sld [smem:$0x3FC9]  }
0x91: {  	s18 =	sld [smem:$0x3FC8];
	(tm) =	ssettm $0x1  }
0x92: {  	s4 =	sld [smem:$0x3FFB];
	_ =	sdelay $0x3  }
0x93: {  	_ =	strace s4  }
0x94: {  	s4 =	sld [smem:$0x3FFC];
	_ =	sdelay $0x3  }
0x95: {  	_ =	strace s4  }
0x96: {  	s4 =	sld [smem:$0x3FFD];
	_ =	sdelay $0x3  }
0x97: {  	_ =	strace s4  }
0x98: {  	_ =	strace $0x8FFFFFFF  }
0x99: {  	s19 =	sld [smem:$0x3FDB];
	_ =	sdelay $0x1  }
0x9a: {  	s5 =	simm.s32 $_scs_section_size  }
0x9b: {  	s6 =	simm.s32 $_size__tile_overlayer_lowered;
	s7 =	simm.s32 $_tile_overlayer_lowered  }
0x9c: {  	s22 =	simm.s32 $0x1BFF;
	s21 =	sshll.u32 s7, $0x1;
	s4 =	sadd.s32 s5, s19  }
0x9d: {  	s8 =	simm.s32 $0x0;
	s20 =	sshll.u32 s6, $0x1;
	s6 =	sadd.s32 s21, s4  }
0x9e: {  	[timem:s8], [sflag:s22] =	dma.local [hbm:s6], s20  }
0x9f: {  	_ =	swait.ge [sflag:s22], s20  }
0xa0: {  	s5 =	ssub.s32 $0x0, s20;
	[sflag:s22] =	ssyncset.done $0x0  }
0xa1: {  	[sflag:s22] =	ssyncadd.s32 s5;
	_ =	sdelay $0x1  }
0xa2: {  	s23 =	simm.s32 $0x1B8B  }
0xa3: {  	_ =	swait.ge [sflag:s23], $0x1  }
0xa4: {  	[sflag:s23] =	ssyncset.done $0x0  }
0xa5: {  	s25 =	simm.s32 $0x1B8E;
	s24 =	sld [smem:$0x3FFE];
	[sflag:s23] =	ssyncadd.s32 $0xFFFFFFFF  }
0xa6: {  	s26 =	simm.s32 $execute0_lowered;
	[smem:$0x3FD2] =	sst s25  }
0xa7: {  	s6 =	sshll.u32 s26, $0x1;
	_ =	strace $0x80000052;
	[dreg:$0x1] =	wrdreg $0xFFFFFFFF  }
0xa8: {  	s28 =	simm.s32 $_size_execute0_lowered;
	s4 =	sadd.s32 s4, s6;
	[dreg:$0x0] =	wrdreg $0x0  }
0xa9: {  	s6 =	sshll.u32 s28, $0x1;
	[dreg:$0x2] =	wrdreg s4  }
0xaa: {  	[dreg:$0x3] =	wrdreg s6  }
0xab: {  	[dreg:$0x4] =	wrdreg $0xC0  }
0xac: {  	_ =	task [dreg:s8], $0x5FFFF  }
0xad: {  	[dreg:$0x1] =	wrdreg $0xFFFFFFFF  }
0xae: {  	[dreg:$0x0] =	wrdreg $0x60  }
0xaf: {  	[dreg:$0x2] =	wrdreg s2  }
0xb0: {  	[dreg:$0x3] =	wrdreg s18  }
0xb1: {  	[dreg:$0x4] =	wrdreg s24  }
0xb2: {  	[dreg:$0x5] =	wrdreg $0x9  }
0xb3: {  	_ =	task.clear_ibuf [dreg:s8], $0x6FFFF;
	_ =	strace $0x90000052  }
0xb4: {  	s29 =	simm.s32 $0x9;
	_ =	strace $0x80000054  }
0xb5: {  	_ =	swait.ge [sflag:s29], $0x1  }
0xb6: {  	[sflag:s29] =	ssyncadd.s32 $0xFFFFFFFF  }
0xb7: {  	_ =	strace $0x90000054  }
0xb8: {  	_ =	sfence  }
0xb9: {  	s30 =	sld [smem:$0x0];
	_ =	sdelay $0x2  }
0xba: {  	s31 =	sshll.u32 s1, $0xD;
	s1 =	sshrl.u32 s1, $0x2  }
0xbb: {  	s3 =	sand.u32 $0x4000, s31;
	s1 =	sadd.s32 s1, s30  }
0xbc: {  	s0 =	sor.u32 s3, s0;
	s1 =	sshll.u32 s1, $0x11  }
0xbd: {  	s0 =	sor.u32 s1, s0  }
0xbe: {  	s0 =	sadd.s32 $0x8F2B, s0  }
0xbf: {  	[sflag:s0] =	ssyncadd.remote.s32 $0x1  }
0xc0: {  	_ =	sfence.sel $0xFFFF  }
0xc1: {  	[dreg:$0x0] =	wrdreg $0xFFFFFFFF;
	(pc) =	sbr.abs _section_cstart, $3  }
0xc2: {  	[dreg:$0x1] =	wrdreg $0xFFFFFFFF  }
0xc3: {  	_ =	task.clear_ibuf [dreg:s8], $0x2FFFF;
	_ =	strace $0x9FFFFFFF  }
0xc4: {  	(tm) =	ssettm $0x7FFFFFFF  }
0xc5: {  	_ =	shalt  }
tec
execute0_lowered:
.L_overlay_start_1:
0x0: {  	(tag) =	ssettag $0x1  }
0x1: {  	s3 =	rddreg [dreg:$0x0];
	s1 =	srdreg.scid  }
0x2: {  	s5 =	rddreg [dreg:$0x1];
	s0 =	stileid.u32;
	s19 =	sand.u32 $0x1, s1  }
0x3: {  	s18 =	rddreg [dreg:$0x2];
	s4 =	sshll.u32 s0, $0x8;
	s6 =	sshll.u32 s19, $0x7  }
0x4: {  	s2 =	simm.s32 $0x0;
	s1 =	rddreg [dreg:$0x3];
	s10 =	sor.u32 s6, s4  }
0x5: {  	[smem:$0x7FF] =	sst s2;
	s6 =	sshrl.u32 s10, $0x3  }
0x6: {  	_ =	strace $0x80000053;
	s4 =	sadd.s32 s3, s6;
	s3 =	simm.s32 $0x2  }
0x7: {  	[tilespmem:s2], [sflag:$0x2] =	stream.linear.gather [hbm4b:s4+s2], $0x80, $0x38;
	[tilespmem:$0x4100] =	vst v63  }
0x8: {  	_ =	swait.ge [sflag:s3], $0x80  }
0x9: {  	[sflag:s3] =	ssyncset.done $0x0  }
0xa: {  	s6 =	sadd.s32 s5, s6;
	s5 =	simm.s32 $0x80;
	[sflag:s3] =	ssyncadd.s32 $0xFFFFFF80  }
0xb: {  	[tilespmem:s5], [sflag:$0x2] =	stream.linear.gather [hbm4b:s6+s2], $0x80, $0x38;
	[tilespmem:$0x4100] =	vst v63  }
0xc: {  	_ =	swait.ge [sflag:s3], $0x80  }
0xd: {  	[sflag:s3] =	ssyncset.done $0x0  }
0xe: {  	[sflag:s3] =	ssyncadd.s32 $0xFFFFFF80  }
0xf: {  	v0 =	vld [tilespmem:$0xF0]  }
0x10: {  	v1 =	vld [tilespmem:$0xE0]  }
0x11: {  	v2 =	vld [tilespmem:$0xD0]  }
0x12: {  	v3 =	vld [tilespmem:$0xB0]  }
0x13: {  	v4 =	vld [tilespmem:$0xA0]  }
0x14: {  	v5 =	vld [tilespmem:$0x90];
	v0 =	vadd.s32 $0x61A8, v0  }
0x15: {  	v6 =	vld [tilespmem:$0xC0];
	v1 =	vadd.s32 $0x61A8, v1;
	[tilespmem:$0xF0] =	vst v0  }
0x16: {  	v59 =	vld [tilespmem:$0x80];
	v2 =	vadd.s32 $0x61A8, v2;
	[tilespmem:$0xE0] =	vst v1  }
0x17: {  	v60 =	vadd.s32 $0x61A8, v3;
	[tilespmem:$0xD0] =	vst v2  }
0x18: {  	v61 =	vadd.s32 $0x61A8, v4;
	[tilespmem:$0xB0] =	vst v60  }
0x19: {  	v62 =	vadd.s32 $0x61A8, v5;
	[tilespmem:$0xA0] =	vst v61  }
0x1a: {  	v63 =	vadd.s32 $0x61A8, v6;
	[tilespmem:$0x90] =	vst v62  }
0x1b: {  	v0 =	vadd.s32 $0x61A8, v59;
	[tilespmem:$0xC0] =	vst v63  }
0x1c: {  	s7 =	simm.s32 $0x100;
	s8 =	simm.s32 $0x1;
	s9 =	sadd.s32 $0x4CD600, s18;
	[tilespmem:$0x80] =	vst v0  }
0x1d: {  	[tilespmem:s7], [sflag:$0x1] =	stream.indirect.gather [hbm4b:s9+s5], $0x80, s2, s5, $0xb8;
	[tilespmem:$0x4100] =	vst v63  }
0x1e: {  	_ =	swait.ge [sflag:s8], $0x4000  }
0x1f: {  	s20 =	sadd.s32 $0x40A000, s18;
	s22 =	sshll.u32 s10, $0x4;
	[sflag:s8] =	ssyncset.done $0x0  }
0x20: {  	s10 =	sadd.s32 s20, s22;
	[sflag:s8] =	ssyncadd.s32 $0xFFFFC000  }
0x21: {  	[hbm4b:s10+s2] =	stream.linear.scatter [tilespmem:s7], [sflag:$0x2], $0x4000, $0x38;
	[tilespmem:$0x4100] =	vst v63  }
0x22: {  	_ =	swait.ge [sflag:s3], $0x4000  }
0x23: {  	[sflag:s3] =	ssyncset.done $0x0  }
0x24: {  	[sflag:s3] =	ssyncadd.s32 $0xFFFFC000  }
0x25: {  	[tilespmem:s7], [sflag:$0x1] =	stream.indirect.gather [hbm4b:s9+s5], $0x80, s5, s5, $0xb8;
	[tilespmem:$0x4100] =	vst v63  }
0x26: {  	_ =	swait.ge [sflag:s8], $0x4000  }
0x27: {  	s21 =	sadd.s32 $0x44A000, s18;
	[sflag:s8] =	ssyncset.done $0x0  }
0x28: {  	s11 =	sadd.s32 s21, s22;
	[sflag:s8] =	ssyncadd.s32 $0xFFFFC000  }
0x29: {  	[hbm4b:s11+s2] =	stream.linear.scatter [tilespmem:s7], [sflag:$0x2], $0x4000, $0x38;
	[tilespmem:$0x4100] =	vst v63  }
0x2a: {  	_ =	swait.ge [sflag:s3], $0x4000  }
0x2b: {  	[sflag:s3] =	ssyncset.done $0x0  }
0x2c: {  	s12 =	sadd.s32 $0x346A00, s18;
	[sflag:s3] =	ssyncadd.s32 $0xFFFFC000  }
0x2d: {  	[tilespmem:s7], [sflag:$0x1] =	stream.indirect.gather [hbm4b:s12+s5], $0x80, s2, s5, $0xb8;
	[tilespmem:$0x4100] =	vst v63  }
0x2e: {  	_ =	swait.ge [sflag:s8], $0x4000  }
0x2f: {  	s14 =	sor.u32 $0x10000, s22;
	[sflag:s8] =	ssyncset.done $0x0  }
0x30: {  	s13 =	sadd.s32 s20, s14;
	[sflag:s8] =	ssyncadd.s32 $0xFFFFC000  }
0x31: {  	[hbm4b:s13+s2] =	stream.linear.scatter [tilespmem:s7], [sflag:$0x2], $0x4000, $0x38;
	[tilespmem:$0x4100] =	vst v63  }
0x32: {  	_ =	swait.ge [sflag:s3], $0x4000  }
0x33: {  	[sflag:s3] =	ssyncset.done $0x0  }
0x34: {  	[sflag:s3] =	ssyncadd.s32 $0xFFFFC000  }
0x35: {  	[tilespmem:s7], [sflag:$0x1] =	stream.indirect.gather [hbm4b:s12+s5], $0x80, s5, s5, $0xb8;
	[tilespmem:$0x4100] =	vst v63  }
0x36: {  	_ =	swait.ge [sflag:s8], $0x4000  }
0x37: {  	[sflag:s8] =	ssyncset.done $0x0  }
0x38: {  	s14 =	sadd.s32 s21, s14;
	[sflag:s8] =	ssyncadd.s32 $0xFFFFC000  }
0x39: {  	[hbm4b:s14+s2] =	stream.linear.scatter [tilespmem:s7], [sflag:$0x2], $0x4000, $0x38;
	[tilespmem:$0x4100] =	vst v63  }
0x3a: {  	_ =	swait.ge [sflag:s3], $0x4000  }
0x3b: {  	[sflag:s3] =	ssyncset.done $0x0  }
0x3c: {  	s15 =	sadd.s32 $0x590C00, s18;
	[sflag:s3] =	ssyncadd.s32 $0xFFFFC000  }
0x3d: {  	[tilespmem:s7], [sflag:$0x1] =	stream.indirect.gather [hbm4b:s15+s5], $0x80, s2, s5, $0xb8;
	[tilespmem:$0x4100] =	vst v63  }
0x3e: {  	_ =	swait.ge [sflag:s8], $0x4000  }
0x3f: {  	s17 =	sor.u32 $0x20000, s22;
	[sflag:s8] =	ssyncset.done $0x0  }
0x40: {  	s16 =	sadd.s32 s20, s17;
	[sflag:s8] =	ssyncadd.s32 $0xFFFFC000  }
0x41: {  	[hbm4b:s16+s2] =	stream.linear.scatter [tilespmem:s7], [sflag:$0x2], $0x4000, $0x38;
	[tilespmem:$0x4100] =	vst v63  }
0x42: {  	_ =	swait.ge [sflag:s3], $0x4000  }
0x43: {  	[sflag:s3] =	ssyncset.done $0x0  }
0x44: {  	[sflag:s3] =	ssyncadd.s32 $0xFFFFC000  }
0x45: {  	[tilespmem:s7], [sflag:$0x1] =	stream.indirect.gather [hbm4b:s15+s5], $0x80, s5, s5, $0xb8;
	[tilespmem:$0x4100] =	vst v63  }
0x46: {  	_ =	swait.ge [sflag:s8], $0x4000  }
0x47: {  	[sflag:s8] =	ssyncset.done $0x0  }
0x48: {  	s17 =	sadd.s32 s21, s17;
	[sflag:s8] =	ssyncadd.s32 $0xFFFFC000  }
0x49: {  	[hbm4b:s17+s2] =	stream.linear.scatter [tilespmem:s7], [sflag:$0x2], $0x4000, $0x38;
	[tilespmem:$0x4100] =	vst v63  }
0x4a: {  	s19 =	ssub.s32 $0x2, s19;
	_ =	swait.ge [sflag:s3], $0x4000  }
0x4b: {  	s23 =	sshrl.u32 s19, $0x1;
	[sflag:s3] =	ssyncset.done $0x0  }
0x4c: {  	s18 =	sadd.s32 $0xC8800, s18;
	s23 =	ssub.s32 s19, s23;
	[sflag:s3] =	ssyncadd.s32 $0xFFFFC000  }
0x4d: {  	[tilespmem:s7], [sflag:$0x1] =	stream.indirect.gather [hbm4b:s18+s5], $0x80, s2, s5, $0xb8;
	[tilespmem:$0x4100] =	vst v63  }
0x4e: {  	s23 =	smax.u32 s23, $0x1;
	_ =	swait.ge [sflag:s8], $0x4000  }
0x4f: {  	s22 =	sor.u32 $0x30000, s22;
	p0 =	sne.s32 s23, $0x1;
	[sflag:s8] =	ssyncset.done $0x0  }
.Ltmp0:
0x50: {  	s19 =	sadd.s32 s20, s22;
	[sflag:s8] =	ssyncadd.s32 $0xFFFFC000;
	(pc) =	sbr.rel @!p0 .LBB2_2-.Ltmp0, $4  }
0x51: {  	[hbm4b:s19+s2] =	stream.linear.scatter [tilespmem:s7], [sflag:$0x2], $0x4000, $0x38;
	[tilespmem:$0x4100] =	vst v63  }
0x52: {  	_ =	swait.ge [sflag:s3], $0x4000  }
0x53: {  	[sflag:s3] =	ssyncset.done $0x0  }
0x54: {  	s20 =	sadd.s32 s21, s22;
	s21 =	sadd.s32 $0xFFFFFFFF, s23;
	[sflag:s3] =	ssyncadd.s32 $0xFFFFC000  }
.LBB2_1:
0x55: {  	[tilespmem:s7], [sflag:$0x1] =	stream.indirect.gather [hbm4b:s18+s5], $0x80, s5, s5, $0xb8;
	[tilespmem:$0x4100] =	vst v63  }
0x56: {  	p0 =	sne.s32 s21, $0x1;
	s21 =	sadd.s32 $0xFFFFFFFF, s21;
	_ =	swait.ge [sflag:s8], $0x4000  }
0x57: {  	[sflag:s8] =	ssyncset.done $0x0  }
0x58: {  	[sflag:s8] =	ssyncadd.s32 $0xFFFFC000  }
0x59: {  	[hbm4b:s20+s2] =	stream.linear.scatter [tilespmem:s7], [sflag:$0x2], $0x4000, $0x38;
	[tilespmem:$0x4100] =	vst v63  }
0x5a: {  	_ =	swait.ge [sflag:s3], $0x4000  }
0x5b: {  	[sflag:s3] =	ssyncset.done $0x0  }
0x5c: {  	[sflag:s3] =	ssyncadd.s32 $0xFFFFC000  }
0x5d: {  	[tilespmem:s2], [sflag:$0x2] =	stream.linear.gather [hbm4b:s4+s2], $0x80, $0x38;
	[tilespmem:$0x4100] =	vst v63  }
0x5e: {  	_ =	swait.ge [sflag:s3], $0x80  }
0x5f: {  	[sflag:s3] =	ssyncset.done $0x0  }
0x60: {  	[sflag:s3] =	ssyncadd.s32 $0xFFFFFF80  }
0x61: {  	[tilespmem:s5], [sflag:$0x2] =	stream.linear.gather [hbm4b:s6+s2], $0x80, $0x38;
	[tilespmem:$0x4100] =	vst v63  }
0x62: {  	_ =	swait.ge [sflag:s3], $0x80  }
0x63: {  	[sflag:s3] =	ssyncset.done $0x0  }
0x64: {  	[sflag:s3] =	ssyncadd.s32 $0xFFFFFF80  }
0x65: {  	v0 =	vld [tilespmem:$0xF0]  }
0x66: {  	v1 =	vld [tilespmem:$0xE0]  }
0x67: {  	v2 =	vld [tilespmem:$0xD0]  }
0x68: {  	v3 =	vld [tilespmem:$0xB0]  }
0x69: {  	v4 =	vld [tilespmem:$0xA0]  }
0x6a: {  	v5 =	vld [tilespmem:$0x90];
	v0 =	vadd.s32 $0x61A8, v0  }
0x6b: {  	v6 =	vld [tilespmem:$0xC0];
	v1 =	vadd.s32 $0x61A8, v1;
	[tilespmem:$0xF0] =	vst v0  }
0x6c: {  	v0 =	vld [tilespmem:$0x80];
	v2 =	vadd.s32 $0x61A8, v2;
	[tilespmem:$0xE0] =	vst v1  }
0x6d: {  	v1 =	vadd.s32 $0x61A8, v3;
	[tilespmem:$0xD0] =	vst v2  }
0x6e: {  	v2 =	vadd.s32 $0x61A8, v4;
	[tilespmem:$0xB0] =	vst v1  }
0x6f: {  	v1 =	vadd.s32 $0x61A8, v5;
	[tilespmem:$0xA0] =	vst v2  }
0x70: {  	[tilespmem:$0x90] =	vst v1;
	v1 =	vadd.s32 $0x61A8, v6  }
0x71: {  	v0 =	vadd.s32 $0x61A8, v0;
	[tilespmem:$0xC0] =	vst v1  }
0x72: {  	[tilespmem:$0x80] =	vst v0  }
0x73: {  	[tilespmem:s7], [sflag:$0x1] =	stream.indirect.gather [hbm4b:s9+s5], $0x80, s2, s5, $0xb8;
	[tilespmem:$0x4100] =	vst v63  }
0x74: {  	_ =	swait.ge [sflag:s8], $0x4000  }
0x75: {  	[sflag:s8] =	ssyncset.done $0x0  }
0x76: {  	[sflag:s8] =	ssyncadd.s32 $0xFFFFC000  }
0x77: {  	[hbm4b:s10+s2] =	stream.linear.scatter [tilespmem:s7], [sflag:$0x2], $0x4000, $0x38;
	[tilespmem:$0x4100] =	vst v63  }
0x78: {  	_ =	swait.ge [sflag:s3], $0x4000  }
0x79: {  	[sflag:s3] =	ssyncset.done $0x0  }
0x7a: {  	[sflag:s3] =	ssyncadd.s32 $0xFFFFC000  }
0x7b: {  	[tilespmem:s7], [sflag:$0x1] =	stream.indirect.gather [hbm4b:s9+s5], $0x80, s5, s5, $0xb8;
	[tilespmem:$0x4100] =	vst v63  }
0x7c: {  	_ =	swait.ge [sflag:s8], $0x4000  }
0x7d: {  	[sflag:s8] =	ssyncset.done $0x0  }
0x7e: {  	[sflag:s8] =	ssyncadd.s32 $0xFFFFC000  }
0x7f: {  	[hbm4b:s11+s2] =	stream.linear.scatter [tilespmem:s7], [sflag:$0x2], $0x4000, $0x38;
	[tilespmem:$0x4100] =	vst v63  }
0x80: {  	_ =	swait.ge [sflag:s3], $0x4000  }
0x81: {  	[sflag:s3] =	ssyncset.done $0x0  }
0x82: {  	[sflag:s3] =	ssyncadd.s32 $0xFFFFC000  }
0x83: {  	[tilespmem:s7], [sflag:$0x1] =	stream.indirect.gather [hbm4b:s12+s5], $0x80, s2, s5, $0xb8;
	[tilespmem:$0x4100] =	vst v63  }
0x84: {  	_ =	swait.ge [sflag:s8], $0x4000  }
0x85: {  	[sflag:s8] =	ssyncset.done $0x0  }
0x86: {  	[sflag:s8] =	ssyncadd.s32 $0xFFFFC000  }
0x87: {  	[hbm4b:s13+s2] =	stream.linear.scatter [tilespmem:s7], [sflag:$0x2], $0x4000, $0x38;
	[tilespmem:$0x4100] =	vst v63  }
0x88: {  	_ =	swait.ge [sflag:s3], $0x4000  }
0x89: {  	[sflag:s3] =	ssyncset.done $0x0  }
0x8a: {  	[sflag:s3] =	ssyncadd.s32 $0xFFFFC000  }
0x8b: {  	[tilespmem:s7], [sflag:$0x1] =	stream.indirect.gather [hbm4b:s12+s5], $0x80, s5, s5, $0xb8;
	[tilespmem:$0x4100] =	vst v63  }
0x8c: {  	_ =	swait.ge [sflag:s8], $0x4000  }
0x8d: {  	[sflag:s8] =	ssyncset.done $0x0  }
0x8e: {  	[sflag:s8] =	ssyncadd.s32 $0xFFFFC000  }
0x8f: {  	[hbm4b:s14+s2] =	stream.linear.scatter [tilespmem:s7], [sflag:$0x2], $0x4000, $0x38;
	[tilespmem:$0x4100] =	vst v63  }
0x90: {  	_ =	swait.ge [sflag:s3], $0x4000  }
0x91: {  	[sflag:s3] =	ssyncset.done $0x0  }
0x92: {  	[sflag:s3] =	ssyncadd.s32 $0xFFFFC000  }
0x93: {  	[tilespmem:s7], [sflag:$0x1] =	stream.indirect.gather [hbm4b:s15+s5], $0x80, s2, s5, $0xb8;
	[tilespmem:$0x4100] =	vst v63  }
0x94: {  	_ =	swait.ge [sflag:s8], $0x4000  }
0x95: {  	[sflag:s8] =	ssyncset.done $0x0  }
0x96: {  	[sflag:s8] =	ssyncadd.s32 $0xFFFFC000  }
0x97: {  	[hbm4b:s16+s2] =	stream.linear.scatter [tilespmem:s7], [sflag:$0x2], $0x4000, $0x38;
	[tilespmem:$0x4100] =	vst v63  }
0x98: {  	_ =	swait.ge [sflag:s3], $0x4000  }
0x99: {  	[sflag:s3] =	ssyncset.done $0x0  }
0x9a: {  	[sflag:s3] =	ssyncadd.s32 $0xFFFFC000  }
0x9b: {  	[tilespmem:s7], [sflag:$0x1] =	stream.indirect.gather [hbm4b:s15+s5], $0x80, s5, s5, $0xb8;
	[tilespmem:$0x4100] =	vst v63  }
0x9c: {  	_ =	swait.ge [sflag:s8], $0x4000  }
0x9d: {  	[sflag:s8] =	ssyncset.done $0x0  }
0x9e: {  	[sflag:s8] =	ssyncadd.s32 $0xFFFFC000  }
0x9f: {  	[hbm4b:s17+s2] =	stream.linear.scatter [tilespmem:s7], [sflag:$0x2], $0x4000, $0x38;
	[tilespmem:$0x4100] =	vst v63  }
0xa0: {  	_ =	swait.ge [sflag:s3], $0x4000  }
0xa1: {  	[sflag:s3] =	ssyncset.done $0x0  }
0xa2: {  	[sflag:s3] =	ssyncadd.s32 $0xFFFFC000  }
0xa3: {  	[tilespmem:s7], [sflag:$0x1] =	stream.indirect.gather [hbm4b:s18+s5], $0x80, s2, s5, $0xb8;
	[tilespmem:$0x4100] =	vst v63  }
0xa4: {  	_ =	swait.ge [sflag:s8], $0x4000  }
0xa5: {  	[sflag:s8] =	ssyncset.done $0x0  }
.Ltmp1:
0xa6: {  	[sflag:s8] =	ssyncadd.s32 $0xFFFFC000;
	(pc) =	sbr.rel @p0 .LBB2_1-.Ltmp1, $4  }
0xa7: {  	[hbm4b:s19+s2] =	stream.linear.scatter [tilespmem:s7], [sflag:$0x2], $0x4000, $0x38;
	[tilespmem:$0x4100] =	vst v63  }
0xa8: {  	_ =	swait.ge [sflag:s3], $0x4000  }
0xa9: {  	[sflag:s3] =	ssyncset.done $0x0  }
0xaa: {  	[sflag:s3] =	ssyncadd.s32 $0xFFFFC000  }
.LBB2_2:
0xab: {  	[tilespmem:s7], [sflag:$0x1] =	stream.indirect.gather [hbm4b:s18+s5], $0x80, s5, s5, $0xb8;
	[tilespmem:$0x4100] =	vst v63  }
0xac: {  	_ =	swait.ge [sflag:s8], $0x4000  }
0xad: {  	[sflag:s8] =	ssyncset.done $0x0  }
0xae: {  	[sflag:s8] =	ssyncadd.s32 $0xFFFFC000  }
0xaf: {  	[hbm4b:s20+s2] =	stream.linear.scatter [tilespmem:s7], [sflag:$0x2], $0x4000, $0x38;
	[tilespmem:$0x4100] =	vst v63  }
0xb0: {  	_ =	swait.ge [sflag:s3], $0x4000  }
0xb1: {  	[sflag:s3] =	ssyncset.done $0x0  }
0xb2: {  	[sflag:s3] =	ssyncadd.s32 $0xFFFFC000  }
0xb3: {  	_ =	sfence.sel $0x180000  }
0xb4: {  	[bflag:$0x0] =	sbarrier.arrive $0xFFFF  }
0xb5: {  	p0 =	sne.s32 s0, $0x0;
	_ =	strace $0x90000053  }
0xb6: {  	s0 =	sadd.s32 @!p0 $0x100000, s1;
	[bflag:$0x2] =	sbarrier.arrive $0xFFFF  }
0xb7: {  	[sflag:s0] =	ssyncadd.tile.s32 @!p0 $0x1;
	_ =	shalt  }
.Lfunc_end2:
_tile_overlayer_lowered:
.L_overlay_start_2:
0xb8: {  	(tag) =	ssettag $0x2  }
0xb9: {  	s0 =	rddreg [dreg:$0x0];
	s2 =	stileid.u32  }
0xba: {  	s1 =	rddreg [dreg:$0x1];
	p0 =	sne.s32 s2, $0x0  }
0xbb: {  	s3 =	rddreg [dreg:$0x2];
	[bflag:$0x3] =	sbarrier.arrive $0xFFFF;
	s2 =	simm.s32 @!p0 $0x1C02  }
0xbc: {  	[timem:s3], [sflag:s2] =	dma.local @!p0 [hbm:s0], s1  }
0xbd: {  	s0 =	simm.s32 @!p0 $0x2  }
0xbe: {  	_ =	swait.ge @!p0 [sflag:s0], s1  }
0xbf: {  	s1 =	ssub.s32 @!p0 $0x0, s1;
	[sflag:s0] =	ssyncset.done @!p0 $0x0  }
0xc0: {  	[sflag:s0] =	ssyncadd.s32 @!p0 s1  }
0xc1: {  	[bflag:$0x3] =	sbarrier.arrive $0xFFFF  }
0xc2: {  	_ =	shalt  }

</sc_bundles>
